<compile_context>
chip_gen: v7x
topology: tpu7x:2x2x1
jax: 0.10.2.dev20260603
libtpu: 0.0.44.dev20260713+nightly
codegen_flags: <defaults>
</compile_context>

<pallas_src>
import functools
import math

import jax
import jax.numpy as jnp
from jax import lax
from jax.experimental import pallas as pl
from jax.experimental.pallas import tpu as pltpu
from jax.experimental.pallas import tpu_sc as plsc

N = 10000
E = 160000
NUM_BASIS = 32
MAX_RADIUS = 2.0
DIM = 288
HALF = 144
_SILU_CST = 1.6791767923989418

NPAD = 10240
_F32 = jnp.float32


def _atom_body(z_ref, wtA_ref, wtB_ref, bA_ref, bB_ref, oA_ref, oB_ref):
  zb = z_ref[...]
  oA_ref[...] = jnp.dot(zb, wtA_ref[...], preferred_element_type=_F32) + bA_ref[...]
  oB_ref[...] = jnp.dot(zb, wtB_ref[...], preferred_element_type=_F32) + bB_ref[...]


def _atom_tables(z, wtA, wtB, bA, bB):
  bl = 1000
  grid = N // bl
  return pl.pallas_call(
      _atom_body,
      grid=(grid,),
      in_specs=[
          pl.BlockSpec((bl, 4), lambda i: (i, 0)),
          pl.BlockSpec((4, HALF), lambda i: (0, 0)),
          pl.BlockSpec((4, HALF), lambda i: (0, 0)),
          pl.BlockSpec((1, HALF), lambda i: (0, 0)),
          pl.BlockSpec((1, HALF), lambda i: (0, 0)),
      ],
      out_specs=[
          pl.BlockSpec((bl, HALF), lambda i: (i, 0)),
          pl.BlockSpec((bl, HALF), lambda i: (i, 0)),
      ],
      out_shape=[
          jax.ShapeDtypeStruct((N, HALF), _F32),
          jax.ShapeDtypeStruct((N, HALF), _F32),
      ],
  )(z, wtA, wtB, bA, bB)


_EPT = E // 32


def _vec_body(pos_x, pos_y, pos_z, srcs, dsts, vx_o, vy_o, vz_o,
              px, py, pz, sv, dv, ox, oy, oz):
  cid = lax.axis_index("c")
  sid = lax.axis_index("s")
  base = (cid * 16 + sid) * _EPT
  pltpu.sync_copy(pos_x, px)
  pltpu.sync_copy(pos_y, py)
  pltpu.sync_copy(pos_z, pz)
  pltpu.sync_copy(srcs.at[pl.ds(base, _EPT)], sv)
  pltpu.sync_copy(dsts.at[pl.ds(base, _EPT)], dv)

  def group(off):
    si = sv[pl.ds(off, 16)]
    di = dv[pl.ds(off, 16)]
    for pref, ob in ((px, ox), (py, oy), (pz, oz)):
      a = plsc.load_gather(pref, [si])
      b = plsc.load_gather(pref, [di])
      ob[pl.ds(off, 16)] = a - b

  @pl.loop(0, _EPT // 16)
  def _(g):
    group(g * 16)

  group(_EPT - 16)

  pltpu.sync_copy(ox, vx_o.at[pl.ds(base, _EPT)])
  pltpu.sync_copy(oy, vy_o.at[pl.ds(base, _EPT)])
  pltpu.sync_copy(oz, vz_o.at[pl.ds(base, _EPT)])


def _edge_vec(pos_x, pos_y, pos_z, srcs, dsts):
  mesh = plsc.VectorSubcoreMesh(core_axis_name="c", subcore_axis_name="s")
  f = pl.kernel(
      _vec_body,
      out_type=(
          jax.ShapeDtypeStruct((E,), _F32),
          jax.ShapeDtypeStruct((E,), _F32),
          jax.ShapeDtypeStruct((E,), _F32),
      ),
      mesh=mesh,
      scratch_types=[
          pltpu.VMEM((N,), _F32),
          pltpu.VMEM((N,), _F32),
          pltpu.VMEM((N,), _F32),
          pltpu.VMEM((_EPT,), jnp.int32),
          pltpu.VMEM((_EPT,), jnp.int32),
          pltpu.VMEM((_EPT,), _F32),
          pltpu.VMEM((_EPT,), _F32),
          pltpu.VMEM((_EPT,), _F32),
      ],
      compiler_params=pltpu.CompilerParams(needs_layout_passes=False),
  )
  return f(pos_x, pos_y, pos_z, srcs, dsts)


_EBL = 1280


def _dense_body(vx_ref, vy_ref, vz_ref, St0T_ref, St1T_ref, St2T_ref,
                W1sT_ref, W2s0T_ref, W2s1T_ref, W2s2T_ref,
                o0_ref, o1_ref, o2_ref):
  x = vx_ref[0]
  y = vy_ref[0]
  zc = vz_ref[0]
  vl = jnp.sqrt(x * x + y * y + zc * zc + 1e-18)
  inv = 1.0 / vl
  ux = x * inv
  uy = y * inv
  uz = zc * inv
  s3 = math.sqrt(3.0)
  s5 = math.sqrt(5.0)
  x2 = ux * ux
  y2 = uy * uy
  z2 = uz * uz
  sh9T = jnp.concatenate([
      jnp.ones_like(vl),
      s3 * ux, s3 * uy, s3 * uz,
      s5 * (s3 * ux * uz),
      s5 * (s3 * ux * uy),
      s5 * (y2 - 0.5 * (x2 + z2)),
      s5 * (s3 * uy * uz),
      s5 * (0.5 * s3 * (z2 - x2)),
  ], axis=0)
  vlT = vl
  roots = ((lax.broadcasted_iota(jnp.int32, (NUM_BASIS, 1), 0).astype(_F32)
            + 1.0) * math.pi)
  safe_r = jnp.where(vlT > 1e-9, vlT, 1.0)
  mask = ((vlT < MAX_RADIUS) & (vlT > 0)).astype(_F32)
  coef = jnp.sqrt(2.0 / MAX_RADIUS) * mask / safe_r
  rbT = jnp.sin(roots * (vlT / MAX_RADIUS)) * coef
  hT = _SILU_CST * jax.nn.silu(
      jnp.dot(W1sT_ref[...], rbT, preferred_element_type=_F32))
  out0T = (jnp.dot(W2s0T_ref[...], hT, preferred_element_type=_F32) *
           jnp.dot(St0T_ref[...], sh9T, preferred_element_type=_F32))
  out1T = (jnp.dot(W2s1T_ref[...], hT, preferred_element_type=_F32) *
           jnp.dot(St1T_ref[...], sh9T, preferred_element_type=_F32))
  out2T = (jnp.dot(W2s2T_ref[...], hT, preferred_element_type=_F32) *
           jnp.dot(St2T_ref[...], sh9T, preferred_element_type=_F32))
  o0_ref[...] = out0T.T
  o1_ref[...] = out1T.T
  o2_ref[...] = jnp.concatenate(
      [out2T.T, jnp.zeros((_EBL, 96), _F32)], axis=1)


def _edge_dense(vx, vy, vz, St0T, St1T, St2T, W1sT, W2s0T, W2s1T, W2s2T):
  grid = E // _EBL
  vx = vx.reshape(grid, 1, _EBL)
  vy = vy.reshape(grid, 1, _EBL)
  vz = vz.reshape(grid, 1, _EBL)
  return pl.pallas_call(
      _dense_body,
      grid=(grid,),
      in_specs=[
          pl.BlockSpec((1, 1, _EBL), lambda i: (i, 0, 0)),
          pl.BlockSpec((1, 1, _EBL), lambda i: (i, 0, 0)),
          pl.BlockSpec((1, 1, _EBL), lambda i: (i, 0, 0)),
          pl.BlockSpec((128, 9), lambda i: (0, 0)),
          pl.BlockSpec((128, 9), lambda i: (0, 0)),
          pl.BlockSpec((32, 9), lambda i: (0, 0)),
          pl.BlockSpec((NUM_BASIS, NUM_BASIS), lambda i: (0, 0)),
          pl.BlockSpec((128, NUM_BASIS), lambda i: (0, 0)),
          pl.BlockSpec((128, NUM_BASIS), lambda i: (0, 0)),
          pl.BlockSpec((32, NUM_BASIS), lambda i: (0, 0)),
      ],
      out_specs=[
          pl.BlockSpec((_EBL, 128), lambda i: (i, 0)),
          pl.BlockSpec((_EBL, 128), lambda i: (i, 0)),
          pl.BlockSpec((_EBL, 128), lambda i: (i, 0)),
      ],
      out_shape=[
          jax.ShapeDtypeStruct((E, 128), _F32),
          jax.ShapeDtypeStruct((E, 128), _F32),
          jax.ShapeDtypeStruct((E, 128), _F32),
      ],
  )(vx, vy, vz, St0T, St1T, St2T, W1sT, W2s0T, W2s1T, W2s2T)


_K = 40
_KR = _K * 9 // 8
_NCH = (E // 16) // _K
_EPS = E // 16


_BCH = 50
_BE = _BCH * _K
_NB = _EPS // _BE


def _scatter_body(atomA, atomB, R0, R1, R2, srcs, dsts, out,
                  acc, svb,
                  dd0, gb0, rx0, ry0, dd1, gb1, rx1, ry1,
                  sg0, sr0, st0, sg1, sr1, st1):
  cid = lax.axis_index("c")
  sid = lax.axis_index("s")

  @pl.loop(0, _K)
  def _(i):
    for k in range(HALF // 16):
      gb0[i, pl.ds(k * 16, 16)] = jnp.zeros((16,), _F32)

  @pl.loop(0, NPAD // 16 // _K)
  def _(t):
    pltpu.sync_copy(gb0, acc.at[pl.ds(sid * (NPAD // 16) + t * _K, _K)])
  plsc.subcore_barrier()

  base = sid * _EPS
  bufs = ((dd0, gb0, rx0, ry0, sg0, sr0, st0),
          (dd1, gb1, rx1, ry1, sg1, sr1, st1))

  def run(at_, colo, rmain, rtail, kmap):
    def gdesc(c, bk):
      dd, gb, rx, ry, sg, sr, st = bk
      return pltpu.make_async_copy(at_.at[svb.at[pl.ds(c * _K, _K)]], gb, sg)

    def issue(boff, c, bk):
      dd, gb, rx, ry, sg, sr, st = bk
      off = boff + c * _K
      pltpu.sync_copy(dsts.at[pl.ds(off, _K)], dd)
      gdesc(c, bk).start()
      pltpu.make_async_copy(rmain.at[pl.ds(off, _K)], rx, sr).start()
      pltpu.make_async_copy(rtail.at[pl.ds(off, _K)], ry, st).start()

    def process(boff, c, bk):
      dd, gb, rx, ry, sg, sr, st = bk
      off = boff + c * _K
      gdesc(c, bk).wait()
      pltpu.make_async_copy(rmain.at[pl.ds(off, _K)], rx, sr).wait()
      pltpu.make_async_copy(rtail.at[pl.ds(off, _K)], ry, st).wait()

      @pl.loop(0, _K)
      def _(i):
        for k, isx, lo in kmap:
          buf = rx if isx else ry
          gsl = pl.ds(k * 16, 16)
          gb[i, gsl] = gb[i, gsl] * buf[i, pl.ds(lo, 16)]

      pltpu.sync_copy(gb, acc.at[dd], add=True)

    @pl.loop(0, _NB)
    def _(b):
      boff = base + b * _BE
      pltpu.sync_copy(srcs.at[pl.ds(boff, _BE)], svb)
      issue(boff, 0, bufs[0])

      @pl.loop(0, _BCH - 2, step=2)
      def _(t):
        for b2 in range(2):
          g = t + b2
          issue(boff, g + 1, bufs[1 - b2])
          process(boff, g, bufs[b2])

      issue(boff, _BCH - 1, bufs[1])
      process(boff, _BCH - 2, bufs[0])
      process(boff, _BCH - 1, bufs[1])

    plsc.subcore_barrier()

    @pl.loop(0, NPAD // 16 // _K)
    def _(t):
      row = sid * (NPAD // 16) + t * _K
      pltpu.sync_copy(acc.at[pl.ds(row, _K)], gb0)
      pltpu.sync_copy(gb0, out.at[pl.ds(row, _K), pl.ds(colo, HALF)])

  kmap0 = [(k, True, 16 * k) for k in range(8)] + [(8, False, 0)]
  kmap1 = ([(k, True, 16 + 16 * k) for k in range(7)] +
           [(7, False, 0), (8, False, 16)])

  @pl.when(cid == 0)
  def _():
    run(atomA, 0, R0, R1, kmap0)

  @pl.when(cid == 1)
  def _():
    run(atomB, HALF, R1, R2, kmap1)


def _scatter(atomA, atomB, R0, R1, R2, srcs, dsts):
  mesh = plsc.VectorSubcoreMesh(core_axis_name="c", subcore_axis_name="s")
  f = pl.kernel(
      _scatter_body,
      out_type=jax.ShapeDtypeStruct((NPAD, DIM), _F32),
      mesh=mesh,
      scratch_types=[
          pltpu.VMEM_SHARED((NPAD, HALF), _F32),
          pltpu.VMEM((_BE,), jnp.int32),
          pltpu.VMEM((_K,), jnp.int32),
          pltpu.VMEM((_K, HALF), _F32),
          pltpu.VMEM((_K, 128), _F32),
          pltpu.VMEM((_K, 128), _F32),
          pltpu.VMEM((_K,), jnp.int32),
          pltpu.VMEM((_K, HALF), _F32),
          pltpu.VMEM((_K, 128), _F32),
          pltpu.VMEM((_K, 128), _F32),
          pltpu.SemaphoreType.DMA,
          pltpu.SemaphoreType.DMA,
          pltpu.SemaphoreType.DMA,
          pltpu.SemaphoreType.DMA,
          pltpu.SemaphoreType.DMA,
          pltpu.SemaphoreType.DMA,
      ],
      compiler_params=pltpu.CompilerParams(use_tc_tiling_on_sc=False),
  )
  return f(atomA, atomB, R0, R1, R2, srcs, dsts)


def kernel(pos, z, edge_index, W0, W1, W2, W_atom, b_atom, Wfc1, Wfc2):
  srcs = edge_index[0]
  dsts = edge_index[1]
  pos_x, pos_y, pos_z = pos[:, 0], pos[:, 1], pos[:, 2]

  St = jnp.zeros((9, DIM), _F32)
  St = St.at[0, 0:32].set(W0)
  St = St.at[1:4, 32:128].set(jnp.kron(W1[None, :], jnp.eye(3, dtype=_F32)))
  St = St.at[4:9, 128:288].set(jnp.kron(W2[None, :], jnp.eye(5, dtype=_F32)))
  St0T, St1T, St2T = St[:, :128].T, St[:, 128:256].T, St[:, 256:].T
  W1sT = (Wfc1 / math.sqrt(float(NUM_BASIS))).T
  W2s = Wfc2 / math.sqrt(32.0)
  W2s0T, W2s1T, W2s2T = W2s[:, :128].T, W2s[:, 128:256].T, W2s[:, 256:].T
  wt = W_atom.T
  wtA, wtB = wt[:, :HALF], wt[:, HALF:]
  bA, bB = b_atom[None, :HALF], b_atom[None, HALF:]

  atomA, atomB = _atom_tables(z, wtA, wtB, bA, bB)
  vx, vy, vz = _edge_vec(pos_x, pos_y, pos_z, srcs, dsts)
  R0, R1, R2 = _edge_dense(vx, vy, vz, St0T, St1T, St2T, W1sT,
                           W2s0T, W2s1T, W2s2T)
  out = _scatter(atomA, atomB, R0, R1, R2, srcs, dsts)
  return out[:N]

# --- scband reference (transcript-rebuilt; emitter-appended) ---
"""Pipeline reference for scband-node-encoder-76244259438650 (READ-ONLY COPY).

The authoritative reference and input builder live on the scoring server;
editing this copy changes nothing except your own understanding.
"""

import jax, jax.numpy as jnp
import numpy as np

N = 10000
E = 160000
NUM_BASIS = 32
MAX_RADIUS = 2.0
DIM = 288  # 32x0e + 32x1o + 32x2e -> 32 + 96 + 160
_SILU_CST = 1.6791767923989418  # e3nn normalize2mom constant for silu


def setup_inputs(seed: int = 0) -> dict:
    key = jax.random.key(seed)
    ks = jax.random.split(key, 10)
    pos = jax.random.uniform(ks[0], (N, 3), dtype=jnp.float32)  # distances < sqrt(3) < max_radius
    z = jax.random.uniform(ks[1], (N, 4), dtype=jnp.float32)    # atom-type features fed to Linear(4, 288)
    edge_index = jax.random.randint(ks[2], (2, E), 0, N, dtype=jnp.int32)
    W0 = jax.random.normal(ks[3], (32,), dtype=jnp.float32)   # o3.Linear block weight, l=0 path
    W1 = jax.random.normal(ks[4], (32,), dtype=jnp.float32)   # l=1 path
    W2 = jax.random.normal(ks[5], (32,), dtype=jnp.float32)   # l=2 path
    W_atom = jax.random.normal(ks[6], (DIM, 4), dtype=jnp.float32) * 0.5  # torch Linear weight [out,in]
    b_atom = jax.random.normal(ks[7], (DIM,), dtype=jnp.float32) * 0.1
    Wfc1 = jax.random.normal(ks[8], (NUM_BASIS, 32), dtype=jnp.float32)   # e3nn FullyConnectedNet weights [h_in, h_out]
    Wfc2 = jax.random.normal(ks[9], (32, DIM), dtype=jnp.float32)
    return {"pos": pos, "z": z, "edge_index": edge_index, "W0": W0, "W1": W1, "W2": W2,
            "W_atom": W_atom, "b_atom": b_atom, "Wfc1": Wfc1, "Wfc2": Wfc2}


def _forward(pos, z, W0, W1, W2, W_atom, b_atom, Wfc1, Wfc2, edge_index):
    src = edge_index[0]
    dst = edge_index[1]
    vec = pos[src] - pos[dst]                      # gather
    vec_len = jnp.sqrt(jnp.sum(vec * vec, axis=1) + 1e-18)
    u = vec / vec_len[:, None]                     # normalize=True in o3.spherical_harmonics
    x, y, zc = u[:, 0], u[:, 1], u[:, 2]
    # component-normalized real spherical harmonics, e3nn convention
    sh1 = jnp.sqrt(3.0) * u                        # l=1 -> [E,3]
    x2, y2, z2 = x * x, y * y, zc * zc
    s3 = jnp.sqrt(3.0)
    sh2 = jnp.sqrt(5.0) * jnp.stack([
        s3 * x * zc,
        s3 * x * y,
        y2 - 0.5 * (x2 + z2),
        s3 * y * zc,
        0.5 * s3 * (z2 - x2),
    ], axis=1)                                     # l=2 -> [E,5]
    # o3.Linear(1x0e+1x1o+1x2e -> 32x0e+32x1o+32x2e): per-l channel mixing (fan_in = 1)
    Eedges = src.shape[0]
    out0 = jnp.broadcast_to(W0[None, :], (Eedges, 32))                 # sh_l0 == 1
    out1 = (W1[None, :, None] * sh1[:, None, :]).reshape(Eedges, 96)   # [E, 32, 3] flattened mul-major
    out2 = (W2[None, :, None] * sh2[:, None, :]).reshape(Eedges, 160)  # [E, 32, 5]
    sph_emb = jnp.concatenate([out0, out1, out2], axis=1)              # [E, 288]
    # soft_one_hot_linspace, basis='bessel', cutoff=True, start=0, end=max_radius
    roots = jnp.arange(1, NUM_BASIS + 1, dtype=jnp.float32) * jnp.pi
    safe_r = jnp.where(vec_len > 1e-9, vec_len, 1.0)
    rb = jnp.sqrt(2.0 / MAX_RADIUS) * jnp.sin(roots[None, :] * vec_len[:, None] / MAX_RADIUS) / safe_r[:, None]
    mask = ((vec_len < MAX_RADIUS) & (vec_len > 0)).astype(rb.dtype)
    rb = rb * mask[:, None]
    # e3nn FullyConnectedNet([32, 32, 288], act=silu): x @ (W / sqrt(h_in)), normalized act on hidden layer
    h = _SILU_CST * jax.nn.silu(rb @ (Wfc1 / jnp.sqrt(float(NUM_BASIS))))
    radial_emb = h @ (Wfc2 / jnp.sqrt(32.0))                           # [E, 288]
    atom_emb = (z @ W_atom.T + b_atom)[src]                            # Linear then gather -> [E, 288]
    node_emb = radial_emb * sph_emb * atom_emb
    return jax.ops.segment_sum(node_emb, dst, num_segments=N)         # scatter-add over dst -> [N, 288]


def reference(pos, z, edge_index, W0, W1, W2, W_atom, b_atom, Wfc1, Wfc2):
    return _forward(pos, z, W0, W1, W2, W_atom, b_atom, Wfc1, Wfc2, edge_index)

if __name__ == "__main__":
    import jax
    _d = setup_inputs()
    print(jax.jit(kernel)(*tuple(_d.values())))

</pallas_src>

<mosaic_0001>
#map = affine_map<(d0, d1) -> (0)>
module attributes {stable_mosaic.version = 14 : i64} {
  func.func @_vec_body(%arg0: i32, %arg1: i32, %arg2: memref<10000xf32, #tpu.memory_space<hbm>>, %arg3: memref<10000xf32, #tpu.memory_space<hbm>>, %arg4: memref<10000xf32, #tpu.memory_space<hbm>>, %arg5: memref<160000xi32, #tpu.memory_space<hbm>>, %arg6: memref<160000xi32, #tpu.memory_space<hbm>>, %arg7: memref<160000xf32, #tpu.memory_space<hbm>>, %arg8: memref<160000xf32, #tpu.memory_space<hbm>>, %arg9: memref<160000xf32, #tpu.memory_space<hbm>>, %arg10: memref<10000xf32, #tpu.memory_space<vmem>>, %arg11: memref<10000xf32, #tpu.memory_space<vmem>>, %arg12: memref<10000xf32, #tpu.memory_space<vmem>>, %arg13: memref<5000xi32, #tpu.memory_space<vmem>>, %arg14: memref<5000xi32, #tpu.memory_space<vmem>>, %arg15: memref<5000xf32, #tpu.memory_space<vmem>>, %arg16: memref<5000xf32, #tpu.memory_space<vmem>>, %arg17: memref<5000xf32, #tpu.memory_space<vmem>>) attributes {dimension_semantics = [#tpu.dimension_semantics<core_parallel>, #tpu.dimension_semantics<subcore_parallel>], iteration_bounds = array<i64: 2, 16>, scalar_prefetch = 0 : i64, scratch_operands = 8 : i64, tpu.core_type = #tpu.core_type<sc_vector_subcore>, window_params = [{transform_indices = #map}, {transform_indices = #map}, {transform_indices = #map}, {transform_indices = #map}, {transform_indices = #map}, {transform_indices = #map}, {transform_indices = #map}, {transform_indices = #map}]} {
    %mul3A = arith.constant 16 : i32
    %mul3A_0 = arith.muli %arg0, %mul3A : i32
    %add3A = arith.addi %mul3A_0, %arg1 : i32
    %mul3A_1 = arith.constant 5000 : i32
    %mul3A_2 = arith.muli %add3A, %mul3A_1 : i32
    "tpu.region"() ({
      %run_scoped3A = tpu.sem_alloc : memref<!tpu.dma_semaphore, #tpu.memory_space<semaphore_mem>>
      tpu.enqueue_dma source(%arg2 : memref<10000xf32, #tpu.memory_space<hbm>>) target(%arg10 : memref<10000xf32, #tpu.memory_space<vmem>>) target_semaphore(%run_scoped3A : memref<!tpu.dma_semaphore, #tpu.memory_space<semaphore_mem>>)
      tpu.wait_dma2 semaphore(%run_scoped3A : memref<!tpu.dma_semaphore, #tpu.memory_space<semaphore_mem>>) src(%arg2 : memref<10000xf32, #tpu.memory_space<hbm>>) dst(%arg10 : memref<10000xf32, #tpu.memory_space<vmem>>)
      tpu.yield
    }) : () -> ()
    "tpu.region"() ({
      %run_scoped3A = tpu.sem_alloc : memref<!tpu.dma_semaphore, #tpu.memory_space<semaphore_mem>>
      tpu.enqueue_dma source(%arg3 : memref<10000xf32, #tpu.memory_space<hbm>>) target(%arg11 : memref<10000xf32, #tpu.memory_space<vmem>>) target_semaphore(%run_scoped3A : memref<!tpu.dma_semaphore, #tpu.memory_space<semaphore_mem>>)
      tpu.wait_dma2 semaphore(%run_scoped3A : memref<!tpu.dma_semaphore, #tpu.memory_space<semaphore_mem>>) src(%arg3 : memref<10000xf32, #tpu.memory_space<hbm>>) dst(%arg11 : memref<10000xf32, #tpu.memory_space<vmem>>)
      tpu.yield
    }) : () -> ()
    "tpu.region"() ({
      %run_scoped3A = tpu.sem_alloc : memref<!tpu.dma_semaphore, #tpu.memory_space<semaphore_mem>>
      tpu.enqueue_dma source(%arg4 : memref<10000xf32, #tpu.memory_space<hbm>>) target(%arg12 : memref<10000xf32, #tpu.memory_space<vmem>>) target_semaphore(%run_scoped3A : memref<!tpu.dma_semaphore, #tpu.memory_space<semaphore_mem>>)
      tpu.wait_dma2 semaphore(%run_scoped3A : memref<!tpu.dma_semaphore, #tpu.memory_space<semaphore_mem>>) src(%arg4 : memref<10000xf32, #tpu.memory_space<hbm>>) dst(%arg12 : memref<10000xf32, #tpu.memory_space<vmem>>)
      tpu.yield
    }) : () -> ()
    "tpu.region"() ({
      %run_scoped3A = tpu.sem_alloc : memref<!tpu.dma_semaphore, #tpu.memory_space<semaphore_mem>>
      %dma_start3A = tpu.memref_slice %arg5[%mul3A_2] : memref<160000xi32, #tpu.memory_space<hbm>> -> memref<5000xi32, #tpu.memory_space<hbm>>
      %dma_start3A_22 = tpu.memref_slice %arg5[%mul3A_2] : memref<160000xi32, #tpu.memory_space<hbm>> -> memref<5000xi32, #tpu.memory_space<hbm>>
      tpu.enqueue_dma source(%dma_start3A_22 : memref<5000xi32, #tpu.memory_space<hbm>>) target(%arg13 : memref<5000xi32, #tpu.memory_space<vmem>>) target_semaphore(%run_scoped3A : memref<!tpu.dma_semaphore, #tpu.memory_space<semaphore_mem>>)
      %dma_wait3A = tpu.memref_slice %arg5[%mul3A_2] : memref<160000xi32, #tpu.memory_space<hbm>> -> memref<5000xi32, #tpu.memory_space<hbm>>
      %dma_wait3A_23 = tpu.memref_slice %arg5[%mul3A_2] : memref<160000xi32, #tpu.memory_space<hbm>> -> memref<5000xi32, #tpu.memory_space<hbm>>
      tpu.wait_dma2 semaphore(%run_scoped3A : memref<!tpu.dma_semaphore, #tpu.memory_space<semaphore_mem>>) src(%dma_wait3A_23 : memref<5000xi32, #tpu.memory_space<hbm>>) dst(%arg13 : memref<5000xi32, #tpu.memory_space<vmem>>)
      tpu.yield
    }) : () -> ()
    "tpu.region"() ({
      %run_scoped3A = tpu.sem_alloc : memref<!tpu.dma_semaphore, #tpu.memory_space<semaphore_mem>>
      %dma_start3A = tpu.memref_slice %arg6[%mul3A_2] : memref<160000xi32, #tpu.memory_space<hbm>> -> memref<5000xi32, #tpu.memory_space<hbm>>
      %dma_start3A_22 = tpu.memref_slice %arg6[%mul3A_2] : memref<160000xi32, #tpu.memory_space<hbm>> -> memref<5000xi32, #tpu.memory_space<hbm>>
      tpu.enqueue_dma source(%dma_start3A_22 : memref<5000xi32, #tpu.memory_space<hbm>>) target(%arg14 : memref<5000xi32, #tpu.memory_space<vmem>>) target_semaphore(%run_scoped3A : memref<!tpu.dma_semaphore, #tpu.memory_space<semaphore_mem>>)
      %dma_wait3A = tpu.memref_slice %arg6[%mul3A_2] : memref<160000xi32, #tpu.memory_space<hbm>> -> memref<5000xi32, #tpu.memory_space<hbm>>
      %dma_wait3A_23 = tpu.memref_slice %arg6[%mul3A_2] : memref<160000xi32, #tpu.memory_space<hbm>> -> memref<5000xi32, #tpu.memory_space<hbm>>
      tpu.wait_dma2 semaphore(%run_scoped3A : memref<!tpu.dma_semaphore, #tpu.memory_space<semaphore_mem>>) src(%dma_wait3A_23 : memref<5000xi32, #tpu.memory_space<hbm>>) dst(%arg14 : memref<5000xi32, #tpu.memory_space<vmem>>)
      tpu.yield
    }) : () -> ()
    %scan3A = arith.constant 0 : i32
    %scan3A_3 = arith.constant 312 : i32
    %scan3A_4 = arith.addi %scan3A, %scan3A_3 : i32
    %scan3A_5 = arith.constant 1 : i32
    scf.for %scan3A_22 = %scan3A to %scan3A_4 step %scan3A_5  : i32 {
      %mul3A_23 = arith.constant 1 : i32
      %mul3A_24 = arith.muli %scan3A_22, %mul3A_23 : i32
      %add3A_25 = arith.constant 0 : i32
      %add3A_26 = arith.addi %add3A_25, %mul3A_24 : i32
      %mul3A_27 = arith.constant 16 : i32
      %mul3A_28 = arith.muli %add3A_26, %mul3A_27 : i32
      %get3A_29 = arith.index_cast %mul3A_28 : i32 to index
      %get3A_30 = tpu.vector_load %arg13[%get3A_29] {strides = array<i32>} : memref<5000xi32, #tpu.memory_space<vmem>>, vector<16xi32>,
      %get3A_31 = arith.index_cast %mul3A_28 : i32 to index
      %get3A_32 = tpu.vector_load %arg14[%get3A_31] {strides = array<i32>} : memref<5000xi32, #tpu.memory_space<vmem>>, vector<16xi32>,
      %gather3A_33 = tpu.vector_load_idx %arg10[%get3A_30] : memref<10000xf32, #tpu.memory_space<vmem>>[vector<16xi32>], vector<16xf32>,
      %gather3A_34 = tpu.vector_load_idx %arg10[%get3A_32] : memref<10000xf32, #tpu.memory_space<vmem>>[vector<16xi32>], vector<16xf32>,
      %sub3A_35 = arith.subf %gather3A_33, %gather3A_34 : vector<16xf32>
      %swap3A_36 = arith.index_cast %mul3A_28 : i32 to index
      %swap3A_37 = tpu.vector_load %arg15[%swap3A_36] {strides = array<i32>} : memref<5000xf32, #tpu.memory_space<vmem>>, vector<16xf32>,
      tpu.vector_store %arg15[%swap3A_36], %sub3A_35 {strides = array<i32>} : memref<5000xf32, #tpu.memory_space<vmem>>, vector<16xf32>,
      %gather3A_38 = tpu.vector_load_idx %arg11[%get3A_30] : memref<10000xf32, #tpu.memory_space<vmem>>[vector<16xi32>], vector<16xf32>,
      %gather3A_39 = tpu.vector_load_idx %arg11[%get3A_32] : memref<10000xf32, #tpu.memory_space<vmem>>[vector<16xi32>], vector<16xf32>,
      %sub3A_40 = arith.subf %gather3A_38, %gather3A_39 : vector<16xf32>
      %swap3A_41 = arith.index_cast %mul3A_28 : i32 to index
      %swap3A_42 = tpu.vector_load %arg16[%swap3A_41] {strides = array<i32>} : memref<5000xf32, #tpu.memory_space<vmem>>, vector<16xf32>,
      tpu.vector_store %arg16[%swap3A_41], %sub3A_40 {strides = array<i32>} : memref<5000xf32, #tpu.memory_space<vmem>>, vector<16xf32>,
      %gather3A_43 = tpu.vector_load_idx %arg12[%get3A_30] : memref<10000xf32, #tpu.memory_space<vmem>>[vector<16xi32>], vector<16xf32>,
      %gather3A_44 = tpu.vector_load_idx %arg12[%get3A_32] : memref<10000xf32, #tpu.memory_space<vmem>>[vector<16xi32>], vector<16xf32>,
      %sub3A_45 = arith.subf %gather3A_43, %gather3A_44 : vector<16xf32>
      %swap3A_46 = arith.index_cast %mul3A_28 : i32 to index
      %swap3A_47 = tpu.vector_load %arg17[%swap3A_46] {strides = array<i32>} : memref<5000xf32, #tpu.memory_space<vmem>>, vector<16xf32>,
      tpu.vector_store %arg17[%swap3A_46], %sub3A_45 {strides = array<i32>} : memref<5000xf32, #tpu.memory_space<vmem>>, vector<16xf32>,
    }
    %scan3A_6 = arith.constant 312 : i32
    %get3A = arith.constant 4984 : index
    %get3A_7 = tpu.vector_load %arg13[%get3A] {strides = array<i32>} : memref<5000xi32, #tpu.memory_space<vmem>>, vector<16xi32>,
    %get3A_8 = arith.constant 4984 : index
    %get3A_9 = tpu.vector_load %arg14[%get3A_8] {strides = array<i32>} : memref<5000xi32, #tpu.memory_space<vmem>>, vector<16xi32>,
    %gather3A = tpu.vector_load_idx %arg10[%get3A_7] : memref<10000xf32, #tpu.memory_space<vmem>>[vector<16xi32>], vector<16xf32>,
    %gather3A_10 = tpu.vector_load_idx %arg10[%get3A_9] : memref<10000xf32, #tpu.memory_space<vmem>>[vector<16xi32>], vector<16xf32>,
    %sub3A = arith.subf %gather3A, %gather3A_10 : vector<16xf32>
    %swap3A = arith.constant 4984 : index
    %swap3A_11 = tpu.vector_load %arg15[%swap3A] {strides = array<i32>} : memref<5000xf32, #tpu.memory_space<vmem>>, vector<16xf32>,
    tpu.vector_store %arg15[%swap3A], %sub3A {strides = array<i32>} : memref<5000xf32, #tpu.memory_space<vmem>>, vector<16xf32>,
    %gather3A_12 = tpu.vector_load_idx %arg11[%get3A_7] : memref<10000xf32, #tpu.memory_space<vmem>>[vector<16xi32>], vector<16xf32>,
    %gather3A_13 = tpu.vector_load_idx %arg11[%get3A_9] : memref<10000xf32, #tpu.memory_space<vmem>>[vector<16xi32>], vector<16xf32>,
    %sub3A_14 = arith.subf %gather3A_12, %gather3A_13 : vector<16xf32>
    %swap3A_15 = arith.constant 4984 : index
    %swap3A_16 = tpu.vector_load %arg16[%swap3A_15] {strides = array<i32>} : memref<5000xf32, #tpu.memory_space<vmem>>, vector<16xf32>,
    tpu.vector_store %arg16[%swap3A_15], %sub3A_14 {strides = array<i32>} : memref<5000xf32, #tpu.memory_space<vmem>>, vector<16xf32>,
    %gather3A_17 = tpu.vector_load_idx %arg12[%get3A_7] : memref<10000xf32, #tpu.memory_space<vmem>>[vector<16xi32>], vector<16xf32>,
    %gather3A_18 = tpu.vector_load_idx %arg12[%get3A_9] : memref<10000xf32, #tpu.memory_space<vmem>>[vector<16xi32>], vector<16xf32>,
    %sub3A_19 = arith.subf %gather3A_17, %gather3A_18 : vector<16xf32>
    %swap3A_20 = arith.constant 4984 : index
    %swap3A_21 = tpu.vector_load %arg17[%swap3A_20] {strides = array<i32>} : memref<5000xf32, #tpu.memory_space<vmem>>, vector<16xf32>,
    tpu.vector_store %arg17[%swap3A_20], %sub3A_19 {strides = array<i32>} : memref<5000xf32, #tpu.memory_space<vmem>>, vector<16xf32>,
    "tpu.region"() ({
      %run_scoped3A = tpu.sem_alloc : memref<!tpu.dma_semaphore, #tpu.memory_space<semaphore_mem>>
      %dma_start3A = tpu.memref_slice %arg7[%mul3A_2] : memref<160000xf32, #tpu.memory_space<hbm>> -> memref<5000xf32, #tpu.memory_space<hbm>>
      %dma_start3A_22 = tpu.memref_slice %arg7[%mul3A_2] : memref<160000xf32, #tpu.memory_space<hbm>> -> memref<5000xf32, #tpu.memory_space<hbm>>
      tpu.enqueue_dma source(%arg15 : memref<5000xf32, #tpu.memory_space<vmem>>) target(%dma_start3A_22 : memref<5000xf32, #tpu.memory_space<hbm>>) target_semaphore(%run_scoped3A : memref<!tpu.dma_semaphore, #tpu.memory_space<semaphore_mem>>)
      %dma_wait3A = tpu.memref_slice %arg7[%mul3A_2] : memref<160000xf32, #tpu.memory_space<hbm>> -> memref<5000xf32, #tpu.memory_space<hbm>>
      %dma_wait3A_23 = tpu.memref_slice %arg7[%mul3A_2] : memref<160000xf32, #tpu.memory_space<hbm>> -> memref<5000xf32, #tpu.memory_space<hbm>>
      tpu.wait_dma2 semaphore(%run_scoped3A : memref<!tpu.dma_semaphore, #tpu.memory_space<semaphore_mem>>) src(%arg15 : memref<5000xf32, #tpu.memory_space<vmem>>) dst(%dma_wait3A_23 : memref<5000xf32, #tpu.memory_space<hbm>>)
      tpu.yield
    }) : () -> ()
    "tpu.region"() ({
      %run_scoped3A = tpu.sem_alloc : memref<!tpu.dma_semaphore, #tpu.memory_space<semaphore_mem>>
      %dma_start3A = tpu.memref_slice %arg8[%mul3A_2] : memref<160000xf32, #tpu.memory_space<hbm>> -> memref<5000xf32, #tpu.memory_space<hbm>>
      %dma_start3A_22 = tpu.memref_slice %arg8[%mul3A_2] : memref<160000xf32, #tpu.memory_space<hbm>> -> memref<5000xf32, #tpu.memory_space<hbm>>
      tpu.enqueue_dma source(%arg16 : memref<5000xf32, #tpu.memory_space<vmem>>) target(%dma_start3A_22 : memref<5000xf32, #tpu.memory_space<hbm>>) target_semaphore(%run_scoped3A : memref<!tpu.dma_semaphore, #tpu.memory_space<semaphore_mem>>)
      %dma_wait3A = tpu.memref_slice %arg8[%mul3A_2] : memref<160000xf32, #tpu.memory_space<hbm>> -> memref<5000xf32, #tpu.memory_space<hbm>>
      %dma_wait3A_23 = tpu.memref_slice %arg8[%mul3A_2] : memref<160000xf32, #tpu.memory_space<hbm>> -> memref<5000xf32, #tpu.memory_space<hbm>>
      tpu.wait_dma2 semaphore(%run_scoped3A : memref<!tpu.dma_semaphore, #tpu.memory_space<semaphore_mem>>) src(%arg16 : memref<5000xf32, #tpu.memory_space<vmem>>) dst(%dma_wait3A_23 : memref<5000xf32, #tpu.memory_space<hbm>>)
      tpu.yield
    }) : () -> ()
    "tpu.region"() ({
      %run_scoped3A = tpu.sem_alloc : memref<!tpu.dma_semaphore, #tpu.memory_space<semaphore_mem>>
      %dma_start3A = tpu.memref_slice %arg9[%mul3A_2] : memref<160000xf32, #tpu.memory_space<hbm>> -> memref<5000xf32, #tpu.memory_space<hbm>>
      %dma_start3A_22 = tpu.memref_slice %arg9[%mul3A_2] : memref<160000xf32, #tpu.memory_space<hbm>> -> memref<5000xf32, #tpu.memory_space<hbm>>
      tpu.enqueue_dma source(%arg17 : memref<5000xf32, #tpu.memory_space<vmem>>) target(%dma_start3A_22 : memref<5000xf32, #tpu.memory_space<hbm>>) target_semaphore(%run_scoped3A : memref<!tpu.dma_semaphore, #tpu.memory_space<semaphore_mem>>)
      %dma_wait3A = tpu.memref_slice %arg9[%mul3A_2] : memref<160000xf32, #tpu.memory_space<hbm>> -> memref<5000xf32, #tpu.memory_space<hbm>>
      %dma_wait3A_23 = tpu.memref_slice %arg9[%mul3A_2] : memref<160000xf32, #tpu.memory_space<hbm>> -> memref<5000xf32, #tpu.memory_space<hbm>>
      tpu.wait_dma2 semaphore(%run_scoped3A : memref<!tpu.dma_semaphore, #tpu.memory_space<semaphore_mem>>) src(%arg17 : memref<5000xf32, #tpu.memory_space<vmem>>) dst(%dma_wait3A_23 : memref<5000xf32, #tpu.memory_space<hbm>>)
      tpu.yield
    }) : () -> ()
    return
  }
}

#map = affine_map<(d0, d1) -> (0, 0)>
#map1 = affine_map<(d0, d1) -> (0)>
module attributes {stable_mosaic.version = 14 : i64} {
  func.func @_scatter_body(%arg0: i32, %arg1: i32, %arg2: memref<10000x144xf32, #tpu.memory_space<hbm>>, %arg3: memref<10000x144xf32, #tpu.memory_space<hbm>>, %arg4: memref<160000x128xf32, #tpu.memory_space<hbm>>, %arg5: memref<160000x128xf32, #tpu.memory_space<hbm>>, %arg6: memref<160000x128xf32, #tpu.memory_space<hbm>>, %arg7: memref<160000xi32, #tpu.memory_space<hbm>>, %arg8: memref<160000xi32, #tpu.memory_space<hbm>>, %arg9: memref<10240x288xf32, #tpu.memory_space<hbm>>, %arg10: memref<10240x144xf32, #tpu.memory_space<vmem_shared>>, %arg11: memref<2000xi32, #tpu.memory_space<vmem>>, %arg12: memref<40xi32, #tpu.memory_space<vmem>>, %arg13: memref<40x144xf32, #tpu.memory_space<vmem>>, %arg14: memref<40x128xf32, #tpu.memory_space<vmem>>, %arg15: memref<40x128xf32, #tpu.memory_space<vmem>>, %arg16: memref<40xi32, #tpu.memory_space<vmem>>, %arg17: memref<40x144xf32, #tpu.memory_space<vmem>>, %arg18: memref<40x128xf32, #tpu.memory_space<vmem>>, %arg19: memref<40x128xf32, #tpu.memory_space<vmem>>, %arg20: memref<!tpu.dma_semaphore, #tpu.memory_space<semaphore_mem>>, %arg21: memref<!tpu.dma_semaphore, #tpu.memory_space<semaphore_mem>>, %arg22: memref<!tpu.dma_semaphore, #tpu.memory_space<semaphore_mem>>, %arg23: memref<!tpu.dma_semaphore, #tpu.memory_space<semaphore_mem>>, %arg24: memref<!tpu.dma_semaphore, #tpu.memory_space<semaphore_mem>>, %arg25: memref<!tpu.dma_semaphore, #tpu.memory_space<semaphore_mem>>) attributes {dimension_semantics = [#tpu.dimension_semantics<core_parallel>, #tpu.dimension_semantics<subcore_parallel>], iteration_bounds = array<i64: 2, 16>, scalar_prefetch = 0 : i64, scratch_operands = 16 : i64, tpu.core_type = #tpu.core_type<sc_vector_subcore>, window_params = [{transform_indices = #map}, {transform_indices = #map}, {transform_indices = #map}, {transform_indices = #map}, {transform_indices = #map}, {transform_indices = #map1}, {transform_indices = #map1}, {transform_indices = #map}]} {
    %scan3A = arith.constant 0 : i32
    %scan3A_0 = arith.constant 40 : i32
    %scan3A_1 = arith.addi %scan3A, %scan3A_0 : i32
    %scan3A_2 = arith.constant 1 : i32
    scf.for %scan3A_17 = %scan3A to %scan3A_1 step %scan3A_2  : i32 {
      %mul3A_18 = arith.constant 1 : i32
      %mul3A_19 = arith.muli %scan3A_17, %mul3A_18 : i32
      %add3A = arith.constant 0 : i32
      %add3A_20 = arith.addi %add3A, %mul3A_19 : i32
      %broadcast_in_dim3A = arith.constant 0.000000e+00 : f32
      %broadcast_in_dim3A_21 = vector.broadcast %broadcast_in_dim3A : f32 to vector<16xf32>
      %swap3A = arith.index_cast %add3A_20 : i32 to index
      %swap3A_22 = arith.constant 0 : index
      %swap3A_23 = tpu.vector_load %arg13[%swap3A, %swap3A_22] {strides = array<i32>} : memref<40x144xf32, #tpu.memory_space<vmem>>, vector<1x16xf32>,
      %swap3A_24 = vector.shape_cast %swap3A_23 : vector<1x16xf32> to vector<16xf32>
      %swap3A_25 = vector.shape_cast %broadcast_in_dim3A_21 : vector<16xf32> to vector<1x16xf32>
      tpu.vector_store %arg13[%swap3A, %swap3A_22], %swap3A_25 {strides = array<i32>} : memref<40x144xf32, #tpu.memory_space<vmem>>, vector<1x16xf32>,
      %broadcast_in_dim3A_26 = arith.constant 0.000000e+00 : f32
      %broadcast_in_dim3A_27 = vector.broadcast %broadcast_in_dim3A_26 : f32 to vector<16xf32>
      %swap3A_28 = arith.index_cast %add3A_20 : i32 to index
      %swap3A_29 = arith.constant 16 : index
      %swap3A_30 = tpu.vector_load %arg13[%swap3A_28, %swap3A_29] {strides = array<i32>} : memref<40x144xf32, #tpu.memory_space<vmem>>, vector<1x16xf32>,
      %swap3A_31 = vector.shape_cast %swap3A_30 : vector<1x16xf32> to vector<16xf32>
      %swap3A_32 = vector.shape_cast %broadcast_in_dim3A_27 : vector<16xf32> to vector<1x16xf32>
      tpu.vector_store %arg13[%swap3A_28, %swap3A_29], %swap3A_32 {strides = array<i32>} : memref<40x144xf32, #tpu.memory_space<vmem>>, vector<1x16xf32>,
      %broadcast_in_dim3A_33 = arith.constant 0.000000e+00 : f32
      %broadcast_in_dim3A_34 = vector.broadcast %broadcast_in_dim3A_33 : f32 to vector<16xf32>
      %swap3A_35 = arith.index_cast %add3A_20 : i32 to index
      %swap3A_36 = arith.constant 32 : index
      %swap3A_37 = tpu.vector_load %arg13[%swap3A_35, %swap3A_36] {strides = array<i32>} : memref<40x144xf32, #tpu.memory_space<vmem>>, vector<1x16xf32>,
      %swap3A_38 = vector.shape_cast %swap3A_37 : vector<1x16xf32> to vector<16xf32>
      %swap3A_39 = vector.shape_cast %broadcast_in_dim3A_34 : vector<16xf32> to vector<1x16xf32>
      tpu.vector_store %arg13[%swap3A_35, %swap3A_36], %swap3A_39 {strides = array<i32>} : memref<40x144xf32, #tpu.memory_space<vmem>>, vector<1x16xf32>,
      %broadcast_in_dim3A_40 = arith.constant 0.000000e+00 : f32
      %broadcast_in_dim3A_41 = vector.broadcast %broadcast_in_dim3A_40 : f32 to vector<16xf32>
      %swap3A_42 = arith.index_cast %add3A_20 : i32 to index
      %swap3A_43 = arith.constant 48 : index
      %swap3A_44 = tpu.vector_load %arg13[%swap3A_42, %swap3A_43] {strides = array<i32>} : memref<40x144xf32, #tpu.memory_space<vmem>>, vector<1x16xf32>,
      %swap3A_45 = vector.shape_cast %swap3A_44 : vector<1x16xf32> to vector<16xf32>
      %swap3A_46 = vector.shape_cast %broadcast_in_dim3A_41 : vector<16xf32> to vector<1x16xf32>
      tpu.vector_store %arg13[%swap3A_42, %swap3A_43], %swap3A_46 {strides = array<i32>} : memref<40x144xf32, #tpu.memory_space<vmem>>, vector<1x16xf32>,
      %broadcast_in_dim3A_47 = arith.constant 0.000000e+00 : f32
      %broadcast_in_dim3A_48 = vector.broadcast %broadcast_in_dim3A_47 : f32 to vector<16xf32>
      %swap3A_49 = arith.index_cast %add3A_20 : i32 to index
      %swap3A_50 = arith.constant 64 : index
      %swap3A_51 = tpu.vector_load %arg13[%swap3A_49, %swap3A_50] {strides = array<i32>} : memref<40x144xf32, #tpu.memory_space<vmem>>, vector<1x16xf32>,
      %swap3A_52 = vector.shape_cast %swap3A_51 : vector<1x16xf32> to vector<16xf32>
      %swap3A_53 = vector.shape_cast %broadcast_in_dim3A_48 : vector<16xf32> to vector<1x16xf32>
      tpu.vector_store %arg13[%swap3A_49, %swap3A_50], %swap3A_53 {strides = array<i32>} : memref<40x144xf32, #tpu.memory_space<vmem>>, vector<1x16xf32>,
      %broadcast_in_dim3A_54 = arith.constant 0.000000e+00 : f32
      %broadcast_in_dim3A_55 = vector.broadcast %broadcast_in_dim3A_54 : f32 to vector<16xf32>
      %swap3A_56 = arith.index_cast %add3A_20 : i32 to index
      %swap3A_57 = arith.constant 80 : index
      %swap3A_58 = tpu.vector_load %arg13[%swap3A_56, %swap3A_57] {strides = array<i32>} : memref<40x144xf32, #tpu.memory_space<vmem>>, vector<1x16xf32>,
      %swap3A_59 = vector.shape_cast %swap3A_58 : vector<1x16xf32> to vector<16xf32>
      %swap3A_60 = vector.shape_cast %broadcast_in_dim3A_55 : vector<16xf32> to vector<1x16xf32>
      tpu.vector_store %arg13[%swap3A_56, %swap3A_57], %swap3A_60 {strides = array<i32>} : memref<40x144xf32, #tpu.memory_space<vmem>>, vector<1x16xf32>,
      %broadcast_in_dim3A_61 = arith.constant 0.000000e+00 : f32
      %broadcast_in_dim3A_62 = vector.broadcast %broadcast_in_dim3A_61 : f32 to vector<16xf32>
      %swap3A_63 = arith.index_cast %add3A_20 : i32 to index
      %swap3A_64 = arith.constant 96 : index
      %swap3A_65 = tpu.vector_load %arg13[%swap3A_63, %swap3A_64] {strides = array<i32>} : memref<40x144xf32, #tpu.memory_space<vmem>>, vector<1x16xf32>,
      %swap3A_66 = vector.shape_cast %swap3A_65 : vector<1x16xf32> to vector<16xf32>
      %swap3A_67 = vector.shape_cast %broadcast_in_dim3A_62 : vector<16xf32> to vector<1x16xf32>
      tpu.vector_store %arg13[%swap3A_63, %swap3A_64], %swap3A_67 {strides = array<i32>} : memref<40x144xf32, #tpu.memory_space<vmem>>, vector<1x16xf32>,
      %broadcast_in_dim3A_68 = arith.constant 0.000000e+00 : f32
      %broadcast_in_dim3A_69 = vector.broadcast %broadcast_in_dim3A_68 : f32 to vector<16xf32>
      %swap3A_70 = arith.index_cast %add3A_20 : i32 to index
      %swap3A_71 = arith.constant 112 : index
      %swap3A_72 = tpu.vector_load %arg13[%swap3A_70, %swap3A_71] {strides = array<i32>} : memref<40x144xf32, #tpu.memory_space<vmem>>, vector<1x16xf32>,
      %swap3A_73 = vector.shape_cast %swap3A_72 : vector<1x16xf32> to vector<16xf32>
      %swap3A_74 = vector.shape_cast %broadcast_in_dim3A_69 : vector<16xf32> to vector<1x16xf32>
      tpu.vector_store %arg13[%swap3A_70, %swap3A_71], %swap3A_74 {strides = array<i32>} : memref<40x144xf32, #tpu.memory_space<vmem>>, vector<1x16xf32>,
      %broadcast_in_dim3A_75 = arith.constant 0.000000e+00 : f32
      %broadcast_in_dim3A_76 = vector.broadcast %broadcast_in_dim3A_75 : f32 to vector<16xf32>
      %swap3A_77 = arith.index_cast %add3A_20 : i32 to index
      %swap3A_78 = arith.constant 128 : index
      %swap3A_79 = tpu.vector_load %arg13[%swap3A_77, %swap3A_78] {strides = array<i32>} : memref<40x144xf32, #tpu.memory_space<vmem>>, vector<1x16xf32>,
      %swap3A_80 = vector.shape_cast %swap3A_79 : vector<1x16xf32> to vector<16xf32>
      %swap3A_81 = vector.shape_cast %broadcast_in_dim3A_76 : vector<16xf32> to vector<1x16xf32>
      tpu.vector_store %arg13[%swap3A_77, %swap3A_78], %swap3A_81 {strides = array<i32>} : memref<40x144xf32, #tpu.memory_space<vmem>>, vector<1x16xf32>,
    }
    %scan3A_3 = arith.constant 40 : i32
    %scan3A_4 = arith.constant 0 : i32
    %scan3A_5 = arith.constant 16 : i32
    %scan3A_6 = arith.addi %scan3A_4, %scan3A_5 : i32
    %scan3A_7 = arith.constant 1 : i32
    scf.for %scan3A_17 = %scan3A_4 to %scan3A_6 step %scan3A_7  : i32 {
      %mul3A_18 = arith.constant 1 : i32
      %mul3A_19 = arith.muli %scan3A_17, %mul3A_18 : i32
      %add3A = arith.constant 0 : i32
      %add3A_20 = arith.addi %add3A, %mul3A_19 : i32
      %mul3A_21 = arith.constant 640 : i32
      %mul3A_22 = arith.muli %arg1, %mul3A_21 : i32
      %mul3A_23 = arith.constant 40 : i32
      %mul3A_24 = arith.muli %add3A_20, %mul3A_23 : i32
      %add3A_25 = arith.addi %mul3A_22, %mul3A_24 : i32
      "tpu.region"() ({
        %run_scoped3A = tpu.sem_alloc : memref<!tpu.dma_semaphore, #tpu.memory_space<semaphore_mem>>
        %dma_start3A = arith.constant 0 : i32
        %dma_start3A_26 = tpu.memref_slice %arg10[%add3A_25, %dma_start3A] : memref<10240x144xf32, #tpu.memory_space<vmem_shared>> -> memref<40x144xf32, #tpu.memory_space<vmem_shared>>
        %dma_start3A_27 = arith.constant 0 : i32
        %dma_start3A_28 = tpu.memref_slice %arg10[%add3A_25, %dma_start3A_27] : memref<10240x144xf32, #tpu.memory_space<vmem_shared>> -> memref<40x144xf32, #tpu.memory_space<vmem_shared>>
        tpu.enqueue_dma source(%arg13 : memref<40x144xf32, #tpu.memory_space<vmem>>) target(%dma_start3A_28 : memref<40x144xf32, #tpu.memory_space<vmem_shared>>) target_semaphore(%run_scoped3A : memref<!tpu.dma_semaphore, #tpu.memory_space<semaphore_mem>>)
        %dma_wait3A = arith.constant 0 : i32
        %dma_wait3A_29 = tpu.memref_slice %arg10[%add3A_25, %dma_wait3A] : memref<10240x144xf32, #tpu.memory_space<vmem_shared>> -> memref<40x144xf32, #tpu.memory_space<vmem_shared>>
        %dma_wait3A_30 = arith.constant 0 : i32
        %dma_wait3A_31 = tpu.memref_slice %arg10[%add3A_25, %dma_wait3A_30] : memref<10240x144xf32, #tpu.memory_space<vmem_shared>> -> memref<40x144xf32, #tpu.memory_space<vmem_shared>>
        tpu.wait_dma2 semaphore(%run_scoped3A : memref<!tpu.dma_semaphore, #tpu.memory_space<semaphore_mem>>) src(%arg13 : memref<40x144xf32, #tpu.memory_space<vmem>>) dst(%dma_wait3A_31 : memref<40x144xf32, #tpu.memory_space<vmem_shared>>)
        tpu.yield
      }) : () -> ()
    }
    %scan3A_8 = arith.constant 16 : i32
    %barrier3A = arith.constant 0 : index
    tpu.barrier barrier_id(%barrier3A)
    %mul3A = arith.constant 10000 : i32
    %mul3A_9 = arith.muli %arg1, %mul3A : i32
    %eq3A = arith.constant 0 : i32
    %eq3A_10 = arith.cmpi eq, %arg0, %eq3A : i32
    %convert_element_type3A = arith.extui %eq3A_10 : i1 to i32
    %cond3A = arith.constant 0 : i32
    %cond3A_11 = arith.cmpi ne, %convert_element_type3A, %cond3A : i32
    scf.if %cond3A_11 {
      %scan3A_17 = arith.constant 0 : i32
      %scan3A_18 = arith.constant 5 : i32
      %scan3A_19 = arith.addi %scan3A_17, %scan3A_18 : i32
      %scan3A_20 = arith.constant 1 : i32
      scf.for %scan3A_28 = %scan3A_17 to %scan3A_19 step %scan3A_20  : i32 {
        %mul3A_29 = arith.constant 1 : i32
        %mul3A_30 = arith.muli %scan3A_28, %mul3A_29 : i32
        %add3A = arith.constant 0 : i32
        %add3A_31 = arith.addi %add3A, %mul3A_30 : i32
        %mul3A_32 = arith.constant 2000 : i32
        %mul3A_33 = arith.muli %add3A_31, %mul3A_32 : i32
        %add3A_34 = arith.addi %mul3A_9, %mul3A_33 : i32
        "tpu.region"() ({
          %run_scoped3A = tpu.sem_alloc : memref<!tpu.dma_semaphore, #tpu.memory_space<semaphore_mem>>
          %dma_start3A_108 = tpu.memref_slice %arg7[%add3A_34] : memref<160000xi32, #tpu.memory_space<hbm>> -> memref<2000xi32, #tpu.memory_space<hbm>>
          %dma_start3A_109 = tpu.memref_slice %arg7[%add3A_34] : memref<160000xi32, #tpu.memory_space<hbm>> -> memref<2000xi32, #tpu.memory_space<hbm>>
          tpu.enqueue_dma source(%dma_start3A_109 : memref<2000xi32, #tpu.memory_space<hbm>>) target(%arg11 : memref<2000xi32, #tpu.memory_space<vmem>>) target_semaphore(%run_scoped3A : memref<!tpu.dma_semaphore, #tpu.memory_space<semaphore_mem>>)
          %dma_wait3A_110 = tpu.memref_slice %arg7[%add3A_34] : memref<160000xi32, #tpu.memory_space<hbm>> -> memref<2000xi32, #tpu.memory_space<hbm>>
          %dma_wait3A_111 = tpu.memref_slice %arg7[%add3A_34] : memref<160000xi32, #tpu.memory_space<hbm>> -> memref<2000xi32, #tpu.memory_space<hbm>>
          tpu.wait_dma2 semaphore(%run_scoped3A : memref<!tpu.dma_semaphore, #tpu.memory_space<semaphore_mem>>) src(%dma_wait3A_111 : memref<2000xi32, #tpu.memory_space<hbm>>) dst(%arg11 : memref<2000xi32, #tpu.memory_space<vmem>>)
          tpu.yield
        }) : () -> ()
        %add3A_35 = arith.constant 0 : i32
        %add3A_36 = arith.addi %add3A_34, %add3A_35 : i32
        "tpu.region"() ({
          %run_scoped3A = tpu.sem_alloc : memref<!tpu.dma_semaphore, #tpu.memory_space<semaphore_mem>>
          %dma_start3A_108 = tpu.memref_slice %arg8[%add3A_36] : memref<160000xi32, #tpu.memory_space<hbm>> -> memref<40xi32, #tpu.memory_space<hbm>>
          %dma_start3A_109 = tpu.memref_slice %arg8[%add3A_36] : memref<160000xi32, #tpu.memory_space<hbm>> -> memref<40xi32, #tpu.memory_space<hbm>>
          tpu.enqueue_dma source(%dma_start3A_109 : memref<40xi32, #tpu.memory_space<hbm>>) target(%arg12 : memref<40xi32, #tpu.memory_space<vmem>>) target_semaphore(%run_scoped3A : memref<!tpu.dma_semaphore, #tpu.memory_space<semaphore_mem>>)
          %dma_wait3A_110 = tpu.memref_slice %arg8[%add3A_36] : memref<160000xi32, #tpu.memory_space<hbm>> -> memref<40xi32, #tpu.memory_space<hbm>>
          %dma_wait3A_111 = tpu.memref_slice %arg8[%add3A_36] : memref<160000xi32, #tpu.memory_space<hbm>> -> memref<40xi32, #tpu.memory_space<hbm>>
          tpu.wait_dma2 semaphore(%run_scoped3A : memref<!tpu.dma_semaphore, #tpu.memory_space<semaphore_mem>>) src(%dma_wait3A_111 : memref<40xi32, #tpu.memory_space<hbm>>) dst(%arg12 : memref<40xi32, #tpu.memory_space<vmem>>)
          tpu.yield
        }) : () -> ()
        %dma_start3A = arith.constant 0 : i32
        %dma_start3A_37 = tpu.memref_slice %arg11[%dma_start3A] : memref<2000xi32, #tpu.memory_space<vmem>> -> memref<40xi32, #tpu.memory_space<vmem>>
        %dma_start3A_38 = arith.constant 0 : i32
        %dma_start3A_39 = arith.constant 0 : i32
        %dma_start3A_40 = tpu.memref_slice %arg2[%dma_start3A_38, %dma_start3A_39] : memref<10000x144xf32, #tpu.memory_space<hbm>> -> memref<10000x144xf32, #tpu.memory_space<hbm>>
        tpu.enqueue_indirect_dma source(%dma_start3A_40 : memref<10000x144xf32, #tpu.memory_space<hbm>>) target(%arg13 : memref<40x144xf32, #tpu.memory_space<vmem>>) offsets(%dma_start3A_37 : memref<40xi32, #tpu.memory_space<vmem>>) semaphore(%arg20 : memref<!tpu.dma_semaphore, #tpu.memory_space<semaphore_mem>>)
        %dma_start3A_41 = arith.constant 0 : i32
        %dma_start3A_42 = tpu.memref_slice %arg4[%add3A_36, %dma_start3A_41] : memref<160000x128xf32, #tpu.memory_space<hbm>> -> memref<40x128xf32, #tpu.memory_space<hbm>>
        %dma_start3A_43 = arith.constant 0 : i32
        %dma_start3A_44 = tpu.memref_slice %arg4[%add3A_36, %dma_start3A_43] : memref<160000x128xf32, #tpu.memory_space<hbm>> -> memref<40x128xf32, #tpu.memory_space<hbm>>
        tpu.enqueue_dma source(%dma_start3A_44 : memref<40x128xf32, #tpu.memory_space<hbm>>) target(%arg14 : memref<40x128xf32, #tpu.memory_space<vmem>>) target_semaphore(%arg21 : memref<!tpu.dma_semaphore, #tpu.memory_space<semaphore_mem>>)
        %dma_start3A_45 = arith.constant 0 : i32
        %dma_start3A_46 = tpu.memref_slice %arg5[%add3A_36, %dma_start3A_45] : memref<160000x128xf32, #tpu.memory_space<hbm>> -> memref<40x128xf32, #tpu.memory_space<hbm>>
        %dma_start3A_47 = arith.constant 0 : i32
        %dma_start3A_48 = tpu.memref_slice %arg5[%add3A_36, %dma_start3A_47] : memref<160000x128xf32, #tpu.memory_space<hbm>> -> memref<40x128xf32, #tpu.memory_space<hbm>>
        tpu.enqueue_dma source(%dma_start3A_48 : memref<40x128xf32, #tpu.memory_space<hbm>>) target(%arg15 : memref<40x128xf32, #tpu.memory_space<vmem>>) target_semaphore(%arg22 : memref<!tpu.dma_semaphore, #tpu.memory_space<semaphore_mem>>)
        %scan3A_49 = arith.constant 0 : i32
        %scan3A_50 = arith.constant 24 : i32
        %scan3A_51 = arith.addi %scan3A_49, %scan3A_50 : i32
        %scan3A_52 = arith.constant 1 : i32
        scf.for %scan3A_108 = %scan3A_49 to %scan3A_51 step %scan3A_52  : i32 {
          %mul3A_109 = arith.constant 2 : i32
          %mul3A_110 = arith.muli %scan3A_108, %mul3A_109 : i32
          %add3A_111 = arith.constant 0 : i32
          %add3A_112 = arith.addi %add3A_111, %mul3A_110 : i32
          %add3A_113 = arith.constant 0 : i32
          %add3A_114 = arith.addi %add3A_112, %add3A_113 : i32
          %add3A_115 = arith.constant 1 : i32
          %add3A_116 = arith.addi %add3A_114, %add3A_115 : i32
          %mul3A_117 = arith.constant 40 : i32
          %mul3A_118 = arith.muli %add3A_116, %mul3A_117 : i32
          %add3A_119 = arith.addi %add3A_34, %mul3A_118 : i32
          "tpu.region"() ({
            %run_scoped3A = tpu.sem_alloc : memref<!tpu.dma_semaphore, #tpu.memory_space<semaphore_mem>>
            %dma_start3A_199 = tpu.memref_slice %arg8[%add3A_119] : memref<160000xi32, #tpu.memory_space<hbm>> -> memref<40xi32, #tpu.memory_space<hbm>>
            %dma_start3A_200 = tpu.memref_slice %arg8[%add3A_119] : memref<160000xi32, #tpu.memory_space<hbm>> -> memref<40xi32, #tpu.memory_space<hbm>>
            tpu.enqueue_dma source(%dma_start3A_200 : memref<40xi32, #tpu.memory_space<hbm>>) target(%arg16 : memref<40xi32, #tpu.memory_space<vmem>>) target_semaphore(%run_scoped3A : memref<!tpu.dma_semaphore, #tpu.memory_space<semaphore_mem>>)
            %dma_wait3A_201 = tpu.memref_slice %arg8[%add3A_119] : memref<160000xi32, #tpu.memory_space<hbm>> -> memref<40xi32, #tpu.memory_space<hbm>>
            %dma_wait3A_202 = tpu.memref_slice %arg8[%add3A_119] : memref<160000xi32, #tpu.memory_space<hbm>> -> memref<40xi32, #tpu.memory_space<hbm>>
            tpu.wait_dma2 semaphore(%run_scoped3A : memref<!tpu.dma_semaphore, #tpu.memory_space<semaphore_mem>>) src(%dma_wait3A_202 : memref<40xi32, #tpu.memory_space<hbm>>) dst(%arg16 : memref<40xi32, #tpu.memory_space<vmem>>)
            tpu.yield
          }) : () -> ()
          %mul3A_120 = arith.constant 40 : i32
          %mul3A_121 = arith.muli %add3A_116, %mul3A_120 : i32
          %dma_start3A_122 = tpu.memref_slice %arg11[%mul3A_121] : memref<2000xi32, #tpu.memory_space<vmem>> -> memref<40xi32, #tpu.memory_space<vmem>>
          %dma_start3A_123 = arith.constant 0 : i32
          %dma_start3A_124 = arith.constant 0 : i32
          %dma_start3A_125 = tpu.memref_slice %arg2[%dma_start3A_123, %dma_start3A_124] : memref<10000x144xf32, #tpu.memory_space<hbm>> -> memref<10000x144xf32, #tpu.memory_space<hbm>>
          tpu.enqueue_indirect_dma source(%dma_start3A_125 : memref<10000x144xf32, #tpu.memory_space<hbm>>) target(%arg17 : memref<40x144xf32, #tpu.memory_space<vmem>>) offsets(%dma_start3A_122 : memref<40xi32, #tpu.memory_space<vmem>>) semaphore(%arg23 : memref<!tpu.dma_semaphore, #tpu.memory_space<semaphore_mem>>)
          %dma_start3A_126 = arith.constant 0 : i32
          %dma_start3A_127 = tpu.memref_slice %arg4[%add3A_119, %dma_start3A_126] : memref<160000x128xf32, #tpu.memory_space<hbm>> -> memref<40x128xf32, #tpu.memory_space<hbm>>
          %dma_start3A_128 = arith.constant 0 : i32
          %dma_start3A_129 = tpu.memref_slice %arg4[%add3A_119, %dma_start3A_128] : memref<160000x128xf32, #tpu.memory_space<hbm>> -> memref<40x128xf32, #tpu.memory_space<hbm>>
          tpu.enqueue_dma source(%dma_start3A_129 : memref<40x128xf32, #tpu.memory_space<hbm>>) target(%arg18 : memref<40x128xf32, #tpu.memory_space<vmem>>) target_semaphore(%arg24 : memref<!tpu.dma_semaphore, #tpu.memory_space<semaphore_mem>>)
          %dma_start3A_130 = arith.constant 0 : i32
          %dma_start3A_131 = tpu.memref_slice %arg5[%add3A_119, %dma_start3A_130] : memref<160000x128xf32, #tpu.memory_space<hbm>> -> memref<40x128xf32, #tpu.memory_space<hbm>>
          %dma_start3A_132 = arith.constant 0 : i32
          %dma_start3A_133 = tpu.memref_slice %arg5[%add3A_119, %dma_start3A_132] : memref<160000x128xf32, #tpu.memory_space<hbm>> -> memref<40x128xf32, #tpu.memory_space<hbm>>
          tpu.enqueue_dma source(%dma_start3A_133 : memref<40x128xf32, #tpu.memory_space<hbm>>) target(%arg19 : memref<40x128xf32, #tpu.memory_space<vmem>>) target_semaphore(%arg25 : memref<!tpu.dma_semaphore, #tpu.memory_space<semaphore_mem>>)
          %mul3A_134 = arith.constant 40 : i32
          %mul3A_135 = arith.muli %add3A_114, %mul3A_134 : i32
          %add3A_136 = arith.addi %add3A_34, %mul3A_135 : i32
          %mul3A_137 = arith.constant 40 : i32
          %mul3A_138 = arith.muli %add3A_114, %mul3A_137 : i32
          %dma_wait3A_139 = tpu.memref_slice %arg11[%mul3A_138] : memref<2000xi32, #tpu.memory_space<vmem>> -> memref<40xi32, #tpu.memory_space<vmem>>
          %dma_wait3A_140 = arith.constant 0 : i32
          %dma_wait3A_141 = arith.constant 0 : i32
          %dma_wait3A_142 = tpu.memref_slice %arg2[%dma_wait3A_140, %dma_wait3A_141] : memref<10000x144xf32, #tpu.memory_space<hbm>> -> memref<10000x144xf32, #tpu.memory_space<hbm>>
          tpu.wait_indirect_dma semaphore(%arg20 : memref<!tpu.dma_semaphore, #tpu.memory_space<semaphore_mem>>) src(%dma_wait3A_142 : memref<10000x144xf32, #tpu.memory_space<hbm>>) dst(%arg13 : memref<40x144xf32, #tpu.memory_space<vmem>>)
          %dma_wait3A_143 = arith.constant 0 : i32
          %dma_wait3A_144 = tpu.memref_slice %arg4[%add3A_136, %dma_wait3A_143] : memref<160000x128xf32, #tpu.memory_space<hbm>> -> memref<40x128xf32, #tpu.memory_space<hbm>>
          %dma_wait3A_145 = arith.constant 0 : i32
          %dma_wait3A_146 = tpu.memref_slice %arg4[%add3A_136, %dma_wait3A_145] : memref<160000x128xf32, #tpu.memory_space<hbm>> -> memref<40x128xf32, #tpu.memory_space<hbm>>
          tpu.wait_dma2 semaphore(%arg21 : memref<!tpu.dma_semaphore, #tpu.memory_space<semaphore_mem>>) src(%dma_wait3A_146 : memref<40x128xf32, #tpu.memory_space<hbm>>) dst(%arg14 : memref<40x128xf32, #tpu.memory_space<vmem>>)
          %dma_wait3A_147 = arith.constant 0 : i32
          %dma_wait3A_148 = tpu.memref_slice %arg5[%add3A_136, %dma_wait3A_147] : memref<160000x128xf32, #tpu.memory_space<hbm>> -> memref<40x128xf32, #tpu.memory_space<hbm>>
          %dma_wait3A_149 = arith.constant 0 : i32
          %dma_wait3A_150 = tpu.memref_slice %arg5[%add3A_136, %dma_wait3A_149] : memref<160000x128xf32, #tpu.memory_space<hbm>> -> memref<40x128xf32, #tpu.memory_space<hbm>>
          tpu.wait_dma2 semaphore(%arg22 : memref<!tpu.dma_semaphore, #tpu.memory_space<semaphore_mem>>) src(%dma_wait3A_150 : memref<40x128xf32, #tpu.memory_space<hbm>>) dst(%arg15 : memref<40x128xf32, #tpu.memory_space<vmem>>)
          %scan3A_151 = arith.constant 0 : i32
          %scan3A_152 = arith.constant 40 : i32
          %scan3A_153 = arith.addi %scan3A_151, %scan3A_152 : i32
          %scan3A_154 = arith.constant 1 : i32
          scf.for %scan3A_199 = %scan3A_151 to %scan3A_153 step %scan3A_154  : i32 {
            %mul3A_200 = arith.constant 1 : i32
            %mul3A_201 = arith.muli %scan3A_199, %mul3A_200 : i32
            %add3A_202 = arith.constant 0 : i32
            %add3A_203 = arith.addi %add3A_202, %mul3A_201 : i32
            %get3A = arith.index_cast %add3A_203 : i32 to index
            %get3A_204 = arith.constant 0 : index
            %get3A_205 = tpu.vector_load %arg13[%get3A, %get3A_204] {strides = array<i32>} : memref<40x144xf32, #tpu.memory_space<vmem>>, vector<1x16xf32>,
            %get3A_206 = vector.shape_cast %get3A_205 : vector<1x16xf32> to vector<16xf32>
            %get3A_207 = arith.index_cast %add3A_203 : i32 to index
            %get3A_208 = arith.constant 0 : index
            %get3A_209 = tpu.vector_load %arg14[%get3A_207, %get3A_208] {strides = array<i32>} : memref<40x128xf32, #tpu.memory_space<vmem>>, vector<1x16xf32>,
            %get3A_210 = vector.shape_cast %get3A_209 : vector<1x16xf32> to vector<16xf32>
            %mul3A_211 = arith.mulf %get3A_206, %get3A_210 : vector<16xf32>
            %swap3A = arith.index_cast %add3A_203 : i32 to index
            %swap3A_212 = arith.constant 0 : index
            %swap3A_213 = tpu.vector_load %arg13[%swap3A, %swap3A_212] {strides = array<i32>} : memref<40x144xf32, #tpu.memory_space<vmem>>, vector<1x16xf32>,
            %swap3A_214 = vector.shape_cast %swap3A_213 : vector<1x16xf32> to vector<16xf32>
            %swap3A_215 = vector.shape_cast %mul3A_211 : vector<16xf32> to vector<1x16xf32>
            tpu.vector_store %arg13[%swap3A, %swap3A_212], %swap3A_215 {strides = array<i32>} : memref<40x144xf32, #tpu.memory_space<vmem>>, vector<1x16xf32>,
            %get3A_216 = arith.index_cast %add3A_203 : i32 to index
            %get3A_217 = arith.constant 16 : index
            %get3A_218 = tpu.vector_load %arg13[%get3A_216, %get3A_217] {strides = array<i32>} : memref<40x144xf32, #tpu.memory_space<vmem>>, vector<1x16xf32>,
            %get3A_219 = vector.shape_cast %get3A_218 : vector<1x16xf32> to vector<16xf32>
            %get3A_220 = arith.index_cast %add3A_203 : i32 to index
            %get3A_221 = arith.constant 16 : index
            %get3A_222 = tpu.vector_load %arg14[%get3A_220, %get3A_221] {strides = array<i32>} : memref<40x128xf32, #tpu.memory_space<vmem>>, vector<1x16xf32>,
            %get3A_223 = vector.shape_cast %get3A_222 : vector<1x16xf32> to vector<16xf32>
            %mul3A_224 = arith.mulf %get3A_219, %get3A_223 : vector<16xf32>
            %swap3A_225 = arith.index_cast %add3A_203 : i32 to index
            %swap3A_226 = arith.constant 16 : index
            %swap3A_227 = tpu.vector_load %arg13[%swap3A_225, %swap3A_226] {strides = array<i32>} : memref<40x144xf32, #tpu.memory_space<vmem>>, vector<1x16xf32>,
            %swap3A_228 = vector.shape_cast %swap3A_227 : vector<1x16xf32> to vector<16xf32>
            %swap3A_229 = vector.shape_cast %mul3A_224 : vector<16xf32> to vector<1x16xf32>
            tpu.vector_store %arg13[%swap3A_225, %swap3A_226], %swap3A_229 {strides = array<i32>} : memref<40x144xf32, #tpu.memory_space<vmem>>, vector<1x16xf32>,
            %get3A_230 = arith.index_cast %add3A_203 : i32 to index
            %get3A_231 = arith.constant 32 : index
            %get3A_232 = tpu.vector_load %arg13[%get3A_230, %get3A_231] {strides = array<i32>} : memref<40x144xf32, #tpu.memory_space<vmem>>, vector<1x16xf32>,
            %get3A_233 = vector.shape_cast %get3A_232 : vector<1x16xf32> to vector<16xf32>
            %get3A_234 = arith.index_cast %add3A_203 : i32 to index
            %get3A_235 = arith.constant 32 : index
            %get3A_236 = tpu.vector_load %arg14[%get3A_234, %get3A_235] {strides = array<i32>} : memref<40x128xf32, #tpu.memory_space<vmem>>, vector<1x16xf32>,
            %get3A_237 = vector.shape_cast %get3A_236 : vector<1x16xf32> to vector<16xf32>
            %mul3A_238 = arith.mulf %get3A_233, %get3A_237 : vector<16xf32>
            %swap3A_239 = arith.index_cast %add3A_203 : i32 to index
            %swap3A_240 = arith.constant 32 : index
            %swap3A_241 = tpu.vector_load %arg13[%swap3A_239, %swap3A_240] {strides = array<i32>} : memref<40x144xf32, #tpu.memory_space<vmem>>, vector<1x16xf32>,
            %swap3A_242 = vector.shape_cast %swap3A_241 : vector<1x16xf32> to vector<16xf32>
            %swap3A_243 = vector.shape_cast %mul3A_238 : vector<16xf32> to vector<1x16xf32>
            tpu.vector_store %arg13[%swap3A_239, %swap3A_240], %swap3A_243 {strides = array<i32>} : memref<40x144xf32, #tpu.memory_space<vmem>>, vector<1x16xf32>,
            %get3A_244 = arith.index_cast %add3A_203 : i32 to index
            %get3A_245 = arith.constant 48 : index
            %get3A_246 = tpu.vector_load %arg13[%get3A_244, %get3A_245] {strides = array<i32>} : memref<40x144xf32, #tpu.memory_space<vmem>>, vector<1x16xf32>,
            %get3A_247 = vector.shape_cast %get3A_246 : vector<1x16xf32> to vector<16xf32>
            %get3A_248 = arith.index_cast %add3A_203 : i32 to index
            %get3A_249 = arith.constant 48 : index
            %get3A_250 = tpu.vector_load %arg14[%get3A_248, %get3A_249] {strides = array<i32>} : memref<40x128xf32, #tpu.memory_space<vmem>>, vector<1x16xf32>,
            %get3A_251 = vector.shape_cast %get3A_250 : vector<1x16xf32> to vector<16xf32>
            %mul3A_252 = arith.mulf %get3A_247, %get3A_251 : vector<16xf32>
            %swap3A_253 = arith.index_cast %add3A_203 : i32 to index
            %swap3A_254 = arith.constant 48 : index
            %swap3A_255 = tpu.vector_load %arg13[%swap3A_253, %swap3A_254] {strides = array<i32>} : memref<40x144xf32, #tpu.memory_space<vmem>>, vector<1x16xf32>,
            %swap3A_256 = vector.shape_cast %swap3A_255 : vector<1x16xf32> to vector<16xf32>
            %swap3A_257 = vector.shape_cast %mul3A_252 : vector<16xf32> to vector<1x16xf32>
            tpu.vector_store %arg13[%swap3A_253, %swap3A_254], %swap3A_257 {strides = array<i32>} : memref<40x144xf32, #tpu.memory_space<vmem>>, vector<1x16xf32>,
            %get3A_258 = arith.index_cast %add3A_203 : i32 to index
            %get3A_259 = arith.constant 64 : index
            %get3A_260 = tpu.vector_load %arg13[%get3A_258, %get3A_259] {strides = array<i32>} : memref<40x144xf32, #tpu.memory_space<vmem>>, vector<1x16xf32>,
            %get3A_261 = vector.shape_cast %get3A_260 : vector<1x16xf32> to vector<16xf32>
            %get3A_262 = arith.index_cast %add3A_203 : i32 to index
            %get3A_263 = arith.constant 64 : index
            %get3A_264 = tpu.vector_load %arg14[%get3A_262, %get3A_263] {strides = array<i32>} : memref<40x128xf32, #tpu.memory_space<vmem>>, vector<1x16xf32>,
            %get3A_265 = vector.shape_cast %get3A_264 : vector<1x16xf32> to vector<16xf32>
            %mul3A_266 = arith.mulf %get3A_261, %get3A_265 : vector<16xf32>
            %swap3A_267 = arith.index_cast %add3A_203 : i32 to index
            %swap3A_268 = arith.constant 64 : index
            %swap3A_269 = tpu.vector_load %arg13[%swap3A_267, %swap3A_268] {strides = array<i32>} : memref<40x144xf32, #tpu.memory_space<vmem>>, vector<1x16xf32>,
            %swap3A_270 = vector.shape_cast %swap3A_269 : vector<1x16xf32> to vector<16xf32>
            %swap3A_271 = vector.shape_cast %mul3A_266 : vector<16xf32> to vector<1x16xf32>
            tpu.vector_store %arg13[%swap3A_267, %swap3A_268], %swap3A_271 {strides = array<i32>} : memref<40x144xf32, #tpu.memory_space<vmem>>, vector<1x16xf32>,
            %get3A_272 = arith.index_cast %add3A_203 : i32 to index
            %get3A_273 = arith.constant 80 : index
            %get3A_274 = tpu.vector_load %arg13[%get3A_272, %get3A_273] {strides = array<i32>} : memref<40x144xf32, #tpu.memory_space<vmem>>, vector<1x16xf32>,
            %get3A_275 = vector.shape_cast %get3A_274 : vector<1x16xf32> to vector<16xf32>
            %get3A_276 = arith.index_cast %add3A_203 : i32 to index
            %get3A_277 = arith.constant 80 : index
            %get3A_278 = tpu.vector_load %arg14[%get3A_276, %get3A_277] {strides = array<i32>} : memref<40x128xf32, #tpu.memory_space<vmem>>, vector<1x16xf32>,
            %get3A_279 = vector.shape_cast %get3A_278 : vector<1x16xf32> to vector<16xf32>
            %mul3A_280 = arith.mulf %get3A_275, %get3A_279 : vector<16xf32>
            %swap3A_281 = arith.index_cast %add3A_203 : i32 to index
            %swap3A_282 = arith.constant 80 : index
            %swap3A_283 = tpu.vector_load %arg13[%swap3A_281, %swap3A_282] {strides = array<i32>} : memref<40x144xf32, #tpu.memory_space<vmem>>, vector<1x16xf32>,
            %swap3A_284 = vector.shape_cast %swap3A_283 : vector<1x16xf32> to vector<16xf32>
            %swap3A_285 = vector.shape_cast %mul3A_280 : vector<16xf32> to vector<1x16xf32>
            tpu.vector_store %arg13[%swap3A_281, %swap3A_282], %swap3A_285 {strides = array<i32>} : memref<40x144xf32, #tpu.memory_space<vmem>>, vector<1x16xf32>,
            %get3A_286 = arith.index_cast %add3A_203 : i32 to index
            %get3A_287 = arith.constant 96 : index
            %get3A_288 = tpu.vector_load %arg13[%get3A_286, %get3A_287] {strides = array<i32>} : memref<40x144xf32, #tpu.memory_space<vmem>>, vector<1x16xf32>,
            %get3A_289 = vector.shape_cast %get3A_288 : vector<1x16xf32> to vector<16xf32>
            %get3A_290 = arith.index_cast %add3A_203 : i32 to index
            %get3A_291 = arith.constant 96 : index
            %get3A_292 = tpu.vector_load %arg14[%get3A_290, %get3A_291] {strides = array<i32>} : memref<40x128xf32, #tpu.memory_space<vmem>>, vector<1x16xf32>,
            %get3A_293 = vector.shape_cast %get3A_292 : vector<1x16xf32> to vector<16xf32>
            %mul3A_294 = arith.mulf %get3A_289, %get3A_293 : vector<16xf32>
            %swap3A_295 = arith.index_cast %add3A_203 : i32 to index
            %swap3A_296 = arith.constant 96 : index
            %swap3A_297 = tpu.vector_load %arg13[%swap3A_295, %swap3A_296] {strides = array<i32>} : memref<40x144xf32, #tpu.memory_space<vmem>>, vector<1x16xf32>,
            %swap3A_298 = vector.shape_cast %swap3A_297 : vector<1x16xf32> to vector<16xf32>
            %swap3A_299 = vector.shape_cast %mul3A_294 : vector<16xf32> to vector<1x16xf32>
            tpu.vector_store %arg13[%swap3A_295, %swap3A_296], %swap3A_299 {strides = array<i32>} : memref<40x144xf32, #tpu.memory_space<vmem>>, vector<1x16xf32>,
            %get3A_300 = arith.index_cast %add3A_203 : i32 to index
            %get3A_301 = arith.constant 112 : index
            %get3A_302 = tpu.vector_load %arg13[%get3A_300, %get3A_301] {strides = array<i32>} : memref<40x144xf32, #tpu.memory_space<vmem>>, vector<1x16xf32>,
            %get3A_303 = vector.shape_cast %get3A_302 : vector<1x16xf32> to vector<16xf32>
            %get3A_304 = arith.index_cast %add3A_203 : i32 to index
            %get3A_305 = arith.constant 112 : index
            %get3A_306 = tpu.vector_load %arg14[%get3A_304, %get3A_305] {strides = array<i32>} : memref<40x128xf32, #tpu.memory_space<vmem>>, vector<1x16xf32>,
            %get3A_307 = vector.shape_cast %get3A_306 : vector<1x16xf32> to vector<16xf32>
            %mul3A_308 = arith.mulf %get3A_303, %get3A_307 : vector<16xf32>
            %swap3A_309 = arith.index_cast %add3A_203 : i32 to index
            %swap3A_310 = arith.constant 112 : index
            %swap3A_311 = tpu.vector_load %arg13[%swap3A_309, %swap3A_310] {strides = array<i32>} : memref<40x144xf32, #tpu.memory_space<vmem>>, vector<1x16xf32>,
            %swap3A_312 = vector.shape_cast %swap3A_311 : vector<1x16xf32> to vector<16xf32>
            %swap3A_313 = vector.shape_cast %mul3A_308 : vector<16xf32> to vector<1x16xf32>
            tpu.vector_store %arg13[%swap3A_309, %swap3A_310], %swap3A_313 {strides = array<i32>} : memref<40x144xf32, #tpu.memory_space<vmem>>, vector<1x16xf32>,
            %get3A_314 = arith.index_cast %add3A_203 : i32 to index
            %get3A_315 = arith.constant 128 : index
            %get3A_316 = tpu.vector_load %arg13[%get3A_314, %get3A_315] {strides = array<i32>} : memref<40x144xf32, #tpu.memory_space<vmem>>, vector<1x16xf32>,
            %get3A_317 = vector.shape_cast %get3A_316 : vector<1x16xf32> to vector<16xf32>
            %get3A_318 = arith.index_cast %add3A_203 : i32 to index
            %get3A_319 = arith.constant 0 : index
            %get3A_320 = tpu.vector_load %arg15[%get3A_318, %get3A_319] {strides = array<i32>} : memref<40x128xf32, #tpu.memory_space<vmem>>, vector<1x16xf32>,
            %get3A_321 = vector.shape_cast %get3A_320 : vector<1x16xf32> to vector<16xf32>
            %mul3A_322 = arith.mulf %get3A_317, %get3A_321 : vector<16xf32>
            %swap3A_323 = arith.index_cast %add3A_203 : i32 to index
            %swap3A_324 = arith.constant 128 : index
            %swap3A_325 = tpu.vector_load %arg13[%swap3A_323, %swap3A_324] {strides = array<i32>} : memref<40x144xf32, #tpu.memory_space<vmem>>, vector<1x16xf32>,
            %swap3A_326 = vector.shape_cast %swap3A_325 : vector<1x16xf32> to vector<16xf32>
            %swap3A_327 = vector.shape_cast %mul3A_322 : vector<16xf32> to vector<1x16xf32>
            tpu.vector_store %arg13[%swap3A_323, %swap3A_324], %swap3A_327 {strides = array<i32>} : memref<40x144xf32, #tpu.memory_space<vmem>>, vector<1x16xf32>,
          }
          %scan3A_155 = arith.constant 40 : i32
          "tpu.region"() ({
            %run_scoped3A = tpu.sem_alloc : memref<!tpu.dma_semaphore, #tpu.memory_space<semaphore_mem>>
            %dma_start3A_199 = arith.constant 0 : i32
            %dma_start3A_200 = arith.constant 0 : i32
            %dma_start3A_201 = tpu.memref_slice %arg10[%dma_start3A_199, %dma_start3A_200] : memref<10240x144xf32, #tpu.memory_space<vmem_shared>> -> memref<10240x144xf32, #tpu.memory_space<vmem_shared>>
            tpu.enqueue_indirect_dma source(%arg13 : memref<40x144xf32, #tpu.memory_space<vmem>>) target(%dma_start3A_201 : memref<10240x144xf32, #tpu.memory_space<vmem_shared>>) offsets(%arg12 : memref<40xi32, #tpu.memory_space<vmem>>) semaphore(%run_scoped3A : memref<!tpu.dma_semaphore, #tpu.memory_space<semaphore_mem>>) {add = true}
            %dma_wait3A_202 = arith.constant 0 : i32
            %dma_wait3A_203 = arith.constant 0 : i32
            %dma_wait3A_204 = tpu.memref_slice %arg10[%dma_wait3A_202, %dma_wait3A_203] : memref<10240x144xf32, #tpu.memory_space<vmem_shared>> -> memref<10240x144xf32, #tpu.memory_space<vmem_shared>>
            tpu.wait_indirect_dma semaphore(%run_scoped3A : memref<!tpu.dma_semaphore, #tpu.memory_space<semaphore_mem>>) src(%arg13 : memref<40x144xf32, #tpu.memory_space<vmem>>) dst(%dma_wait3A_204 : memref<10240x144xf32, #tpu.memory_space<vmem_shared>>)
            tpu.yield
          }) : () -> ()
          %add3A_156 = arith.constant 1 : i32
          %add3A_157 = arith.addi %add3A_112, %add3A_156 : i32
          %add3A_158 = arith.constant 1 : i32
          %add3A_159 = arith.addi %add3A_157, %add3A_158 : i32
          %mul3A_160 = arith.constant 40 : i32
          %mul3A_161 = arith.muli %add3A_159, %mul3A_160 : i32
          %add3A_162 = arith.addi %add3A_34, %mul3A_161 : i32
          "tpu.region"() ({
            %run_scoped3A = tpu.sem_alloc : memref<!tpu.dma_semaphore, #tpu.memory_space<semaphore_mem>>
            %dma_start3A_199 = tpu.memref_slice %arg8[%add3A_162] : memref<160000xi32, #tpu.memory_space<hbm>> -> memref<40xi32, #tpu.memory_space<hbm>>
            %dma_start3A_200 = tpu.memref_slice %arg8[%add3A_162] : memref<160000xi32, #tpu.memory_space<hbm>> -> memref<40xi32, #tpu.memory_space<hbm>>
            tpu.enqueue_dma source(%dma_start3A_200 : memref<40xi32, #tpu.memory_space<hbm>>) target(%arg12 : memref<40xi32, #tpu.memory_space<vmem>>) target_semaphore(%run_scoped3A : memref<!tpu.dma_semaphore, #tpu.memory_space<semaphore_mem>>)
            %dma_wait3A_201 = tpu.memref_slice %arg8[%add3A_162] : memref<160000xi32, #tpu.memory_space<hbm>> -> memref<40xi32, #tpu.memory_space<hbm>>
            %dma_wait3A_202 = tpu.memref_slice %arg8[%add3A_162] : memref<160000xi32, #tpu.memory_space<hbm>> -> memref<40xi32, #tpu.memory_space<hbm>>
            tpu.wait_dma2 semaphore(%run_scoped3A : memref<!tpu.dma_semaphore, #tpu.memory_space<semaphore_mem>>) src(%dma_wait3A_202 : memref<40xi32, #tpu.memory_space<hbm>>) dst(%arg12 : memref<40xi32, #tpu.memory_space<vmem>>)
            tpu.yield
          }) : () -> ()
          %mul3A_163 = arith.constant 40 : i32
          %mul3A_164 = arith.muli %add3A_159, %mul3A_163 : i32
          %dma_start3A_165 = tpu.memref_slice %arg11[%mul3A_164] : memref<2000xi32, #tpu.memory_space<vmem>> -> memref<40xi32, #tpu.memory_space<vmem>>
          %dma_start3A_166 = arith.constant 0 : i32
          %dma_start3A_167 = arith.constant 0 : i32
          %dma_start3A_168 = tpu.memref_slice %arg2[%dma_start3A_166, %dma_start3A_167] : memref<10000x144xf32, #tpu.memory_space<hbm>> -> memref<10000x144xf32, #tpu.memory_space<hbm>>
          tpu.enqueue_indirect_dma source(%dma_start3A_168 : memref<10000x144xf32, #tpu.memory_space<hbm>>) target(%arg13 : memref<40x144xf32, #tpu.memory_space<vmem>>) offsets(%dma_start3A_165 : memref<40xi32, #tpu.memory_space<vmem>>) semaphore(%arg20 : memref<!tpu.dma_semaphore, #tpu.memory_space<semaphore_mem>>)
          %dma_start3A_169 = arith.constant 0 : i32
          %dma_start3A_170 = tpu.memref_slice %arg4[%add3A_162, %dma_start3A_169] : memref<160000x128xf32, #tpu.memory_space<hbm>> -> memref<40x128xf32, #tpu.memory_space<hbm>>
          %dma_start3A_171 = arith.constant 0 : i32
          %dma_start3A_172 = tpu.memref_slice %arg4[%add3A_162, %dma_start3A_171] : memref<160000x128xf32, #tpu.memory_space<hbm>> -> memref<40x128xf32, #tpu.memory_space<hbm>>
          tpu.enqueue_dma source(%dma_start3A_172 : memref<40x128xf32, #tpu.memory_space<hbm>>) target(%arg14 : memref<40x128xf32, #tpu.memory_space<vmem>>) target_semaphore(%arg21 : memref<!tpu.dma_semaphore, #tpu.memory_space<semaphore_mem>>)
          %dma_start3A_173 = arith.constant 0 : i32
          %dma_start3A_174 = tpu.memref_slice %arg5[%add3A_162, %dma_start3A_173] : memref<160000x128xf32, #tpu.memory_space<hbm>> -> memref<40x128xf32, #tpu.memory_space<hbm>>
          %dma_start3A_175 = arith.constant 0 : i32
          %dma_start3A_176 = tpu.memref_slice %arg5[%add3A_162, %dma_start3A_175] : memref<160000x128xf32, #tpu.memory_space<hbm>> -> memref<40x128xf32, #tpu.memory_space<hbm>>
          tpu.enqueue_dma source(%dma_start3A_176 : memref<40x128xf32, #tpu.memory_space<hbm>>) target(%arg15 : memref<40x128xf32, #tpu.memory_space<vmem>>) target_semaphore(%arg22 : memref<!tpu.dma_semaphore, #tpu.memory_space<semaphore_mem>>)
          %mul3A_177 = arith.constant 40 : i32
          %mul3A_178 = arith.muli %add3A_157, %mul3A_177 : i32
          %add3A_179 = arith.addi %add3A_34, %mul3A_178 : i32
          %mul3A_180 = arith.constant 40 : i32
          %mul3A_181 = arith.muli %add3A_157, %mul3A_180 : i32
          %dma_wait3A_182 = tpu.memref_slice %arg11[%mul3A_181] : memref<2000xi32, #tpu.memory_space<vmem>> -> memref<40xi32, #tpu.memory_space<vmem>>
          %dma_wait3A_183 = arith.constant 0 : i32
          %dma_wait3A_184 = arith.constant 0 : i32
          %dma_wait3A_185 = tpu.memref_slice %arg2[%dma_wait3A_183, %dma_wait3A_184] : memref<10000x144xf32, #tpu.memory_space<hbm>> -> memref<10000x144xf32, #tpu.memory_space<hbm>>
          tpu.wait_indirect_dma semaphore(%arg23 : memref<!tpu.dma_semaphore, #tpu.memory_space<semaphore_mem>>) src(%dma_wait3A_185 : memref<10000x144xf32, #tpu.memory_space<hbm>>) dst(%arg17 : memref<40x144xf32, #tpu.memory_space<vmem>>)
          %dma_wait3A_186 = arith.constant 0 : i32
          %dma_wait3A_187 = tpu.memref_slice %arg4[%add3A_179, %dma_wait3A_186] : memref<160000x128xf32, #tpu.memory_space<hbm>> -> memref<40x128xf32, #tpu.memory_space<hbm>>
          %dma_wait3A_188 = arith.constant 0 : i32
          %dma_wait3A_189 = tpu.memref_slice %arg4[%add3A_179, %dma_wait3A_188] : memref<160000x128xf32, #tpu.memory_space<hbm>> -> memref<40x128xf32, #tpu.memory_space<hbm>>
          tpu.wait_dma2 semaphore(%arg24 : memref<!tpu.dma_semaphore, #tpu.memory_space<semaphore_mem>>) src(%dma_wait3A_189 : memref<40x128xf32, #tpu.memory_space<hbm>>) dst(%arg18 : memref<40x128xf32, #tpu.memory_space<vmem>>)
          %dma_wait3A_190 = arith.constant 0 : i32
          %dma_wait3A_191 = tpu.memref_slice %arg5[%add3A_179, %dma_wait3A_190] : memref<160000x128xf32, #tpu.memory_space<hbm>> -> memref<40x128xf32, #tpu.memory_space<hbm>>
          %dma_wait3A_192 = arith.constant 0 : i32
          %dma_wait3A_193 = tpu.memref_slice %arg5[%add3A_179, %dma_wait3A_192] : memref<160000x128xf32, #tpu.memory_space<hbm>> -> memref<40x128xf32, #tpu.memory_space<hbm>>
          tpu.wait_dma2 semaphore(%arg25 : memref<!tpu.dma_semaphore, #tpu.memory_space<semaphore_mem>>) src(%dma_wait3A_193 : memref<40x128xf32, #tpu.memory_space<hbm>>) dst(%arg19 : memref<40x128xf32, #tpu.memory_space<vmem>>)
          %scan3A_194 = arith.constant 0 : i32
          %scan3A_195 = arith.constant 40 : i32
          %scan3A_196 = arith.addi %scan3A_194, %scan3A_195 : i32
          %scan3A_197 = arith.constant 1 : i32
          scf.for %scan3A_199 = %scan3A_194 to %scan3A_196 step %scan3A_197  : i32 {
            %mul3A_200 = arith.constant 1 : i32
            %mul3A_201 = arith.muli %scan3A_199, %mul3A_200 : i32
            %add3A_202 = arith.constant 0 : i32
            %add3A_203 = arith.addi %add3A_202, %mul3A_201 : i32
            %get3A = arith.index_cast %add3A_203 : i32 to index
            %get3A_204 = arith.constant 0 : index
            %get3A_205 = tpu.vector_load %arg17[%get3A, %get3A_204] {strides = array<i32>} : memref<40x144xf32, #tpu.memory_space<vmem>>, vector<1x16xf32>,
            %get3A_206 = vector.shape_cast %get3A_205 : vector<1x16xf32> to vector<16xf32>
            %get3A_207 = arith.index_cast %add3A_203 : i32 to index
            %get3A_208 = arith.constant 0 : index
            %get3A_209 = tpu.vector_load %arg18[%get3A_207, %get3A_208] {strides = array<i32>} : memref<40x128xf32, #tpu.memory_space<vmem>>, vector<1x16xf32>,
            %get3A_210 = vector.shape_cast %get3A_209 : vector<1x16xf32> to vector<16xf32>
            %mul3A_211 = arith.mulf %get3A_206, %get3A_210 : vector<16xf32>
            %swap3A = arith.index_cast %add3A_203 : i32 to index
            %swap3A_212 = arith.constant 0 : index
            %swap3A_213 = tpu.vector_load %arg17[%swap3A, %swap3A_212] {strides = array<i32>} : memref<40x144xf32, #tpu.memory_space<vmem>>, vector<1x16xf32>,
            %swap3A_214 = vector.shape_cast %swap3A_213 : vector<1x16xf32> to vector<16xf32>
            %swap3A_215 = vector.shape_cast %mul3A_211 : vector<16xf32> to vector<1x16xf32>
            tpu.vector_store %arg17[%swap3A, %swap3A_212], %swap3A_215 {strides = array<i32>} : memref<40x144xf32, #tpu.memory_space<vmem>>, vector<1x16xf32>,
            %get3A_216 = arith.index_cast %add3A_203 : i32 to index
            %get3A_217 = arith.constant 16 : index
            %get3A_218 = tpu.vector_load %arg17[%get3A_216, %get3A_217] {strides = array<i32>} : memref<40x144xf32, #tpu.memory_space<vmem>>, vector<1x16xf32>,
            %get3A_219 = vector.shape_cast %get3A_218 : vector<1x16xf32> to vector<16xf32>
            %get3A_220 = arith.index_cast %add3A_203 : i32 to index
            %get3A_221 = arith.constant 16 : index
            %get3A_222 = tpu.vector_load %arg18[%get3A_220, %get3A_221] {strides = array<i32>} : memref<40x128xf32, #tpu.memory_space<vmem>>, vector<1x16xf32>,
            %get3A_223 = vector.shape_cast %get3A_222 : vector<1x16xf32> to vector<16xf32>
            %mul3A_224 = arith.mulf %get3A_219, %get3A_223 : vector<16xf32>
            %swap3A_225 = arith.index_cast %add3A_203 : i32 to index
            %swap3A_226 = arith.constant 16 : index
            %swap3A_227 = tpu.vector_load %arg17[%swap3A_225, %swap3A_226] {strides = array<i32>} : memref<40x144xf32, #tpu.memory_space<vmem>>, vector<1x16xf32>,
            %swap3A_228 = vector.shape_cast %swap3A_227 : vector<1x16xf32> to vector<16xf32>
            %swap3A_229 = vector.shape_cast %mul3A_224 : vector<16xf32> to vector<1x16xf32>
            tpu.vector_store %arg17[%swap3A_225, %swap3A_226], %swap3A_229 {strides = array<i32>} : memref<40x144xf32, #tpu.memory_space<vmem>>, vector<1x16xf32>,
            %get3A_230 = arith.index_cast %add3A_203 : i32 to index
            %get3A_231 = arith.constant 32 : index
            %get3A_232 = tpu.vector_load %arg17[%get3A_230, %get3A_231] {strides = array<i32>} : memref<40x144xf32, #tpu.memory_space<vmem>>, vector<1x16xf32>,
            %get3A_233 = vector.shape_cast %get3A_232 : vector<1x16xf32> to vector<16xf32>
            %get3A_234 = arith.index_cast %add3A_203 : i32 to index
            %get3A_235 = arith.constant 32 : index
            %get3A_236 = tpu.vector_load %arg18[%get3A_234, %get3A_235] {strides = array<i32>} : memref<40x128xf32, #tpu.memory_space<vmem>>, vector<1x16xf32>,
            %get3A_237 = vector.shape_cast %get3A_236 : vector<1x16xf32> to vector<16xf32>
            %mul3A_238 = arith.mulf %get3A_233, %get3A_237 : vector<16xf32>
            %swap3A_239 = arith.index_cast %add3A_203 : i32 to index
            %swap3A_240 = arith.constant 32 : index
            %swap3A_241 = tpu.vector_load %arg17[%swap3A_239, %swap3A_240] {strides = array<i32>} : memref<40x144xf32, #tpu.memory_space<vmem>>, vector<1x16xf32>,
            %swap3A_242 = vector.shape_cast %swap3A_241 : vector<1x16xf32> to vector<16xf32>
            %swap3A_243 = vector.shape_cast %mul3A_238 : vector<16xf32> to vector<1x16xf32>
            tpu.vector_store %arg17[%swap3A_239, %swap3A_240], %swap3A_243 {strides = array<i32>} : memref<40x144xf32, #tpu.memory_space<vmem>>, vector<1x16xf32>,
            %get3A_244 = arith.index_cast %add3A_203 : i32 to index
            %get3A_245 = arith.constant 48 : index
            %get3A_246 = tpu.vector_load %arg17[%get3A_244, %get3A_245] {strides = array<i32>} : memref<40x144xf32, #tpu.memory_space<vmem>>, vector<1x16xf32>,
            %get3A_247 = vector.shape_cast %get3A_246 : vector<1x16xf32> to vector<16xf32>
            %get3A_248 = arith.index_cast %add3A_203 : i32 to index
            %get3A_249 = arith.constant 48 : index
            %get3A_250 = tpu.vector_load %arg18[%get3A_248, %get3A_249] {strides = array<i32>} : memref<40x128xf32, #tpu.memory_space<vmem>>, vector<1x16xf32>,
            %get3A_251 = vector.shape_cast %get3A_250 : vector<1x16xf32> to vector<16xf32>
            %mul3A_252 = arith.mulf %get3A_247, %get3A_251 : vector<16xf32>
            %swap3A_253 = arith.index_cast %add3A_203 : i32 to index
            %swap3A_254 = arith.constant 48 : index
            %swap3A_255 = tpu.vector_load %arg17[%swap3A_253, %swap3A_254] {strides = array<i32>} : memref<40x144xf32, #tpu.memory_space<vmem>>, vector<1x16xf32>,
            %swap3A_256 = vector.shape_cast %swap3A_255 : vector<1x16xf32> to vector<16xf32>
            %swap3A_257 = vector.shape_cast %mul3A_252 : vector<16xf32> to vector<1x16xf32>
            tpu.vector_store %arg17[%swap3A_253, %swap3A_254], %swap3A_257 {strides = array<i32>} : memref<40x144xf32, #tpu.memory_space<vmem>>, vector<1x16xf32>,
            %get3A_258 = arith.index_cast %add3A_203 : i32 to index
            %get3A_259 = arith.constant 64 : index
            %get3A_260 = tpu.vector_load %arg17[%get3A_258, %get3A_259] {strides = array<i32>} : memref<40x144xf32, #tpu.memory_space<vmem>>, vector<1x16xf32>,
            %get3A_261 = vector.shape_cast %get3A_260 : vector<1x16xf32> to vector<16xf32>
            %get3A_262 = arith.index_cast %add3A_203 : i32 to index
            %get3A_263 = arith.constant 64 : index
            %get3A_264 = tpu.vector_load %arg18[%get3A_262, %get3A_263] {strides = array<i32>} : memref<40x128xf32, #tpu.memory_space<vmem>>, vector<1x16xf32>,
            %get3A_265 = vector.shape_cast %get3A_264 : vector<1x16xf32> to vector<16xf32>
            %mul3A_266 = arith.mulf %get3A_261, %get3A_265 : vector<16xf32>
            %swap3A_267 = arith.index_cast %add3A_203 : i32 to index
            %swap3A_268 = arith.constant 64 : index
            %swap3A_269 = tpu.vector_load %arg17[%swap3A_267, %swap3A_268] {strides = array<i32>} : memref<40x144xf32, #tpu.memory_space<vmem>>, vector<1x16xf32>,
            %swap3A_270 = vector.shape_cast %swap3A_269 : vector<1x16xf32> to vector<16xf32>
            %swap3A_271 = vector.shape_cast %mul3A_266 : vector<16xf32> to vector<1x16xf32>
            tpu.vector_store %arg17[%swap3A_267, %swap3A_268], %swap3A_271 {strides = array<i32>} : memref<40x144xf32, #tpu.memory_space<vmem>>, vector<1x16xf32>,
            %get3A_272 = arith.index_cast %add3A_203 : i32 to index
            %get3A_273 = arith.constant 80 : index
            %get3A_274 = tpu.vector_load %arg17[%get3A_272, %get3A_273] {strides = array<i32>} : memref<40x144xf32, #tpu.memory_space<vmem>>, vector<1x16xf32>,
            %get3A_275 = vector.shape_cast %get3A_274 : vector<1x16xf32> to vector<16xf32>
            %get3A_276 = arith.index_cast %add3A_203 : i32 to index
            %get3A_277 = arith.constant 80 : index
            %get3A_278 = tpu.vector_load %arg18[%get3A_276, %get3A_277] {strides = array<i32>} : memref<40x128xf32, #tpu.memory_space<vmem>>, vector<1x16xf32>,
            %get3A_279 = vector.shape_cast %get3A_278 : vector<1x16xf32> to vector<16xf32>
            %mul3A_280 = arith.mulf %get3A_275, %get3A_279 : vector<16xf32>
            %swap3A_281 = arith.index_cast %add3A_203 : i32 to index
            %swap3A_282 = arith.constant 80 : index
            %swap3A_283 = tpu.vector_load %arg17[%swap3A_281, %swap3A_282] {strides = array<i32>} : memref<40x144xf32, #tpu.memory_space<vmem>>, vector<1x16xf32>,
            %swap3A_284 = vector.shape_cast %swap3A_283 : vector<1x16xf32> to vector<16xf32>
            %swap3A_285 = vector.shape_cast %mul3A_280 : vector<16xf32> to vector<1x16xf32>
            tpu.vector_store %arg17[%swap3A_281, %swap3A_282], %swap3A_285 {strides = array<i32>} : memref<40x144xf32, #tpu.memory_space<vmem>>, vector<1x16xf32>,
            %get3A_286 = arith.index_cast %add3A_203 : i32 to index
            %get3A_287 = arith.constant 96 : index
            %get3A_288 = tpu.vector_load %arg17[%get3A_286, %get3A_287] {strides = array<i32>} : memref<40x144xf32, #tpu.memory_space<vmem>>, vector<1x16xf32>,
            %get3A_289 = vector.shape_cast %get3A_288 : vector<1x16xf32> to vector<16xf32>
            %get3A_290 = arith.index_cast %add3A_203 : i32 to index
            %get3A_291 = arith.constant 96 : index
            %get3A_292 = tpu.vector_load %arg18[%get3A_290, %get3A_291] {strides = array<i32>} : memref<40x128xf32, #tpu.memory_space<vmem>>, vector<1x16xf32>,
            %get3A_293 = vector.shape_cast %get3A_292 : vector<1x16xf32> to vector<16xf32>
            %mul3A_294 = arith.mulf %get3A_289, %get3A_293 : vector<16xf32>
            %swap3A_295 = arith.index_cast %add3A_203 : i32 to index
            %swap3A_296 = arith.constant 96 : index
            %swap3A_297 = tpu.vector_load %arg17[%swap3A_295, %swap3A_296] {strides = array<i32>} : memref<40x144xf32, #tpu.memory_space<vmem>>, vector<1x16xf32>,
            %swap3A_298 = vector.shape_cast %swap3A_297 : vector<1x16xf32> to vector<16xf32>
            %swap3A_299 = vector.shape_cast %mul3A_294 : vector<16xf32> to vector<1x16xf32>
            tpu.vector_store %arg17[%swap3A_295, %swap3A_296], %swap3A_299 {strides = array<i32>} : memref<40x144xf32, #tpu.memory_space<vmem>>, vector<1x16xf32>,
            %get3A_300 = arith.index_cast %add3A_203 : i32 to index
            %get3A_301 = arith.constant 112 : index
            %get3A_302 = tpu.vector_load %arg17[%get3A_300, %get3A_301] {strides = array<i32>} : memref<40x144xf32, #tpu.memory_space<vmem>>, vector<1x16xf32>,
            %get3A_303 = vector.shape_cast %get3A_302 : vector<1x16xf32> to vector<16xf32>
            %get3A_304 = arith.index_cast %add3A_203 : i32 to index
            %get3A_305 = arith.constant 112 : index
            %get3A_306 = tpu.vector_load %arg18[%get3A_304, %get3A_305] {strides = array<i32>} : memref<40x128xf32, #tpu.memory_space<vmem>>, vector<1x16xf32>,
            %get3A_307 = vector.shape_cast %get3A_306 : vector<1x16xf32> to vector<16xf32>
            %mul3A_308 = arith.mulf %get3A_303, %get3A_307 : vector<16xf32>
            %swap3A_309 = arith.index_cast %add3A_203 : i32 to index
            %swap3A_310 = arith.constant 112 : index
            %swap3A_311 = tpu.vector_load %arg17[%swap3A_309, %swap3A_310] {strides = array<i32>} : memref<40x144xf32, #tpu.memory_space<vmem>>, vector<1x16xf32>,
            %swap3A_312 = vector.shape_cast %swap3A_311 : vector<1x16xf32> to vector<16xf32>
            %swap3A_313 = vector.shape_cast %mul3A_308 : vector<16xf32> to vector<1x16xf32>
            tpu.vector_store %arg17[%swap3A_309, %swap3A_310], %swap3A_313 {strides = array<i32>} : memref<40x144xf32, #tpu.memory_space<vmem>>, vector<1x16xf32>,
            %get3A_314 = arith.index_cast %add3A_203 : i32 to index
            %get3A_315 = arith.constant 128 : index
            %get3A_316 = tpu.vector_load %arg17[%get3A_314, %get3A_315] {strides = array<i32>} : memref<40x144xf32, #tpu.memory_space<vmem>>, vector<1x16xf32>,
            %get3A_317 = vector.shape_cast %get3A_316 : vector<1x16xf32> to vector<16xf32>
            %get3A_318 = arith.index_cast %add3A_203 : i32 to index
            %get3A_319 = arith.constant 0 : index
            %get3A_320 = tpu.vector_load %arg19[%get3A_318, %get3A_319] {strides = array<i32>} : memref<40x128xf32, #tpu.memory_space<vmem>>, vector<1x16xf32>,
            %get3A_321 = vector.shape_cast %get3A_320 : vector<1x16xf32> to vector<16xf32>
            %mul3A_322 = arith.mulf %get3A_317, %get3A_321 : vector<16xf32>
            %swap3A_323 = arith.index_cast %add3A_203 : i32 to index
            %swap3A_324 = arith.constant 128 : index
            %swap3A_325 = tpu.vector_load %arg17[%swap3A_323, %swap3A_324] {strides = array<i32>} : memref<40x144xf32, #tpu.memory_space<vmem>>, vector<1x16xf32>,
            %swap3A_326 = vector.shape_cast %swap3A_325 : vector<1x16xf32> to vector<16xf32>
            %swap3A_327 = vector.shape_cast %mul3A_322 : vector<16xf32> to vector<1x16xf32>
            tpu.vector_store %arg17[%swap3A_323, %swap3A_324], %swap3A_327 {strides = array<i32>} : memref<40x144xf32, #tpu.memory_space<vmem>>, vector<1x16xf32>,
          }
          %scan3A_198 = arith.constant 40 : i32
          "tpu.region"() ({
            %run_scoped3A = tpu.sem_alloc : memref<!tpu.dma_semaphore, #tpu.memory_space<semaphore_mem>>
            %dma_start3A_199 = arith.constant 0 : i32
            %dma_start3A_200 = arith.constant 0 : i32
            %dma_start3A_201 = tpu.memref_slice %arg10[%dma_start3A_199, %dma_start3A_200] : memref<10240x144xf32, #tpu.memory_space<vmem_shared>> -> memref<10240x144xf32, #tpu.memory_space<vmem_shared>>
            tpu.enqueue_indirect_dma source(%arg17 : memref<40x144xf32, #tpu.memory_space<vmem>>) target(%dma_start3A_201 : memref<10240x144xf32, #tpu.memory_space<vmem_shared>>) offsets(%arg16 : memref<40xi32, #tpu.memory_space<vmem>>) semaphore(%run_scoped3A : memref<!tpu.dma_semaphore, #tpu.memory_space<semaphore_mem>>) {add = true}
            %dma_wait3A_202 = arith.constant 0 : i32
            %dma_wait3A_203 = arith.constant 0 : i32
            %dma_wait3A_204 = tpu.memref_slice %arg10[%dma_wait3A_202, %dma_wait3A_203] : memref<10240x144xf32, #tpu.memory_space<vmem_shared>> -> memref<10240x144xf32, #tpu.memory_space<vmem_shared>>
            tpu.wait_indirect_dma semaphore(%run_scoped3A : memref<!tpu.dma_semaphore, #tpu.memory_space<semaphore_mem>>) src(%arg17 : memref<40x144xf32, #tpu.memory_space<vmem>>) dst(%dma_wait3A_204 : memref<10240x144xf32, #tpu.memory_space<vmem_shared>>)
            tpu.yield
          }) : () -> ()
        }
        %scan3A_53 = arith.constant 24 : i32
        %add3A_54 = arith.constant 1960 : i32
        %add3A_55 = arith.addi %add3A_34, %add3A_54 : i32
        "tpu.region"() ({
          %run_scoped3A = tpu.sem_alloc : memref<!tpu.dma_semaphore, #tpu.memory_space<semaphore_mem>>
          %dma_start3A_108 = tpu.memref_slice %arg8[%add3A_55] : memref<160000xi32, #tpu.memory_space<hbm>> -> memref<40xi32, #tpu.memory_space<hbm>>
          %dma_start3A_109 = tpu.memref_slice %arg8[%add3A_55] : memref<160000xi32, #tpu.memory_space<hbm>> -> memref<40xi32, #tpu.memory_space<hbm>>
          tpu.enqueue_dma source(%dma_start3A_109 : memref<40xi32, #tpu.memory_space<hbm>>) target(%arg16 : memref<40xi32, #tpu.memory_space<vmem>>) target_semaphore(%run_scoped3A : memref<!tpu.dma_semaphore, #tpu.memory_space<semaphore_mem>>)
          %dma_wait3A_110 = tpu.memref_slice %arg8[%add3A_55] : memref<160000xi32, #tpu.memory_space<hbm>> -> memref<40xi32, #tpu.memory_space<hbm>>
          %dma_wait3A_111 = tpu.memref_slice %arg8[%add3A_55] : memref<160000xi32, #tpu.memory_space<hbm>> -> memref<40xi32, #tpu.memory_space<hbm>>
          tpu.wait_dma2 semaphore(%run_scoped3A : memref<!tpu.dma_semaphore, #tpu.memory_space<semaphore_mem>>) src(%dma_wait3A_111 : memref<40xi32, #tpu.memory_space<hbm>>) dst(%arg16 : memref<40xi32, #tpu.memory_space<vmem>>)
          tpu.yield
        }) : () -> ()
        %dma_start3A_56 = arith.constant 1960 : i32
        %dma_start3A_57 = tpu.memref_slice %arg11[%dma_start3A_56] : memref<2000xi32, #tpu.memory_space<vmem>> -> memref<40xi32, #tpu.memory_space<vmem>>
        %dma_start3A_58 = arith.constant 0 : i32
        %dma_start3A_59 = arith.constant 0 : i32
        %dma_start3A_60 = tpu.memref_slice %arg2[%dma_start3A_58, %dma_start3A_59] : memref<10000x144xf32, #tpu.memory_space<hbm>> -> memref<10000x144xf32, #tpu.memory_space<hbm>>
        tpu.enqueue_indirect_dma source(%dma_start3A_60 : memref<10000x144xf32, #tpu.memory_space<hbm>>) target(%arg17 : memref<40x144xf32, #tpu.memory_space<vmem>>) offsets(%dma_start3A_57 : memref<40xi32, #tpu.memory_space<vmem>>) semaphore(%arg23 : memref<!tpu.dma_semaphore, #tpu.memory_space<semaphore_mem>>)
        %dma_start3A_61 = arith.constant 0 : i32
        %dma_start3A_62 = tpu.memref_slice %arg4[%add3A_55, %dma_start3A_61] : memref<160000x128xf32, #tpu.memory_space<hbm>> -> memref<40x128xf32, #tpu.memory_space<hbm>>
        %dma_start3A_63 = arith.constant 0 : i32
        %dma_start3A_64 = tpu.memref_slice %arg4[%add3A_55, %dma_start3A_63] : memref<160000x128xf32, #tpu.memory_space<hbm>> -> memref<40x128xf32, #tpu.memory_space<hbm>>
        tpu.enqueue_dma source(%dma_start3A_64 : memref<40x128xf32, #tpu.memory_space<hbm>>) target(%arg18 : memref<40x128xf32, #tpu.memory_space<vmem>>) target_semaphore(%arg24 : memref<!tpu.dma_semaphore, #tpu.memory_space<semaphore_mem>>)
        %dma_start3A_65 = arith.constant 0 : i32
        %dma_start3A_66 = tpu.memref_slice %arg5[%add3A_55, %dma_start3A_65] : memref<160000x128xf32, #tpu.memory_space<hbm>> -> memref<40x128xf32, #tpu.memory_space<hbm>>
        %dma_start3A_67 = arith.constant 0 : i32
        %dma_start3A_68 = tpu.memref_slice %arg5[%add3A_55, %dma_start3A_67] : memref<160000x128xf32, #tpu.memory_space<hbm>> -> memref<40x128xf32, #tpu.memory_space<hbm>>
        tpu.enqueue_dma source(%dma_start3A_68 : memref<40x128xf32, #tpu.memory_space<hbm>>) target(%arg19 : memref<40x128xf32, #tpu.memory_space<vmem>>) target_semaphore(%arg25 : memref<!tpu.dma_semaphore, #tpu.memory_space<semaphore_mem>>)
        %add3A_69 = arith.constant 1920 : i32
        %add3A_70 = arith.addi %add3A_34, %add3A_69 : i32
        %dma_wait3A = arith.constant 1920 : i32
        %dma_wait3A_71 = tpu.memref_slice %arg11[%dma_wait3A] : memref<2000xi32, #tpu.memory_space<vmem>> -> memref<40xi32, #tpu.memory_space<vmem>>
        %dma_wait3A_72 = arith.constant 0 : i32
        %dma_wait3A_73 = arith.constant 0 : i32
        %dma_wait3A_74 = tpu.memref_slice %arg2[%dma_wait3A_72, %dma_wait3A_73] : memref<10000x144xf32, #tpu.memory_space<hbm>> -> memref<10000x144xf32, #tpu.memory_space<hbm>>
        tpu.wait_indirect_dma semaphore(%arg20 : memref<!tpu.dma_semaphore, #tpu.memory_space<semaphore_mem>>) src(%dma_wait3A_74 : memref<10000x144xf32, #tpu.memory_space<hbm>>) dst(%arg13 : memref<40x144xf32, #tpu.memory_space<vmem>>)
        %dma_wait3A_75 = arith.constant 0 : i32
        %dma_wait3A_76 = tpu.memref_slice %arg4[%add3A_70, %dma_wait3A_75] : memref<160000x128xf32, #tpu.memory_space<hbm>> -> memref<40x128xf32, #tpu.memory_space<hbm>>
        %dma_wait3A_77 = arith.constant 0 : i32
        %dma_wait3A_78 = tpu.memref_slice %arg4[%add3A_70, %dma_wait3A_77] : memref<160000x128xf32, #tpu.memory_space<hbm>> -> memref<40x128xf32, #tpu.memory_space<hbm>>
        tpu.wait_dma2 semaphore(%arg21 : memref<!tpu.dma_semaphore, #tpu.memory_space<semaphore_mem>>) src(%dma_wait3A_78 : memref<40x128xf32, #tpu.memory_space<hbm>>) dst(%arg14 : memref<40x128xf32, #tpu.memory_space<vmem>>)
        %dma_wait3A_79 = arith.constant 0 : i32
        %dma_wait3A_80 = tpu.memref_slice %arg5[%add3A_70, %dma_wait3A_79] : memref<160000x128xf32, #tpu.memory_space<hbm>> -> memref<40x128xf32, #tpu.memory_space<hbm>>
        %dma_wait3A_81 = arith.constant 0 : i32
        %dma_wait3A_82 = tpu.memref_slice %arg5[%add3A_70, %dma_wait3A_81] : memref<160000x128xf32, #tpu.memory_space<hbm>> -> memref<40x128xf32, #tpu.memory_space<hbm>>
        tpu.wait_dma2 semaphore(%arg22 : memref<!tpu.dma_semaphore, #tpu.memory_space<semaphore_mem>>) src(%dma_wait3A_82 : memref<40x128xf32, #tpu.memory_space<hbm>>) dst(%arg15 : memref<40x128xf32, #tpu.memory_space<vmem>>)
        %scan3A_83 = arith.constant 0 : i32
        %scan3A_84 = arith.constant 40 : i32
        %scan3A_85 = arith.addi %scan3A_83, %scan3A_84 : i32
        %scan3A_86 = arith.constant 1 : i32
        scf.for %scan3A_108 = %scan3A_83 to %scan3A_85 step %scan3A_86  : i32 {
          %mul3A_109 = arith.constant 1 : i32
          %mul3A_110 = arith.muli %scan3A_108, %mul3A_109 : i32
          %add3A_111 = arith.constant 0 : i32
          %add3A_112 = arith.addi %add3A_111, %mul3A_110 : i32
          %get3A = arith.index_cast %add3A_112 : i32 to index
          %get3A_113 = arith.constant 0 : index
          %get3A_114 = tpu.vector_load %arg13[%get3A, %get3A_113] {strides = array<i32>} : memref<40x144xf32, #tpu.memory_space<vmem>>, vector<1x16xf32>,
          %get3A_115 = vector.shape_cast %get3A_114 : vector<1x16xf32> to vector<16xf32>
          %get3A_116 = arith.index_cast %add3A_112 : i32 to index
          %get3A_117 = arith.constant 0 : index
          %get3A_118 = tpu.vector_load %arg14[%get3A_116, %get3A_117] {strides = array<i32>} : memref<40x128xf32, #tpu.memory_space<vmem>>, vector<1x16xf32>,
          %get3A_119 = vector.shape_cast %get3A_118 : vector<1x16xf32> to vector<16xf32>
          %mul3A_120 = arith.mulf %get3A_115, %get3A_119 : vector<16xf32>
          %swap3A = arith.index_cast %add3A_112 : i32 to index
          %swap3A_121 = arith.constant 0 : index
          %swap3A_122 = tpu.vector_load %arg13[%swap3A, %swap3A_121] {strides = array<i32>} : memref<40x144xf32, #tpu.memory_space<vmem>>, vector<1x16xf32>,
          %swap3A_123 = vector.shape_cast %swap3A_122 : vector<1x16xf32> to vector<16xf32>
          %swap3A_124 = vector.shape_cast %mul3A_120 : vector<16xf32> to vector<1x16xf32>
          tpu.vector_store %arg13[%swap3A, %swap3A_121], %swap3A_124 {strides = array<i32>} : memref<40x144xf32, #tpu.memory_space<vmem>>, vector<1x16xf32>,
          %get3A_125 = arith.index_cast %add3A_112 : i32 to index
          %get3A_126 = arith.constant 16 : index
          %get3A_127 = tpu.vector_load %arg13[%get3A_125, %get3A_126] {strides = array<i32>} : memref<40x144xf32, #tpu.memory_space<vmem>>, vector<1x16xf32>,
          %get3A_128 = vector.shape_cast %get3A_127 : vector<1x16xf32> to vector<16xf32>
          %get3A_129 = arith.index_cast %add3A_112 : i32 to index
          %get3A_130 = arith.constant 16 : index
          %get3A_131 = tpu.vector_load %arg14[%get3A_129, %get3A_130] {strides = array<i32>} : memref<40x128xf32, #tpu.memory_space<vmem>>, vector<1x16xf32>,
          %get3A_132 = vector.shape_cast %get3A_131 : vector<1x16xf32> to vector<16xf32>
          %mul3A_133 = arith.mulf %get3A_128, %get3A_132 : vector<16xf32>
          %swap3A_134 = arith.index_cast %add3A_112 : i32 to index
          %swap3A_135 = arith.constant 16 : index
          %swap3A_136 = tpu.vector_load %arg13[%swap3A_134, %swap3A_135] {strides = array<i32>} : memref<40x144xf32, #tpu.memory_space<vmem>>, vector<1x16xf32>,
          %swap3A_137 = vector.shape_cast %swap3A_136 : vector<1x16xf32> to vector<16xf32>
          %swap3A_138 = vector.shape_cast %mul3A_133 : vector<16xf32> to vector<1x16xf32>
          tpu.vector_store %arg13[%swap3A_134, %swap3A_135], %swap3A_138 {strides = array<i32>} : memref<40x144xf32, #tpu.memory_space<vmem>>, vector<1x16xf32>,
          %get3A_139 = arith.index_cast %add3A_112 : i32 to index
          %get3A_140 = arith.constant 32 : index
          %get3A_141 = tpu.vector_load %arg13[%get3A_139, %get3A_140] {strides = array<i32>} : memref<40x144xf32, #tpu.memory_space<vmem>>, vector<1x16xf32>,
          %get3A_142 = vector.shape_cast %get3A_141 : vector<1x16xf32> to vector<16xf32>
          %get3A_143 = arith.index_cast %add3A_112 : i32 to index
          %get3A_144 = arith.constant 32 : index
          %get3A_145 = tpu.vector_load %arg14[%get3A_143, %get3A_144] {strides = array<i32>} : memref<40x128xf32, #tpu.memory_space<vmem>>, vector<1x16xf32>,
          %get3A_146 = vector.shape_cast %get3A_145 : vector<1x16xf32> to vector<16xf32>
          %mul3A_147 = arith.mulf %get3A_142, %get3A_146 : vector<16xf32>
          %swap3A_148 = arith.index_cast %add3A_112 : i32 to index
          %swap3A_149 = arith.constant 32 : index
          %swap3A_150 = tpu.vector_load %arg13[%swap3A_148, %swap3A_149] {strides = array<i32>} : memref<40x144xf32, #tpu.memory_space<vmem>>, vector<1x16xf32>,
          %swap3A_151 = vector.shape_cast %swap3A_150 : vector<1x16xf32> to vector<16xf32>
          %swap3A_152 = vector.shape_cast %mul3A_147 : vector<16xf32> to vector<1x16xf32>
          tpu.vector_store %arg13[%swap3A_148, %swap3A_149], %swap3A_152 {strides = array<i32>} : memref<40x144xf32, #tpu.memory_space<vmem>>, vector<1x16xf32>,
          %get3A_153 = arith.index_cast %add3A_112 : i32 to index
          %get3A_154 = arith.constant 48 : index
          %get3A_155 = tpu.vector_load %arg13[%get3A_153, %get3A_154] {strides = array<i32>} : memref<40x144xf32, #tpu.memory_space<vmem>>, vector<1x16xf32>,
          %get3A_156 = vector.shape_cast %get3A_155 : vector<1x16xf32> to vector<16xf32>
          %get3A_157 = arith.index_cast %add3A_112 : i32 to index
          %get3A_158 = arith.constant 48 : index
          %get3A_159 = tpu.vector_load %arg14[%get3A_157, %get3A_158] {strides = array<i32>} : memref<40x128xf32, #tpu.memory_space<vmem>>, vector<1x16xf32>,
          %get3A_160 = vector.shape_cast %get3A_159 : vector<1x16xf32> to vector<16xf32>
          %mul3A_161 = arith.mulf %get3A_156, %get3A_160 : vector<16xf32>
          %swap3A_162 = arith.index_cast %add3A_112 : i32 to index
          %swap3A_163 = arith.constant 48 : index
          %swap3A_164 = tpu.vector_load %arg13[%swap3A_162, %swap3A_163] {strides = array<i32>} : memref<40x144xf32, #tpu.memory_space<vmem>>, vector<1x16xf32>,
          %swap3A_165 = vector.shape_cast %swap3A_164 : vector<1x16xf32> to vector<16xf32>
          %swap3A_166 = vector.shape_cast %mul3A_161 : vector<16xf32> to vector<1x16xf32>
          tpu.vector_store %arg13[%swap3A_162, %swap3A_163], %swap3A_166 {strides = array<i32>} : memref<40x144xf32, #tpu.memory_space<vmem>>, vector<1x16xf32>,
          %get3A_167 = arith.index_cast %add3A_112 : i32 to index
          %get3A_168 = arith.constant 64 : index
          %get3A_169 = tpu.vector_load %arg13[%get3A_167, %get3A_168] {strides = array<i32>} : memref<40x144xf32, #tpu.memory_space<vmem>>, vector<1x16xf32>,
          %get3A_170 = vector.shape_cast %get3A_169 : vector<1x16xf32> to vector<16xf32>
          %get3A_171 = arith.index_cast %add3A_112 : i32 to index
          %get3A_172 = arith.constant 64 : index
          %get3A_173 = tpu.vector_load %arg14[%get3A_171, %get3A_172] {strides = array<i32>} : memref<40x128xf32, #tpu.memory_space<vmem>>, vector<1x16xf32>,
          %get3A_174 = vector.shape_cast %get3A_173 : vector<1x16xf32> to vector<16xf32>
          %mul3A_175 = arith.mulf %get3A_170, %get3A_174 : vector<16xf32>
          %swap3A_176 = arith.index_cast %add3A_112 : i32 to index
          %swap3A_177 = arith.constant 64 : index
          %swap3A_178 = tpu.vector_load %arg13[%swap3A_176, %swap3A_177] {strides = array<i32>} : memref<40x144xf32, #tpu.memory_space<vmem>>, vector<1x16xf32>,
          %swap3A_179 = vector.shape_cast %swap3A_178 : vector<1x16xf32> to vector<16xf32>
          %swap3A_180 = vector.shape_cast %mul3A_175 : vector<16xf32> to vector<1x16xf32>
          tpu.vector_store %arg13[%swap3A_176, %swap3A_177], %swap3A_180 {strides = array<i32>} : memref<40x144xf32, #tpu.memory_space<vmem>>, vector<1x16xf32>,
          %get3A_181 = arith.index_cast %add3A_112 : i32 to index
          %get3A_182 = arith.constant 80 : index
          %get3A_183 = tpu.vector_load %arg13[%get3A_181, %get3A_182] {strides = array<i32>} : memref<40x144xf32, #tpu.memory_space<vmem>>, vector<1x16xf32>,
          %get3A_184 = vector.shape_cast %get3A_183 : vector<1x16xf32> to vector<16xf32>
          %get3A_185 = arith.index_cast %add3A_112 : i32 to index
          %get3A_186 = arith.constant 80 : index
          %get3A_187 = tpu.vector_load %arg14[%get3A_185, %get3A_186] {strides = array<i32>} : memref<40x128xf32, #tpu.memory_space<vmem>>, vector<1x16xf32>,
          %get3A_188 = vector.shape_cast %get3A_187 : vector<1x16xf32> to vector<16xf32>
          %mul3A_189 = arith.mulf %get3A_184, %get3A_188 : vector<16xf32>
          %swap3A_190 = arith.index_cast %add3A_112 : i32 to index
          %swap3A_191 = arith.constant 80 : index
          %swap3A_192 = tpu.vector_load %arg13[%swap3A_190, %swap3A_191] {strides = array<i32>} : memref<40x144xf32, #tpu.memory_space<vmem>>, vector<1x16xf32>,
          %swap3A_193 = vector.shape_cast %swap3A_192 : vector<1x16xf32> to vector<16xf32>
          %swap3A_194 = vector.shape_cast %mul3A_189 : vector<16xf32> to vector<1x16xf32>
          tpu.vector_store %arg13[%swap3A_190, %swap3A_191], %swap3A_194 {strides = array<i32>} : memref<40x144xf32, #tpu.memory_space<vmem>>, vector<1x16xf32>,
          %get3A_195 = arith.index_cast %add3A_112 : i32 to index
          %get3A_196 = arith.constant 96 : index
          %get3A_197 = tpu.vector_load %arg13[%get3A_195, %get3A_196] {strides = array<i32>} : memref<40x144xf32, #tpu.memory_space<vmem>>, vector<1x16xf32>,
          %get3A_198 = vector.shape_cast %get3A_197 : vector<1x16xf32> to vector<16xf32>
          %get3A_199 = arith.index_cast %add3A_112 : i32 to index
          %get3A_200 = arith.constant 96 : index
          %get3A_201 = tpu.vector_load %arg14[%get3A_199, %get3A_200] {strides = array<i32>} : memref<40x128xf32, #tpu.memory_space<vmem>>, vector<1x16xf32>,
          %get3A_202 = vector.shape_cast %get3A_201 : vector<1x16xf32> to vector<16xf32>
          %mul3A_203 = arith.mulf %get3A_198, %get3A_202 : vector<16xf32>
          %swap3A_204 = arith.index_cast %add3A_112 : i32 to index
          %swap3A_205 = arith.constant 96 : index
          %swap3A_206 = tpu.vector_load %arg13[%swap3A_204, %swap3A_205] {strides = array<i32>} : memref<40x144xf32, #tpu.memory_space<vmem>>, vector<1x16xf32>,
          %swap3A_207 = vector.shape_cast %swap3A_206 : vector<1x16xf32> to vector<16xf32>
          %swap3A_208 = vector.shape_cast %mul3A_203 : vector<16xf32> to vector<1x16xf32>
          tpu.vector_store %arg13[%swap3A_204, %swap3A_205], %swap3A_208 {strides = array<i32>} : memref<40x144xf32, #tpu.memory_space<vmem>>, vector<1x16xf32>,
          %get3A_209 = arith.index_cast %add3A_112 : i32 to index
          %get3A_210 = arith.constant 112 : index
          %get3A_211 = tpu.vector_load %arg13[%get3A_209, %get3A_210] {strides = array<i32>} : memref<40x144xf32, #tpu.memory_space<vmem>>, vector<1x16xf32>,
          %get3A_212 = vector.shape_cast %get3A_211 : vector<1x16xf32> to vector<16xf32>
          %get3A_213 = arith.index_cast %add3A_112 : i32 to index
          %get3A_214 = arith.constant 112 : index
          %get3A_215 = tpu.vector_load %arg14[%get3A_213, %get3A_214] {strides = array<i32>} : memref<40x128xf32, #tpu.memory_space<vmem>>, vector<1x16xf32>,
          %get3A_216 = vector.shape_cast %get3A_215 : vector<1x16xf32> to vector<16xf32>
          %mul3A_217 = arith.mulf %get3A_212, %get3A_216 : vector<16xf32>
          %swap3A_218 = arith.index_cast %add3A_112 : i32 to index
          %swap3A_219 = arith.constant 112 : index
          %swap3A_220 = tpu.vector_load %arg13[%swap3A_218, %swap3A_219] {strides = array<i32>} : memref<40x144xf32, #tpu.memory_space<vmem>>, vector<1x16xf32>,
          %swap3A_221 = vector.shape_cast %swap3A_220 : vector<1x16xf32> to vector<16xf32>
          %swap3A_222 = vector.shape_cast %mul3A_217 : vector<16xf32> to vector<1x16xf32>
          tpu.vector_store %arg13[%swap3A_218, %swap3A_219], %swap3A_222 {strides = array<i32>} : memref<40x144xf32, #tpu.memory_space<vmem>>, vector<1x16xf32>,
          %get3A_223 = arith.index_cast %add3A_112 : i32 to index
          %get3A_224 = arith.constant 128 : index
          %get3A_225 = tpu.vector_load %arg13[%get3A_223, %get3A_224] {strides = array<i32>} : memref<40x144xf32, #tpu.memory_space<vmem>>, vector<1x16xf32>,
          %get3A_226 = vector.shape_cast %get3A_225 : vector<1x16xf32> to vector<16xf32>
          %get3A_227 = arith.index_cast %add3A_112 : i32 to index
          %get3A_228 = arith.constant 0 : index
          %get3A_229 = tpu.vector_load %arg15[%get3A_227, %get3A_228] {strides = array<i32>} : memref<40x128xf32, #tpu.memory_space<vmem>>, vector<1x16xf32>,
          %get3A_230 = vector.shape_cast %get3A_229 : vector<1x16xf32> to vector<16xf32>
          %mul3A_231 = arith.mulf %get3A_226, %get3A_230 : vector<16xf32>
          %swap3A_232 = arith.index_cast %add3A_112 : i32 to index
          %swap3A_233 = arith.constant 128 : index
          %swap3A_234 = tpu.vector_load %arg13[%swap3A_232, %swap3A_233] {strides = array<i32>} : memref<40x144xf32, #tpu.memory_space<vmem>>, vector<1x16xf32>,
          %swap3A_235 = vector.shape_cast %swap3A_234 : vector<1x16xf32> to vector<16xf32>
          %swap3A_236 = vector.shape_cast %mul3A_231 : vector<16xf32> to vector<1x16xf32>
          tpu.vector_store %arg13[%swap3A_232, %swap3A_233], %swap3A_236 {strides = array<i32>} : memref<40x144xf32, #tpu.memory_space<vmem>>, vector<1x16xf32>,
        }
        %scan3A_87 = arith.constant 40 : i32
        "tpu.region"() ({
          %run_scoped3A = tpu.sem_alloc : memref<!tpu.dma_semaphore, #tpu.memory_space<semaphore_mem>>
          %dma_start3A_108 = arith.constant 0 : i32
          %dma_start3A_109 = arith.constant 0 : i32
          %dma_start3A_110 = tpu.memref_slice %arg10[%dma_start3A_108, %dma_start3A_109] : memref<10240x144xf32, #tpu.memory_space<vmem_shared>> -> memref<10240x144xf32, #tpu.memory_space<vmem_shared>>
          tpu.enqueue_indirect_dma source(%arg13 : memref<40x144xf32, #tpu.memory_space<vmem>>) target(%dma_start3A_110 : memref<10240x144xf32, #tpu.memory_space<vmem_shared>>) offsets(%arg12 : memref<40xi32, #tpu.memory_space<vmem>>) semaphore(%run_scoped3A : memref<!tpu.dma_semaphore, #tpu.memory_space<semaphore_mem>>) {add = true}
          %dma_wait3A_111 = arith.constant 0 : i32
          %dma_wait3A_112 = arith.constant 0 : i32
          %dma_wait3A_113 = tpu.memref_slice %arg10[%dma_wait3A_111, %dma_wait3A_112] : memref<10240x144xf32, #tpu.memory_space<vmem_shared>> -> memref<10240x144xf32, #tpu.memory_space<vmem_shared>>
          tpu.wait_indirect_dma semaphore(%run_scoped3A : memref<!tpu.dma_semaphore, #tpu.memory_space<semaphore_mem>>) src(%arg13 : memref<40x144xf32, #tpu.memory_space<vmem>>) dst(%dma_wait3A_113 : memref<10240x144xf32, #tpu.memory_space<vmem_shared>>)
          tpu.yield
        }) : () -> ()
        %add3A_88 = arith.constant 1960 : i32
        %add3A_89 = arith.addi %add3A_34, %add3A_88 : i32
        %dma_wait3A_90 = arith.constant 1960 : i32
        %dma_wait3A_91 = tpu.memref_slice %arg11[%dma_wait3A_90] : memref<2000xi32, #tpu.memory_space<vmem>> -> memref<40xi32, #tpu.memory_space<vmem>>
        %dma_wait3A_92 = arith.constant 0 : i32
        %dma_wait3A_93 = arith.constant 0 : i32
        %dma_wait3A_94 = tpu.memref_slice %arg2[%dma_wait3A_92, %dma_wait3A_93] : memref<10000x144xf32, #tpu.memory_space<hbm>> -> memref<10000x144xf32, #tpu.memory_space<hbm>>
        tpu.wait_indirect_dma semaphore(%arg23 : memref<!tpu.dma_semaphore, #tpu.memory_space<semaphore_mem>>) src(%dma_wait3A_94 : memref<10000x144xf32, #tpu.memory_space<hbm>>) dst(%arg17 : memref<40x144xf32, #tpu.memory_space<vmem>>)
        %dma_wait3A_95 = arith.constant 0 : i32
        %dma_wait3A_96 = tpu.memref_slice %arg4[%add3A_89, %dma_wait3A_95] : memref<160000x128xf32, #tpu.memory_space<hbm>> -> memref<40x128xf32, #tpu.memory_space<hbm>>
        %dma_wait3A_97 = arith.constant 0 : i32
        %dma_wait3A_98 = tpu.memref_slice %arg4[%add3A_89, %dma_wait3A_97] : memref<160000x128xf32, #tpu.memory_space<hbm>> -> memref<40x128xf32, #tpu.memory_space<hbm>>
        tpu.wait_dma2 semaphore(%arg24 : memref<!tpu.dma_semaphore, #tpu.memory_space<semaphore_mem>>) src(%dma_wait3A_98 : memref<40x128xf32, #tpu.memory_space<hbm>>) dst(%arg18 : memref<40x128xf32, #tpu.memory_space<vmem>>)
        %dma_wait3A_99 = arith.constant 0 : i32
        %dma_wait3A_100 = tpu.memref_slice %arg5[%add3A_89, %dma_wait3A_99] : memref<160000x128xf32, #tpu.memory_space<hbm>> -> memref<40x128xf32, #tpu.memory_space<hbm>>
        %dma_wait3A_101 = arith.constant 0 : i32
        %dma_wait3A_102 = tpu.memref_slice %arg5[%add3A_89, %dma_wait3A_101] : memref<160000x128xf32, #tpu.memory_space<hbm>> -> memref<40x128xf32, #tpu.memory_space<hbm>>
        tpu.wait_dma2 semaphore(%arg25 : memref<!tpu.dma_semaphore, #tpu.memory_space<semaphore_mem>>) src(%dma_wait3A_102 : memref<40x128xf32, #tpu.memory_space<hbm>>) dst(%arg19 : memref<40x128xf32, #tpu.memory_space<vmem>>)
        %scan3A_103 = arith.constant 0 : i32
        %scan3A_104 = arith.constant 40 : i32
        %scan3A_105 = arith.addi %scan3A_103, %scan3A_104 : i32
        %scan3A_106 = arith.constant 1 : i32
        scf.for %scan3A_108 = %scan3A_103 to %scan3A_105 step %scan3A_106  : i32 {
          %mul3A_109 = arith.constant 1 : i32
          %mul3A_110 = arith.muli %scan3A_108, %mul3A_109 : i32
          %add3A_111 = arith.constant 0 : i32
          %add3A_112 = arith.addi %add3A_111, %mul3A_110 : i32
          %get3A = arith.index_cast %add3A_112 : i32 to index
          %get3A_113 = arith.constant 0 : index
          %get3A_114 = tpu.vector_load %arg17[%get3A, %get3A_113] {strides = array<i32>} : memref<40x144xf32, #tpu.memory_space<vmem>>, vector<1x16xf32>,
          %get3A_115 = vector.shape_cast %get3A_114 : vector<1x16xf32> to vector<16xf32>
          %get3A_116 = arith.index_cast %add3A_112 : i32 to index
          %get3A_117 = arith.constant 0 : index
          %get3A_118 = tpu.vector_load %arg18[%get3A_116, %get3A_117] {strides = array<i32>} : memref<40x128xf32, #tpu.memory_space<vmem>>, vector<1x16xf32>,
          %get3A_119 = vector.shape_cast %get3A_118 : vector<1x16xf32> to vector<16xf32>
          %mul3A_120 = arith.mulf %get3A_115, %get3A_119 : vector<16xf32>
          %swap3A = arith.index_cast %add3A_112 : i32 to index
          %swap3A_121 = arith.constant 0 : index
          %swap3A_122 = tpu.vector_load %arg17[%swap3A, %swap3A_121] {strides = array<i32>} : memref<40x144xf32, #tpu.memory_space<vmem>>, vector<1x16xf32>,
          %swap3A_123 = vector.shape_cast %swap3A_122 : vector<1x16xf32> to vector<16xf32>
          %swap3A_124 = vector.shape_cast %mul3A_120 : vector<16xf32> to vector<1x16xf32>
          tpu.vector_store %arg17[%swap3A, %swap3A_121], %swap3A_124 {strides = array<i32>} : memref<40x144xf32, #tpu.memory_space<vmem>>, vector<1x16xf32>,
          %get3A_125 = arith.index_cast %add3A_112 : i32 to index
          %get3A_126 = arith.constant 16 : index
          %get3A_127 = tpu.vector_load %arg17[%get3A_125, %get3A_126] {strides = array<i32>} : memref<40x144xf32, #tpu.memory_space<vmem>>, vector<1x16xf32>,
          %get3A_128 = vector.shape_cast %get3A_127 : vector<1x16xf32> to vector<16xf32>
          %get3A_129 = arith.index_cast %add3A_112 : i32 to index
          %get3A_130 = arith.constant 16 : index
          %get3A_131 = tpu.vector_load %arg18[%get3A_129, %get3A_130] {strides = array<i32>} : memref<40x128xf32, #tpu.memory_space<vmem>>, vector<1x16xf32>,
          %get3A_132 = vector.shape_cast %get3A_131 : vector<1x16xf32> to vector<16xf32>
          %mul3A_133 = arith.mulf %get3A_128, %get3A_132 : vector<16xf32>
          %swap3A_134 = arith.index_cast %add3A_112 : i32 to index
          %swap3A_135 = arith.constant 16 : index
          %swap3A_136 = tpu.vector_load %arg17[%swap3A_134, %swap3A_135] {strides = array<i32>} : memref<40x144xf32, #tpu.memory_space<vmem>>, vector<1x16xf32>,
          %swap3A_137 = vector.shape_cast %swap3A_136 : vector<1x16xf32> to vector<16xf32>
          %swap3A_138 = vector.shape_cast %mul3A_133 : vector<16xf32> to vector<1x16xf32>
          tpu.vector_store %arg17[%swap3A_134, %swap3A_135], %swap3A_138 {strides = array<i32>} : memref<40x144xf32, #tpu.memory_space<vmem>>, vector<1x16xf32>,
          %get3A_139 = arith.index_cast %add3A_112 : i32 to index
          %get3A_140 = arith.constant 32 : index
          %get3A_141 = tpu.vector_load %arg17[%get3A_139, %get3A_140] {strides = array<i32>} : memref<40x144xf32, #tpu.memory_space<vmem>>, vector<1x16xf32>,
          %get3A_142 = vector.shape_cast %get3A_141 : vector<1x16xf32> to vector<16xf32>
          %get3A_143 = arith.index_cast %add3A_112 : i32 to index
          %get3A_144 = arith.constant 32 : index
          %get3A_145 = tpu.vector_load %arg18[%get3A_143, %get3A_144] {strides = array<i32>} : memref<40x128xf32, #tpu.memory_space<vmem>>, vector<1x16xf32>,
          %get3A_146 = vector.shape_cast %get3A_145 : vector<1x16xf32> to vector<16xf32>
          %mul3A_147 = arith.mulf %get3A_142, %get3A_146 : vector<16xf32>
          %swap3A_148 = arith.index_cast %add3A_112 : i32 to index
          %swap3A_149 = arith.constant 32 : index
          %swap3A_150 = tpu.vector_load %arg17[%swap3A_148, %swap3A_149] {strides = array<i32>} : memref<40x144xf32, #tpu.memory_space<vmem>>, vector<1x16xf32>,
          %swap3A_151 = vector.shape_cast %swap3A_150 : vector<1x16xf32> to vector<16xf32>
          %swap3A_152 = vector.shape_cast %mul3A_147 : vector<16xf32> to vector<1x16xf32>
          tpu.vector_store %arg17[%swap3A_148, %swap3A_149], %swap3A_152 {strides = array<i32>} : memref<40x144xf32, #tpu.memory_space<vmem>>, vector<1x16xf32>,
          %get3A_153 = arith.index_cast %add3A_112 : i32 to index
          %get3A_154 = arith.constant 48 : index
          %get3A_155 = tpu.vector_load %arg17[%get3A_153, %get3A_154] {strides = array<i32>} : memref<40x144xf32, #tpu.memory_space<vmem>>, vector<1x16xf32>,
          %get3A_156 = vector.shape_cast %get3A_155 : vector<1x16xf32> to vector<16xf32>
          %get3A_157 = arith.index_cast %add3A_112 : i32 to index
          %get3A_158 = arith.constant 48 : index
          %get3A_159 = tpu.vector_load %arg18[%get3A_157, %get3A_158] {strides = array<i32>} : memref<40x128xf32, #tpu.memory_space<vmem>>, vector<1x16xf32>,
          %get3A_160 = vector.shape_cast %get3A_159 : vector<1x16xf32> to vector<16xf32>
          %mul3A_161 = arith.mulf %get3A_156, %get3A_160 : vector<16xf32>
          %swap3A_162 = arith.index_cast %add3A_112 : i32 to index
          %swap3A_163 = arith.constant 48 : index
          %swap3A_164 = tpu.vector_load %arg17[%swap3A_162, %swap3A_163] {strides = array<i32>} : memref<40x144xf32, #tpu.memory_space<vmem>>, vector<1x16xf32>,
          %swap3A_165 = vector.shape_cast %swap3A_164 : vector<1x16xf32> to vector<16xf32>
          %swap3A_166 = vector.shape_cast %mul3A_161 : vector<16xf32> to vector<1x16xf32>
          tpu.vector_store %arg17[%swap3A_162, %swap3A_163], %swap3A_166 {strides = array<i32>} : memref<40x144xf32, #tpu.memory_space<vmem>>, vector<1x16xf32>,
          %get3A_167 = arith.index_cast %add3A_112 : i32 to index
          %get3A_168 = arith.constant 64 : index
          %get3A_169 = tpu.vector_load %arg17[%get3A_167, %get3A_168] {strides = array<i32>} : memref<40x144xf32, #tpu.memory_space<vmem>>, vector<1x16xf32>,
          %get3A_170 = vector.shape_cast %get3A_169 : vector<1x16xf32> to vector<16xf32>
          %get3A_171 = arith.index_cast %add3A_112 : i32 to index
          %get3A_172 = arith.constant 64 : index
          %get3A_173 = tpu.vector_load %arg18[%get3A_171, %get3A_172] {strides = array<i32>} : memref<40x128xf32, #tpu.memory_space<vmem>>, vector<1x16xf32>,
          %get3A_174 = vector.shape_cast %get3A_173 : vector<1x16xf32> to vector<16xf32>
          %mul3A_175 = arith.mulf %get3A_170, %get3A_174 : vector<16xf32>
          %swap3A_176 = arith.index_cast %add3A_112 : i32 to index
          %swap3A_177 = arith.constant 64 : index
          %swap3A_178 = tpu.vector_load %arg17[%swap3A_176, %swap3A_177] {strides = array<i32>} : memref<40x144xf32, #tpu.memory_space<vmem>>, vector<1x16xf32>,
          %swap3A_179 = vector.shape_cast %swap3A_178 : vector<1x16xf32> to vector<16xf32>
          %swap3A_180 = vector.shape_cast %mul3A_175 : vector<16xf32> to vector<1x16xf32>
          tpu.vector_store %arg17[%swap3A_176, %swap3A_177], %swap3A_180 {strides = array<i32>} : memref<40x144xf32, #tpu.memory_space<vmem>>, vector<1x16xf32>,
          %get3A_181 = arith.index_cast %add3A_112 : i32 to index
          %get3A_182 = arith.constant 80 : index
          %get3A_183 = tpu.vector_load %arg17[%get3A_181, %get3A_182] {strides = array<i32>} : memref<40x144xf32, #tpu.memory_space<vmem>>, vector<1x16xf32>,
          %get3A_184 = vector.shape_cast %get3A_183 : vector<1x16xf32> to vector<16xf32>
          %get3A_185 = arith.index_cast %add3A_112 : i32 to index
          %get3A_186 = arith.constant 80 : index
          %get3A_187 = tpu.vector_load %arg18[%get3A_185, %get3A_186] {strides = array<i32>} : memref<40x128xf32, #tpu.memory_space<vmem>>, vector<1x16xf32>,
          %get3A_188 = vector.shape_cast %get3A_187 : vector<1x16xf32> to vector<16xf32>
          %mul3A_189 = arith.mulf %get3A_184, %get3A_188 : vector<16xf32>
          %swap3A_190 = arith.index_cast %add3A_112 : i32 to index
          %swap3A_191 = arith.constant 80 : index
          %swap3A_192 = tpu.vector_load %arg17[%swap3A_190, %swap3A_191] {strides = array<i32>} : memref<40x144xf32, #tpu.memory_space<vmem>>, vector<1x16xf32>,
          %swap3A_193 = vector.shape_cast %swap3A_192 : vector<1x16xf32> to vector<16xf32>
          %swap3A_194 = vector.shape_cast %mul3A_189 : vector<16xf32> to vector<1x16xf32>
          tpu.vector_store %arg17[%swap3A_190, %swap3A_191], %swap3A_194 {strides = array<i32>} : memref<40x144xf32, #tpu.memory_space<vmem>>, vector<1x16xf32>,
          %get3A_195 = arith.index_cast %add3A_112 : i32 to index
          %get3A_196 = arith.constant 96 : index
          %get3A_197 = tpu.vector_load %arg17[%get3A_195, %get3A_196] {strides = array<i32>} : memref<40x144xf32, #tpu.memory_space<vmem>>, vector<1x16xf32>,
          %get3A_198 = vector.shape_cast %get3A_197 : vector<1x16xf32> to vector<16xf32>
          %get3A_199 = arith.index_cast %add3A_112 : i32 to index
          %get3A_200 = arith.constant 96 : index
          %get3A_201 = tpu.vector_load %arg18[%get3A_199, %get3A_200] {strides = array<i32>} : memref<40x128xf32, #tpu.memory_space<vmem>>, vector<1x16xf32>,
          %get3A_202 = vector.shape_cast %get3A_201 : vector<1x16xf32> to vector<16xf32>
          %mul3A_203 = arith.mulf %get3A_198, %get3A_202 : vector<16xf32>
          %swap3A_204 = arith.index_cast %add3A_112 : i32 to index
          %swap3A_205 = arith.constant 96 : index
          %swap3A_206 = tpu.vector_load %arg17[%swap3A_204, %swap3A_205] {strides = array<i32>} : memref<40x144xf32, #tpu.memory_space<vmem>>, vector<1x16xf32>,
          %swap3A_207 = vector.shape_cast %swap3A_206 : vector<1x16xf32> to vector<16xf32>
          %swap3A_208 = vector.shape_cast %mul3A_203 : vector<16xf32> to vector<1x16xf32>
          tpu.vector_store %arg17[%swap3A_204, %swap3A_205], %swap3A_208 {strides = array<i32>} : memref<40x144xf32, #tpu.memory_space<vmem>>, vector<1x16xf32>,
          %get3A_209 = arith.index_cast %add3A_112 : i32 to index
          %get3A_210 = arith.constant 112 : index
          %get3A_211 = tpu.vector_load %arg17[%get3A_209, %get3A_210] {strides = array<i32>} : memref<40x144xf32, #tpu.memory_space<vmem>>, vector<1x16xf32>,
          %get3A_212 = vector.shape_cast %get3A_211 : vector<1x16xf32> to vector<16xf32>
          %get3A_213 = arith.index_cast %add3A_112 : i32 to index
          %get3A_214 = arith.constant 112 : index
          %get3A_215 = tpu.vector_load %arg18[%get3A_213, %get3A_214] {strides = array<i32>} : memref<40x128xf32, #tpu.memory_space<vmem>>, vector<1x16xf32>,
          %get3A_216 = vector.shape_cast %get3A_215 : vector<1x16xf32> to vector<16xf32>
          %mul3A_217 = arith.mulf %get3A_212, %get3A_216 : vector<16xf32>
          %swap3A_218 = arith.index_cast %add3A_112 : i32 to index
          %swap3A_219 = arith.constant 112 : index
          %swap3A_220 = tpu.vector_load %arg17[%swap3A_218, %swap3A_219] {strides = array<i32>} : memref<40x144xf32, #tpu.memory_space<vmem>>, vector<1x16xf32>,
          %swap3A_221 = vector.shape_cast %swap3A_220 : vector<1x16xf32> to vector<16xf32>
          %swap3A_222 = vector.shape_cast %mul3A_217 : vector<16xf32> to vector<1x16xf32>
          tpu.vector_store %arg17[%swap3A_218, %swap3A_219], %swap3A_222 {strides = array<i32>} : memref<40x144xf32, #tpu.memory_space<vmem>>, vector<1x16xf32>,
          %get3A_223 = arith.index_cast %add3A_112 : i32 to index
          %get3A_224 = arith.constant 128 : index
          %get3A_225 = tpu.vector_load %arg17[%get3A_223, %get3A_224] {strides = array<i32>} : memref<40x144xf32, #tpu.memory_space<vmem>>, vector<1x16xf32>,
          %get3A_226 = vector.shape_cast %get3A_225 : vector<1x16xf32> to vector<16xf32>
          %get3A_227 = arith.index_cast %add3A_112 : i32 to index
          %get3A_228 = arith.constant 0 : index
          %get3A_229 = tpu.vector_load %arg19[%get3A_227, %get3A_228] {strides = array<i32>} : memref<40x128xf32, #tpu.memory_space<vmem>>, vector<1x16xf32>,
          %get3A_230 = vector.shape_cast %get3A_229 : vector<1x16xf32> to vector<16xf32>
          %mul3A_231 = arith.mulf %get3A_226, %get3A_230 : vector<16xf32>
          %swap3A_232 = arith.index_cast %add3A_112 : i32 to index
          %swap3A_233 = arith.constant 128 : index
          %swap3A_234 = tpu.vector_load %arg17[%swap3A_232, %swap3A_233] {strides = array<i32>} : memref<40x144xf32, #tpu.memory_space<vmem>>, vector<1x16xf32>,
          %swap3A_235 = vector.shape_cast %swap3A_234 : vector<1x16xf32> to vector<16xf32>
          %swap3A_236 = vector.shape_cast %mul3A_231 : vector<16xf32> to vector<1x16xf32>
          tpu.vector_store %arg17[%swap3A_232, %swap3A_233], %swap3A_236 {strides = array<i32>} : memref<40x144xf32, #tpu.memory_space<vmem>>, vector<1x16xf32>,
        }
        %scan3A_107 = arith.constant 40 : i32
        "tpu.region"() ({
          %run_scoped3A = tpu.sem_alloc : memref<!tpu.dma_semaphore, #tpu.memory_space<semaphore_mem>>
          %dma_start3A_108 = arith.constant 0 : i32
          %dma_start3A_109 = arith.constant 0 : i32
          %dma_start3A_110 = tpu.memref_slice %arg10[%dma_start3A_108, %dma_start3A_109] : memref<10240x144xf32, #tpu.memory_space<vmem_shared>> -> memref<10240x144xf32, #tpu.memory_space<vmem_shared>>
          tpu.enqueue_indirect_dma source(%arg17 : memref<40x144xf32, #tpu.memory_space<vmem>>) target(%dma_start3A_110 : memref<10240x144xf32, #tpu.memory_space<vmem_shared>>) offsets(%arg16 : memref<40xi32, #tpu.memory_space<vmem>>) semaphore(%run_scoped3A : memref<!tpu.dma_semaphore, #tpu.memory_space<semaphore_mem>>) {add = true}
          %dma_wait3A_111 = arith.constant 0 : i32
          %dma_wait3A_112 = arith.constant 0 : i32
          %dma_wait3A_113 = tpu.memref_slice %arg10[%dma_wait3A_111, %dma_wait3A_112] : memref<10240x144xf32, #tpu.memory_space<vmem_shared>> -> memref<10240x144xf32, #tpu.memory_space<vmem_shared>>
          tpu.wait_indirect_dma semaphore(%run_scoped3A : memref<!tpu.dma_semaphore, #tpu.memory_space<semaphore_mem>>) src(%arg17 : memref<40x144xf32, #tpu.memory_space<vmem>>) dst(%dma_wait3A_113 : memref<10240x144xf32, #tpu.memory_space<vmem_shared>>)
          tpu.yield
        }) : () -> ()
      }
      %scan3A_21 = arith.constant 5 : i32
      %barrier3A_22 = arith.constant 0 : index
      tpu.barrier barrier_id(%barrier3A_22)
      %scan3A_23 = arith.constant 0 : i32
      %scan3A_24 = arith.constant 16 : i32
      %scan3A_25 = arith.addi %scan3A_23, %scan3A_24 : i32
      %scan3A_26 = arith.constant 1 : i32
      scf.for %scan3A_28 = %scan3A_23 to %scan3A_25 step %scan3A_26  : i32 {
        %mul3A_29 = arith.constant 1 : i32
        %mul3A_30 = arith.muli %scan3A_28, %mul3A_29 : i32
        %add3A = arith.constant 0 : i32
        %add3A_31 = arith.addi %add3A, %mul3A_30 : i32
        %mul3A_32 = arith.constant 640 : i32
        %mul3A_33 = arith.muli %arg1, %mul3A_32 : i32
        %mul3A_34 = arith.constant 40 : i32
        %mul3A_35 = arith.muli %add3A_31, %mul3A_34 : i32
        %add3A_36 = arith.addi %mul3A_33, %mul3A_35 : i32
        "tpu.region"() ({
          %run_scoped3A = tpu.sem_alloc : memref<!tpu.dma_semaphore, #tpu.memory_space<semaphore_mem>>
          %dma_start3A = arith.constant 0 : i32
          %dma_start3A_37 = tpu.memref_slice %arg10[%add3A_36, %dma_start3A] : memref<10240x144xf32, #tpu.memory_space<vmem_shared>> -> memref<40x144xf32, #tpu.memory_space<vmem_shared>>
          %dma_start3A_38 = arith.constant 0 : i32
          %dma_start3A_39 = tpu.memref_slice %arg10[%add3A_36, %dma_start3A_38] : memref<10240x144xf32, #tpu.memory_space<vmem_shared>> -> memref<40x144xf32, #tpu.memory_space<vmem_shared>>
          tpu.enqueue_dma source(%dma_start3A_39 : memref<40x144xf32, #tpu.memory_space<vmem_shared>>) target(%arg13 : memref<40x144xf32, #tpu.memory_space<vmem>>) target_semaphore(%run_scoped3A : memref<!tpu.dma_semaphore, #tpu.memory_space<semaphore_mem>>)
          %dma_wait3A = arith.constant 0 : i32
          %dma_wait3A_40 = tpu.memref_slice %arg10[%add3A_36, %dma_wait3A] : memref<10240x144xf32, #tpu.memory_space<vmem_shared>> -> memref<40x144xf32, #tpu.memory_space<vmem_shared>>
          %dma_wait3A_41 = arith.constant 0 : i32
          %dma_wait3A_42 = tpu.memref_slice %arg10[%add3A_36, %dma_wait3A_41] : memref<10240x144xf32, #tpu.memory_space<vmem_shared>> -> memref<40x144xf32, #tpu.memory_space<vmem_shared>>
          tpu.wait_dma2 semaphore(%run_scoped3A : memref<!tpu.dma_semaphore, #tpu.memory_space<semaphore_mem>>) src(%dma_wait3A_42 : memref<40x144xf32, #tpu.memory_space<vmem_shared>>) dst(%arg13 : memref<40x144xf32, #tpu.memory_space<vmem>>)
          tpu.yield
        }) : () -> ()
        "tpu.region"() ({
          %run_scoped3A = tpu.sem_alloc : memref<!tpu.dma_semaphore, #tpu.memory_space<semaphore_mem>>
          %dma_start3A = arith.constant 0 : i32
          %dma_start3A_37 = tpu.memref_slice %arg9[%add3A_36, %dma_start3A] : memref<10240x288xf32, #tpu.memory_space<hbm>> -> memref<40x144xf32, #tpu.memory_space<hbm>>
          %dma_start3A_38 = arith.constant 0 : i32
          %dma_start3A_39 = tpu.memref_slice %arg9[%add3A_36, %dma_start3A_38] : memref<10240x288xf32, #tpu.memory_space<hbm>> -> memref<40x144xf32, #tpu.memory_space<hbm>>
          tpu.enqueue_dma source(%arg13 : memref<40x144xf32, #tpu.memory_space<vmem>>) target(%dma_start3A_39 : memref<40x144xf32, #tpu.memory_space<hbm>>) target_semaphore(%run_scoped3A : memref<!tpu.dma_semaphore, #tpu.memory_space<semaphore_mem>>)
          %dma_wait3A = arith.constant 0 : i32
          %dma_wait3A_40 = tpu.memref_slice %arg9[%add3A_36, %dma_wait3A] : memref<10240x288xf32, #tpu.memory_space<hbm>> -> memref<40x144xf32, #tpu.memory_space<hbm>>
          %dma_wait3A_41 = arith.constant 0 : i32
          %dma_wait3A_42 = tpu.memref_slice %arg9[%add3A_36, %dma_wait3A_41] : memref<10240x288xf32, #tpu.memory_space<hbm>> -> memref<40x144xf32, #tpu.memory_space<hbm>>
          tpu.wait_dma2 semaphore(%run_scoped3A : memref<!tpu.dma_semaphore, #tpu.memory_space<semaphore_mem>>) src(%arg13 : memref<40x144xf32, #tpu.memory_space<vmem>>) dst(%dma_wait3A_42 : memref<40x144xf32, #tpu.memory_space<hbm>>)
          tpu.yield
        }) : () -> ()
      }
      %scan3A_27 = arith.constant 16 : i32
    } else {
    }
    %eq3A_12 = arith.constant 1 : i32
    %eq3A_13 = arith.cmpi eq, %arg0, %eq3A_12 : i32
    %convert_element_type3A_14 = arith.extui %eq3A_13 : i1 to i32
    %cond3A_15 = arith.constant 0 : i32
    %cond3A_16 = arith.cmpi ne, %convert_element_type3A_14, %cond3A_15 : i32
    scf.if %cond3A_16 {
      %scan3A_17 = arith.constant 0 : i32
      %scan3A_18 = arith.constant 5 : i32
      %scan3A_19 = arith.addi %scan3A_17, %scan3A_18 : i32
      %scan3A_20 = arith.constant 1 : i32
      scf.for %scan3A_28 = %scan3A_17 to %scan3A_19 step %scan3A_20  : i32 {
        %mul3A_29 = arith.constant 1 : i32
        %mul3A_30 = arith.muli %scan3A_28, %mul3A_29 : i32
        %add3A = arith.constant 0 : i32
        %add3A_31 = arith.addi %add3A, %mul3A_30 : i32
        %mul3A_32 = arith.constant 2000 : i32
        %mul3A_33 = arith.muli %add3A_31, %mul3A_32 : i32
        %add3A_34 = arith.addi %mul3A_9, %mul3A_33 : i32
        "tpu.region"() ({
          %run_scoped3A = tpu.sem_alloc : memref<!tpu.dma_semaphore, #tpu.memory_space<semaphore_mem>>
          %dma_start3A_108 = tpu.memref_slice %arg7[%add3A_34] : memref<160000xi32, #tpu.memory_space<hbm>> -> memref<2000xi32, #tpu.memory_space<hbm>>
          %dma_start3A_109 = tpu.memref_slice %arg7[%add3A_34] : memref<160000xi32, #tpu.memory_space<hbm>> -> memref<2000xi32, #tpu.memory_space<hbm>>
          tpu.enqueue_dma source(%dma_start3A_109 : memref<2000xi32, #tpu.memory_space<hbm>>) target(%arg11 : memref<2000xi32, #tpu.memory_space<vmem>>) target_semaphore(%run_scoped3A : memref<!tpu.dma_semaphore, #tpu.memory_space<semaphore_mem>>)
          %dma_wait3A_110 = tpu.memref_slice %arg7[%add3A_34] : memref<160000xi32, #tpu.memory_space<hbm>> -> memref<2000xi32, #tpu.memory_space<hbm>>
          %dma_wait3A_111 = tpu.memref_slice %arg7[%add3A_34] : memref<160000xi32, #tpu.memory_space<hbm>> -> memref<2000xi32, #tpu.memory_space<hbm>>
          tpu.wait_dma2 semaphore(%run_scoped3A : memref<!tpu.dma_semaphore, #tpu.memory_space<semaphore_mem>>) src(%dma_wait3A_111 : memref<2000xi32, #tpu.memory_space<hbm>>) dst(%arg11 : memref<2000xi32, #tpu.memory_space<vmem>>)
          tpu.yield
        }) : () -> ()
        %add3A_35 = arith.constant 0 : i32
        %add3A_36 = arith.addi %add3A_34, %add3A_35 : i32
        "tpu.region"() ({
          %run_scoped3A = tpu.sem_alloc : memref<!tpu.dma_semaphore, #tpu.memory_space<semaphore_mem>>
          %dma_start3A_108 = tpu.memref_slice %arg8[%add3A_36] : memref<160000xi32, #tpu.memory_space<hbm>> -> memref<40xi32, #tpu.memory_space<hbm>>
          %dma_start3A_109 = tpu.memref_slice %arg8[%add3A_36] : memref<160000xi32, #tpu.memory_space<hbm>> -> memref<40xi32, #tpu.memory_space<hbm>>
          tpu.enqueue_dma source(%dma_start3A_109 : memref<40xi32, #tpu.memory_space<hbm>>) target(%arg12 : memref<40xi32, #tpu.memory_space<vmem>>) target_semaphore(%run_scoped3A : memref<!tpu.dma_semaphore, #tpu.memory_space<semaphore_mem>>)
          %dma_wait3A_110 = tpu.memref_slice %arg8[%add3A_36] : memref<160000xi32, #tpu.memory_space<hbm>> -> memref<40xi32, #tpu.memory_space<hbm>>
          %dma_wait3A_111 = tpu.memref_slice %arg8[%add3A_36] : memref<160000xi32, #tpu.memory_space<hbm>> -> memref<40xi32, #tpu.memory_space<hbm>>
          tpu.wait_dma2 semaphore(%run_scoped3A : memref<!tpu.dma_semaphore, #tpu.memory_space<semaphore_mem>>) src(%dma_wait3A_111 : memref<40xi32, #tpu.memory_space<hbm>>) dst(%arg12 : memref<40xi32, #tpu.memory_space<vmem>>)
          tpu.yield
        }) : () -> ()
        %dma_start3A = arith.constant 0 : i32
        %dma_start3A_37 = tpu.memref_slice %arg11[%dma_start3A] : memref<2000xi32, #tpu.memory_space<vmem>> -> memref<40xi32, #tpu.memory_space<vmem>>
        %dma_start3A_38 = arith.constant 0 : i32
        %dma_start3A_39 = arith.constant 0 : i32
        %dma_start3A_40 = tpu.memref_slice %arg3[%dma_start3A_38, %dma_start3A_39] : memref<10000x144xf32, #tpu.memory_space<hbm>> -> memref<10000x144xf32, #tpu.memory_space<hbm>>
        tpu.enqueue_indirect_dma source(%dma_start3A_40 : memref<10000x144xf32, #tpu.memory_space<hbm>>) target(%arg13 : memref<40x144xf32, #tpu.memory_space<vmem>>) offsets(%dma_start3A_37 : memref<40xi32, #tpu.memory_space<vmem>>) semaphore(%arg20 : memref<!tpu.dma_semaphore, #tpu.memory_space<semaphore_mem>>)
        %dma_start3A_41 = arith.constant 0 : i32
        %dma_start3A_42 = tpu.memref_slice %arg5[%add3A_36, %dma_start3A_41] : memref<160000x128xf32, #tpu.memory_space<hbm>> -> memref<40x128xf32, #tpu.memory_space<hbm>>
        %dma_start3A_43 = arith.constant 0 : i32
        %dma_start3A_44 = tpu.memref_slice %arg5[%add3A_36, %dma_start3A_43] : memref<160000x128xf32, #tpu.memory_space<hbm>> -> memref<40x128xf32, #tpu.memory_space<hbm>>
        tpu.enqueue_dma source(%dma_start3A_44 : memref<40x128xf32, #tpu.memory_space<hbm>>) target(%arg14 : memref<40x128xf32, #tpu.memory_space<vmem>>) target_semaphore(%arg21 : memref<!tpu.dma_semaphore, #tpu.memory_space<semaphore_mem>>)
        %dma_start3A_45 = arith.constant 0 : i32
        %dma_start3A_46 = tpu.memref_slice %arg6[%add3A_36, %dma_start3A_45] : memref<160000x128xf32, #tpu.memory_space<hbm>> -> memref<40x128xf32, #tpu.memory_space<hbm>>
        %dma_start3A_47 = arith.constant 0 : i32
        %dma_start3A_48 = tpu.memref_slice %arg6[%add3A_36, %dma_start3A_47] : memref<160000x128xf32, #tpu.memory_space<hbm>> -> memref<40x128xf32, #tpu.memory_space<hbm>>
        tpu.enqueue_dma source(%dma_start3A_48 : memref<40x128xf32, #tpu.memory_space<hbm>>) target(%arg15 : memref<40x128xf32, #tpu.memory_space<vmem>>) target_semaphore(%arg22 : memref<!tpu.dma_semaphore, #tpu.memory_space<semaphore_mem>>)
        %scan3A_49 = arith.constant 0 : i32
        %scan3A_50 = arith.constant 24 : i32
        %scan3A_51 = arith.addi %scan3A_49, %scan3A_50 : i32
        %scan3A_52 = arith.constant 1 : i32
        scf.for %scan3A_108 = %scan3A_49 to %scan3A_51 step %scan3A_52  : i32 {
          %mul3A_109 = arith.constant 2 : i32
          %mul3A_110 = arith.muli %scan3A_108, %mul3A_109 : i32
          %add3A_111 = arith.constant 0 : i32
          %add3A_112 = arith.addi %add3A_111, %mul3A_110 : i32
          %add3A_113 = arith.constant 0 : i32
          %add3A_114 = arith.addi %add3A_112, %add3A_113 : i32
          %add3A_115 = arith.constant 1 : i32
          %add3A_116 = arith.addi %add3A_114, %add3A_115 : i32
          %mul3A_117 = arith.constant 40 : i32
          %mul3A_118 = arith.muli %add3A_116, %mul3A_117 : i32
          %add3A_119 = arith.addi %add3A_34, %mul3A_118 : i32
          "tpu.region"() ({
            %run_scoped3A = tpu.sem_alloc : memref<!tpu.dma_semaphore, #tpu.memory_space<semaphore_mem>>
            %dma_start3A_199 = tpu.memref_slice %arg8[%add3A_119] : memref<160000xi32, #tpu.memory_space<hbm>> -> memref<40xi32, #tpu.memory_space<hbm>>
            %dma_start3A_200 = tpu.memref_slice %arg8[%add3A_119] : memref<160000xi32, #tpu.memory_space<hbm>> -> memref<40xi32, #tpu.memory_space<hbm>>
            tpu.enqueue_dma source(%dma_start3A_200 : memref<40xi32, #tpu.memory_space<hbm>>) target(%arg16 : memref<40xi32, #tpu.memory_space<vmem>>) target_semaphore(%run_scoped3A : memref<!tpu.dma_semaphore, #tpu.memory_space<semaphore_mem>>)
            %dma_wait3A_201 = tpu.memref_slice %arg8[%add3A_119] : memref<160000xi32, #tpu.memory_space<hbm>> -> memref<40xi32, #tpu.memory_space<hbm>>
            %dma_wait3A_202 = tpu.memref_slice %arg8[%add3A_119] : memref<160000xi32, #tpu.memory_space<hbm>> -> memref<40xi32, #tpu.memory_space<hbm>>
            tpu.wait_dma2 semaphore(%run_scoped3A : memref<!tpu.dma_semaphore, #tpu.memory_space<semaphore_mem>>) src(%dma_wait3A_202 : memref<40xi32, #tpu.memory_space<hbm>>) dst(%arg16 : memref<40xi32, #tpu.memory_space<vmem>>)
            tpu.yield
          }) : () -> ()
          %mul3A_120 = arith.constant 40 : i32
          %mul3A_121 = arith.muli %add3A_116, %mul3A_120 : i32
          %dma_start3A_122 = tpu.memref_slice %arg11[%mul3A_121] : memref<2000xi32, #tpu.memory_space<vmem>> -> memref<40xi32, #tpu.memory_space<vmem>>
          %dma_start3A_123 = arith.constant 0 : i32
          %dma_start3A_124 = arith.constant 0 : i32
          %dma_start3A_125 = tpu.memref_slice %arg3[%dma_start3A_123, %dma_start3A_124] : memref<10000x144xf32, #tpu.memory_space<hbm>> -> memref<10000x144xf32, #tpu.memory_space<hbm>>
          tpu.enqueue_indirect_dma source(%dma_start3A_125 : memref<10000x144xf32, #tpu.memory_space<hbm>>) target(%arg17 : memref<40x144xf32, #tpu.memory_space<vmem>>) offsets(%dma_start3A_122 : memref<40xi32, #tpu.memory_space<vmem>>) semaphore(%arg23 : memref<!tpu.dma_semaphore, #tpu.memory_space<semaphore_mem>>)
          %dma_start3A_126 = arith.constant 0 : i32
          %dma_start3A_127 = tpu.memref_slice %arg5[%add3A_119, %dma_start3A_126] : memref<160000x128xf32, #tpu.memory_space<hbm>> -> memref<40x128xf32, #tpu.memory_space<hbm>>
          %dma_start3A_128 = arith.constant 0 : i32
          %dma_start3A_129 = tpu.memref_slice %arg5[%add3A_119, %dma_start3A_128] : memref<160000x128xf32, #tpu.memory_space<hbm>> -> memref<40x128xf32, #tpu.memory_space<hbm>>
          tpu.enqueue_dma source(%dma_start3A_129 : memref<40x128xf32, #tpu.memory_space<hbm>>) target(%arg18 : memref<40x128xf32, #tpu.memory_space<vmem>>) target_semaphore(%arg24 : memref<!tpu.dma_semaphore, #tpu.memory_space<semaphore_mem>>)
          %dma_start3A_130 = arith.constant 0 : i32
          %dma_start3A_131 = tpu.memref_slice %arg6[%add3A_119, %dma_start3A_130] : memref<160000x128xf32, #tpu.memory_space<hbm>> -> memref<40x128xf32, #tpu.memory_space<hbm>>
          %dma_start3A_132 = arith.constant 0 : i32
          %dma_start3A_133 = tpu.memref_slice %arg6[%add3A_119, %dma_start3A_132] : memref<160000x128xf32, #tpu.memory_space<hbm>> -> memref<40x128xf32, #tpu.memory_space<hbm>>
          tpu.enqueue_dma source(%dma_start3A_133 : memref<40x128xf32, #tpu.memory_space<hbm>>) target(%arg19 : memref<40x128xf32, #tpu.memory_space<vmem>>) target_semaphore(%arg25 : memref<!tpu.dma_semaphore, #tpu.memory_space<semaphore_mem>>)
          %mul3A_134 = arith.constant 40 : i32
          %mul3A_135 = arith.muli %add3A_114, %mul3A_134 : i32
          %add3A_136 = arith.addi %add3A_34, %mul3A_135 : i32
          %mul3A_137 = arith.constant 40 : i32
          %mul3A_138 = arith.muli %add3A_114, %mul3A_137 : i32
          %dma_wait3A_139 = tpu.memref_slice %arg11[%mul3A_138] : memref<2000xi32, #tpu.memory_space<vmem>> -> memref<40xi32, #tpu.memory_space<vmem>>
          %dma_wait3A_140 = arith.constant 0 : i32
          %dma_wait3A_141 = arith.constant 0 : i32
          %dma_wait3A_142 = tpu.memref_slice %arg3[%dma_wait3A_140, %dma_wait3A_141] : memref<10000x144xf32, #tpu.memory_space<hbm>> -> memref<10000x144xf32, #tpu.memory_space<hbm>>
          tpu.wait_indirect_dma semaphore(%arg20 : memref<!tpu.dma_semaphore, #tpu.memory_space<semaphore_mem>>) src(%dma_wait3A_142 : memref<10000x144xf32, #tpu.memory_space<hbm>>) dst(%arg13 : memref<40x144xf32, #tpu.memory_space<vmem>>)
          %dma_wait3A_143 = arith.constant 0 : i32
          %dma_wait3A_144 = tpu.memref_slice %arg5[%add3A_136, %dma_wait3A_143] : memref<160000x128xf32, #tpu.memory_space<hbm>> -> memref<40x128xf32, #tpu.memory_space<hbm>>
          %dma_wait3A_145 = arith.constant 0 : i32
          %dma_wait3A_146 = tpu.memref_slice %arg5[%add3A_136, %dma_wait3A_145] : memref<160000x128xf32, #tpu.memory_space<hbm>> -> memref<40x128xf32, #tpu.memory_space<hbm>>
          tpu.wait_dma2 semaphore(%arg21 : memref<!tpu.dma_semaphore, #tpu.memory_space<semaphore_mem>>) src(%dma_wait3A_146 : memref<40x128xf32, #tpu.memory_space<hbm>>) dst(%arg14 : memref<40x128xf32, #tpu.memory_space<vmem>>)
          %dma_wait3A_147 = arith.constant 0 : i32
          %dma_wait3A_148 = tpu.memref_slice %arg6[%add3A_136, %dma_wait3A_147] : memref<160000x128xf32, #tpu.memory_space<hbm>> -> memref<40x128xf32, #tpu.memory_space<hbm>>
          %dma_wait3A_149 = arith.constant 0 : i32
          %dma_wait3A_150 = tpu.memref_slice %arg6[%add3A_136, %dma_wait3A_149] : memref<160000x128xf32, #tpu.memory_space<hbm>> -> memref<40x128xf32, #tpu.memory_space<hbm>>
          tpu.wait_dma2 semaphore(%arg22 : memref<!tpu.dma_semaphore, #tpu.memory_space<semaphore_mem>>) src(%dma_wait3A_150 : memref<40x128xf32, #tpu.memory_space<hbm>>) dst(%arg15 : memref<40x128xf32, #tpu.memory_space<vmem>>)
          %scan3A_151 = arith.constant 0 : i32
          %scan3A_152 = arith.constant 40 : i32
          %scan3A_153 = arith.addi %scan3A_151, %scan3A_152 : i32
          %scan3A_154 = arith.constant 1 : i32
          scf.for %scan3A_199 = %scan3A_151 to %scan3A_153 step %scan3A_154  : i32 {
            %mul3A_200 = arith.constant 1 : i32
            %mul3A_201 = arith.muli %scan3A_199, %mul3A_200 : i32
            %add3A_202 = arith.constant 0 : i32
            %add3A_203 = arith.addi %add3A_202, %mul3A_201 : i32
            %get3A = arith.index_cast %add3A_203 : i32 to index
            %get3A_204 = arith.constant 0 : index
            %get3A_205 = tpu.vector_load %arg13[%get3A, %get3A_204] {strides = array<i32>} : memref<40x144xf32, #tpu.memory_space<vmem>>, vector<1x16xf32>,
            %get3A_206 = vector.shape_cast %get3A_205 : vector<1x16xf32> to vector<16xf32>
            %get3A_207 = arith.index_cast %add3A_203 : i32 to index
            %get3A_208 = arith.constant 16 : index
            %get3A_209 = tpu.vector_load %arg14[%get3A_207, %get3A_208] {strides = array<i32>} : memref<40x128xf32, #tpu.memory_space<vmem>>, vector<1x16xf32>,
            %get3A_210 = vector.shape_cast %get3A_209 : vector<1x16xf32> to vector<16xf32>
            %mul3A_211 = arith.mulf %get3A_206, %get3A_210 : vector<16xf32>
            %swap3A = arith.index_cast %add3A_203 : i32 to index
            %swap3A_212 = arith.constant 0 : index
            %swap3A_213 = tpu.vector_load %arg13[%swap3A, %swap3A_212] {strides = array<i32>} : memref<40x144xf32, #tpu.memory_space<vmem>>, vector<1x16xf32>,
            %swap3A_214 = vector.shape_cast %swap3A_213 : vector<1x16xf32> to vector<16xf32>
            %swap3A_215 = vector.shape_cast %mul3A_211 : vector<16xf32> to vector<1x16xf32>
            tpu.vector_store %arg13[%swap3A, %swap3A_212], %swap3A_215 {strides = array<i32>} : memref<40x144xf32, #tpu.memory_space<vmem>>, vector<1x16xf32>,
            %get3A_216 = arith.index_cast %add3A_203 : i32 to index
            %get3A_217 = arith.constant 16 : index
            %get3A_218 = tpu.vector_load %arg13[%get3A_216, %get3A_217] {strides = array<i32>} : memref<40x144xf32, #tpu.memory_space<vmem>>, vector<1x16xf32>,
            %get3A_219 = vector.shape_cast %get3A_218 : vector<1x16xf32> to vector<16xf32>
            %get3A_220 = arith.index_cast %add3A_203 : i32 to index
            %get3A_221 = arith.constant 32 : index
            %get3A_222 = tpu.vector_load %arg14[%get3A_220, %get3A_221] {strides = array<i32>} : memref<40x128xf32, #tpu.memory_space<vmem>>, vector<1x16xf32>,
            %get3A_223 = vector.shape_cast %get3A_222 : vector<1x16xf32> to vector<16xf32>
            %mul3A_224 = arith.mulf %get3A_219, %get3A_223 : vector<16xf32>
            %swap3A_225 = arith.index_cast %add3A_203 : i32 to index
            %swap3A_226 = arith.constant 16 : index
            %swap3A_227 = tpu.vector_load %arg13[%swap3A_225, %swap3A_226] {strides = array<i32>} : memref<40x144xf32, #tpu.memory_space<vmem>>, vector<1x16xf32>,
            %swap3A_228 = vector.shape_cast %swap3A_227 : vector<1x16xf32> to vector<16xf32>
            %swap3A_229 = vector.shape_cast %mul3A_224 : vector<16xf32> to vector<1x16xf32>
            tpu.vector_store %arg13[%swap3A_225, %swap3A_226], %swap3A_229 {strides = array<i32>} : memref<40x144xf32, #tpu.memory_space<vmem>>, vector<1x16xf32>,
            %get3A_230 = arith.index_cast %add3A_203 : i32 to index
            %get3A_231 = arith.constant 32 : index
            %get3A_232 = tpu.vector_load %arg13[%get3A_230, %get3A_231] {strides = array<i32>} : memref<40x144xf32, #tpu.memory_space<vmem>>, vector<1x16xf32>,
            %get3A_233 = vector.shape_cast %get3A_232 : vector<1x16xf32> to vector<16xf32>
            %get3A_234 = arith.index_cast %add3A_203 : i32 to index
            %get3A_235 = arith.constant 48 : index
            %get3A_236 = tpu.vector_load %arg14[%get3A_234, %get3A_235] {strides = array<i32>} : memref<40x128xf32, #tpu.memory_space<vmem>>, vector<1x16xf32>,
            %get3A_237 = vector.shape_cast %get3A_236 : vector<1x16xf32> to vector<16xf32>
            %mul3A_238 = arith.mulf %get3A_233, %get3A_237 : vector<16xf32>
            %swap3A_239 = arith.index_cast %add3A_203 : i32 to index
            %swap3A_240 = arith.constant 32 : index
            %swap3A_241 = tpu.vector_load %arg13[%swap3A_239, %swap3A_240] {strides = array<i32>} : memref<40x144xf32, #tpu.memory_space<vmem>>, vector<1x16xf32>,
            %swap3A_242 = vector.shape_cast %swap3A_241 : vector<1x16xf32> to vector<16xf32>
            %swap3A_243 = vector.shape_cast %mul3A_238 : vector<16xf32> to vector<1x16xf32>
            tpu.vector_store %arg13[%swap3A_239, %swap3A_240], %swap3A_243 {strides = array<i32>} : memref<40x144xf32, #tpu.memory_space<vmem>>, vector<1x16xf32>,
            %get3A_244 = arith.index_cast %add3A_203 : i32 to index
            %get3A_245 = arith.constant 48 : index
            %get3A_246 = tpu.vector_load %arg13[%get3A_244, %get3A_245] {strides = array<i32>} : memref<40x144xf32, #tpu.memory_space<vmem>>, vector<1x16xf32>,
            %get3A_247 = vector.shape_cast %get3A_246 : vector<1x16xf32> to vector<16xf32>
            %get3A_248 = arith.index_cast %add3A_203 : i32 to index
            %get3A_249 = arith.constant 64 : index
            %get3A_250 = tpu.vector_load %arg14[%get3A_248, %get3A_249] {strides = array<i32>} : memref<40x128xf32, #tpu.memory_space<vmem>>, vector<1x16xf32>,
            %get3A_251 = vector.shape_cast %get3A_250 : vector<1x16xf32> to vector<16xf32>
            %mul3A_252 = arith.mulf %get3A_247, %get3A_251 : vector<16xf32>
            %swap3A_253 = arith.index_cast %add3A_203 : i32 to index
            %swap3A_254 = arith.constant 48 : index
            %swap3A_255 = tpu.vector_load %arg13[%swap3A_253, %swap3A_254] {strides = array<i32>} : memref<40x144xf32, #tpu.memory_space<vmem>>, vector<1x16xf32>,
            %swap3A_256 = vector.shape_cast %swap3A_255 : vector<1x16xf32> to vector<16xf32>
            %swap3A_257 = vector.shape_cast %mul3A_252 : vector<16xf32> to vector<1x16xf32>
            tpu.vector_store %arg13[%swap3A_253, %swap3A_254], %swap3A_257 {strides = array<i32>} : memref<40x144xf32, #tpu.memory_space<vmem>>, vector<1x16xf32>,
            %get3A_258 = arith.index_cast %add3A_203 : i32 to index
            %get3A_259 = arith.constant 64 : index
            %get3A_260 = tpu.vector_load %arg13[%get3A_258, %get3A_259] {strides = array<i32>} : memref<40x144xf32, #tpu.memory_space<vmem>>, vector<1x16xf32>,
            %get3A_261 = vector.shape_cast %get3A_260 : vector<1x16xf32> to vector<16xf32>
            %get3A_262 = arith.index_cast %add3A_203 : i32 to index
            %get3A_263 = arith.constant 80 : index
            %get3A_264 = tpu.vector_load %arg14[%get3A_262, %get3A_263] {strides = array<i32>} : memref<40x128xf32, #tpu.memory_space<vmem>>, vector<1x16xf32>,
            %get3A_265 = vector.shape_cast %get3A_264 : vector<1x16xf32> to vector<16xf32>
            %mul3A_266 = arith.mulf %get3A_261, %get3A_265 : vector<16xf32>
            %swap3A_267 = arith.index_cast %add3A_203 : i32 to index
            %swap3A_268 = arith.constant 64 : index
            %swap3A_269 = tpu.vector_load %arg13[%swap3A_267, %swap3A_268] {strides = array<i32>} : memref<40x144xf32, #tpu.memory_space<vmem>>, vector<1x16xf32>,
            %swap3A_270 = vector.shape_cast %swap3A_269 : vector<1x16xf32> to vector<16xf32>
            %swap3A_271 = vector.shape_cast %mul3A_266 : vector<16xf32> to vector<1x16xf32>
            tpu.vector_store %arg13[%swap3A_267, %swap3A_268], %swap3A_271 {strides = array<i32>} : memref<40x144xf32, #tpu.memory_space<vmem>>, vector<1x16xf32>,
            %get3A_272 = arith.index_cast %add3A_203 : i32 to index
            %get3A_273 = arith.constant 80 : index
            %get3A_274 = tpu.vector_load %arg13[%get3A_272, %get3A_273] {strides = array<i32>} : memref<40x144xf32, #tpu.memory_space<vmem>>, vector<1x16xf32>,
            %get3A_275 = vector.shape_cast %get3A_274 : vector<1x16xf32> to vector<16xf32>
            %get3A_276 = arith.index_cast %add3A_203 : i32 to index
            %get3A_277 = arith.constant 96 : index
            %get3A_278 = tpu.vector_load %arg14[%get3A_276, %get3A_277] {strides = array<i32>} : memref<40x128xf32, #tpu.memory_space<vmem>>, vector<1x16xf32>,
            %get3A_279 = vector.shape_cast %get3A_278 : vector<1x16xf32> to vector<16xf32>
            %mul3A_280 = arith.mulf %get3A_275, %get3A_279 : vector<16xf32>
            %swap3A_281 = arith.index_cast %add3A_203 : i32 to index
            %swap3A_282 = arith.constant 80 : index
            %swap3A_283 = tpu.vector_load %arg13[%swap3A_281, %swap3A_282] {strides = array<i32>} : memref<40x144xf32, #tpu.memory_space<vmem>>, vector<1x16xf32>,
            %swap3A_284 = vector.shape_cast %swap3A_283 : vector<1x16xf32> to vector<16xf32>
            %swap3A_285 = vector.shape_cast %mul3A_280 : vector<16xf32> to vector<1x16xf32>
            tpu.vector_store %arg13[%swap3A_281, %swap3A_282], %swap3A_285 {strides = array<i32>} : memref<40x144xf32, #tpu.memory_space<vmem>>, vector<1x16xf32>,
            %get3A_286 = arith.index_cast %add3A_203 : i32 to index
            %get3A_287 = arith.constant 96 : index
            %get3A_288 = tpu.vector_load %arg13[%get3A_286, %get3A_287] {strides = array<i32>} : memref<40x144xf32, #tpu.memory_space<vmem>>, vector<1x16xf32>,
            %get3A_289 = vector.shape_cast %get3A_288 : vector<1x16xf32> to vector<16xf32>
            %get3A_290 = arith.index_cast %add3A_203 : i32 to index
            %get3A_291 = arith.constant 112 : index
            %get3A_292 = tpu.vector_load %arg14[%get3A_290, %get3A_291] {strides = array<i32>} : memref<40x128xf32, #tpu.memory_space<vmem>>, vector<1x16xf32>,
            %get3A_293 = vector.shape_cast %get3A_292 : vector<1x16xf32> to vector<16xf32>
            %mul3A_294 = arith.mulf %get3A_289, %get3A_293 : vector<16xf32>
            %swap3A_295 = arith.index_cast %add3A_203 : i32 to index
            %swap3A_296 = arith.constant 96 : index
            %swap3A_297 = tpu.vector_load %arg13[%swap3A_295, %swap3A_296] {strides = array<i32>} : memref<40x144xf32, #tpu.memory_space<vmem>>, vector<1x16xf32>,
            %swap3A_298 = vector.shape_cast %swap3A_297 : vector<1x16xf32> to vector<16xf32>
            %swap3A_299 = vector.shape_cast %mul3A_294 : vector<16xf32> to vector<1x16xf32>
            tpu.vector_store %arg13[%swap3A_295, %swap3A_296], %swap3A_299 {strides = array<i32>} : memref<40x144xf32, #tpu.memory_space<vmem>>, vector<1x16xf32>,
            %get3A_300 = arith.index_cast %add3A_203 : i32 to index
            %get3A_301 = arith.constant 112 : index
            %get3A_302 = tpu.vector_load %arg13[%get3A_300, %get3A_301] {strides = array<i32>} : memref<40x144xf32, #tpu.memory_space<vmem>>, vector<1x16xf32>,
            %get3A_303 = vector.shape_cast %get3A_302 : vector<1x16xf32> to vector<16xf32>
            %get3A_304 = arith.index_cast %add3A_203 : i32 to index
            %get3A_305 = arith.constant 0 : index
            %get3A_306 = tpu.vector_load %arg15[%get3A_304, %get3A_305] {strides = array<i32>} : memref<40x128xf32, #tpu.memory_space<vmem>>, vector<1x16xf32>,
            %get3A_307 = vector.shape_cast %get3A_306 : vector<1x16xf32> to vector<16xf32>
            %mul3A_308 = arith.mulf %get3A_303, %get3A_307 : vector<16xf32>
            %swap3A_309 = arith.index_cast %add3A_203 : i32 to index
            %swap3A_310 = arith.constant 112 : index
            %swap3A_311 = tpu.vector_load %arg13[%swap3A_309, %swap3A_310] {strides = array<i32>} : memref<40x144xf32, #tpu.memory_space<vmem>>, vector<1x16xf32>,
            %swap3A_312 = vector.shape_cast %swap3A_311 : vector<1x16xf32> to vector<16xf32>
            %swap3A_313 = vector.shape_cast %mul3A_308 : vector<16xf32> to vector<1x16xf32>
            tpu.vector_store %arg13[%swap3A_309, %swap3A_310], %swap3A_313 {strides = array<i32>} : memref<40x144xf32, #tpu.memory_space<vmem>>, vector<1x16xf32>,
            %get3A_314 = arith.index_cast %add3A_203 : i32 to index
            %get3A_315 = arith.constant 128 : index
            %get3A_316 = tpu.vector_load %arg13[%get3A_314, %get3A_315] {strides = array<i32>} : memref<40x144xf32, #tpu.memory_space<vmem>>, vector<1x16xf32>,
            %get3A_317 = vector.shape_cast %get3A_316 : vector<1x16xf32> to vector<16xf32>
            %get3A_318 = arith.index_cast %add3A_203 : i32 to index
            %get3A_319 = arith.constant 16 : index
            %get3A_320 = tpu.vector_load %arg15[%get3A_318, %get3A_319] {strides = array<i32>} : memref<40x128xf32, #tpu.memory_space<vmem>>, vector<1x16xf32>,
            %get3A_321 = vector.shape_cast %get3A_320 : vector<1x16xf32> to vector<16xf32>
            %mul3A_322 = arith.mulf %get3A_317, %get3A_321 : vector<16xf32>
            %swap3A_323 = arith.index_cast %add3A_203 : i32 to index
            %swap3A_324 = arith.constant 128 : index
            %swap3A_325 = tpu.vector_load %arg13[%swap3A_323, %swap3A_324] {strides = array<i32>} : memref<40x144xf32, #tpu.memory_space<vmem>>, vector<1x16xf32>,
            %swap3A_326 = vector.shape_cast %swap3A_325 : vector<1x16xf32> to vector<16xf32>
            %swap3A_327 = vector.shape_cast %mul3A_322 : vector<16xf32> to vector<1x16xf32>
            tpu.vector_store %arg13[%swap3A_323, %swap3A_324], %swap3A_327 {strides = array<i32>} : memref<40x144xf32, #tpu.memory_space<vmem>>, vector<1x16xf32>,
          }
          %scan3A_155 = arith.constant 40 : i32
          "tpu.region"() ({
            %run_scoped3A = tpu.sem_alloc : memref<!tpu.dma_semaphore, #tpu.memory_space<semaphore_mem>>
            %dma_start3A_199 = arith.constant 0 : i32
            %dma_start3A_200 = arith.constant 0 : i32
            %dma_start3A_201 = tpu.memref_slice %arg10[%dma_start3A_199, %dma_start3A_200] : memref<10240x144xf32, #tpu.memory_space<vmem_shared>> -> memref<10240x144xf32, #tpu.memory_space<vmem_shared>>
            tpu.enqueue_indirect_dma source(%arg13 : memref<40x144xf32, #tpu.memory_space<vmem>>) target(%dma_start3A_201 : memref<10240x144xf32, #tpu.memory_space<vmem_shared>>) offsets(%arg12 : memref<40xi32, #tpu.memory_space<vmem>>) semaphore(%run_scoped3A : memref<!tpu.dma_semaphore, #tpu.memory_space<semaphore_mem>>) {add = true}
            %dma_wait3A_202 = arith.constant 0 : i32
            %dma_wait3A_203 = arith.constant 0 : i32
            %dma_wait3A_204 = tpu.memref_slice %arg10[%dma_wait3A_202, %dma_wait3A_203] : memref<10240x144xf32, #tpu.memory_space<vmem_shared>> -> memref<10240x144xf32, #tpu.memory_space<vmem_shared>>
            tpu.wait_indirect_dma semaphore(%run_scoped3A : memref<!tpu.dma_semaphore, #tpu.memory_space<semaphore_mem>>) src(%arg13 : memref<40x144xf32, #tpu.memory_space<vmem>>) dst(%dma_wait3A_204 : memref<10240x144xf32, #tpu.memory_space<vmem_shared>>)
            tpu.yield
          }) : () -> ()
          %add3A_156 = arith.constant 1 : i32
          %add3A_157 = arith.addi %add3A_112, %add3A_156 : i32
          %add3A_158 = arith.constant 1 : i32
          %add3A_159 = arith.addi %add3A_157, %add3A_158 : i32
          %mul3A_160 = arith.constant 40 : i32
          %mul3A_161 = arith.muli %add3A_159, %mul3A_160 : i32
          %add3A_162 = arith.addi %add3A_34, %mul3A_161 : i32
          "tpu.region"() ({
            %run_scoped3A = tpu.sem_alloc : memref<!tpu.dma_semaphore, #tpu.memory_space<semaphore_mem>>
            %dma_start3A_199 = tpu.memref_slice %arg8[%add3A_162] : memref<160000xi32, #tpu.memory_space<hbm>> -> memref<40xi32, #tpu.memory_space<hbm>>
            %dma_start3A_200 = tpu.memref_slice %arg8[%add3A_162] : memref<160000xi32, #tpu.memory_space<hbm>> -> memref<40xi32, #tpu.memory_space<hbm>>
            tpu.enqueue_dma source(%dma_start3A_200 : memref<40xi32, #tpu.memory_space<hbm>>) target(%arg12 : memref<40xi32, #tpu.memory_space<vmem>>) target_semaphore(%run_scoped3A : memref<!tpu.dma_semaphore, #tpu.memory_space<semaphore_mem>>)
            %dma_wait3A_201 = tpu.memref_slice %arg8[%add3A_162] : memref<160000xi32, #tpu.memory_space<hbm>> -> memref<40xi32, #tpu.memory_space<hbm>>
            %dma_wait3A_202 = tpu.memref_slice %arg8[%add3A_162] : memref<160000xi32, #tpu.memory_space<hbm>> -> memref<40xi32, #tpu.memory_space<hbm>>
            tpu.wait_dma2 semaphore(%run_scoped3A : memref<!tpu.dma_semaphore, #tpu.memory_space<semaphore_mem>>) src(%dma_wait3A_202 : memref<40xi32, #tpu.memory_space<hbm>>) dst(%arg12 : memref<40xi32, #tpu.memory_space<vmem>>)
            tpu.yield
          }) : () -> ()
          %mul3A_163 = arith.constant 40 : i32
          %mul3A_164 = arith.muli %add3A_159, %mul3A_163 : i32
          %dma_start3A_165 = tpu.memref_slice %arg11[%mul3A_164] : memref<2000xi32, #tpu.memory_space<vmem>> -> memref<40xi32, #tpu.memory_space<vmem>>
          %dma_start3A_166 = arith.constant 0 : i32
          %dma_start3A_167 = arith.constant 0 : i32
          %dma_start3A_168 = tpu.memref_slice %arg3[%dma_start3A_166, %dma_start3A_167] : memref<10000x144xf32, #tpu.memory_space<hbm>> -> memref<10000x144xf32, #tpu.memory_space<hbm>>
          tpu.enqueue_indirect_dma source(%dma_start3A_168 : memref<10000x144xf32, #tpu.memory_space<hbm>>) target(%arg13 : memref<40x144xf32, #tpu.memory_space<vmem>>) offsets(%dma_start3A_165 : memref<40xi32, #tpu.memory_space<vmem>>) semaphore(%arg20 : memref<!tpu.dma_semaphore, #tpu.memory_space<semaphore_mem>>)
          %dma_start3A_169 = arith.constant 0 : i32
          %dma_start3A_170 = tpu.memref_slice %arg5[%add3A_162, %dma_start3A_169] : memref<160000x128xf32, #tpu.memory_space<hbm>> -> memref<40x128xf32, #tpu.memory_space<hbm>>
          %dma_start3A_171 = arith.constant 0 : i32
          %dma_start3A_172 = tpu.memref_slice %arg5[%add3A_162, %dma_start3A_171] : memref<160000x128xf32, #tpu.memory_space<hbm>> -> memref<40x128xf32, #tpu.memory_space<hbm>>
          tpu.enqueue_dma source(%dma_start3A_172 : memref<40x128xf32, #tpu.memory_space<hbm>>) target(%arg14 : memref<40x128xf32, #tpu.memory_space<vmem>>) target_semaphore(%arg21 : memref<!tpu.dma_semaphore, #tpu.memory_space<semaphore_mem>>)
          %dma_start3A_173 = arith.constant 0 : i32
          %dma_start3A_174 = tpu.memref_slice %arg6[%add3A_162, %dma_start3A_173] : memref<160000x128xf32, #tpu.memory_space<hbm>> -> memref<40x128xf32, #tpu.memory_space<hbm>>
          %dma_start3A_175 = arith.constant 0 : i32
          %dma_start3A_176 = tpu.memref_slice %arg6[%add3A_162, %dma_start3A_175] : memref<160000x128xf32, #tpu.memory_space<hbm>> -> memref<40x128xf32, #tpu.memory_space<hbm>>
          tpu.enqueue_dma source(%dma_start3A_176 : memref<40x128xf32, #tpu.memory_space<hbm>>) target(%arg15 : memref<40x128xf32, #tpu.memory_space<vmem>>) target_semaphore(%arg22 : memref<!tpu.dma_semaphore, #tpu.memory_space<semaphore_mem>>)
          %mul3A_177 = arith.constant 40 : i32
          %mul3A_178 = arith.muli %add3A_157, %mul3A_177 : i32
          %add3A_179 = arith.addi %add3A_34, %mul3A_178 : i32
          %mul3A_180 = arith.constant 40 : i32
          %mul3A_181 = arith.muli %add3A_157, %mul3A_180 : i32
          %dma_wait3A_182 = tpu.memref_slice %arg11[%mul3A_181] : memref<2000xi32, #tpu.memory_space<vmem>> -> memref<40xi32, #tpu.memory_space<vmem>>
          %dma_wait3A_183 = arith.constant 0 : i32
          %dma_wait3A_184 = arith.constant 0 : i32
          %dma_wait3A_185 = tpu.memref_slice %arg3[%dma_wait3A_183, %dma_wait3A_184] : memref<10000x144xf32, #tpu.memory_space<hbm>> -> memref<10000x144xf32, #tpu.memory_space<hbm>>
          tpu.wait_indirect_dma semaphore(%arg23 : memref<!tpu.dma_semaphore, #tpu.memory_space<semaphore_mem>>) src(%dma_wait3A_185 : memref<10000x144xf32, #tpu.memory_space<hbm>>) dst(%arg17 : memref<40x144xf32, #tpu.memory_space<vmem>>)
          %dma_wait3A_186 = arith.constant 0 : i32
          %dma_wait3A_187 = tpu.memref_slice %arg5[%add3A_179, %dma_wait3A_186] : memref<160000x128xf32, #tpu.memory_space<hbm>> -> memref<40x128xf32, #tpu.memory_space<hbm>>
          %dma_wait3A_188 = arith.constant 0 : i32
          %dma_wait3A_189 = tpu.memref_slice %arg5[%add3A_179, %dma_wait3A_188] : memref<160000x128xf32, #tpu.memory_space<hbm>> -> memref<40x128xf32, #tpu.memory_space<hbm>>
          tpu.wait_dma2 semaphore(%arg24 : memref<!tpu.dma_semaphore, #tpu.memory_space<semaphore_mem>>) src(%dma_wait3A_189 : memref<40x128xf32, #tpu.memory_space<hbm>>) dst(%arg18 : memref<40x128xf32, #tpu.memory_space<vmem>>)
          %dma_wait3A_190 = arith.constant 0 : i32
          %dma_wait3A_191 = tpu.memref_slice %arg6[%add3A_179, %dma_wait3A_190] : memref<160000x128xf32, #tpu.memory_space<hbm>> -> memref<40x128xf32, #tpu.memory_space<hbm>>
          %dma_wait3A_192 = arith.constant 0 : i32
          %dma_wait3A_193 = tpu.memref_slice %arg6[%add3A_179, %dma_wait3A_192] : memref<160000x128xf32, #tpu.memory_space<hbm>> -> memref<40x128xf32, #tpu.memory_space<hbm>>
          tpu.wait_dma2 semaphore(%arg25 : memref<!tpu.dma_semaphore, #tpu.memory_space<semaphore_mem>>) src(%dma_wait3A_193 : memref<40x128xf32, #tpu.memory_space<hbm>>) dst(%arg19 : memref<40x128xf32, #tpu.memory_space<vmem>>)
          %scan3A_194 = arith.constant 0 : i32
          %scan3A_195 = arith.constant 40 : i32
          %scan3A_196 = arith.addi %scan3A_194, %scan3A_195 : i32
          %scan3A_197 = arith.constant 1 : i32
          scf.for %scan3A_199 = %scan3A_194 to %scan3A_196 step %scan3A_197  : i32 {
            %mul3A_200 = arith.constant 1 : i32
            %mul3A_201 = arith.muli %scan3A_199, %mul3A_200 : i32
            %add3A_202 = arith.constant 0 : i32
            %add3A_203 = arith.addi %add3A_202, %mul3A_201 : i32
            %get3A = arith.index_cast %add3A_203 : i32 to index
            %get3A_204 = arith.constant 0 : index
            %get3A_205 = tpu.vector_load %arg17[%get3A, %get3A_204] {strides = array<i32>} : memref<40x144xf32, #tpu.memory_space<vmem>>, vector<1x16xf32>,
            %get3A_206 = vector.shape_cast %get3A_205 : vector<1x16xf32> to vector<16xf32>
            %get3A_207 = arith.index_cast %add3A_203 : i32 to index
            %get3A_208 = arith.constant 16 : index
            %get3A_209 = tpu.vector_load %arg18[%get3A_207, %get3A_208] {strides = array<i32>} : memref<40x128xf32, #tpu.memory_space<vmem>>, vector<1x16xf32>,
            %get3A_210 = vector.shape_cast %get3A_209 : vector<1x16xf32> to vector<16xf32>
            %mul3A_211 = arith.mulf %get3A_206, %get3A_210 : vector<16xf32>
            %swap3A = arith.index_cast %add3A_203 : i32 to index
            %swap3A_212 = arith.constant 0 : index
            %swap3A_213 = tpu.vector_load %arg17[%swap3A, %swap3A_212] {strides = array<i32>} : memref<40x144xf32, #tpu.memory_space<vmem>>, vector<1x16xf32>,
            %swap3A_214 = vector.shape_cast %swap3A_213 : vector<1x16xf32> to vector<16xf32>
            %swap3A_215 = vector.shape_cast %mul3A_211 : vector<16xf32> to vector<1x16xf32>
            tpu.vector_store %arg17[%swap3A, %swap3A_212], %swap3A_215 {strides = array<i32>} : memref<40x144xf32, #tpu.memory_space<vmem>>, vector<1x16xf32>,
            %get3A_216 = arith.index_cast %add3A_203 : i32 to index
            %get3A_217 = arith.constant 16 : index
            %get3A_218 = tpu.vector_load %arg17[%get3A_216, %get3A_217] {strides = array<i32>} : memref<40x144xf32, #tpu.memory_space<vmem>>, vector<1x16xf32>,
            %get3A_219 = vector.shape_cast %get3A_218 : vector<1x16xf32> to vector<16xf32>
            %get3A_220 = arith.index_cast %add3A_203 : i32 to index
            %get3A_221 = arith.constant 32 : index
            %get3A_222 = tpu.vector_load %arg18[%get3A_220, %get3A_221] {strides = array<i32>} : memref<40x128xf32, #tpu.memory_space<vmem>>, vector<1x16xf32>,
            %get3A_223 = vector.shape_cast %get3A_222 : vector<1x16xf32> to vector<16xf32>
            %mul3A_224 = arith.mulf %get3A_219, %get3A_223 : vector<16xf32>
            %swap3A_225 = arith.index_cast %add3A_203 : i32 to index
            %swap3A_226 = arith.constant 16 : index
            %swap3A_227 = tpu.vector_load %arg17[%swap3A_225, %swap3A_226] {strides = array<i32>} : memref<40x144xf32, #tpu.memory_space<vmem>>, vector<1x16xf32>,
            %swap3A_228 = vector.shape_cast %swap3A_227 : vector<1x16xf32> to vector<16xf32>
            %swap3A_229 = vector.shape_cast %mul3A_224 : vector<16xf32> to vector<1x16xf32>
            tpu.vector_store %arg17[%swap3A_225, %swap3A_226], %swap3A_229 {strides = array<i32>} : memref<40x144xf32, #tpu.memory_space<vmem>>, vector<1x16xf32>,
            %get3A_230 = arith.index_cast %add3A_203 : i32 to index
            %get3A_231 = arith.constant 32 : index
            %get3A_232 = tpu.vector_load %arg17[%get3A_230, %get3A_231] {strides = array<i32>} : memref<40x144xf32, #tpu.memory_space<vmem>>, vector<1x16xf32>,
            %get3A_233 = vector.shape_cast %get3A_232 : vector<1x16xf32> to vector<16xf32>
            %get3A_234 = arith.index_cast %add3A_203 : i32 to index
            %get3A_235 = arith.constant 48 : index
            %get3A_236 = tpu.vector_load %arg18[%get3A_234, %get3A_235] {strides = array<i32>} : memref<40x128xf32, #tpu.memory_space<vmem>>, vector<1x16xf32>,
            %get3A_237 = vector.shape_cast %get3A_236 : vector<1x16xf32> to vector<16xf32>
            %mul3A_238 = arith.mulf %get3A_233, %get3A_237 : vector<16xf32>
            %swap3A_239 = arith.index_cast %add3A_203 : i32 to index
            %swap3A_240 = arith.constant 32 : index
            %swap3A_241 = tpu.vector_load %arg17[%swap3A_239, %swap3A_240] {strides = array<i32>} : memref<40x144xf32, #tpu.memory_space<vmem>>, vector<1x16xf32>,
            %swap3A_242 = vector.shape_cast %swap3A_241 : vector<1x16xf32> to vector<16xf32>
            %swap3A_243 = vector.shape_cast %mul3A_238 : vector<16xf32> to vector<1x16xf32>
            tpu.vector_store %arg17[%swap3A_239, %swap3A_240], %swap3A_243 {strides = array<i32>} : memref<40x144xf32, #tpu.memory_space<vmem>>, vector<1x16xf32>,
            %get3A_244 = arith.index_cast %add3A_203 : i32 to index
            %get3A_245 = arith.constant 48 : index
            %get3A_246 = tpu.vector_load %arg17[%get3A_244, %get3A_245] {strides = array<i32>} : memref<40x144xf32, #tpu.memory_space<vmem>>, vector<1x16xf32>,
            %get3A_247 = vector.shape_cast %get3A_246 : vector<1x16xf32> to vector<16xf32>
            %get3A_248 = arith.index_cast %add3A_203 : i32 to index
            %get3A_249 = arith.constant 64 : index
            %get3A_250 = tpu.vector_load %arg18[%get3A_248, %get3A_249] {strides = array<i32>} : memref<40x128xf32, #tpu.memory_space<vmem>>, vector<1x16xf32>,
            %get3A_251 = vector.shape_cast %get3A_250 : vector<1x16xf32> to vector<16xf32>
            %mul3A_252 = arith.mulf %get3A_247, %get3A_251 : vector<16xf32>
            %swap3A_253 = arith.index_cast %add3A_203 : i32 to index
            %swap3A_254 = arith.constant 48 : index
            %swap3A_255 = tpu.vector_load %arg17[%swap3A_253, %swap3A_254] {strides = array<i32>} : memref<40x144xf32, #tpu.memory_space<vmem>>, vector<1x16xf32>,
            %swap3A_256 = vector.shape_cast %swap3A_255 : vector<1x16xf32> to vector<16xf32>
            %swap3A_257 = vector.shape_cast %mul3A_252 : vector<16xf32> to vector<1x16xf32>
            tpu.vector_store %arg17[%swap3A_253, %swap3A_254], %swap3A_257 {strides = array<i32>} : memref<40x144xf32, #tpu.memory_space<vmem>>, vector<1x16xf32>,
            %get3A_258 = arith.index_cast %add3A_203 : i32 to index
            %get3A_259 = arith.constant 64 : index
            %get3A_260 = tpu.vector_load %arg17[%get3A_258, %get3A_259] {strides = array<i32>} : memref<40x144xf32, #tpu.memory_space<vmem>>, vector<1x16xf32>,
            %get3A_261 = vector.shape_cast %get3A_260 : vector<1x16xf32> to vector<16xf32>
            %get3A_262 = arith.index_cast %add3A_203 : i32 to index
            %get3A_263 = arith.constant 80 : index
            %get3A_264 = tpu.vector_load %arg18[%get3A_262, %get3A_263] {strides = array<i32>} : memref<40x128xf32, #tpu.memory_space<vmem>>, vector<1x16xf32>,
            %get3A_265 = vector.shape_cast %get3A_264 : vector<1x16xf32> to vector<16xf32>
            %mul3A_266 = arith.mulf %get3A_261, %get3A_265 : vector<16xf32>
            %swap3A_267 = arith.index_cast %add3A_203 : i32 to index
            %swap3A_268 = arith.constant 64 : index
            %swap3A_269 = tpu.vector_load %arg17[%swap3A_267, %swap3A_268] {strides = array<i32>} : memref<40x144xf32, #tpu.memory_space<vmem>>, vector<1x16xf32>,
            %swap3A_270 = vector.shape_cast %swap3A_269 : vector<1x16xf32> to vector<16xf32>
            %swap3A_271 = vector.shape_cast %mul3A_266 : vector<16xf32> to vector<1x16xf32>
            tpu.vector_store %arg17[%swap3A_267, %swap3A_268], %swap3A_271 {strides = array<i32>} : memref<40x144xf32, #tpu.memory_space<vmem>>, vector<1x16xf32>,
            %get3A_272 = arith.index_cast %add3A_203 : i32 to index
            %get3A_273 = arith.constant 80 : index
            %get3A_274 = tpu.vector_load %arg17[%get3A_272, %get3A_273] {strides = array<i32>} : memref<40x144xf32, #tpu.memory_space<vmem>>, vector<1x16xf32>,
            %get3A_275 = vector.shape_cast %get3A_274 : vector<1x16xf32> to vector<16xf32>
            %get3A_276 = arith.index_cast %add3A_203 : i32 to index
            %get3A_277 = arith.constant 96 : index
            %get3A_278 = tpu.vector_load %arg18[%get3A_276, %get3A_277] {strides = array<i32>} : memref<40x128xf32, #tpu.memory_space<vmem>>, vector<1x16xf32>,
            %get3A_279 = vector.shape_cast %get3A_278 : vector<1x16xf32> to vector<16xf32>
            %mul3A_280 = arith.mulf %get3A_275, %get3A_279 : vector<16xf32>
            %swap3A_281 = arith.index_cast %add3A_203 : i32 to index
            %swap3A_282 = arith.constant 80 : index
            %swap3A_283 = tpu.vector_load %arg17[%swap3A_281, %swap3A_282] {strides = array<i32>} : memref<40x144xf32, #tpu.memory_space<vmem>>, vector<1x16xf32>,
            %swap3A_284 = vector.shape_cast %swap3A_283 : vector<1x16xf32> to vector<16xf32>
            %swap3A_285 = vector.shape_cast %mul3A_280 : vector<16xf32> to vector<1x16xf32>
            tpu.vector_store %arg17[%swap3A_281, %swap3A_282], %swap3A_285 {strides = array<i32>} : memref<40x144xf32, #tpu.memory_space<vmem>>, vector<1x16xf32>,
            %get3A_286 = arith.index_cast %add3A_203 : i32 to index
            %get3A_287 = arith.constant 96 : index
            %get3A_288 = tpu.vector_load %arg17[%get3A_286, %get3A_287] {strides = array<i32>} : memref<40x144xf32, #tpu.memory_space<vmem>>, vector<1x16xf32>,
            %get3A_289 = vector.shape_cast %get3A_288 : vector<1x16xf32> to vector<16xf32>
            %get3A_290 = arith.index_cast %add3A_203 : i32 to index
            %get3A_291 = arith.constant 112 : index
            %get3A_292 = tpu.vector_load %arg18[%get3A_290, %get3A_291] {strides = array<i32>} : memref<40x128xf32, #tpu.memory_space<vmem>>, vector<1x16xf32>,
            %get3A_293 = vector.shape_cast %get3A_292 : vector<1x16xf32> to vector<16xf32>
            %mul3A_294 = arith.mulf %get3A_289, %get3A_293 : vector<16xf32>
            %swap3A_295 = arith.index_cast %add3A_203 : i32 to index
            %swap3A_296 = arith.constant 96 : index
            %swap3A_297 = tpu.vector_load %arg17[%swap3A_295, %swap3A_296] {strides = array<i32>} : memref<40x144xf32, #tpu.memory_space<vmem>>, vector<1x16xf32>,
            %swap3A_298 = vector.shape_cast %swap3A_297 : vector<1x16xf32> to vector<16xf32>
            %swap3A_299 = vector.shape_cast %mul3A_294 : vector<16xf32> to vector<1x16xf32>
            tpu.vector_store %arg17[%swap3A_295, %swap3A_296], %swap3A_299 {strides = array<i32>} : memref<40x144xf32, #tpu.memory_space<vmem>>, vector<1x16xf32>,
            %get3A_300 = arith.index_cast %add3A_203 : i32 to index
            %get3A_301 = arith.constant 112 : index
            %get3A_302 = tpu.vector_load %arg17[%get3A_300, %get3A_301] {strides = array<i32>} : memref<40x144xf32, #tpu.memory_space<vmem>>, vector<1x16xf32>,
            %get3A_303 = vector.shape_cast %get3A_302 : vector<1x16xf32> to vector<16xf32>
            %get3A_304 = arith.index_cast %add3A_203 : i32 to index
            %get3A_305 = arith.constant 0 : index
            %get3A_306 = tpu.vector_load %arg19[%get3A_304, %get3A_305] {strides = array<i32>} : memref<40x128xf32, #tpu.memory_space<vmem>>, vector<1x16xf32>,
            %get3A_307 = vector.shape_cast %get3A_306 : vector<1x16xf32> to vector<16xf32>
            %mul3A_308 = arith.mulf %get3A_303, %get3A_307 : vector<16xf32>
            %swap3A_309 = arith.index_cast %add3A_203 : i32 to index
            %swap3A_310 = arith.constant 112 : index
            %swap3A_311 = tpu.vector_load %arg17[%swap3A_309, %swap3A_310] {strides = array<i32>} : memref<40x144xf32, #tpu.memory_space<vmem>>, vector<1x16xf32>,
            %swap3A_312 = vector.shape_cast %swap3A_311 : vector<1x16xf32> to vector<16xf32>
            %swap3A_313 = vector.shape_cast %mul3A_308 : vector<16xf32> to vector<1x16xf32>
            tpu.vector_store %arg17[%swap3A_309, %swap3A_310], %swap3A_313 {strides = array<i32>} : memref<40x144xf32, #tpu.memory_space<vmem>>, vector<1x16xf32>,
            %get3A_314 = arith.index_cast %add3A_203 : i32 to index
            %get3A_315 = arith.constant 128 : index
            %get3A_316 = tpu.vector_load %arg17[%get3A_314, %get3A_315] {strides = array<i32>} : memref<40x144xf32, #tpu.memory_space<vmem>>, vector<1x16xf32>,
            %get3A_317 = vector.shape_cast %get3A_316 : vector<1x16xf32> to vector<16xf32>
            %get3A_318 = arith.index_cast %add3A_203 : i32 to index
            %get3A_319 = arith.constant 16 : index
            %get3A_320 = tpu.vector_load %arg19[%get3A_318, %get3A_319] {strides = array<i32>} : memref<40x128xf32, #tpu.memory_space<vmem>>, vector<1x16xf32>,
            %get3A_321 = vector.shape_cast %get3A_320 : vector<1x16xf32> to vector<16xf32>
            %mul3A_322 = arith.mulf %get3A_317, %get3A_321 : vector<16xf32>
            %swap3A_323 = arith.index_cast %add3A_203 : i32 to index
            %swap3A_324 = arith.constant 128 : index
            %swap3A_325 = tpu.vector_load %arg17[%swap3A_323, %swap3A_324] {strides = array<i32>} : memref<40x144xf32, #tpu.memory_space<vmem>>, vector<1x16xf32>,
            %swap3A_326 = vector.shape_cast %swap3A_325 : vector<1x16xf32> to vector<16xf32>
            %swap3A_327 = vector.shape_cast %mul3A_322 : vector<16xf32> to vector<1x16xf32>
            tpu.vector_store %arg17[%swap3A_323, %swap3A_324], %swap3A_327 {strides = array<i32>} : memref<40x144xf32, #tpu.memory_space<vmem>>, vector<1x16xf32>,
          }
          %scan3A_198 = arith.constant 40 : i32
          "tpu.region"() ({
            %run_scoped3A = tpu.sem_alloc : memref<!tpu.dma_semaphore, #tpu.memory_space<semaphore_mem>>
            %dma_start3A_199 = arith.constant 0 : i32
            %dma_start3A_200 = arith.constant 0 : i32
            %dma_start3A_201 = tpu.memref_slice %arg10[%dma_start3A_199, %dma_start3A_200] : memref<10240x144xf32, #tpu.memory_space<vmem_shared>> -> memref<10240x144xf32, #tpu.memory_space<vmem_shared>>
            tpu.enqueue_indirect_dma source(%arg17 : memref<40x144xf32, #tpu.memory_space<vmem>>) target(%dma_start3A_201 : memref<10240x144xf32, #tpu.memory_space<vmem_shared>>) offsets(%arg16 : memref<40xi32, #tpu.memory_space<vmem>>) semaphore(%run_scoped3A : memref<!tpu.dma_semaphore, #tpu.memory_space<semaphore_mem>>) {add = true}
            %dma_wait3A_202 = arith.constant 0 : i32
            %dma_wait3A_203 = arith.constant 0 : i32
            %dma_wait3A_204 = tpu.memref_slice %arg10[%dma_wait3A_202, %dma_wait3A_203] : memref<10240x144xf32, #tpu.memory_space<vmem_shared>> -> memref<10240x144xf32, #tpu.memory_space<vmem_shared>>
            tpu.wait_indirect_dma semaphore(%run_scoped3A : memref<!tpu.dma_semaphore, #tpu.memory_space<semaphore_mem>>) src(%arg17 : memref<40x144xf32, #tpu.memory_space<vmem>>) dst(%dma_wait3A_204 : memref<10240x144xf32, #tpu.memory_space<vmem_shared>>)
            tpu.yield
          }) : () -> ()
        }
        %scan3A_53 = arith.constant 24 : i32
        %add3A_54 = arith.constant 1960 : i32
        %add3A_55 = arith.addi %add3A_34, %add3A_54 : i32
        "tpu.region"() ({
          %run_scoped3A = tpu.sem_alloc : memref<!tpu.dma_semaphore, #tpu.memory_space<semaphore_mem>>
          %dma_start3A_108 = tpu.memref_slice %arg8[%add3A_55] : memref<160000xi32, #tpu.memory_space<hbm>> -> memref<40xi32, #tpu.memory_space<hbm>>
          %dma_start3A_109 = tpu.memref_slice %arg8[%add3A_55] : memref<160000xi32, #tpu.memory_space<hbm>> -> memref<40xi32, #tpu.memory_space<hbm>>
          tpu.enqueue_dma source(%dma_start3A_109 : memref<40xi32, #tpu.memory_space<hbm>>) target(%arg16 : memref<40xi32, #tpu.memory_space<vmem>>) target_semaphore(%run_scoped3A : memref<!tpu.dma_semaphore, #tpu.memory_space<semaphore_mem>>)
          %dma_wait3A_110 = tpu.memref_slice %arg8[%add3A_55] : memref<160000xi32, #tpu.memory_space<hbm>> -> memref<40xi32, #tpu.memory_space<hbm>>
          %dma_wait3A_111 = tpu.memref_slice %arg8[%add3A_55] : memref<160000xi32, #tpu.memory_space<hbm>> -> memref<40xi32, #tpu.memory_space<hbm>>
          tpu.wait_dma2 semaphore(%run_scoped3A : memref<!tpu.dma_semaphore, #tpu.memory_space<semaphore_mem>>) src(%dma_wait3A_111 : memref<40xi32, #tpu.memory_space<hbm>>) dst(%arg16 : memref<40xi32, #tpu.memory_space<vmem>>)
          tpu.yield
        }) : () -> ()
        %dma_start3A_56 = arith.constant 1960 : i32
        %dma_start3A_57 = tpu.memref_slice %arg11[%dma_start3A_56] : memref<2000xi32, #tpu.memory_space<vmem>> -> memref<40xi32, #tpu.memory_space<vmem>>
        %dma_start3A_58 = arith.constant 0 : i32
        %dma_start3A_59 = arith.constant 0 : i32
        %dma_start3A_60 = tpu.memref_slice %arg3[%dma_start3A_58, %dma_start3A_59] : memref<10000x144xf32, #tpu.memory_space<hbm>> -> memref<10000x144xf32, #tpu.memory_space<hbm>>
        tpu.enqueue_indirect_dma source(%dma_start3A_60 : memref<10000x144xf32, #tpu.memory_space<hbm>>) target(%arg17 : memref<40x144xf32, #tpu.memory_space<vmem>>) offsets(%dma_start3A_57 : memref<40xi32, #tpu.memory_space<vmem>>) semaphore(%arg23 : memref<!tpu.dma_semaphore, #tpu.memory_space<semaphore_mem>>)
        %dma_start3A_61 = arith.constant 0 : i32
        %dma_start3A_62 = tpu.memref_slice %arg5[%add3A_55, %dma_start3A_61] : memref<160000x128xf32, #tpu.memory_space<hbm>> -> memref<40x128xf32, #tpu.memory_space<hbm>>
        %dma_start3A_63 = arith.constant 0 : i32
        %dma_start3A_64 = tpu.memref_slice %arg5[%add3A_55, %dma_start3A_63] : memref<160000x128xf32, #tpu.memory_space<hbm>> -> memref<40x128xf32, #tpu.memory_space<hbm>>
        tpu.enqueue_dma source(%dma_start3A_64 : memref<40x128xf32, #tpu.memory_space<hbm>>) target(%arg18 : memref<40x128xf32, #tpu.memory_space<vmem>>) target_semaphore(%arg24 : memref<!tpu.dma_semaphore, #tpu.memory_space<semaphore_mem>>)
        %dma_start3A_65 = arith.constant 0 : i32
        %dma_start3A_66 = tpu.memref_slice %arg6[%add3A_55, %dma_start3A_65] : memref<160000x128xf32, #tpu.memory_space<hbm>> -> memref<40x128xf32, #tpu.memory_space<hbm>>
        %dma_start3A_67 = arith.constant 0 : i32
        %dma_start3A_68 = tpu.memref_slice %arg6[%add3A_55, %dma_start3A_67] : memref<160000x128xf32, #tpu.memory_space<hbm>> -> memref<40x128xf32, #tpu.memory_space<hbm>>
        tpu.enqueue_dma source(%dma_start3A_68 : memref<40x128xf32, #tpu.memory_space<hbm>>) target(%arg19 : memref<40x128xf32, #tpu.memory_space<vmem>>) target_semaphore(%arg25 : memref<!tpu.dma_semaphore, #tpu.memory_space<semaphore_mem>>)
        %add3A_69 = arith.constant 1920 : i32
        %add3A_70 = arith.addi %add3A_34, %add3A_69 : i32
        %dma_wait3A = arith.constant 1920 : i32
        %dma_wait3A_71 = tpu.memref_slice %arg11[%dma_wait3A] : memref<2000xi32, #tpu.memory_space<vmem>> -> memref<40xi32, #tpu.memory_space<vmem>>
        %dma_wait3A_72 = arith.constant 0 : i32
        %dma_wait3A_73 = arith.constant 0 : i32
        %dma_wait3A_74 = tpu.memref_slice %arg3[%dma_wait3A_72, %dma_wait3A_73] : memref<10000x144xf32, #tpu.memory_space<hbm>> -> memref<10000x144xf32, #tpu.memory_space<hbm>>
        tpu.wait_indirect_dma semaphore(%arg20 : memref<!tpu.dma_semaphore, #tpu.memory_space<semaphore_mem>>) src(%dma_wait3A_74 : memref<10000x144xf32, #tpu.memory_space<hbm>>) dst(%arg13 : memref<40x144xf32, #tpu.memory_space<vmem>>)
        %dma_wait3A_75 = arith.constant 0 : i32
        %dma_wait3A_76 = tpu.memref_slice %arg5[%add3A_70, %dma_wait3A_75] : memref<160000x128xf32, #tpu.memory_space<hbm>> -> memref<40x128xf32, #tpu.memory_space<hbm>>
        %dma_wait3A_77 = arith.constant 0 : i32
        %dma_wait3A_78 = tpu.memref_slice %arg5[%add3A_70, %dma_wait3A_77] : memref<160000x128xf32, #tpu.memory_space<hbm>> -> memref<40x128xf32, #tpu.memory_space<hbm>>
        tpu.wait_dma2 semaphore(%arg21 : memref<!tpu.dma_semaphore, #tpu.memory_space<semaphore_mem>>) src(%dma_wait3A_78 : memref<40x128xf32, #tpu.memory_space<hbm>>) dst(%arg14 : memref<40x128xf32, #tpu.memory_space<vmem>>)
        %dma_wait3A_79 = arith.constant 0 : i32
        %dma_wait3A_80 = tpu.memref_slice %arg6[%add3A_70, %dma_wait3A_79] : memref<160000x128xf32, #tpu.memory_space<hbm>> -> memref<40x128xf32, #tpu.memory_space<hbm>>
        %dma_wait3A_81 = arith.constant 0 : i32
        %dma_wait3A_82 = tpu.memref_slice %arg6[%add3A_70, %dma_wait3A_81] : memref<160000x128xf32, #tpu.memory_space<hbm>> -> memref<40x128xf32, #tpu.memory_space<hbm>>
        tpu.wait_dma2 semaphore(%arg22 : memref<!tpu.dma_semaphore, #tpu.memory_space<semaphore_mem>>) src(%dma_wait3A_82 : memref<40x128xf32, #tpu.memory_space<hbm>>) dst(%arg15 : memref<40x128xf32, #tpu.memory_space<vmem>>)
        %scan3A_83 = arith.constant 0 : i32
        %scan3A_84 = arith.constant 40 : i32
        %scan3A_85 = arith.addi %scan3A_83, %scan3A_84 : i32
        %scan3A_86 = arith.constant 1 : i32
        scf.for %scan3A_108 = %scan3A_83 to %scan3A_85 step %scan3A_86  : i32 {
          %mul3A_109 = arith.constant 1 : i32
          %mul3A_110 = arith.muli %scan3A_108, %mul3A_109 : i32
          %add3A_111 = arith.constant 0 : i32
          %add3A_112 = arith.addi %add3A_111, %mul3A_110 : i32
          %get3A = arith.index_cast %add3A_112 : i32 to index
          %get3A_113 = arith.constant 0 : index
          %get3A_114 = tpu.vector_load %arg13[%get3A, %get3A_113] {strides = array<i32>} : memref<40x144xf32, #tpu.memory_space<vmem>>, vector<1x16xf32>,
          %get3A_115 = vector.shape_cast %get3A_114 : vector<1x16xf32> to vector<16xf32>
          %get3A_116 = arith.index_cast %add3A_112 : i32 to index
          %get3A_117 = arith.constant 16 : index
          %get3A_118 = tpu.vector_load %arg14[%get3A_116, %get3A_117] {strides = array<i32>} : memref<40x128xf32, #tpu.memory_space<vmem>>, vector<1x16xf32>,
          %get3A_119 = vector.shape_cast %get3A_118 : vector<1x16xf32> to vector<16xf32>
          %mul3A_120 = arith.mulf %get3A_115, %get3A_119 : vector<16xf32>
          %swap3A = arith.index_cast %add3A_112 : i32 to index
          %swap3A_121 = arith.constant 0 : index
          %swap3A_122 = tpu.vector_load %arg13[%swap3A, %swap3A_121] {strides = array<i32>} : memref<40x144xf32, #tpu.memory_space<vmem>>, vector<1x16xf32>,
          %swap3A_123 = vector.shape_cast %swap3A_122 : vector<1x16xf32> to vector<16xf32>
          %swap3A_124 = vector.shape_cast %mul3A_120 : vector<16xf32> to vector<1x16xf32>
          tpu.vector_store %arg13[%swap3A, %swap3A_121], %swap3A_124 {strides = array<i32>} : memref<40x144xf32, #tpu.memory_space<vmem>>, vector<1x16xf32>,
          %get3A_125 = arith.index_cast %add3A_112 : i32 to index
          %get3A_126 = arith.constant 16 : index
          %get3A_127 = tpu.vector_load %arg13[%get3A_125, %get3A_126] {strides = array<i32>} : memref<40x144xf32, #tpu.memory_space<vmem>>, vector<1x16xf32>,
          %get3A_128 = vector.shape_cast %get3A_127 : vector<1x16xf32> to vector<16xf32>
          %get3A_129 = arith.index_cast %add3A_112 : i32 to index
          %get3A_130 = arith.constant 32 : index
          %get3A_131 = tpu.vector_load %arg14[%get3A_129, %get3A_130] {strides = array<i32>} : memref<40x128xf32, #tpu.memory_space<vmem>>, vector<1x16xf32>,
          %get3A_132 = vector.shape_cast %get3A_131 : vector<1x16xf32> to vector<16xf32>
          %mul3A_133 = arith.mulf %get3A_128, %get3A_132 : vector<16xf32>
          %swap3A_134 = arith.index_cast %add3A_112 : i32 to index
          %swap3A_135 = arith.constant 16 : index
          %swap3A_136 = tpu.vector_load %arg13[%swap3A_134, %swap3A_135] {strides = array<i32>} : memref<40x144xf32, #tpu.memory_space<vmem>>, vector<1x16xf32>,
          %swap3A_137 = vector.shape_cast %swap3A_136 : vector<1x16xf32> to vector<16xf32>
          %swap3A_138 = vector.shape_cast %mul3A_133 : vector<16xf32> to vector<1x16xf32>
          tpu.vector_store %arg13[%swap3A_134, %swap3A_135], %swap3A_138 {strides = array<i32>} : memref<40x144xf32, #tpu.memory_space<vmem>>, vector<1x16xf32>,
          %get3A_139 = arith.index_cast %add3A_112 : i32 to index
          %get3A_140 = arith.constant 32 : index
          %get3A_141 = tpu.vector_load %arg13[%get3A_139, %get3A_140] {strides = array<i32>} : memref<40x144xf32, #tpu.memory_space<vmem>>, vector<1x16xf32>,
          %get3A_142 = vector.shape_cast %get3A_141 : vector<1x16xf32> to vector<16xf32>
          %get3A_143 = arith.index_cast %add3A_112 : i32 to index
          %get3A_144 = arith.constant 48 : index
          %get3A_145 = tpu.vector_load %arg14[%get3A_143, %get3A_144] {strides = array<i32>} : memref<40x128xf32, #tpu.memory_space<vmem>>, vector<1x16xf32>,
          %get3A_146 = vector.shape_cast %get3A_145 : vector<1x16xf32> to vector<16xf32>
          %mul3A_147 = arith.mulf %get3A_142, %get3A_146 : vector<16xf32>
          %swap3A_148 = arith.index_cast %add3A_112 : i32 to index
          %swap3A_149 = arith.constant 32 : index
          %swap3A_150 = tpu.vector_load %arg13[%swap3A_148, %swap3A_149] {strides = array<i32>} : memref<40x144xf32, #tpu.memory_space<vmem>>, vector<1x16xf32>,
          %swap3A_151 = vector.shape_cast %swap3A_150 : vector<1x16xf32> to vector<16xf32>
          %swap3A_152 = vector.shape_cast %mul3A_147 : vector<16xf32> to vector<1x16xf32>
          tpu.vector_store %arg13[%swap3A_148, %swap3A_149], %swap3A_152 {strides = array<i32>} : memref<40x144xf32, #tpu.memory_space<vmem>>, vector<1x16xf32>,
          %get3A_153 = arith.index_cast %add3A_112 : i32 to index
          %get3A_154 = arith.constant 48 : index
          %get3A_155 = tpu.vector_load %arg13[%get3A_153, %get3A_154] {strides = array<i32>} : memref<40x144xf32, #tpu.memory_space<vmem>>, vector<1x16xf32>,
          %get3A_156 = vector.shape_cast %get3A_155 : vector<1x16xf32> to vector<16xf32>
          %get3A_157 = arith.index_cast %add3A_112 : i32 to index
          %get3A_158 = arith.constant 64 : index
          %get3A_159 = tpu.vector_load %arg14[%get3A_157, %get3A_158] {strides = array<i32>} : memref<40x128xf32, #tpu.memory_space<vmem>>, vector<1x16xf32>,
          %get3A_160 = vector.shape_cast %get3A_159 : vector<1x16xf32> to vector<16xf32>
          %mul3A_161 = arith.mulf %get3A_156, %get3A_160 : vector<16xf32>
          %swap3A_162 = arith.index_cast %add3A_112 : i32 to index
          %swap3A_163 = arith.constant 48 : index
          %swap3A_164 = tpu.vector_load %arg13[%swap3A_162, %swap3A_163] {strides = array<i32>} : memref<40x144xf32, #tpu.memory_space<vmem>>, vector<1x16xf32>,
          %swap3A_165 = vector.shape_cast %swap3A_164 : vector<1x16xf32> to vector<16xf32>
          %swap3A_166 = vector.shape_cast %mul3A_161 : vector<16xf32> to vector<1x16xf32>
          tpu.vector_store %arg13[%swap3A_162, %swap3A_163], %swap3A_166 {strides = array<i32>} : memref<40x144xf32, #tpu.memory_space<vmem>>, vector<1x16xf32>,
          %get3A_167 = arith.index_cast %add3A_112 : i32 to index
          %get3A_168 = arith.constant 64 : index
          %get3A_169 = tpu.vector_load %arg13[%get3A_167, %get3A_168] {strides = array<i32>} : memref<40x144xf32, #tpu.memory_space<vmem>>, vector<1x16xf32>,
          %get3A_170 = vector.shape_cast %get3A_169 : vector<1x16xf32> to vector<16xf32>
          %get3A_171 = arith.index_cast %add3A_112 : i32 to index
          %get3A_172 = arith.constant 80 : index
          %get3A_173 = tpu.vector_load %arg14[%get3A_171, %get3A_172] {strides = array<i32>} : memref<40x128xf32, #tpu.memory_space<vmem>>, vector<1x16xf32>,
          %get3A_174 = vector.shape_cast %get3A_173 : vector<1x16xf32> to vector<16xf32>
          %mul3A_175 = arith.mulf %get3A_170, %get3A_174 : vector<16xf32>
          %swap3A_176 = arith.index_cast %add3A_112 : i32 to index
          %swap3A_177 = arith.constant 64 : index
          %swap3A_178 = tpu.vector_load %arg13[%swap3A_176, %swap3A_177] {strides = array<i32>} : memref<40x144xf32, #tpu.memory_space<vmem>>, vector<1x16xf32>,
          %swap3A_179 = vector.shape_cast %swap3A_178 : vector<1x16xf32> to vector<16xf32>
          %swap3A_180 = vector.shape_cast %mul3A_175 : vector<16xf32> to vector<1x16xf32>
          tpu.vector_store %arg13[%swap3A_176, %swap3A_177], %swap3A_180 {strides = array<i32>} : memref<40x144xf32, #tpu.memory_space<vmem>>, vector<1x16xf32>,
          %get3A_181 = arith.index_cast %add3A_112 : i32 to index
          %get3A_182 = arith.constant 80 : index
          %get3A_183 = tpu.vector_load %arg13[%get3A_181, %get3A_182] {strides = array<i32>} : memref<40x144xf32, #tpu.memory_space<vmem>>, vector<1x16xf32>,
          %get3A_184 = vector.shape_cast %get3A_183 : vector<1x16xf32> to vector<16xf32>
          %get3A_185 = arith.index_cast %add3A_112 : i32 to index
          %get3A_186 = arith.constant 96 : index
          %get3A_187 = tpu.vector_load %arg14[%get3A_185, %get3A_186] {strides = array<i32>} : memref<40x128xf32, #tpu.memory_space<vmem>>, vector<1x16xf32>,
          %get3A_188 = vector.shape_cast %get3A_187 : vector<1x16xf32> to vector<16xf32>
          %mul3A_189 = arith.mulf %get3A_184, %get3A_188 : vector<16xf32>
          %swap3A_190 = arith.index_cast %add3A_112 : i32 to index
          %swap3A_191 = arith.constant 80 : index
          %swap3A_192 = tpu.vector_load %arg13[%swap3A_190, %swap3A_191] {strides = array<i32>} : memref<40x144xf32, #tpu.memory_space<vmem>>, vector<1x16xf32>,
          %swap3A_193 = vector.shape_cast %swap3A_192 : vector<1x16xf32> to vector<16xf32>
          %swap3A_194 = vector.shape_cast %mul3A_189 : vector<16xf32> to vector<1x16xf32>
          tpu.vector_store %arg13[%swap3A_190, %swap3A_191], %swap3A_194 {strides = array<i32>} : memref<40x144xf32, #tpu.memory_space<vmem>>, vector<1x16xf32>,
          %get3A_195 = arith.index_cast %add3A_112 : i32 to index
          %get3A_196 = arith.constant 96 : index
          %get3A_197 = tpu.vector_load %arg13[%get3A_195, %get3A_196] {strides = array<i32>} : memref<40x144xf32, #tpu.memory_space<vmem>>, vector<1x16xf32>,
          %get3A_198 = vector.shape_cast %get3A_197 : vector<1x16xf32> to vector<16xf32>
          %get3A_199 = arith.index_cast %add3A_112 : i32 to index
          %get3A_200 = arith.constant 112 : index
          %get3A_201 = tpu.vector_load %arg14[%get3A_199, %get3A_200] {strides = array<i32>} : memref<40x128xf32, #tpu.memory_space<vmem>>, vector<1x16xf32>,
          %get3A_202 = vector.shape_cast %get3A_201 : vector<1x16xf32> to vector<16xf32>
          %mul3A_203 = arith.mulf %get3A_198, %get3A_202 : vector<16xf32>
          %swap3A_204 = arith.index_cast %add3A_112 : i32 to index
          %swap3A_205 = arith.constant 96 : index
          %swap3A_206 = tpu.vector_load %arg13[%swap3A_204, %swap3A_205] {strides = array<i32>} : memref<40x144xf32, #tpu.memory_space<vmem>>, vector<1x16xf32>,
          %swap3A_207 = vector.shape_cast %swap3A_206 : vector<1x16xf32> to vector<16xf32>
          %swap3A_208 = vector.shape_cast %mul3A_203 : vector<16xf32> to vector<1x16xf32>
          tpu.vector_store %arg13[%swap3A_204, %swap3A_205], %swap3A_208 {strides = array<i32>} : memref<40x144xf32, #tpu.memory_space<vmem>>, vector<1x16xf32>,
          %get3A_209 = arith.index_cast %add3A_112 : i32 to index
          %get3A_210 = arith.constant 112 : index
          %get3A_211 = tpu.vector_load %arg13[%get3A_209, %get3A_210] {strides = array<i32>} : memref<40x144xf32, #tpu.memory_space<vmem>>, vector<1x16xf32>,
          %get3A_212 = vector.shape_cast %get3A_211 : vector<1x16xf32> to vector<16xf32>
          %get3A_213 = arith.index_cast %add3A_112 : i32 to index
          %get3A_214 = arith.constant 0 : index
          %get3A_215 = tpu.vector_load %arg15[%get3A_213, %get3A_214] {strides = array<i32>} : memref<40x128xf32, #tpu.memory_space<vmem>>, vector<1x16xf32>,
          %get3A_216 = vector.shape_cast %get3A_215 : vector<1x16xf32> to vector<16xf32>
          %mul3A_217 = arith.mulf %get3A_212, %get3A_216 : vector<16xf32>
          %swap3A_218 = arith.index_cast %add3A_112 : i32 to index
          %swap3A_219 = arith.constant 112 : index
          %swap3A_220 = tpu.vector_load %arg13[%swap3A_218, %swap3A_219] {strides = array<i32>} : memref<40x144xf32, #tpu.memory_space<vmem>>, vector<1x16xf32>,
          %swap3A_221 = vector.shape_cast %swap3A_220 : vector<1x16xf32> to vector<16xf32>
          %swap3A_222 = vector.shape_cast %mul3A_217 : vector<16xf32> to vector<1x16xf32>
          tpu.vector_store %arg13[%swap3A_218, %swap3A_219], %swap3A_222 {strides = array<i32>} : memref<40x144xf32, #tpu.memory_space<vmem>>, vector<1x16xf32>,
          %get3A_223 = arith.index_cast %add3A_112 : i32 to index
          %get3A_224 = arith.constant 128 : index
          %get3A_225 = tpu.vector_load %arg13[%get3A_223, %get3A_224] {strides = array<i32>} : memref<40x144xf32, #tpu.memory_space<vmem>>, vector<1x16xf32>,
          %get3A_226 = vector.shape_cast %get3A_225 : vector<1x16xf32> to vector<16xf32>
          %get3A_227 = arith.index_cast %add3A_112 : i32 to index
          %get3A_228 = arith.constant 16 : index
          %get3A_229 = tpu.vector_load %arg15[%get3A_227, %get3A_228] {strides = array<i32>} : memref<40x128xf32, #tpu.memory_space<vmem>>, vector<1x16xf32>,
          %get3A_230 = vector.shape_cast %get3A_229 : vector<1x16xf32> to vector<16xf32>
          %mul3A_231 = arith.mulf %get3A_226, %get3A_230 : vector<16xf32>
          %swap3A_232 = arith.index_cast %add3A_112 : i32 to index
          %swap3A_233 = arith.constant 128 : index
          %swap3A_234 = tpu.vector_load %arg13[%swap3A_232, %swap3A_233] {strides = array<i32>} : memref<40x144xf32, #tpu.memory_space<vmem>>, vector<1x16xf32>,
          %swap3A_235 = vector.shape_cast %swap3A_234 : vector<1x16xf32> to vector<16xf32>
          %swap3A_236 = vector.shape_cast %mul3A_231 : vector<16xf32> to vector<1x16xf32>
          tpu.vector_store %arg13[%swap3A_232, %swap3A_233], %swap3A_236 {strides = array<i32>} : memref<40x144xf32, #tpu.memory_space<vmem>>, vector<1x16xf32>,
        }
        %scan3A_87 = arith.constant 40 : i32
        "tpu.region"() ({
          %run_scoped3A = tpu.sem_alloc : memref<!tpu.dma_semaphore, #tpu.memory_space<semaphore_mem>>
          %dma_start3A_108 = arith.constant 0 : i32
          %dma_start3A_109 = arith.constant 0 : i32
          %dma_start3A_110 = tpu.memref_slice %arg10[%dma_start3A_108, %dma_start3A_109] : memref<10240x144xf32, #tpu.memory_space<vmem_shared>> -> memref<10240x144xf32, #tpu.memory_space<vmem_shared>>
          tpu.enqueue_indirect_dma source(%arg13 : memref<40x144xf32, #tpu.memory_space<vmem>>) target(%dma_start3A_110 : memref<10240x144xf32, #tpu.memory_space<vmem_shared>>) offsets(%arg12 : memref<40xi32, #tpu.memory_space<vmem>>) semaphore(%run_scoped3A : memref<!tpu.dma_semaphore, #tpu.memory_space<semaphore_mem>>) {add = true}
          %dma_wait3A_111 = arith.constant 0 : i32
          %dma_wait3A_112 = arith.constant 0 : i32
          %dma_wait3A_113 = tpu.memref_slice %arg10[%dma_wait3A_111, %dma_wait3A_112] : memref<10240x144xf32, #tpu.memory_space<vmem_shared>> -> memref<10240x144xf32, #tpu.memory_space<vmem_shared>>
          tpu.wait_indirect_dma semaphore(%run_scoped3A : memref<!tpu.dma_semaphore, #tpu.memory_space<semaphore_mem>>) src(%arg13 : memref<40x144xf32, #tpu.memory_space<vmem>>) dst(%dma_wait3A_113 : memref<10240x144xf32, #tpu.memory_space<vmem_shared>>)
          tpu.yield
        }) : () -> ()
        %add3A_88 = arith.constant 1960 : i32
        %add3A_89 = arith.addi %add3A_34, %add3A_88 : i32
        %dma_wait3A_90 = arith.constant 1960 : i32
        %dma_wait3A_91 = tpu.memref_slice %arg11[%dma_wait3A_90] : memref<2000xi32, #tpu.memory_space<vmem>> -> memref<40xi32, #tpu.memory_space<vmem>>
        %dma_wait3A_92 = arith.constant 0 : i32
        %dma_wait3A_93 = arith.constant 0 : i32
        %dma_wait3A_94 = tpu.memref_slice %arg3[%dma_wait3A_92, %dma_wait3A_93] : memref<10000x144xf32, #tpu.memory_space<hbm>> -> memref<10000x144xf32, #tpu.memory_space<hbm>>
        tpu.wait_indirect_dma semaphore(%arg23 : memref<!tpu.dma_semaphore, #tpu.memory_space<semaphore_mem>>) src(%dma_wait3A_94 : memref<10000x144xf32, #tpu.memory_space<hbm>>) dst(%arg17 : memref<40x144xf32, #tpu.memory_space<vmem>>)
        %dma_wait3A_95 = arith.constant 0 : i32
        %dma_wait3A_96 = tpu.memref_slice %arg5[%add3A_89, %dma_wait3A_95] : memref<160000x128xf32, #tpu.memory_space<hbm>> -> memref<40x128xf32, #tpu.memory_space<hbm>>
        %dma_wait3A_97 = arith.constant 0 : i32
        %dma_wait3A_98 = tpu.memref_slice %arg5[%add3A_89, %dma_wait3A_97] : memref<160000x128xf32, #tpu.memory_space<hbm>> -> memref<40x128xf32, #tpu.memory_space<hbm>>
        tpu.wait_dma2 semaphore(%arg24 : memref<!tpu.dma_semaphore, #tpu.memory_space<semaphore_mem>>) src(%dma_wait3A_98 : memref<40x128xf32, #tpu.memory_space<hbm>>) dst(%arg18 : memref<40x128xf32, #tpu.memory_space<vmem>>)
        %dma_wait3A_99 = arith.constant 0 : i32
        %dma_wait3A_100 = tpu.memref_slice %arg6[%add3A_89, %dma_wait3A_99] : memref<160000x128xf32, #tpu.memory_space<hbm>> -> memref<40x128xf32, #tpu.memory_space<hbm>>
        %dma_wait3A_101 = arith.constant 0 : i32
        %dma_wait3A_102 = tpu.memref_slice %arg6[%add3A_89, %dma_wait3A_101] : memref<160000x128xf32, #tpu.memory_space<hbm>> -> memref<40x128xf32, #tpu.memory_space<hbm>>
        tpu.wait_dma2 semaphore(%arg25 : memref<!tpu.dma_semaphore, #tpu.memory_space<semaphore_mem>>) src(%dma_wait3A_102 : memref<40x128xf32, #tpu.memory_space<hbm>>) dst(%arg19 : memref<40x128xf32, #tpu.memory_space<vmem>>)
        %scan3A_103 = arith.constant 0 : i32
        %scan3A_104 = arith.constant 40 : i32
        %scan3A_105 = arith.addi %scan3A_103, %scan3A_104 : i32
        %scan3A_106 = arith.constant 1 : i32
        scf.for %scan3A_108 = %scan3A_103 to %scan3A_105 step %scan3A_106  : i32 {
          %mul3A_109 = arith.constant 1 : i32
          %mul3A_110 = arith.muli %scan3A_108, %mul3A_109 : i32
          %add3A_111 = arith.constant 0 : i32
          %add3A_112 = arith.addi %add3A_111, %mul3A_110 : i32
          %get3A = arith.index_cast %add3A_112 : i32 to index
          %get3A_113 = arith.constant 0 : index
          %get3A_114 = tpu.vector_load %arg17[%get3A, %get3A_113] {strides = array<i32>} : memref<40x144xf32, #tpu.memory_space<vmem>>, vector<1x16xf32>,
          %get3A_115 = vector.shape_cast %get3A_114 : vector<1x16xf32> to vector<16xf32>
          %get3A_116 = arith.index_cast %add3A_112 : i32 to index
          %get3A_117 = arith.constant 16 : index
          %get3A_118 = tpu.vector_load %arg18[%get3A_116, %get3A_117] {strides = array<i32>} : memref<40x128xf32, #tpu.memory_space<vmem>>, vector<1x16xf32>,
          %get3A_119 = vector.shape_cast %get3A_118 : vector<1x16xf32> to vector<16xf32>
          %mul3A_120 = arith.mulf %get3A_115, %get3A_119 : vector<16xf32>
          %swap3A = arith.index_cast %add3A_112 : i32 to index
          %swap3A_121 = arith.constant 0 : index
          %swap3A_122 = tpu.vector_load %arg17[%swap3A, %swap3A_121] {strides = array<i32>} : memref<40x144xf32, #tpu.memory_space<vmem>>, vector<1x16xf32>,
          %swap3A_123 = vector.shape_cast %swap3A_122 : vector<1x16xf32> to vector<16xf32>
          %swap3A_124 = vector.shape_cast %mul3A_120 : vector<16xf32> to vector<1x16xf32>
          tpu.vector_store %arg17[%swap3A, %swap3A_121], %swap3A_124 {strides = array<i32>} : memref<40x144xf32, #tpu.memory_space<vmem>>, vector<1x16xf32>,
          %get3A_125 = arith.index_cast %add3A_112 : i32 to index
          %get3A_126 = arith.constant 16 : index
          %get3A_127 = tpu.vector_load %arg17[%get3A_125, %get3A_126] {strides = array<i32>} : memref<40x144xf32, #tpu.memory_space<vmem>>, vector<1x16xf32>,
          %get3A_128 = vector.shape_cast %get3A_127 : vector<1x16xf32> to vector<16xf32>
          %get3A_129 = arith.index_cast %add3A_112 : i32 to index
          %get3A_130 = arith.constant 32 : index
          %get3A_131 = tpu.vector_load %arg18[%get3A_129, %get3A_130] {strides = array<i32>} : memref<40x128xf32, #tpu.memory_space<vmem>>, vector<1x16xf32>,
          %get3A_132 = vector.shape_cast %get3A_131 : vector<1x16xf32> to vector<16xf32>
          %mul3A_133 = arith.mulf %get3A_128, %get3A_132 : vector<16xf32>
          %swap3A_134 = arith.index_cast %add3A_112 : i32 to index
          %swap3A_135 = arith.constant 16 : index
          %swap3A_136 = tpu.vector_load %arg17[%swap3A_134, %swap3A_135] {strides = array<i32>} : memref<40x144xf32, #tpu.memory_space<vmem>>, vector<1x16xf32>,
          %swap3A_137 = vector.shape_cast %swap3A_136 : vector<1x16xf32> to vector<16xf32>
          %swap3A_138 = vector.shape_cast %mul3A_133 : vector<16xf32> to vector<1x16xf32>
          tpu.vector_store %arg17[%swap3A_134, %swap3A_135], %swap3A_138 {strides = array<i32>} : memref<40x144xf32, #tpu.memory_space<vmem>>, vector<1x16xf32>,
          %get3A_139 = arith.index_cast %add3A_112 : i32 to index
          %get3A_140 = arith.constant 32 : index
          %get3A_141 = tpu.vector_load %arg17[%get3A_139, %get3A_140] {strides = array<i32>} : memref<40x144xf32, #tpu.memory_space<vmem>>, vector<1x16xf32>,
          %get3A_142 = vector.shape_cast %get3A_141 : vector<1x16xf32> to vector<16xf32>
          %get3A_143 = arith.index_cast %add3A_112 : i32 to index
          %get3A_144 = arith.constant 48 : index
          %get3A_145 = tpu.vector_load %arg18[%get3A_143, %get3A_144] {strides = array<i32>} : memref<40x128xf32, #tpu.memory_space<vmem>>, vector<1x16xf32>,
          %get3A_146 = vector.shape_cast %get3A_145 : vector<1x16xf32> to vector<16xf32>
          %mul3A_147 = arith.mulf %get3A_142, %get3A_146 : vector<16xf32>
          %swap3A_148 = arith.index_cast %add3A_112 : i32 to index
          %swap3A_149 = arith.constant 32 : index
          %swap3A_150 = tpu.vector_load %arg17[%swap3A_148, %swap3A_149] {strides = array<i32>} : memref<40x144xf32, #tpu.memory_space<vmem>>, vector<1x16xf32>,
          %swap3A_151 = vector.shape_cast %swap3A_150 : vector<1x16xf32> to vector<16xf32>
          %swap3A_152 = vector.shape_cast %mul3A_147 : vector<16xf32> to vector<1x16xf32>
          tpu.vector_store %arg17[%swap3A_148, %swap3A_149], %swap3A_152 {strides = array<i32>} : memref<40x144xf32, #tpu.memory_space<vmem>>, vector<1x16xf32>,
          %get3A_153 = arith.index_cast %add3A_112 : i32 to index
          %get3A_154 = arith.constant 48 : index
          %get3A_155 = tpu.vector_load %arg17[%get3A_153, %get3A_154] {strides = array<i32>} : memref<40x144xf32, #tpu.memory_space<vmem>>, vector<1x16xf32>,
          %get3A_156 = vector.shape_cast %get3A_155 : vector<1x16xf32> to vector<16xf32>
          %get3A_157 = arith.index_cast %add3A_112 : i32 to index
          %get3A_158 = arith.constant 64 : index
          %get3A_159 = tpu.vector_load %arg18[%get3A_157, %get3A_158] {strides = array<i32>} : memref<40x128xf32, #tpu.memory_space<vmem>>, vector<1x16xf32>,
          %get3A_160 = vector.shape_cast %get3A_159 : vector<1x16xf32> to vector<16xf32>
          %mul3A_161 = arith.mulf %get3A_156, %get3A_160 : vector<16xf32>
          %swap3A_162 = arith.index_cast %add3A_112 : i32 to index
          %swap3A_163 = arith.constant 48 : index
          %swap3A_164 = tpu.vector_load %arg17[%swap3A_162, %swap3A_163] {strides = array<i32>} : memref<40x144xf32, #tpu.memory_space<vmem>>, vector<1x16xf32>,
          %swap3A_165 = vector.shape_cast %swap3A_164 : vector<1x16xf32> to vector<16xf32>
          %swap3A_166 = vector.shape_cast %mul3A_161 : vector<16xf32> to vector<1x16xf32>
          tpu.vector_store %arg17[%swap3A_162, %swap3A_163], %swap3A_166 {strides = array<i32>} : memref<40x144xf32, #tpu.memory_space<vmem>>, vector<1x16xf32>,
          %get3A_167 = arith.index_cast %add3A_112 : i32 to index
          %get3A_168 = arith.constant 64 : index
          %get3A_169 = tpu.vector_load %arg17[%get3A_167, %get3A_168] {strides = array<i32>} : memref<40x144xf32, #tpu.memory_space<vmem>>, vector<1x16xf32>,
          %get3A_170 = vector.shape_cast %get3A_169 : vector<1x16xf32> to vector<16xf32>
          %get3A_171 = arith.index_cast %add3A_112 : i32 to index
          %get3A_172 = arith.constant 80 : index
          %get3A_173 = tpu.vector_load %arg18[%get3A_171, %get3A_172] {strides = array<i32>} : memref<40x128xf32, #tpu.memory_space<vmem>>, vector<1x16xf32>,
          %get3A_174 = vector.shape_cast %get3A_173 : vector<1x16xf32> to vector<16xf32>
          %mul3A_175 = arith.mulf %get3A_170, %get3A_174 : vector<16xf32>
          %swap3A_176 = arith.index_cast %add3A_112 : i32 to index
          %swap3A_177 = arith.constant 64 : index
          %swap3A_178 = tpu.vector_load %arg17[%swap3A_176, %swap3A_177] {strides = array<i32>} : memref<40x144xf32, #tpu.memory_space<vmem>>, vector<1x16xf32>,
          %swap3A_179 = vector.shape_cast %swap3A_178 : vector<1x16xf32> to vector<16xf32>
          %swap3A_180 = vector.shape_cast %mul3A_175 : vector<16xf32> to vector<1x16xf32>
          tpu.vector_store %arg17[%swap3A_176, %swap3A_177], %swap3A_180 {strides = array<i32>} : memref<40x144xf32, #tpu.memory_space<vmem>>, vector<1x16xf32>,
          %get3A_181 = arith.index_cast %add3A_112 : i32 to index
          %get3A_182 = arith.constant 80 : index
          %get3A_183 = tpu.vector_load %arg17[%get3A_181, %get3A_182] {strides = array<i32>} : memref<40x144xf32, #tpu.memory_space<vmem>>, vector<1x16xf32>,
          %get3A_184 = vector.shape_cast %get3A_183 : vector<1x16xf32> to vector<16xf32>
          %get3A_185 = arith.index_cast %add3A_112 : i32 to index
          %get3A_186 = arith.constant 96 : index
          %get3A_187 = tpu.vector_load %arg18[%get3A_185, %get3A_186] {strides = array<i32>} : memref<40x128xf32, #tpu.memory_space<vmem>>, vector<1x16xf32>,
          %get3A_188 = vector.shape_cast %get3A_187 : vector<1x16xf32> to vector<16xf32>
          %mul3A_189 = arith.mulf %get3A_184, %get3A_188 : vector<16xf32>
          %swap3A_190 = arith.index_cast %add3A_112 : i32 to index
          %swap3A_191 = arith.constant 80 : index
          %swap3A_192 = tpu.vector_load %arg17[%swap3A_190, %swap3A_191] {strides = array<i32>} : memref<40x144xf32, #tpu.memory_space<vmem>>, vector<1x16xf32>,
          %swap3A_193 = vector.shape_cast %swap3A_192 : vector<1x16xf32> to vector<16xf32>
          %swap3A_194 = vector.shape_cast %mul3A_189 : vector<16xf32> to vector<1x16xf32>
          tpu.vector_store %arg17[%swap3A_190, %swap3A_191], %swap3A_194 {strides = array<i32>} : memref<40x144xf32, #tpu.memory_space<vmem>>, vector<1x16xf32>,
          %get3A_195 = arith.index_cast %add3A_112 : i32 to index
          %get3A_196 = arith.constant 96 : index
          %get3A_197 = tpu.vector_load %arg17[%get3A_195, %get3A_196] {strides = array<i32>} : memref<40x144xf32, #tpu.memory_space<vmem>>, vector<1x16xf32>,
          %get3A_198 = vector.shape_cast %get3A_197 : vector<1x16xf32> to vector<16xf32>
          %get3A_199 = arith.index_cast %add3A_112 : i32 to index
          %get3A_200 = arith.constant 112 : index
          %get3A_201 = tpu.vector_load %arg18[%get3A_199, %get3A_200] {strides = array<i32>} : memref<40x128xf32, #tpu.memory_space<vmem>>, vector<1x16xf32>,
          %get3A_202 = vector.shape_cast %get3A_201 : vector<1x16xf32> to vector<16xf32>
          %mul3A_203 = arith.mulf %get3A_198, %get3A_202 : vector<16xf32>
          %swap3A_204 = arith.index_cast %add3A_112 : i32 to index
          %swap3A_205 = arith.constant 96 : index
          %swap3A_206 = tpu.vector_load %arg17[%swap3A_204, %swap3A_205] {strides = array<i32>} : memref<40x144xf32, #tpu.memory_space<vmem>>, vector<1x16xf32>,
          %swap3A_207 = vector.shape_cast %swap3A_206 : vector<1x16xf32> to vector<16xf32>
          %swap3A_208 = vector.shape_cast %mul3A_203 : vector<16xf32> to vector<1x16xf32>
          tpu.vector_store %arg17[%swap3A_204, %swap3A_205], %swap3A_208 {strides = array<i32>} : memref<40x144xf32, #tpu.memory_space<vmem>>, vector<1x16xf32>,
          %get3A_209 = arith.index_cast %add3A_112 : i32 to index
          %get3A_210 = arith.constant 112 : index
          %get3A_211 = tpu.vector_load %arg17[%get3A_209, %get3A_210] {strides = array<i32>} : memref<40x144xf32, #tpu.memory_space<vmem>>, vector<1x16xf32>,
          %get3A_212 = vector.shape_cast %get3A_211 : vector<1x16xf32> to vector<16xf32>
          %get3A_213 = arith.index_cast %add3A_112 : i32 to index
          %get3A_214 = arith.constant 0 : index
          %get3A_215 = tpu.vector_load %arg19[%get3A_213, %get3A_214] {strides = array<i32>} : memref<40x128xf32, #tpu.memory_space<vmem>>, vector<1x16xf32>,
          %get3A_216 = vector.shape_cast %get3A_215 : vector<1x16xf32> to vector<16xf32>
          %mul3A_217 = arith.mulf %get3A_212, %get3A_216 : vector<16xf32>
          %swap3A_218 = arith.index_cast %add3A_112 : i32 to index
          %swap3A_219 = arith.constant 112 : index
          %swap3A_220 = tpu.vector_load %arg17[%swap3A_218, %swap3A_219] {strides = array<i32>} : memref<40x144xf32, #tpu.memory_space<vmem>>, vector<1x16xf32>,
          %swap3A_221 = vector.shape_cast %swap3A_220 : vector<1x16xf32> to vector<16xf32>
          %swap3A_222 = vector.shape_cast %mul3A_217 : vector<16xf32> to vector<1x16xf32>
          tpu.vector_store %arg17[%swap3A_218, %swap3A_219], %swap3A_222 {strides = array<i32>} : memref<40x144xf32, #tpu.memory_space<vmem>>, vector<1x16xf32>,
          %get3A_223 = arith.index_cast %add3A_112 : i32 to index
          %get3A_224 = arith.constant 128 : index
          %get3A_225 = tpu.vector_load %arg17[%get3A_223, %get3A_224] {strides = array<i32>} : memref<40x144xf32, #tpu.memory_space<vmem>>, vector<1x16xf32>,
          %get3A_226 = vector.shape_cast %get3A_225 : vector<1x16xf32> to vector<16xf32>
          %get3A_227 = arith.index_cast %add3A_112 : i32 to index
          %get3A_228 = arith.constant 16 : index
          %get3A_229 = tpu.vector_load %arg19[%get3A_227, %get3A_228] {strides = array<i32>} : memref<40x128xf32, #tpu.memory_space<vmem>>, vector<1x16xf32>,
          %get3A_230 = vector.shape_cast %get3A_229 : vector<1x16xf32> to vector<16xf32>
          %mul3A_231 = arith.mulf %get3A_226, %get3A_230 : vector<16xf32>
          %swap3A_232 = arith.index_cast %add3A_112 : i32 to index
          %swap3A_233 = arith.constant 128 : index
          %swap3A_234 = tpu.vector_load %arg17[%swap3A_232, %swap3A_233] {strides = array<i32>} : memref<40x144xf32, #tpu.memory_space<vmem>>, vector<1x16xf32>,
          %swap3A_235 = vector.shape_cast %swap3A_234 : vector<1x16xf32> to vector<16xf32>
          %swap3A_236 = vector.shape_cast %mul3A_231 : vector<16xf32> to vector<1x16xf32>
          tpu.vector_store %arg17[%swap3A_232, %swap3A_233], %swap3A_236 {strides = array<i32>} : memref<40x144xf32, #tpu.memory_space<vmem>>, vector<1x16xf32>,
        }
        %scan3A_107 = arith.constant 40 : i32
        "tpu.region"() ({
          %run_scoped3A = tpu.sem_alloc : memref<!tpu.dma_semaphore, #tpu.memory_space<semaphore_mem>>
          %dma_start3A_108 = arith.constant 0 : i32
          %dma_start3A_109 = arith.constant 0 : i32
          %dma_start3A_110 = tpu.memref_slice %arg10[%dma_start3A_108, %dma_start3A_109] : memref<10240x144xf32, #tpu.memory_space<vmem_shared>> -> memref<10240x144xf32, #tpu.memory_space<vmem_shared>>
          tpu.enqueue_indirect_dma source(%arg17 : memref<40x144xf32, #tpu.memory_space<vmem>>) target(%dma_start3A_110 : memref<10240x144xf32, #tpu.memory_space<vmem_shared>>) offsets(%arg16 : memref<40xi32, #tpu.memory_space<vmem>>) semaphore(%run_scoped3A : memref<!tpu.dma_semaphore, #tpu.memory_space<semaphore_mem>>) {add = true}
          %dma_wait3A_111 = arith.constant 0 : i32
          %dma_wait3A_112 = arith.constant 0 : i32
          %dma_wait3A_113 = tpu.memref_slice %arg10[%dma_wait3A_111, %dma_wait3A_112] : memref<10240x144xf32, #tpu.memory_space<vmem_shared>> -> memref<10240x144xf32, #tpu.memory_space<vmem_shared>>
          tpu.wait_indirect_dma semaphore(%run_scoped3A : memref<!tpu.dma_semaphore, #tpu.memory_space<semaphore_mem>>) src(%arg17 : memref<40x144xf32, #tpu.memory_space<vmem>>) dst(%dma_wait3A_113 : memref<10240x144xf32, #tpu.memory_space<vmem_shared>>)
          tpu.yield
        }) : () -> ()
      }
      %scan3A_21 = arith.constant 5 : i32
      %barrier3A_22 = arith.constant 0 : index
      tpu.barrier barrier_id(%barrier3A_22)
      %scan3A_23 = arith.constant 0 : i32
      %scan3A_24 = arith.constant 16 : i32
      %scan3A_25 = arith.addi %scan3A_23, %scan3A_24 : i32
      %scan3A_26 = arith.constant 1 : i32
      scf.for %scan3A_28 = %scan3A_23 to %scan3A_25 step %scan3A_26  : i32 {
        %mul3A_29 = arith.constant 1 : i32
        %mul3A_30 = arith.muli %scan3A_28, %mul3A_29 : i32
        %add3A = arith.constant 0 : i32
        %add3A_31 = arith.addi %add3A, %mul3A_30 : i32
        %mul3A_32 = arith.constant 640 : i32
        %mul3A_33 = arith.muli %arg1, %mul3A_32 : i32
        %mul3A_34 = arith.constant 40 : i32
        %mul3A_35 = arith.muli %add3A_31, %mul3A_34 : i32
        %add3A_36 = arith.addi %mul3A_33, %mul3A_35 : i32
        "tpu.region"() ({
          %run_scoped3A = tpu.sem_alloc : memref<!tpu.dma_semaphore, #tpu.memory_space<semaphore_mem>>
          %dma_start3A = arith.constant 0 : i32
          %dma_start3A_37 = tpu.memref_slice %arg10[%add3A_36, %dma_start3A] : memref<10240x144xf32, #tpu.memory_space<vmem_shared>> -> memref<40x144xf32, #tpu.memory_space<vmem_shared>>
          %dma_start3A_38 = arith.constant 0 : i32
          %dma_start3A_39 = tpu.memref_slice %arg10[%add3A_36, %dma_start3A_38] : memref<10240x144xf32, #tpu.memory_space<vmem_shared>> -> memref<40x144xf32, #tpu.memory_space<vmem_shared>>
          tpu.enqueue_dma source(%dma_start3A_39 : memref<40x144xf32, #tpu.memory_space<vmem_shared>>) target(%arg13 : memref<40x144xf32, #tpu.memory_space<vmem>>) target_semaphore(%run_scoped3A : memref<!tpu.dma_semaphore, #tpu.memory_space<semaphore_mem>>)
          %dma_wait3A = arith.constant 0 : i32
          %dma_wait3A_40 = tpu.memref_slice %arg10[%add3A_36, %dma_wait3A] : memref<10240x144xf32, #tpu.memory_space<vmem_shared>> -> memref<40x144xf32, #tpu.memory_space<vmem_shared>>
          %dma_wait3A_41 = arith.constant 0 : i32
          %dma_wait3A_42 = tpu.memref_slice %arg10[%add3A_36, %dma_wait3A_41] : memref<10240x144xf32, #tpu.memory_space<vmem_shared>> -> memref<40x144xf32, #tpu.memory_space<vmem_shared>>
          tpu.wait_dma2 semaphore(%run_scoped3A : memref<!tpu.dma_semaphore, #tpu.memory_space<semaphore_mem>>) src(%dma_wait3A_42 : memref<40x144xf32, #tpu.memory_space<vmem_shared>>) dst(%arg13 : memref<40x144xf32, #tpu.memory_space<vmem>>)
          tpu.yield
        }) : () -> ()
        "tpu.region"() ({
          %run_scoped3A = tpu.sem_alloc : memref<!tpu.dma_semaphore, #tpu.memory_space<semaphore_mem>>
          %dma_start3A = arith.constant 144 : i32
          %dma_start3A_37 = tpu.memref_slice %arg9[%add3A_36, %dma_start3A] : memref<10240x288xf32, #tpu.memory_space<hbm>> -> memref<40x144xf32, #tpu.memory_space<hbm>>
          %dma_start3A_38 = arith.constant 144 : i32
          %dma_start3A_39 = tpu.memref_slice %arg9[%add3A_36, %dma_start3A_38] : memref<10240x288xf32, #tpu.memory_space<hbm>> -> memref<40x144xf32, #tpu.memory_space<hbm>>
          tpu.enqueue_dma source(%arg13 : memref<40x144xf32, #tpu.memory_space<vmem>>) target(%dma_start3A_39 : memref<40x144xf32, #tpu.memory_space<hbm>>) target_semaphore(%run_scoped3A : memref<!tpu.dma_semaphore, #tpu.memory_space<semaphore_mem>>)
          %dma_wait3A = arith.constant 144 : i32
          %dma_wait3A_40 = tpu.memref_slice %arg9[%add3A_36, %dma_wait3A] : memref<10240x288xf32, #tpu.memory_space<hbm>> -> memref<40x144xf32, #tpu.memory_space<hbm>>
          %dma_wait3A_41 = arith.constant 144 : i32
          %dma_wait3A_42 = tpu.memref_slice %arg9[%add3A_36, %dma_wait3A_41] : memref<10240x288xf32, #tpu.memory_space<hbm>> -> memref<40x144xf32, #tpu.memory_space<hbm>>
          tpu.wait_dma2 semaphore(%run_scoped3A : memref<!tpu.dma_semaphore, #tpu.memory_space<semaphore_mem>>) src(%arg13 : memref<40x144xf32, #tpu.memory_space<vmem>>) dst(%dma_wait3A_42 : memref<40x144xf32, #tpu.memory_space<hbm>>)
          tpu.yield
        }) : () -> ()
      }
      %scan3A_27 = arith.constant 16 : i32
    } else {
    }
    return
  }
}

module attributes {stable_mosaic.version = 14 : i64} {
  func.func @_atom_body(%arg0: i32, %arg1: memref<1000x4xf32, #tpu.memory_space<vmem>>, %arg2: memref<4x144xf32, #tpu.memory_space<vmem>>, %arg3: memref<4x144xf32, #tpu.memory_space<vmem>>, %arg4: memref<1x144xf32, #tpu.memory_space<vmem>>, %arg5: memref<1x144xf32, #tpu.memory_space<vmem>>, %arg6: memref<1000x144xf32, #tpu.memory_space<vmem>>, %arg7: memref<1000x144xf32, #tpu.memory_space<vmem>>) attributes {dimension_semantics = [#tpu.dimension_semantics<arbitrary>], iteration_bounds = array<i64: 10>, scalar_prefetch = 0 : i64, scratch_operands = 0 : i64, tpu.core_type = #tpu.core_type<tc>, window_params = [{transform_indices = @transform_0, window_bounds = array<i64: 1000, 4>}, {pipeline_mode = #tpu.pipeline_mode<synchronous>, transform_indices = @transform_1, window_bounds = array<i64: 4, 144>}, {pipeline_mode = #tpu.pipeline_mode<synchronous>, transform_indices = @transform_2, window_bounds = array<i64: 4, 144>}, {pipeline_mode = #tpu.pipeline_mode<synchronous>, transform_indices = @transform_3, window_bounds = array<i64: 1, 144>}, {pipeline_mode = #tpu.pipeline_mode<synchronous>, transform_indices = @transform_4, window_bounds = array<i64: 1, 144>}, {transform_indices = @transform_5, window_bounds = array<i64: 1000, 144>}, {transform_indices = @transform_6, window_bounds = array<i64: 1000, 144>}]} {
    %get3A = arith.constant 0 : index
    %get3A_0 = arith.constant 0 : index
    %get3A_1 = vector.load %arg1[%get3A, %get3A_0] : memref<1000x4xf32, #tpu.memory_space<vmem>>, vector<1000x4xf32>
    %get3A_2 = arith.constant 0 : index
    %get3A_3 = arith.constant 0 : index
    %get3A_4 = vector.load %arg2[%get3A_2, %get3A_3] : memref<4x144xf32, #tpu.memory_space<vmem>>, vector<4x144xf32>
    %dot_general3A = arith.constant dense<0.000000e+00> : vector<1000x144xf32>
    %dot_general3A_5 = tpu.matmul %get3A_1, %get3A_4, %dot_general3A {dimension_numbers = #tpu.dot_dimension_numbers<[1], [0], [0], [1], [0, 0, 1, 1], [], []>, transpose_lhs_hint = false} : vector<1000x4xf32>, vector<4x144xf32>, vector<1000x144xf32> -> vector<1000x144xf32>
    %get3A_6 = arith.constant 0 : index
    %get3A_7 = arith.constant 0 : index
    %get3A_8 = vector.load %arg4[%get3A_6, %get3A_7] : memref<1x144xf32, #tpu.memory_space<vmem>>, vector<1x144xf32>
    %add3A = vector.broadcast %get3A_8 : vector<1x144xf32> to vector<1000x144xf32>
    %add3A_9 = arith.addf %dot_general3A_5, %add3A : vector<1000x144xf32>
    %swap3A = arith.constant 0 : index
    %swap3A_10 = arith.constant 0 : index
    %swap3A_11 = vector.load %arg6[%swap3A, %swap3A_10] : memref<1000x144xf32, #tpu.memory_space<vmem>>, vector<1000x144xf32>
    tpu.vector_store %arg6[%swap3A, %swap3A_10], %add3A_9 {strides = array<i32>} : memref<1000x144xf32, #tpu.memory_space<vmem>>, vector<1000x144xf32>,
    %get3A_12 = arith.constant 0 : index
    %get3A_13 = arith.constant 0 : index
    %get3A_14 = vector.load %arg3[%get3A_12, %get3A_13] : memref<4x144xf32, #tpu.memory_space<vmem>>, vector<4x144xf32>
    %dot_general3A_15 = arith.constant dense<0.000000e+00> : vector<1000x144xf32>
    %dot_general3A_16 = tpu.matmul %get3A_1, %get3A_14, %dot_general3A_15 {dimension_numbers = #tpu.dot_dimension_numbers<[1], [0], [0], [1], [0, 0, 1, 1], [], []>, transpose_lhs_hint = false} : vector<1000x4xf32>, vector<4x144xf32>, vector<1000x144xf32> -> vector<1000x144xf32>
    %get3A_17 = arith.constant 0 : index
    %get3A_18 = arith.constant 0 : index
    %get3A_19 = vector.load %arg5[%get3A_17, %get3A_18] : memref<1x144xf32, #tpu.memory_space<vmem>>, vector<1x144xf32>
    %add3A_20 = vector.broadcast %get3A_19 : vector<1x144xf32> to vector<1000x144xf32>
    %add3A_21 = arith.addf %dot_general3A_16, %add3A_20 : vector<1000x144xf32>
    %swap3A_22 = arith.constant 0 : index
    %swap3A_23 = arith.constant 0 : index
    %swap3A_24 = vector.load %arg7[%swap3A_22, %swap3A_23] : memref<1000x144xf32, #tpu.memory_space<vmem>>, vector<1000x144xf32>
    tpu.vector_store %arg7[%swap3A_22, %swap3A_23], %add3A_21 {strides = array<i32>} : memref<1000x144xf32, #tpu.memory_space<vmem>>, vector<1000x144xf32>,
    return
  }
  func.func @transform_0(%arg0: i32) -> (i32, i32) {
    %c0_i32 = arith.constant 0 : i32
    %c0_i32_0 = arith.constant 0 : i32
    return %arg0, %c0_i32 : i32, i32
  }
  func.func @transform_1(%arg0: i32) -> (i32, i32) {
    %c0_i32 = arith.constant 0 : i32
    %c0_i32_0 = arith.constant 0 : i32
    %c0_i32_1 = arith.constant 0 : i32
    return %c0_i32, %c0_i32_0 : i32, i32
  }
  func.func @transform_2(%arg0: i32) -> (i32, i32) {
    %c0_i32 = arith.constant 0 : i32
    %c0_i32_0 = arith.constant 0 : i32
    %c0_i32_1 = arith.constant 0 : i32
    return %c0_i32, %c0_i32_0 : i32, i32
  }
  func.func @transform_3(%arg0: i32) -> (i32, i32) {
    %c0_i32 = arith.constant 0 : i32
    %c0_i32_0 = arith.constant 0 : i32
    %c0_i32_1 = arith.constant 0 : i32
    return %c0_i32, %c0_i32_0 : i32, i32
  }
  func.func @transform_4(%arg0: i32) -> (i32, i32) {
    %c0_i32 = arith.constant 0 : i32
    %c0_i32_0 = arith.constant 0 : i32
    %c0_i32_1 = arith.constant 0 : i32
    return %c0_i32, %c0_i32_0 : i32, i32
  }
  func.func @transform_5(%arg0: i32) -> (i32, i32) {
    %c0_i32 = arith.constant 0 : i32
    %c0_i32_0 = arith.constant 0 : i32
    return %arg0, %c0_i32 : i32, i32
  }
  func.func @transform_6(%arg0: i32) -> (i32, i32) {
    %c0_i32 = arith.constant 0 : i32
    %c0_i32_0 = arith.constant 0 : i32
    return %arg0, %c0_i32 : i32, i32
  }
}

module attributes {stable_mosaic.version = 14 : i64} {
  func.func @_dense_body(%arg0: i32, %arg1: memref<1x1x1280xf32, #tpu.memory_space<vmem>>, %arg2: memref<1x1x1280xf32, #tpu.memory_space<vmem>>, %arg3: memref<1x1x1280xf32, #tpu.memory_space<vmem>>, %arg4: memref<128x9xf32, #tpu.memory_space<vmem>>, %arg5: memref<128x9xf32, #tpu.memory_space<vmem>>, %arg6: memref<32x9xf32, #tpu.memory_space<vmem>>, %arg7: memref<32x32xf32, #tpu.memory_space<vmem>>, %arg8: memref<128x32xf32, #tpu.memory_space<vmem>>, %arg9: memref<128x32xf32, #tpu.memory_space<vmem>>, %arg10: memref<32x32xf32, #tpu.memory_space<vmem>>, %arg11: memref<1280x128xf32, #tpu.memory_space<vmem>>, %arg12: memref<1280x128xf32, #tpu.memory_space<vmem>>, %arg13: memref<1280x128xf32, #tpu.memory_space<vmem>>) attributes {dimension_semantics = [#tpu.dimension_semantics<arbitrary>], iteration_bounds = array<i64: 125>, scalar_prefetch = 0 : i64, scratch_operands = 0 : i64, tpu.core_type = #tpu.core_type<tc>, window_params = [{transform_indices = @transform_0, window_bounds = array<i64: 1, 1, 1280>}, {transform_indices = @transform_1, window_bounds = array<i64: 1, 1, 1280>}, {transform_indices = @transform_2, window_bounds = array<i64: 1, 1, 1280>}, {pipeline_mode = #tpu.pipeline_mode<synchronous>, transform_indices = @transform_3, window_bounds = array<i64: 128, 9>}, {pipeline_mode = #tpu.pipeline_mode<synchronous>, transform_indices = @transform_4, window_bounds = array<i64: 128, 9>}, {pipeline_mode = #tpu.pipeline_mode<synchronous>, transform_indices = @transform_5, window_bounds = array<i64: 32, 9>}, {pipeline_mode = #tpu.pipeline_mode<synchronous>, transform_indices = @transform_6, window_bounds = array<i64: 32, 32>}, {pipeline_mode = #tpu.pipeline_mode<synchronous>, transform_indices = @transform_7, window_bounds = array<i64: 128, 32>}, {pipeline_mode = #tpu.pipeline_mode<synchronous>, transform_indices = @transform_8, window_bounds = array<i64: 128, 32>}, {pipeline_mode = #tpu.pipeline_mode<synchronous>, transform_indices = @transform_9, window_bounds = array<i64: 32, 32>}, {transform_indices = @transform_10, window_bounds = array<i64: 1280, 128>}, {transform_indices = @transform_11, window_bounds = array<i64: 1280, 128>}, {transform_indices = @transform_12, window_bounds = array<i64: 1280, 128>}]} {
    %get3A = arith.constant 0 : index
    %get3A_0 = arith.constant 0 : index
    %get3A_1 = arith.constant 0 : index
    %get3A_2 = vector.load %arg1[%get3A, %get3A_0, %get3A_1] : memref<1x1x1280xf32, #tpu.memory_space<vmem>>, vector<1x1x1280xf32>
    %get3A_3 = vector.shape_cast %get3A_2 : vector<1x1x1280xf32> to vector<1x1280xf32>
    %get3A_4 = arith.constant 0 : index
    %get3A_5 = arith.constant 0 : index
    %get3A_6 = arith.constant 0 : index
    %get3A_7 = vector.load %arg2[%get3A_4, %get3A_5, %get3A_6] : memref<1x1x1280xf32, #tpu.memory_space<vmem>>, vector<1x1x1280xf32>
    %get3A_8 = vector.shape_cast %get3A_7 : vector<1x1x1280xf32> to vector<1x1280xf32>
    %get3A_9 = arith.constant 0 : index
    %get3A_10 = arith.constant 0 : index
    %get3A_11 = arith.constant 0 : index
    %get3A_12 = vector.load %arg3[%get3A_9, %get3A_10, %get3A_11] : memref<1x1x1280xf32, #tpu.memory_space<vmem>>, vector<1x1x1280xf32>
    %get3A_13 = vector.shape_cast %get3A_12 : vector<1x1x1280xf32> to vector<1x1280xf32>
    %mul3A = arith.mulf %get3A_3, %get3A_3 : vector<1x1280xf32>
    %mul3A_14 = arith.mulf %get3A_8, %get3A_8 : vector<1x1280xf32>
    %add3A = arith.addf %mul3A, %mul3A_14 : vector<1x1280xf32>
    %mul3A_15 = arith.mulf %get3A_13, %get3A_13 : vector<1x1280xf32>
    %add3A_16 = arith.addf %add3A, %mul3A_15 : vector<1x1280xf32>
    %add3A_17 = arith.constant 1.000000e-18 : f32
    %add3A_18 = vector.broadcast %add3A_17 : f32 to vector<1x1280xf32>
    %add3A_19 = arith.addf %add3A_16, %add3A_18 : vector<1x1280xf32>
    %sqrt3A = math.sqrt %add3A_19 : vector<1x1280xf32>
    %div3A = arith.constant 1.000000e+00 : f32
    %div3A_20 = vector.broadcast %div3A : f32 to vector<1x1280xf32>
    %div3A_21 = arith.divf %div3A_20, %sqrt3A : vector<1x1280xf32>
    %mul3A_22 = arith.mulf %get3A_3, %div3A_21 : vector<1x1280xf32>
    %mul3A_23 = arith.mulf %get3A_8, %div3A_21 : vector<1x1280xf32>
    %mul3A_24 = arith.mulf %get3A_13, %div3A_21 : vector<1x1280xf32>
    %mul3A_25 = arith.mulf %mul3A_22, %mul3A_22 : vector<1x1280xf32>
    %mul3A_26 = arith.mulf %mul3A_23, %mul3A_23 : vector<1x1280xf32>
    %mul3A_27 = arith.mulf %mul3A_24, %mul3A_24 : vector<1x1280xf32>
    %broadcast_in_dim3A = arith.constant 1.000000e+00 : f32
    %broadcast_in_dim3A_28 = vector.broadcast %broadcast_in_dim3A : f32 to vector<1x1280xf32>
    %mul3A_29 = arith.constant 1.73205078 : f32
    %mul3A_30 = vector.broadcast %mul3A_29 : f32 to vector<1x1280xf32>
    %mul3A_31 = arith.mulf %mul3A_30, %mul3A_22 : vector<1x1280xf32>
    %mul3A_32 = arith.constant 1.73205078 : f32
    %mul3A_33 = vector.broadcast %mul3A_32 : f32 to vector<1x1280xf32>
    %mul3A_34 = arith.mulf %mul3A_33, %mul3A_23 : vector<1x1280xf32>
    %mul3A_35 = arith.constant 1.73205078 : f32
    %mul3A_36 = vector.broadcast %mul3A_35 : f32 to vector<1x1280xf32>
    %mul3A_37 = arith.mulf %mul3A_36, %mul3A_24 : vector<1x1280xf32>
    %mul3A_38 = arith.constant 1.73205078 : f32
    %mul3A_39 = vector.broadcast %mul3A_38 : f32 to vector<1x1280xf32>
    %mul3A_40 = arith.mulf %mul3A_39, %mul3A_22 : vector<1x1280xf32>
    %mul3A_41 = arith.mulf %mul3A_40, %mul3A_24 : vector<1x1280xf32>
    %mul3A_42 = arith.constant 2.23606801 : f32
    %mul3A_43 = vector.broadcast %mul3A_42 : f32 to vector<1x1280xf32>
    %mul3A_44 = arith.mulf %mul3A_43, %mul3A_41 : vector<1x1280xf32>
    %mul3A_45 = arith.constant 1.73205078 : f32
    %mul3A_46 = vector.broadcast %mul3A_45 : f32 to vector<1x1280xf32>
    %mul3A_47 = arith.mulf %mul3A_46, %mul3A_22 : vector<1x1280xf32>
    %mul3A_48 = arith.mulf %mul3A_47, %mul3A_23 : vector<1x1280xf32>
    %mul3A_49 = arith.constant 2.23606801 : f32
    %mul3A_50 = vector.broadcast %mul3A_49 : f32 to vector<1x1280xf32>
    %mul3A_51 = arith.mulf %mul3A_50, %mul3A_48 : vector<1x1280xf32>
    %add3A_52 = arith.addf %mul3A_25, %mul3A_27 : vector<1x1280xf32>
    %mul3A_53 = arith.constant 5.000000e-01 : f32
    %mul3A_54 = vector.broadcast %mul3A_53 : f32 to vector<1x1280xf32>
    %mul3A_55 = arith.mulf %mul3A_54, %add3A_52 : vector<1x1280xf32>
    %sub3A = arith.subf %mul3A_26, %mul3A_55 : vector<1x1280xf32>
    %mul3A_56 = arith.constant 2.23606801 : f32
    %mul3A_57 = vector.broadcast %mul3A_56 : f32 to vector<1x1280xf32>
    %mul3A_58 = arith.mulf %mul3A_57, %sub3A : vector<1x1280xf32>
    %mul3A_59 = arith.constant 1.73205078 : f32
    %mul3A_60 = vector.broadcast %mul3A_59 : f32 to vector<1x1280xf32>
    %mul3A_61 = arith.mulf %mul3A_60, %mul3A_23 : vector<1x1280xf32>
    %mul3A_62 = arith.mulf %mul3A_61, %mul3A_24 : vector<1x1280xf32>
    %mul3A_63 = arith.constant 2.23606801 : f32
    %mul3A_64 = vector.broadcast %mul3A_63 : f32 to vector<1x1280xf32>
    %mul3A_65 = arith.mulf %mul3A_64, %mul3A_62 : vector<1x1280xf32>
    %sub3A_66 = arith.subf %mul3A_27, %mul3A_25 : vector<1x1280xf32>
    %mul3A_67 = arith.constant 0.866025388 : f32
    %mul3A_68 = vector.broadcast %mul3A_67 : f32 to vector<1x1280xf32>
    %mul3A_69 = arith.mulf %mul3A_68, %sub3A_66 : vector<1x1280xf32>
    %mul3A_70 = arith.constant 2.23606801 : f32
    %mul3A_71 = vector.broadcast %mul3A_70 : f32 to vector<1x1280xf32>
    %mul3A_72 = arith.mulf %mul3A_71, %mul3A_69 : vector<1x1280xf32>
    %concatenate3A = tpu.concatenate %broadcast_in_dim3A_28, %mul3A_31, %mul3A_34, %mul3A_37, %mul3A_44, %mul3A_51, %mul3A_58, %mul3A_65, %mul3A_72 in 0 : vector<1x1280xf32>, vector<1x1280xf32>, vector<1x1280xf32>, vector<1x1280xf32>, vector<1x1280xf32>, vector<1x1280xf32>, vector<1x1280xf32>, vector<1x1280xf32>, vector<1x1280xf32> -> vector<9x1280xf32>
    %iota3A = tpu.iota {dimensions = array<i32: 0>} : vector<32x1xi32>
    %convert_element_type3A = arith.sitofp %iota3A : vector<32x1xi32> to vector<32x1xf32>
    %add3A_73 = arith.constant 1.000000e+00 : f32
    %add3A_74 = vector.broadcast %add3A_73 : f32 to vector<32x1xf32>
    %add3A_75 = arith.addf %convert_element_type3A, %add3A_74 : vector<32x1xf32>
    %mul3A_76 = arith.constant 3.14159274 : f32
    %mul3A_77 = vector.broadcast %mul3A_76 : f32 to vector<32x1xf32>
    %mul3A_78 = arith.mulf %add3A_75, %mul3A_77 : vector<32x1xf32>
    %gt3A = arith.constant 9.99999971E-10 : f32
    %gt3A_79 = vector.broadcast %gt3A : f32 to vector<1x1280xf32>
    %gt3A_80 = arith.cmpf ogt, %sqrt3A, %gt3A_79 : vector<1x1280xf32>
    %jit3A = arith.constant 1.000000e+00 : f32
    %broadcast_in_dim3A_81 = vector.broadcast %jit3A : f32 to vector<1x1280xf32>
    %select_n3A = arith.select %gt3A_80, %sqrt3A, %broadcast_in_dim3A_81 : vector<1x1280xi1>, vector<1x1280xf32>
    %lt3A = arith.constant 2.000000e+00 : f32
    %lt3A_82 = vector.broadcast %lt3A : f32 to vector<1x1280xf32>
    %lt3A_83 = arith.cmpf olt, %sqrt3A, %lt3A_82 : vector<1x1280xf32>
    %gt3A_84 = arith.constant 0.000000e+00 : f32
    %gt3A_85 = vector.broadcast %gt3A_84 : f32 to vector<1x1280xf32>
    %gt3A_86 = arith.cmpf ogt, %sqrt3A, %gt3A_85 : vector<1x1280xf32>
    %and3A = arith.andi %lt3A_83, %gt3A_86 : vector<1x1280xi1>
    %convert_element_type3A_87 = arith.extui %and3A : vector<1x1280xi1> to vector<1x1280xi32>
    %convert_element_type3A_88 = arith.sitofp %convert_element_type3A_87 : vector<1x1280xi32> to vector<1x1280xf32>
    %sqrt3A_89 = arith.constant 1.000000e+00 : f32
    %sqrt3A_90 = math.sqrt %sqrt3A_89 : f32
    %mul3A_91 = vector.broadcast %sqrt3A_90 : f32 to vector<1x1280xf32>
    %mul3A_92 = arith.mulf %mul3A_91, %convert_element_type3A_88 : vector<1x1280xf32>
    %div3A_93 = arith.divf %mul3A_92, %select_n3A : vector<1x1280xf32>
    %div3A_94 = arith.constant 2.000000e+00 : f32
    %div3A_95 = vector.broadcast %div3A_94 : f32 to vector<1x1280xf32>
    %div3A_96 = arith.divf %sqrt3A, %div3A_95 : vector<1x1280xf32>
    %mul3A_97 = vector.broadcast %mul3A_78 : vector<32x1xf32> to vector<32x1280xf32>
    %mul3A_98 = vector.broadcast %div3A_96 : vector<1x1280xf32> to vector<32x1280xf32>
    %mul3A_99 = arith.mulf %mul3A_97, %mul3A_98 : vector<32x1280xf32>
    %sin3A = math.sin %mul3A_99 : vector<32x1280xf32>
    %mul3A_100 = vector.broadcast %div3A_93 : vector<1x1280xf32> to vector<32x1280xf32>
    %mul3A_101 = arith.mulf %sin3A, %mul3A_100 : vector<32x1280xf32>
    %get3A_102 = arith.constant 0 : index
    %get3A_103 = arith.constant 0 : index
    %get3A_104 = vector.load %arg7[%get3A_102, %get3A_103] : memref<32x32xf32, #tpu.memory_space<vmem>>, vector<32x32xf32>
    %dot_general3A = arith.constant dense<0.000000e+00> : vector<32x1280xf32>
    %dot_general3A_105 = tpu.matmul %get3A_104, %mul3A_101, %dot_general3A {dimension_numbers = #tpu.dot_dimension_numbers<[1], [0], [0], [1], [0, 0, 1, 1], [], []>, transpose_lhs_hint = false} : vector<32x32xf32>, vector<32x1280xf32>, vector<32x1280xf32> -> vector<32x1280xf32>
    %logistic3A = arith.negf %dot_general3A_105 : vector<32x1280xf32>
    %logistic3A_106 = math.exp %logistic3A : vector<32x1280xf32>
    %logistic3A_107 = arith.constant 1.000000e+00 : f32
    %logistic3A_108 = vector.broadcast %logistic3A_107 : f32 to vector<32x1280xf32>
    %logistic3A_109 = arith.addf %logistic3A_108, %logistic3A_106 : vector<32x1280xf32>
    %logistic3A_110 = arith.divf %logistic3A_108, %logistic3A_109 : vector<32x1280xf32>
    %mul3A_111 = arith.mulf %dot_general3A_105, %logistic3A_110 : vector<32x1280xf32>
    %mul3A_112 = arith.constant 1.67917681 : f32
    %mul3A_113 = vector.broadcast %mul3A_112 : f32 to vector<32x1280xf32>
    %mul3A_114 = arith.mulf %mul3A_113, %mul3A_111 : vector<32x1280xf32>
    %get3A_115 = arith.constant 0 : index
    %get3A_116 = arith.constant 0 : index
    %get3A_117 = vector.load %arg8[%get3A_115, %get3A_116] : memref<128x32xf32, #tpu.memory_space<vmem>>, vector<128x32xf32>
    %dot_general3A_118 = arith.constant dense<0.000000e+00> : vector<128x1280xf32>
    %dot_general3A_119 = tpu.matmul %get3A_117, %mul3A_114, %dot_general3A_118 {dimension_numbers = #tpu.dot_dimension_numbers<[1], [0], [0], [1], [0, 0, 1, 1], [], []>, transpose_lhs_hint = false} : vector<128x32xf32>, vector<32x1280xf32>, vector<128x1280xf32> -> vector<128x1280xf32>
    %get3A_120 = arith.constant 0 : index
    %get3A_121 = arith.constant 0 : index
    %get3A_122 = vector.load %arg4[%get3A_120, %get3A_121] : memref<128x9xf32, #tpu.memory_space<vmem>>, vector<128x9xf32>
    %dot_general3A_123 = arith.constant dense<0.000000e+00> : vector<128x1280xf32>
    %dot_general3A_124 = tpu.matmul %get3A_122, %concatenate3A, %dot_general3A_123 {dimension_numbers = #tpu.dot_dimension_numbers<[1], [0], [0], [1], [0, 0, 1, 1], [], []>, transpose_lhs_hint = false} : vector<128x9xf32>, vector<9x1280xf32>, vector<128x1280xf32> -> vector<128x1280xf32>
    %mul3A_125 = arith.mulf %dot_general3A_119, %dot_general3A_124 : vector<128x1280xf32>
    %get3A_126 = arith.constant 0 : index
    %get3A_127 = arith.constant 0 : index
    %get3A_128 = vector.load %arg9[%get3A_126, %get3A_127] : memref<128x32xf32, #tpu.memory_space<vmem>>, vector<128x32xf32>
    %dot_general3A_129 = arith.constant dense<0.000000e+00> : vector<128x1280xf32>
    %dot_general3A_130 = tpu.matmul %get3A_128, %mul3A_114, %dot_general3A_129 {dimension_numbers = #tpu.dot_dimension_numbers<[1], [0], [0], [1], [0, 0, 1, 1], [], []>, transpose_lhs_hint = false} : vector<128x32xf32>, vector<32x1280xf32>, vector<128x1280xf32> -> vector<128x1280xf32>
    %get3A_131 = arith.constant 0 : index
    %get3A_132 = arith.constant 0 : index
    %get3A_133 = vector.load %arg5[%get3A_131, %get3A_132] : memref<128x9xf32, #tpu.memory_space<vmem>>, vector<128x9xf32>
    %dot_general3A_134 = arith.constant dense<0.000000e+00> : vector<128x1280xf32>
    %dot_general3A_135 = tpu.matmul %get3A_133, %concatenate3A, %dot_general3A_134 {dimension_numbers = #tpu.dot_dimension_numbers<[1], [0], [0], [1], [0, 0, 1, 1], [], []>, transpose_lhs_hint = false} : vector<128x9xf32>, vector<9x1280xf32>, vector<128x1280xf32> -> vector<128x1280xf32>
    %mul3A_136 = arith.mulf %dot_general3A_130, %dot_general3A_135 : vector<128x1280xf32>
    %get3A_137 = arith.constant 0 : index
    %get3A_138 = arith.constant 0 : index
    %get3A_139 = vector.load %arg10[%get3A_137, %get3A_138] : memref<32x32xf32, #tpu.memory_space<vmem>>, vector<32x32xf32>
    %dot_general3A_140 = arith.constant dense<0.000000e+00> : vector<32x1280xf32>
    %dot_general3A_141 = tpu.matmul %get3A_139, %mul3A_114, %dot_general3A_140 {dimension_numbers = #tpu.dot_dimension_numbers<[1], [0], [0], [1], [0, 0, 1, 1], [], []>, transpose_lhs_hint = false} : vector<32x32xf32>, vector<32x1280xf32>, vector<32x1280xf32> -> vector<32x1280xf32>
    %get3A_142 = arith.constant 0 : index
    %get3A_143 = arith.constant 0 : index
    %get3A_144 = vector.load %arg6[%get3A_142, %get3A_143] : memref<32x9xf32, #tpu.memory_space<vmem>>, vector<32x9xf32>
    %dot_general3A_145 = arith.constant dense<0.000000e+00> : vector<32x1280xf32>
    %dot_general3A_146 = tpu.matmul %get3A_144, %concatenate3A, %dot_general3A_145 {dimension_numbers = #tpu.dot_dimension_numbers<[1], [0], [0], [1], [0, 0, 1, 1], [], []>, transpose_lhs_hint = false} : vector<32x9xf32>, vector<9x1280xf32>, vector<32x1280xf32> -> vector<32x1280xf32>
    %mul3A_147 = arith.mulf %dot_general3A_141, %dot_general3A_146 : vector<32x1280xf32>
    %transpose3A = tpu.transpose %mul3A_125, [1, 0] : vector<128x1280xf32> -> vector<1280x128xf32>
    %swap3A = arith.constant 0 : index
    %swap3A_148 = arith.constant 0 : index
    %swap3A_149 = vector.load %arg11[%swap3A, %swap3A_148] : memref<1280x128xf32, #tpu.memory_space<vmem>>, vector<1280x128xf32>
    tpu.vector_store %arg11[%swap3A, %swap3A_148], %transpose3A {strides = array<i32>} : memref<1280x128xf32, #tpu.memory_space<vmem>>, vector<1280x128xf32>,
    %transpose3A_150 = tpu.transpose %mul3A_136, [1, 0] : vector<128x1280xf32> -> vector<1280x128xf32>
    %swap3A_151 = arith.constant 0 : index
    %swap3A_152 = arith.constant 0 : index
    %swap3A_153 = vector.load %arg12[%swap3A_151, %swap3A_152] : memref<1280x128xf32, #tpu.memory_space<vmem>>, vector<1280x128xf32>
    tpu.vector_store %arg12[%swap3A_151, %swap3A_152], %transpose3A_150 {strides = array<i32>} : memref<1280x128xf32, #tpu.memory_space<vmem>>, vector<1280x128xf32>,
    %transpose3A_154 = tpu.transpose %mul3A_147, [1, 0] : vector<32x1280xf32> -> vector<1280x32xf32>
    %broadcast_in_dim3A_155 = arith.constant 0.000000e+00 : f32
    %broadcast_in_dim3A_156 = vector.broadcast %broadcast_in_dim3A_155 : f32 to vector<1280x96xf32>
    %concatenate3A_157 = tpu.concatenate %transpose3A_154, %broadcast_in_dim3A_156 in 1 : vector<1280x32xf32>, vector<1280x96xf32> -> vector<1280x128xf32>
    %swap3A_158 = arith.constant 0 : index
    %swap3A_159 = arith.constant 0 : index
    %swap3A_160 = vector.load %arg13[%swap3A_158, %swap3A_159] : memref<1280x128xf32, #tpu.memory_space<vmem>>, vector<1280x128xf32>
    tpu.vector_store %arg13[%swap3A_158, %swap3A_159], %concatenate3A_157 {strides = array<i32>} : memref<1280x128xf32, #tpu.memory_space<vmem>>, vector<1280x128xf32>,
    return
  }
  func.func @transform_0(%arg0: i32) -> (i32, i32, i32) {
    %c0_i32 = arith.constant 0 : i32
    %c0_i32_0 = arith.constant 0 : i32
    %c0_i32_1 = arith.constant 0 : i32
    return %arg0, %c0_i32, %c0_i32_0 : i32, i32, i32
  }
  func.func @transform_1(%arg0: i32) -> (i32, i32, i32) {
    %c0_i32 = arith.constant 0 : i32
    %c0_i32_0 = arith.constant 0 : i32
    %c0_i32_1 = arith.constant 0 : i32
    return %arg0, %c0_i32, %c0_i32_0 : i32, i32, i32
  }
  func.func @transform_2(%arg0: i32) -> (i32, i32, i32) {
    %c0_i32 = arith.constant 0 : i32
    %c0_i32_0 = arith.constant 0 : i32
    %c0_i32_1 = arith.constant 0 : i32
    return %arg0, %c0_i32, %c0_i32_0 : i32, i32, i32
  }
  func.func @transform_3(%arg0: i32) -> (i32, i32) {
    %c0_i32 = arith.constant 0 : i32
    %c0_i32_0 = arith.constant 0 : i32
    %c0_i32_1 = arith.constant 0 : i32
    return %c0_i32, %c0_i32_0 : i32, i32
  }
  func.func @transform_4(%arg0: i32) -> (i32, i32) {
    %c0_i32 = arith.constant 0 : i32
    %c0_i32_0 = arith.constant 0 : i32
    %c0_i32_1 = arith.constant 0 : i32
    return %c0_i32, %c0_i32_0 : i32, i32
  }
  func.func @transform_5(%arg0: i32) -> (i32, i32) {
    %c0_i32 = arith.constant 0 : i32
    %c0_i32_0 = arith.constant 0 : i32
    %c0_i32_1 = arith.constant 0 : i32
    return %c0_i32, %c0_i32_0 : i32, i32
  }
  func.func @transform_6(%arg0: i32) -> (i32, i32) {
    %c0_i32 = arith.constant 0 : i32
    %c0_i32_0 = arith.constant 0 : i32
    %c0_i32_1 = arith.constant 0 : i32
    return %c0_i32, %c0_i32_0 : i32, i32
  }
  func.func @transform_7(%arg0: i32) -> (i32, i32) {
    %c0_i32 = arith.constant 0 : i32
    %c0_i32_0 = arith.constant 0 : i32
    %c0_i32_1 = arith.constant 0 : i32
    return %c0_i32, %c0_i32_0 : i32, i32
  }
  func.func @transform_8(%arg0: i32) -> (i32, i32) {
    %c0_i32 = arith.constant 0 : i32
    %c0_i32_0 = arith.constant 0 : i32
    %c0_i32_1 = arith.constant 0 : i32
    return %c0_i32, %c0_i32_0 : i32, i32
  }
  func.func @transform_9(%arg0: i32) -> (i32, i32) {
    %c0_i32 = arith.constant 0 : i32
    %c0_i32_0 = arith.constant 0 : i32
    %c0_i32_1 = arith.constant 0 : i32
    return %c0_i32, %c0_i32_0 : i32, i32
  }
  func.func @transform_10(%arg0: i32) -> (i32, i32) {
    %c0_i32 = arith.constant 0 : i32
    %c0_i32_0 = arith.constant 0 : i32
    return %arg0, %c0_i32 : i32, i32
  }
  func.func @transform_11(%arg0: i32) -> (i32, i32) {
    %c0_i32 = arith.constant 0 : i32
    %c0_i32_0 = arith.constant 0 : i32
    return %arg0, %c0_i32 : i32, i32
  }
  func.func @transform_12(%arg0: i32) -> (i32, i32) {
    %c0_i32 = arith.constant 0 : i32
    %c0_i32_0 = arith.constant 0 : i32
    return %arg0, %c0_i32 : i32, i32
  }
}

</mosaic_0001>

<sc_bundles>
// kernel: kernel.6.cloned.1.call-start
scs
__scs_entry_jumppad:
0x0: {  	(pc) =	sbr.rel $0x88, $3  }
0x1: {  	(tag) =	ssettag $0x0;
	lr =	simm.s32 $0x1  }
0x2: {  	[smem:$0x3F97] =	sst lr;
	_ =	strace $0xD0000000  }
0x3: {  	_ = 	snop  }
0x4: {  	_ = 	snop  }
0x5: {  	_ = 	snop  }
0x6: {  	_ = 	snop  }
0x7: {  	_ = 	snop  }
__scs_overlays_trampoline_lowered:
0x8: {  	[smem:$0x3FA6] =	sst s0  }
0x9: {  	[smem:$0x3FA7] =	sst s1  }
0xa: {  	[smem:$0x3FA8] =	sst s2  }
0xb: {  	[smem:$0x3FA9] =	sst s3  }
0xc: {  	[smem:$0x3FAA] =	sst s4  }
0xd: {  	[smem:$0x3FAB] =	sst s5  }
0xe: {  	[smem:$0x3FAC] =	sst s6  }
0xf: {  	[smem:$0x3FAD] =	sst s7  }
0x10: {  	[smem:$0x3FAE] =	sst s8  }
0x11: {  	[smem:$0x3FAF] =	sst s9;
	s0 =	simm.s32 @!p0 $0x0  }
0x12: {  	s1 =	sld [smem:$0x3F95];
	s0 =	simm.s32 @p0 $0x1  }
0x13: {  	[smem:$0x3FB0] =	sst s0;
	s0 =	simm.s32 @!p1 $0x0  }
0x14: {  	s2 =	sld [smem:$0x3F94];
	s0 =	simm.s32 @p1 $0x1  }
0x15: {  	[smem:$0x3FB1] =	sst s0;
	s0 =	simm.s32 @!p2 $0x0  }
0x16: {  	s3 =	sld [smem:$0x3FDB];
	s0 =	simm.s32 @p2 $0x1  }
0x17: {  	s4 =	simm.s32 $0x1BF5;
	[smem:$0x3FB3] =	sst s0  }
0x18: {  	s0 =	sld [smem:$0x3F96];
	_ =	swait.ge [sflag:s4], $0x0  }
0x19: {  	s7 =	sld [smem:$0x3F97]  }
0x1a: {  	s8 =	sadd.s32 $0xFFFFE003, lr  }
0x1b: {  	s9 =	sadd.s32 $0xFFFFFEF7, lr;
	s5 =	simm.s32 $0xFFFFFFFF;
	p2 =	slt.u32 s8, $0xFFFFF086  }
0x1c: {  	p1 =	slt.u32 s9, $0xF7A;
	s5 =	simm.s32 @!p2 $0x0  }
0x1d: {  	s5 =	simm.s32 @p1 $0x1;
	p0 =	seq.s32 s7, s2  }
0x1e: {  	s7 =	smul.u32 @!p0 $0xF7A, s2;
	p2 =	seq.s32 @!p0 s5, $0x0  }
0x1f: {  	s9 =	smul.u32 $0xF7A, s1;
	s8 =	simm.s32 @!p0 $0x1BF5;
	p2 =	por !p2, p0  }
0x20: {  	[sflag:s8] =	ssyncset.s32 @!p0 $0xFFFFF086;
	s6 =	sadd.s32 @!p0 s3, s7;
	s7 =	simm.s32 @!p0 $0x108  }
0x21: {  	s3 =	sadd.s32 s3, s9;
	s6 =	sadd.s32 @!p0 $0x88, s6;
	s7 =	simm.s32 @p2 $0x1082  }
0x22: {  	[simem:s7], [sflag:s8] =	dma.local @!p0 [hbm:s6], $0xF7A  }
0x23: {  	s9 =	sor.u32 $0xD0000000, s2;
	s6 =	simm.s32 $0x108;
	_ =	swait.ge @!p0 [sflag:s8], $0x0  }
0x24: {  	s3 =	sadd.s32 $0x88, s3;
	s6 =	simm.s32 @!p1 $0x1082;
	[sflag:s4] =	ssyncset.s32 $0xFFFFF086  }
0x25: {  	[simem:s6], [sflag:s4] =	dma.local [hbm:s3], $0xF7A  }
0x26: {  	[smem:$0x3F97] =	sst s1;
	(tag) =	ssettag s2;
	_ =	strace s9  }
0x27: {  	s1 =	sld [smem:$0x3FA7]  }
0x28: {  	s2 =	sld [smem:$0x3FA8]  }
0x29: {  	s4 =	sld [smem:$0x3FAA]  }
0x2a: {  	p0 =	seq.s32 s5, $0x0;
	s5 =	sld [smem:$0x3FAB]  }
0x2b: {  	s6 =	sld [smem:$0x3FAC]  }
0x2c: {  	s7 =	sld [smem:$0x3FAD]  }
0x2d: {  	s3 =	simm.s32 $0x108;
	s8 =	sld [smem:$0x3FAE]  }
0x2e: {  	s3 =	simm.s32 @!p0 $0x1082;
	s9 =	sld [smem:$0x3FAF]  }
0x2f: {  	lr =	sadd.s32 s0, s3;
	s0 =	sld [smem:$0x3FA6]  }
0x30: {  	s3 =	sld [smem:$0x3FA9]  }
0x31: {  	[smem:$0x3FB2] =	sst s10  }
0x32: {  	s10 =	sld [smem:$0x3FB0];
	_ =	sdelay $0x3  }
0x33: {  	p0 =	seq.s32 s10, $0x1;
	s10 =	sld [smem:$0x3FB2];
	_ =	sdelay $0x3  }
0x34: {  	[smem:$0x3FB2] =	sst s10  }
0x35: {  	s10 =	sld [smem:$0x3FB1];
	_ =	sdelay $0x3  }
0x36: {  	p1 =	seq.s32 s10, $0x1;
	s10 =	sld [smem:$0x3FB2];
	_ =	sdelay $0x3  }
0x37: {  	[smem:$0x3FB2] =	sst s10  }
0x38: {  	s10 =	sld [smem:$0x3FB3]  }
0x39: {  	_ = 	snop;
	(pc) =	sbr.ind lr, $3  }
0x3a: {  	_ = 	snop  }
0x3b: {  	_ = 	snop  }
0x3c: {  	p2 =	seq.s32 s10, $0x1;
	s10 =	sld [smem:$0x3FB2]  }
0x3d: {  	_ =	shalt  }
0x3e: {  	_ =	shalt  }
0x3f: {  	_ =	shalt  }
0x40: {  	_ =	shalt  }
0x41: {  	_ =	shalt  }
0x42: {  	_ =	shalt  }
0x43: {  	_ =	shalt  }
0x44: {  	_ =	shalt  }
0x45: {  	_ =	shalt  }
0x46: {  	_ =	shalt  }
0x47: {  	_ =	shalt  }
0x48: {  	_ =	shalt  }
0x49: {  	_ =	shalt  }
0x4a: {  	_ =	shalt  }
0x4b: {  	_ =	shalt  }
0x4c: {  	_ =	shalt  }
0x4d: {  	_ =	shalt  }
0x4e: {  	_ =	shalt  }
0x4f: {  	_ =	shalt  }
0x50: {  	_ =	shalt  }
0x51: {  	_ =	shalt  }
0x52: {  	_ =	shalt  }
0x53: {  	_ =	shalt  }
0x54: {  	_ =	shalt  }
0x55: {  	_ =	shalt  }
0x56: {  	_ =	shalt  }
0x57: {  	_ =	shalt  }
0x58: {  	_ =	shalt  }
0x59: {  	_ =	shalt  }
0x5a: {  	_ =	shalt  }
0x5b: {  	_ =	shalt  }
0x5c: {  	_ =	shalt  }
0x5d: {  	_ =	shalt  }
0x5e: {  	_ =	shalt  }
0x5f: {  	_ =	shalt  }
0x60: {  	_ =	shalt  }
0x61: {  	_ =	shalt  }
0x62: {  	_ =	shalt  }
0x63: {  	_ =	shalt  }
0x64: {  	_ =	shalt  }
0x65: {  	_ =	shalt  }
0x66: {  	_ =	shalt  }
0x67: {  	_ =	shalt  }
0x68: {  	_ =	shalt  }
0x69: {  	_ =	shalt  }
0x6a: {  	_ =	shalt  }
0x6b: {  	_ =	shalt  }
0x6c: {  	_ =	shalt  }
0x6d: {  	_ =	shalt  }
0x6e: {  	_ =	shalt  }
0x6f: {  	_ =	shalt  }
0x70: {  	_ =	shalt  }
0x71: {  	_ =	shalt  }
0x72: {  	_ =	shalt  }
0x73: {  	_ =	shalt  }
0x74: {  	_ =	shalt  }
0x75: {  	_ =	shalt  }
0x76: {  	_ =	shalt  }
0x77: {  	_ =	shalt  }
0x78: {  	_ =	shalt  }
0x79: {  	_ =	shalt  }
0x7a: {  	_ =	shalt  }
0x7b: {  	_ =	shalt  }
0x7c: {  	_ =	shalt  }
0x7d: {  	_ =	shalt  }
0x7e: {  	_ =	shalt  }
0x7f: {  	_ =	shalt  }
0x80: {  	_ =	shalt  }
0x81: {  	_ =	shalt  }
0x82: {  	_ =	shalt  }
0x83: {  	_ =	shalt  }
0x84: {  	_ =	shalt  }
0x85: {  	_ =	shalt  }
0x86: {  	_ =	shalt  }
0x87: {  	_ =	shalt  }
.Lfunc_end0:
.L_simem_size_0:
called_computation_lowered:
.L_overlay_start_0:
0x88: {  	s2 =	sld [smem:$0x3FD9]  }
0x89: {  	s3 =	sld [smem:$0x3FFE];
	_ =	sdelay $0x1  }
0x8a: {  	s1 =	srdreg.scid  }
0x8b: {  	s0 =	sand.u32 $0x1, s1  }
0x8c: {  	s16 =	sshll.u32 s0, $0xA;
	s2 =	sadd.s32 s3, s2  }
0x8d: {  	s2 =	sadd.s32 s2, s16  }
0x8e: {  	[smem:$0x3FBE] =	sst s2  }
0x8f: {  	_ = 	snop  }
0x90: {  	(tm) =	ssettm $0x1  }
0x91: {  	s17 =	sld [smem:$0x3FFB];
	_ =	sdelay $0x3  }
0x92: {  	_ =	strace s17  }
0x93: {  	s2 =	sld [smem:$0x3FFC];
	_ =	sdelay $0x3  }
0x94: {  	_ =	strace s2  }
0x95: {  	s2 =	sld [smem:$0x3FFD];
	_ =	sdelay $0x3  }
0x96: {  	_ =	strace s2  }
0x97: {  	_ =	strace $0x8FFFFFFF  }
0x98: {  	s18 =	sld [smem:$0x3FDB];
	_ =	sdelay $0x1  }
0x99: {  	s19 =	simm.s32 $_scs_section_size  }
0x9a: {  	s4 =	simm.s32 $_size__tile_overlayer_lowered;
	s5 =	simm.s32 $_tile_overlayer_lowered  }
0x9b: {  	s22 =	simm.s32 $0x1BFF;
	s21 =	sshll.u32 s5, $0x1;
	s2 =	sadd.s32 s19, s18  }
0x9c: {  	s6 =	simm.s32 $0x0;
	s20 =	sshll.u32 s4, $0x1;
	s4 =	sadd.s32 s21, s2  }
0x9d: {  	[timem:s6], [sflag:s22] =	dma.local [hbm:s4], s20  }
0x9e: {  	_ =	swait.ge [sflag:s22], s20  }
0x9f: {  	s3 =	ssub.s32 $0x0, s20;
	[sflag:s22] =	ssyncset.done $0x0  }
0xa0: {  	[sflag:s22] =	ssyncadd.s32 s3;
	_ =	sdelay $0x1  }
0xa1: {  	s23 =	simm.s32 $0x1B8B  }
0xa2: {  	_ =	swait.ge [sflag:s23], $0x1  }
0xa3: {  	[sflag:s23] =	ssyncset.done $0x0  }
0xa4: {  	s25 =	simm.s32 $0x1B8E;
	s24 =	sld [smem:$0x3FFE];
	[sflag:s23] =	ssyncadd.s32 $0xFFFFFFFF  }
0xa5: {  	s26 =	simm.s32 $execute0_lowered;
	[smem:$0x3FD2] =	sst s25  }
0xa6: {  	s4 =	sshll.u32 s26, $0x1;
	_ =	strace $0x80000046;
	[dreg:$0x1] =	wrdreg $0xFFFFFFFF  }
0xa7: {  	s28 =	simm.s32 $_size_execute0_lowered;
	s2 =	sadd.s32 s2, s4;
	[dreg:$0x0] =	wrdreg $0x0  }
0xa8: {  	s4 =	sshll.u32 s28, $0x1;
	[dreg:$0x2] =	wrdreg s2  }
0xa9: {  	[dreg:$0x3] =	wrdreg s4  }
0xaa: {  	[dreg:$0x4] =	wrdreg $0xC0  }
0xab: {  	_ =	task [dreg:s6], $0x5FFFF  }
0xac: {  	[dreg:$0x1] =	wrdreg $0xFFFFFFFF  }
0xad: {  	[dreg:$0x0] =	wrdreg $0x60  }
0xae: {  	[dreg:$0x2] =	wrdreg s24  }
0xaf: {  	[dreg:$0x3] =	wrdreg $0x9  }
0xb0: {  	_ =	task.clear_ibuf [dreg:s6], $0x4FFFF;
	_ =	strace $0x90000046  }
0xb1: {  	s29 =	simm.s32 $0x9;
	_ =	strace $0x80000048  }
0xb2: {  	_ =	swait.ge [sflag:s29], $0x1  }
0xb3: {  	[sflag:s29] =	ssyncadd.s32 $0xFFFFFFFF  }
0xb4: {  	_ =	strace $0x90000048  }
0xb5: {  	_ =	sfence  }
0xb6: {  	s30 =	sld [smem:$0x0];
	_ =	sdelay $0x2  }
0xb7: {  	s31 =	sshll.u32 s1, $0xD;
	s1 =	sshrl.u32 s1, $0x2  }
0xb8: {  	s3 =	sand.u32 $0x4000, s31;
	s1 =	sadd.s32 s1, s30  }
0xb9: {  	s0 =	sor.u32 s3, s0;
	s1 =	sshll.u32 s1, $0x11  }
0xba: {  	s0 =	sor.u32 s1, s0  }
0xbb: {  	s0 =	sadd.s32 $0x8F2B, s0  }
0xbc: {  	[sflag:s0] =	ssyncadd.remote.s32 $0x1  }
0xbd: {  	_ =	sfence.sel $0xFFFF  }
0xbe: {  	[dreg:$0x0] =	wrdreg $0xFFFFFFFF;
	(pc) =	sbr.abs _section_cstart, $3  }
0xbf: {  	[dreg:$0x1] =	wrdreg $0xFFFFFFFF  }
0xc0: {  	_ =	task.clear_ibuf [dreg:s6], $0x2FFFF;
	_ =	strace $0x9FFFFFFF  }
0xc1: {  	(tm) =	ssettm $0x7FFFFFFF  }
tec
execute0_lowered:
.L_overlay_start_1:
0x0: {  	(tag) =	ssettag $0x1  }
0x1: {  	s6 =	rddreg [dreg:$0x0]  }
0x2: {  	s1 =	srdreg.scid;
	s0 =	rddreg [dreg:$0x1]  }
0x3: {  	s2 =	simm.s32 $0x0;
	s12 =	simm.s32 $0x1;
	s13 =	simm.s32 $0x2780  }
0x4: {  	s14 =	simm.s32 $0x4F00;
	s15 =	simm.s32 $0x7680;
	s16 =	simm.s32 $0x8A80  }
0x5: {  	s17 =	simm.s32 $0x9E80;
	s18 =	simm.s32 $0xB280;
	s3 =	sand.u32 $0x1, s1  }
0x6: {  	s19 =	simm.s32 $0xC680;
	s1 =	stileid.u32;
	s4 =	sshll.u32 s3, $0x4  }
0x7: {  	s20 =	simm.s32 $0x0;
	[smem:$0x7FF] =	sst s2;
	s4 =	sor.u32 s1, s4  }
0x8: {  	s5 =	sadd.s32 $0x800, s6;
	s8 =	ssub.s32 $0x2, s3;
	s7 =	smul.u32 $0x271, s4  }
0x9: {  	_ =	strace $0x80000047;
	s3 =	sadd.s32 $0x1400, s6;
	s9 =	sshrl.u32 s8, $0x1  }
0xa: {  	s4 =	sadd.s32 $0xE00, s6;
	s11 =	ssub.s32 s8, s9;
	s10 =	sadd.s32 s7, s6  }
0xb: {  	s11 =	smax.u32 s11, $0x1;
	s6 =	sadd.s32 $0x6A00, s10;
	s7 =	sadd.s32 $0x1A00, s10  }
0xc: {  	s8 =	sadd.s32 $0xBA00, s10;
	s9 =	sadd.s32 $0x10A00, s10;
	s10 =	sadd.s32 $0x15A00, s10  }
.LBB2_1:
0xd: {  	[tilespmem:s2], [sflag:$0x1] =	stream.linear.gather [hbm4b:s3+s2], $0x2780, $0x38;
	[tilespmem:$0xDA80] =	vst v63  }
0xe: {  	_ =	swait.ge [sflag:s12], $0x2780  }
0xf: {  	[sflag:s12] =	ssyncset.done $0x0  }
0x10: {  	[sflag:s12] =	ssyncadd.s32 $0xFFFFD880  }
0x11: {  	[tilespmem:s13], [sflag:$0x1] =	stream.linear.gather [hbm4b:s4+s2], $0x2780, $0x38;
	[tilespmem:$0xDA80] =	vst v63  }
0x12: {  	_ =	swait.ge [sflag:s12], $0x2780  }
0x13: {  	[sflag:s12] =	ssyncset.done $0x0  }
0x14: {  	[sflag:s12] =	ssyncadd.s32 $0xFFFFD880  }
0x15: {  	[tilespmem:s14], [sflag:$0x1] =	stream.linear.gather [hbm4b:s5+s2], $0x2780, $0x38;
	[tilespmem:$0xDA80] =	vst v63  }
0x16: {  	_ =	swait.ge [sflag:s12], $0x2780  }
0x17: {  	[sflag:s12] =	ssyncset.done $0x0  }
0x18: {  	[sflag:s12] =	ssyncadd.s32 $0xFFFFD880  }
0x19: {  	[tilespmem:s15], [sflag:$0x1] =	stream.linear.gather [hbm4b:s6+s2], $0x1388, $0x38;
	[tilespmem:$0xDA80] =	vst v63  }
0x1a: {  	_ =	swait.ge [sflag:s12], $0x1388  }
0x1b: {  	[sflag:s12] =	ssyncset.done $0x0  }
0x1c: {  	[sflag:s12] =	ssyncadd.s32 $0xFFFFEC78  }
0x1d: {  	[tilespmem:s16], [sflag:$0x1] =	stream.linear.gather [hbm4b:s7+s2], $0x1388, $0x38;
	[tilespmem:$0xDA80] =	vst v63  }
0x1e: {  	_ =	swait.ge [sflag:s12], $0x1388  }
0x1f: {  	[sflag:s12] =	ssyncset.done $0x0  }
0x20: {  	s21 =	simm.s32 $0x0;
	[sflag:s12] =	ssyncadd.s32 $0xFFFFEC78  }
0x21: {  	v0 =	vld [tilespmem:s21+$0x7680]  }
0x22: {  	v1 =	vld [tilespmem:s21+$0x8A80];
	_ =	sdelay $0x6  }
0x23: {  	v2 =	vld.idx.msk [tilespmem:v0+s2+$0x0], $0xffff  }
0x24: {  	v3 =	vld.idx.msk [tilespmem:v1+s2+$0x0], $0xffff;
	_ =	sdelay $0x4  }
0x25: {  	v2 =	vsub.f32 v2, v3;
	_ =	sdelay $0x1  }
0x26: {  	[tilespmem:s21+$0x9E80] =	vst v2  }
0x27: {  	v2 =	vld.idx.msk [tilespmem:v0+s13+$0x0], $0xffff  }
0x28: {  	v3 =	vld.idx.msk [tilespmem:v1+s13+$0x0], $0xffff;
	_ =	sdelay $0x4  }
0x29: {  	v2 =	vsub.f32 v2, v3;
	_ =	sdelay $0x1  }
0x2a: {  	[tilespmem:s21+$0xB280] =	vst v2  }
0x2b: {  	v2 =	vld.idx.msk [tilespmem:v0+s14+$0x0], $0xffff  }
0x2c: {  	s23 =	simm.s32 $0x10;
	v3 =	vld.idx.msk [tilespmem:v1+s14+$0x0], $0xffff  }
0x2d: {  	v0 =	vld [tilespmem:s23+$0x7680]  }
0x2e: {  	s22 =	simm.s32 $0x80;
	v1 =	vld [tilespmem:s23+$0x8A80]  }
.LBB2_2:
0x2f: {  	_ =	sdelay $0x1  }
0x30: {  	p0 =	sne.s32 s22, $0x4DC0;
	s24 =	smov.u32 s22;
	s22 =	sadd.s32 $0x40, s22  }
0x31: {  	v2 =	vsub.f32 v2, v3;
	_ =	sdelay $0x1  }
0x32: {  	[tilespmem:s21+$0xC680] =	vst v2;
	s21 =	smov.u32 s23  }
0x33: {  	v2 =	vld.idx.msk [tilespmem:v0+s2+$0x0], $0xffff  }
0x34: {  	v3 =	vld.idx.msk [tilespmem:v1+s2+$0x0], $0xffff;
	_ =	sdelay $0x5  }
0x35: {  	v2 =	vsub.f32 v2, v3;
	_ =	sdelay $0x1  }
0x36: {  	[tilespmem:s21+$0x9E80] =	vst v2  }
0x37: {  	v2 =	vld.idx.msk [tilespmem:v0+s13+$0x0], $0xffff  }
0x38: {  	v3 =	vld.idx.msk [tilespmem:v1+s13+$0x0], $0xffff;
	_ =	sdelay $0x5  }
0x39: {  	v2 =	vsub.f32 v2, v3;
	_ =	sdelay $0x1  }
.Ltmp0:
0x3a: {  	[tilespmem:s21+$0xB280] =	vst v2;
	(pc) =	sbr.rel @p0 .LBB2_2-.Ltmp0, $4  }
0x3b: {  	v2 =	vld.idx.msk [tilespmem:v0+s14+$0x0], $0xffff  }
0x3c: {  	s23 =	sshra.s32 s24, $0x2;
	v3 =	vld.idx.msk [tilespmem:v1+s14+$0x0], $0xffff  }
0x3d: {  	v0 =	vld [tilespmem:s23+$0x7680]  }
0x3e: {  	v1 =	vld [tilespmem:s23+$0x8A80]  }
0x3f: {  	_ =	sdelay $0x3  }
0x40: {  	v2 =	vsub.f32 v2, v3;
	_ =	sdelay $0x1  }
0x41: {  	[tilespmem:s21+$0xC680] =	vst v2  }
0x42: {  	v2 =	vld.idx.msk [tilespmem:v0+s2+$0x0], $0xffff  }
0x43: {  	v57 =	vld.idx.msk [tilespmem:v1+s2+$0x0], $0xffff;
	_ =	sdelay $0x4  }
0x44: {  	v2 =	vsub.f32 v2, v57;
	_ =	sdelay $0x1  }
0x45: {  	[tilespmem:s23+$0x9E80] =	vst v2  }
0x46: {  	v2 =	vld.idx.msk [tilespmem:v0+s13+$0x0], $0xffff  }
0x47: {  	v58 =	vld.idx.msk [tilespmem:v1+s13+$0x0], $0xffff;
	_ =	sdelay $0x4  }
0x48: {  	v2 =	vsub.f32 v2, v58;
	_ =	sdelay $0x1  }
0x49: {  	[tilespmem:s23+$0xB280] =	vst v2  }
0x4a: {  	v59 =	vld.idx.msk [tilespmem:v0+s14+$0x0], $0xffff  }
0x4b: {  	v60 =	vld.idx.msk [tilespmem:v1+s14+$0x0], $0xffff;
	_ =	sdelay $0x4  }
0x4c: {  	v0 =	vsub.f32 v59, v60;
	_ =	sdelay $0x1  }
0x4d: {  	[tilespmem:s23+$0xC680] =	vst v0  }
0x4e: {  	v0 =	vld [tilespmem:$0x89F8]  }
0x4f: {  	v61 =	vld [tilespmem:$0x9DF8];
	_ =	sdelay $0x6  }
0x50: {  	v2 =	vld.idx.msk [tilespmem:v0+s2+$0x0], $0xffff  }
0x51: {  	v62 =	vld.idx.msk [tilespmem:v61+s2+$0x0], $0xffff;
	_ =	sdelay $0x4  }
0x52: {  	v2 =	vsub.f32 v2, v62;
	_ =	sdelay $0x1  }
0x53: {  	[tilespmem:$0xB1F8] =	vst v2  }
0x54: {  	v2 =	vld.idx.msk [tilespmem:v0+s13+$0x0], $0xffff  }
0x55: {  	v63 =	vld.idx.msk [tilespmem:v61+s13+$0x0], $0xffff;
	_ =	sdelay $0x4  }
0x56: {  	v2 =	vsub.f32 v2, v63;
	_ =	sdelay $0x1  }
0x57: {  	[tilespmem:$0xC5F8] =	vst v2  }
0x58: {  	v0 =	vld.idx.msk [tilespmem:v0+s14+$0x0], $0xffff  }
0x59: {  	v1 =	vld.idx.msk [tilespmem:v61+s14+$0x0], $0xffff;
	_ =	sdelay $0x4  }
0x5a: {  	v0 =	vsub.f32 v0, v1;
	_ =	sdelay $0x1  }
0x5b: {  	[tilespmem:$0xD9F8] =	vst v0  }
0x5c: {  	[hbm4b:s8+s2] =	stream.linear.scatter [tilespmem:s17], [sflag:$0x1], $0x1388, $0x38;
	[tilespmem:$0xDA80] =	vst v63  }
0x5d: {  	_ =	swait.ge [sflag:s12], $0x1388  }
0x5e: {  	[sflag:s12] =	ssyncset.done $0x0  }
0x5f: {  	[sflag:s12] =	ssyncadd.s32 $0xFFFFEC78  }
0x60: {  	[hbm4b:s9+s2] =	stream.linear.scatter [tilespmem:s18], [sflag:$0x1], $0x1388, $0x38;
	[tilespmem:$0xDA80] =	vst v63  }
0x61: {  	s20 =	sadd.s32 $0x1, s20;
	_ =	swait.ge [sflag:s12], $0x1388  }
0x62: {  	p0 =	sne.s32 s20, s11;
	[sflag:s12] =	ssyncset.done $0x0  }
.Ltmp1:
0x63: {  	[sflag:s12] =	ssyncadd.s32 $0xFFFFEC78;
	(pc) =	sbr.rel @p0 .LBB2_1-.Ltmp1, $4  }
0x64: {  	[hbm4b:s10+s2] =	stream.linear.scatter [tilespmem:s19], [sflag:$0x1], $0x1388, $0x38;
	[tilespmem:$0xDA80] =	vst v63  }
0x65: {  	_ =	swait.ge [sflag:s12], $0x1388  }
0x66: {  	[sflag:s12] =	ssyncset.done $0x0  }
0x67: {  	[sflag:s12] =	ssyncadd.s32 $0xFFFFEC78  }
0x68: {  	_ =	sfence.sel $0x180000  }
0x69: {  	[bflag:$0x0] =	sbarrier.arrive $0xFFFF  }
0x6a: {  	p0 =	sne.s32 s1, $0x0;
	_ =	strace $0x90000047  }
0x6b: {  	s0 =	sadd.s32 @!p0 $0x100000, s0;
	[bflag:$0x2] =	sbarrier.arrive $0xFFFF  }
0x6c: {  	[sflag:s0] =	ssyncadd.tile.s32 @!p0 $0x1;
	_ =	shalt  }
.Lfunc_end2:
_tile_overlayer_lowered:
.L_overlay_start_2:
0x6d: {  	(tag) =	ssettag $0x2  }
0x6e: {  	s0 =	rddreg [dreg:$0x0];
	s2 =	stileid.u32  }
0x6f: {  	s1 =	rddreg [dreg:$0x1];
	p0 =	sne.s32 s2, $0x0  }
0x70: {  	s3 =	rddreg [dreg:$0x2];
	[bflag:$0x3] =	sbarrier.arrive $0xFFFF;
	s2 =	simm.s32 @!p0 $0x1C01  }
0x71: {  	[timem:s3], [sflag:s2] =	dma.local @!p0 [hbm:s0], s1  }
0x72: {  	s0 =	simm.s32 @!p0 $0x1  }
0x73: {  	_ =	swait.ge @!p0 [sflag:s0], s1  }
0x74: {  	s1 =	ssub.s32 @!p0 $0x0, s1;
	[sflag:s0] =	ssyncset.done @!p0 $0x0  }
0x75: {  	[sflag:s0] =	ssyncadd.s32 @!p0 s1  }
0x76: {  	[bflag:$0x3] =	sbarrier.arrive $0xFFFF  }
0x77: {  	_ =	shalt  }

// kernel: kernel.9.cloned.1.call-start
scs
__scs_entry_jumppad:
0x0: {  	(pc) =	sbr.rel $0x88, $3  }
0x1: {  	(tag) =	ssettag $0x0;
	lr =	simm.s32 $0x1  }
0x2: {  	[smem:$0x3F97] =	sst lr;
	_ =	strace $0xD0000000  }
0x3: {  	_ = 	snop  }
0x4: {  	_ = 	snop  }
0x5: {  	_ = 	snop  }
0x6: {  	_ = 	snop  }
0x7: {  	_ = 	snop  }
__scs_overlays_trampoline_lowered:
0x8: {  	[smem:$0x3FA6] =	sst s0  }
0x9: {  	[smem:$0x3FA7] =	sst s1  }
0xa: {  	[smem:$0x3FA8] =	sst s2  }
0xb: {  	[smem:$0x3FA9] =	sst s3  }
0xc: {  	[smem:$0x3FAA] =	sst s4  }
0xd: {  	[smem:$0x3FAB] =	sst s5  }
0xe: {  	[smem:$0x3FAC] =	sst s6  }
0xf: {  	[smem:$0x3FAD] =	sst s7  }
0x10: {  	[smem:$0x3FAE] =	sst s8  }
0x11: {  	[smem:$0x3FAF] =	sst s9;
	s0 =	simm.s32 @!p0 $0x0  }
0x12: {  	s1 =	sld [smem:$0x3F95];
	s0 =	simm.s32 @p0 $0x1  }
0x13: {  	[smem:$0x3FB0] =	sst s0;
	s0 =	simm.s32 @!p1 $0x0  }
0x14: {  	s2 =	sld [smem:$0x3F94];
	s0 =	simm.s32 @p1 $0x1  }
0x15: {  	[smem:$0x3FB1] =	sst s0;
	s0 =	simm.s32 @!p2 $0x0  }
0x16: {  	s3 =	sld [smem:$0x3FDB];
	s0 =	simm.s32 @p2 $0x1  }
0x17: {  	s4 =	simm.s32 $0x1BF5;
	[smem:$0x3FB3] =	sst s0  }
0x18: {  	s0 =	sld [smem:$0x3F96];
	_ =	swait.ge [sflag:s4], $0x0  }
0x19: {  	s7 =	sld [smem:$0x3F97]  }
0x1a: {  	s8 =	sadd.s32 $0xFFFFE003, lr  }
0x1b: {  	s9 =	sadd.s32 $0xFFFFFEF7, lr;
	s5 =	simm.s32 $0xFFFFFFFF;
	p2 =	slt.u32 s8, $0xFFFFF086  }
0x1c: {  	p1 =	slt.u32 s9, $0xF7A;
	s5 =	simm.s32 @!p2 $0x0  }
0x1d: {  	s5 =	simm.s32 @p1 $0x1;
	p0 =	seq.s32 s7, s2  }
0x1e: {  	s7 =	smul.u32 @!p0 $0xF7A, s2;
	p2 =	seq.s32 @!p0 s5, $0x0  }
0x1f: {  	s9 =	smul.u32 $0xF7A, s1;
	s8 =	simm.s32 @!p0 $0x1BF5;
	p2 =	por !p2, p0  }
0x20: {  	[sflag:s8] =	ssyncset.s32 @!p0 $0xFFFFF086;
	s6 =	sadd.s32 @!p0 s3, s7;
	s7 =	simm.s32 @!p0 $0x108  }
0x21: {  	s3 =	sadd.s32 s3, s9;
	s6 =	sadd.s32 @!p0 $0x88, s6;
	s7 =	simm.s32 @p2 $0x1082  }
0x22: {  	[simem:s7], [sflag:s8] =	dma.local @!p0 [hbm:s6], $0xF7A  }
0x23: {  	s9 =	sor.u32 $0xD0000000, s2;
	s6 =	simm.s32 $0x108;
	_ =	swait.ge @!p0 [sflag:s8], $0x0  }
0x24: {  	s3 =	sadd.s32 $0x88, s3;
	s6 =	simm.s32 @!p1 $0x1082;
	[sflag:s4] =	ssyncset.s32 $0xFFFFF086  }
0x25: {  	[simem:s6], [sflag:s4] =	dma.local [hbm:s3], $0xF7A  }
0x26: {  	[smem:$0x3F97] =	sst s1;
	(tag) =	ssettag s2;
	_ =	strace s9  }
0x27: {  	s1 =	sld [smem:$0x3FA7]  }
0x28: {  	s2 =	sld [smem:$0x3FA8]  }
0x29: {  	s4 =	sld [smem:$0x3FAA]  }
0x2a: {  	p0 =	seq.s32 s5, $0x0;
	s5 =	sld [smem:$0x3FAB]  }
0x2b: {  	s6 =	sld [smem:$0x3FAC]  }
0x2c: {  	s7 =	sld [smem:$0x3FAD]  }
0x2d: {  	s3 =	simm.s32 $0x108;
	s8 =	sld [smem:$0x3FAE]  }
0x2e: {  	s3 =	simm.s32 @!p0 $0x1082;
	s9 =	sld [smem:$0x3FAF]  }
0x2f: {  	lr =	sadd.s32 s0, s3;
	s0 =	sld [smem:$0x3FA6]  }
0x30: {  	s3 =	sld [smem:$0x3FA9]  }
0x31: {  	[smem:$0x3FB2] =	sst s10  }
0x32: {  	s10 =	sld [smem:$0x3FB0];
	_ =	sdelay $0x3  }
0x33: {  	p0 =	seq.s32 s10, $0x1;
	s10 =	sld [smem:$0x3FB2];
	_ =	sdelay $0x3  }
0x34: {  	[smem:$0x3FB2] =	sst s10  }
0x35: {  	s10 =	sld [smem:$0x3FB1];
	_ =	sdelay $0x3  }
0x36: {  	p1 =	seq.s32 s10, $0x1;
	s10 =	sld [smem:$0x3FB2];
	_ =	sdelay $0x3  }
0x37: {  	[smem:$0x3FB2] =	sst s10  }
0x38: {  	s10 =	sld [smem:$0x3FB3]  }
0x39: {  	_ = 	snop;
	(pc) =	sbr.ind lr, $3  }
0x3a: {  	_ = 	snop  }
0x3b: {  	_ = 	snop  }
0x3c: {  	p2 =	seq.s32 s10, $0x1;
	s10 =	sld [smem:$0x3FB2]  }
0x3d: {  	_ =	shalt  }
0x3e: {  	_ =	shalt  }
0x3f: {  	_ =	shalt  }
0x40: {  	_ =	shalt  }
0x41: {  	_ =	shalt  }
0x42: {  	_ =	shalt  }
0x43: {  	_ =	shalt  }
0x44: {  	_ =	shalt  }
0x45: {  	_ =	shalt  }
0x46: {  	_ =	shalt  }
0x47: {  	_ =	shalt  }
0x48: {  	_ =	shalt  }
0x49: {  	_ =	shalt  }
0x4a: {  	_ =	shalt  }
0x4b: {  	_ =	shalt  }
0x4c: {  	_ =	shalt  }
0x4d: {  	_ =	shalt  }
0x4e: {  	_ =	shalt  }
0x4f: {  	_ =	shalt  }
0x50: {  	_ =	shalt  }
0x51: {  	_ =	shalt  }
0x52: {  	_ =	shalt  }
0x53: {  	_ =	shalt  }
0x54: {  	_ =	shalt  }
0x55: {  	_ =	shalt  }
0x56: {  	_ =	shalt  }
0x57: {  	_ =	shalt  }
0x58: {  	_ =	shalt  }
0x59: {  	_ =	shalt  }
0x5a: {  	_ =	shalt  }
0x5b: {  	_ =	shalt  }
0x5c: {  	_ =	shalt  }
0x5d: {  	_ =	shalt  }
0x5e: {  	_ =	shalt  }
0x5f: {  	_ =	shalt  }
0x60: {  	_ =	shalt  }
0x61: {  	_ =	shalt  }
0x62: {  	_ =	shalt  }
0x63: {  	_ =	shalt  }
0x64: {  	_ =	shalt  }
0x65: {  	_ =	shalt  }
0x66: {  	_ =	shalt  }
0x67: {  	_ =	shalt  }
0x68: {  	_ =	shalt  }
0x69: {  	_ =	shalt  }
0x6a: {  	_ =	shalt  }
0x6b: {  	_ =	shalt  }
0x6c: {  	_ =	shalt  }
0x6d: {  	_ =	shalt  }
0x6e: {  	_ =	shalt  }
0x6f: {  	_ =	shalt  }
0x70: {  	_ =	shalt  }
0x71: {  	_ =	shalt  }
0x72: {  	_ =	shalt  }
0x73: {  	_ =	shalt  }
0x74: {  	_ =	shalt  }
0x75: {  	_ =	shalt  }
0x76: {  	_ =	shalt  }
0x77: {  	_ =	shalt  }
0x78: {  	_ =	shalt  }
0x79: {  	_ =	shalt  }
0x7a: {  	_ =	shalt  }
0x7b: {  	_ =	shalt  }
0x7c: {  	_ =	shalt  }
0x7d: {  	_ =	shalt  }
0x7e: {  	_ =	shalt  }
0x7f: {  	_ =	shalt  }
0x80: {  	_ =	shalt  }
0x81: {  	_ =	shalt  }
0x82: {  	_ =	shalt  }
0x83: {  	_ =	shalt  }
0x84: {  	_ =	shalt  }
0x85: {  	_ =	shalt  }
0x86: {  	_ =	shalt  }
0x87: {  	_ =	shalt  }
.Lfunc_end0:
.L_simem_size_0:
called_computation.1_lowered:
.L_overlay_start_0:
0x88: {  	s2 =	sld [smem:$0x3FD9]  }
0x89: {  	s3 =	sld [smem:$0x3FFE];
	_ =	sdelay $0x1  }
0x8a: {  	s1 =	srdreg.scid  }
0x8b: {  	s0 =	sand.u32 $0x1, s1  }
0x8c: {  	s17 =	sshll.u32 s0, $0xA;
	s2 =	sadd.s32 s3, s2  }
0x8d: {  	s2 =	sadd.s32 s2, s17  }
0x8e: {  	[smem:$0x3FBE] =	sst s2  }
0x8f: {  	_ = 	snop  }
0x90: {  	s2 =	sld [smem:$0x3FD0];
	(tm) =	ssettm $0x1  }
0x91: {  	s18 =	sld [smem:$0x3FFB];
	_ =	sdelay $0x3  }
0x92: {  	_ =	strace s18  }
0x93: {  	s3 =	sld [smem:$0x3FFC];
	_ =	sdelay $0x3  }
0x94: {  	_ =	strace s3  }
0x95: {  	s3 =	sld [smem:$0x3FFD];
	_ =	sdelay $0x3  }
0x96: {  	_ =	strace s3  }
0x97: {  	_ =	strace $0x8FFFFFFF  }
0x98: {  	s19 =	sld [smem:$0x3FDB];
	_ =	sdelay $0x1  }
0x99: {  	s4 =	simm.s32 $_scs_section_size  }
0x9a: {  	s5 =	simm.s32 $_size__tile_overlayer_lowered;
	s6 =	simm.s32 $_tile_overlayer_lowered  }
0x9b: {  	s22 =	simm.s32 $0x1BFF;
	s21 =	sshll.u32 s6, $0x1;
	s3 =	sadd.s32 s4, s19  }
0x9c: {  	s7 =	simm.s32 $0x0;
	s20 =	sshll.u32 s5, $0x1;
	s5 =	sadd.s32 s21, s3  }
0x9d: {  	[timem:s7], [sflag:s22] =	dma.local [hbm:s5], s20  }
0x9e: {  	_ =	swait.ge [sflag:s22], s20  }
0x9f: {  	s4 =	ssub.s32 $0x0, s20;
	[sflag:s22] =	ssyncset.done $0x0  }
0xa0: {  	[sflag:s22] =	ssyncadd.s32 s4;
	_ =	sdelay $0x1  }
0xa1: {  	s23 =	simm.s32 $0x1B8B  }
0xa2: {  	_ =	swait.ge [sflag:s23], $0x1  }
0xa3: {  	[sflag:s23] =	ssyncset.done $0x0  }
0xa4: {  	s25 =	simm.s32 $0x1B8E;
	s24 =	sld [smem:$0x3FFE];
	[sflag:s23] =	ssyncadd.s32 $0xFFFFFFFF  }
0xa5: {  	s26 =	simm.s32 $execute0_lowered;
	[smem:$0x3FD2] =	sst s25  }
0xa6: {  	s5 =	sshll.u32 s26, $0x1;
	_ =	strace $0x80000049;
	[dreg:$0x1] =	wrdreg $0xFFFFFFFF  }
0xa7: {  	s28 =	simm.s32 $_size_execute0_lowered;
	s3 =	sadd.s32 s3, s5;
	[dreg:$0x0] =	wrdreg $0x0  }
0xa8: {  	s5 =	sshll.u32 s28, $0x1;
	[dreg:$0x2] =	wrdreg s3  }
0xa9: {  	[dreg:$0x3] =	wrdreg s5  }
0xaa: {  	[dreg:$0x4] =	wrdreg $0xC0  }
0xab: {  	_ =	task [dreg:s7], $0x5FFFF  }
0xac: {  	[dreg:$0x1] =	wrdreg $0xFFFFFFFF  }
0xad: {  	[dreg:$0x0] =	wrdreg $0x60  }
0xae: {  	[dreg:$0x2] =	wrdreg s24  }
0xaf: {  	[dreg:$0x3] =	wrdreg s2  }
0xb0: {  	[dreg:$0x4] =	wrdreg $0x0  }
0xb1: {  	[dreg:$0x5] =	wrdreg $0x9  }
0xb2: {  	_ =	task.clear_ibuf [dreg:s7], $0x6FFFF;
	_ =	strace $0x90000049  }
0xb3: {  	s29 =	simm.s32 $0x9;
	_ =	strace $0x8000004B  }
0xb4: {  	_ =	swait.ge [sflag:s29], $0x1  }
0xb5: {  	[sflag:s29] =	ssyncadd.s32 $0xFFFFFFFF  }
0xb6: {  	_ =	strace $0x9000004B  }
0xb7: {  	_ =	sfence  }
0xb8: {  	s30 =	sld [smem:$0x0];
	_ =	sdelay $0x2  }
0xb9: {  	s31 =	sshll.u32 s1, $0xD;
	s1 =	sshrl.u32 s1, $0x2  }
0xba: {  	s3 =	sand.u32 $0x4000, s31;
	s1 =	sadd.s32 s1, s30  }
0xbb: {  	s0 =	sor.u32 s3, s0;
	s1 =	sshll.u32 s1, $0x11  }
0xbc: {  	s0 =	sor.u32 s1, s0  }
0xbd: {  	s0 =	sadd.s32 $0x8F2B, s0  }
0xbe: {  	[sflag:s0] =	ssyncadd.remote.s32 $0x1  }
0xbf: {  	_ =	sfence.sel $0xFFFF  }
0xc0: {  	[dreg:$0x0] =	wrdreg $0xFFFFFFFF;
	(pc) =	sbr.abs _section_cstart, $3  }
0xc1: {  	[dreg:$0x1] =	wrdreg $0xFFFFFFFF  }
0xc2: {  	_ =	task.clear_ibuf [dreg:s7], $0x2FFFF;
	_ =	strace $0x9FFFFFFF  }
0xc3: {  	(tm) =	ssettm $0x7FFFFFFF  }
tec
execute0_lowered:
.L_overlay_start_1:
0x0: {  	(tag) =	ssettag $0x1  }
0x1: {  	s0 =	rddreg [dreg:$0x0]  }
0x2: {  	s30 =	rddreg [dreg:$0x1]  }
0x3: {  	s2 =	rddreg [dreg:$0x2];
	s1 =	simm.s32 $0x0;
	s11 =	stileid.u32  }
0x4: {  	s24 =	srdreg.scid;
	[smem:$0x7FF] =	sst s1;
	s5 =	sadd.s32 $0x1AA00, s0  }
0x5: {  	s6 =	sadd.s32 $0x46A00, s0;
	s7 =	sadd.s32 $0x2B7A00, s0;
	s3 =	smul.u32 $0x5A00, s11  }
0x6: {  	s8 =	sadd.s32 $0x528A00, s0;
	s1 =	sand.u32 $0x1, s24;
	s9 =	smul.u32 $0x5A000, s11  }
0x7: {  	s4 =	sadd.s32 $0x6A00, s0;
	s10 =	sadd.s32 $0x1A00, s0;
	s29 =	smul.u32 $0x2710, s11  }
0x8: {  	_ =	strace $0x8000004A;
	[dreg:$0x5] =	wrdreg s4;
	s25 =	ssub.s32 $0x2, s1  }
0x9: {  	s0 =	sadd.s32 s3, s0;
	s26 =	sshrl.u32 s25, $0x1;
	s9 =	sshrl.u32 s9, $0x2  }
0xa: {  	[dreg:$0x6] =	wrdreg s29;
	s3 =	ssub.s32 s25, s26;
	s9 =	sadd.s32 s9, s2  }
0xb: {  	s11 =	smax.u32 s3, $0x1;
	[dreg:$0x8] =	wrdreg s9  }
0xc: {  	s12 =	sadd.s32 $0x1680, s9;
	[dreg:$0x7] =	wrdreg s11  }
0xd: {  	s13 =	sadd.s32 $0x2D00, s9;
	[dreg:$0x9] =	wrdreg s12  }
0xe: {  	s14 =	sadd.s32 $0x4380, s9;
	[dreg:$0xa] =	wrdreg s13  }
0xf: {  	s15 =	sadd.s32 $0x5A00, s9;
	[dreg:$0xb] =	wrdreg s14  }
0x10: {  	s16 =	sadd.s32 $0x7080, s9;
	[dreg:$0xc] =	wrdreg s15  }
0x11: {  	s17 =	sadd.s32 $0x8700, s9;
	[dreg:$0xd] =	wrdreg s16  }
0x12: {  	s18 =	sadd.s32 $0x9D80, s9;
	[dreg:$0xe] =	wrdreg s17  }
0x13: {  	s19 =	sadd.s32 $0xB400, s9;
	[dreg:$0xf] =	wrdreg s18  }
0x14: {  	s20 =	sadd.s32 $0xCA80, s9;
	[dreg:$0x10] =	wrdreg s19  }
0x15: {  	s31 =	simm.s32 $0x16FF8;
	s21 =	sadd.s32 $0xE100, s9;
	[dreg:$0x11] =	wrdreg s20  }
0x16: {  	s28 =	simm.s32 $0x6;
	s22 =	sadd.s32 $0xF780, s9;
	[dreg:$0x12] =	wrdreg s21  }
0x17: {  	p0 =	seq.s32 s1, $0x1;
	s23 =	sadd.s32 $0x10E00, s9;
	[dreg:$0x13] =	wrdreg s22  }
0x18: {  	s4 =	simm.s32 $0x0;
	s24 =	sadd.s32 $0x12480, s9;
	[dreg:$0x14] =	wrdreg s23  }
0x19: {  	s25 =	sadd.s32 $0x799A00, s0;
	s26 =	sadd.s32 $0x13B00, s9;
	[dreg:$0x15] =	wrdreg s24  }
0x1a: {  	s0 =	simm.s32 $0x7;
	s29 =	sadd.s32 $0x15180, s9;
	[dreg:$0x16] =	wrdreg s26  }
.Ltmp0:
0x1b: {  	[dreg:$0x17] =	wrdreg s29;
	s12 =	simm.s32 $0x16FD0;
	(pc) =	sbr.rel .LBB2_1-.Ltmp0, $4  }
0x1c: {  	s14 =	simm.s32 $0x28;
	s15 =	simm.s32 $0x18678;
	s16 =	simm.s32 $0x19A78  }
0x1d: {  	s17 =	simm.s32 $0x1AE78;
	s18 =	simm.s32 $0x1AEA0;
	s19 =	simm.s32 $0x1C520  }
0x1e: {  	s20 =	simm.s32 $0x1D920;
	s21 =	simm.s32 $0x1;
	s22 =	simm.s32 $0x2  }
0x1f: {  	v0 =	vimm.f32 $0.0e+00;
	s23 =	simm.s32 $0x3;
	s24 =	simm.s32 $0x4;
	s26 =	simm.s32 $0x5  }
.LBB2_32:
0x20: {  	s4 =	sadd.s32 $0x1, s4;
	s1 =	rddreg [dreg:$0x7]  }
0x21: {  	p1 =	sne.s32 s4, s1  }
.Ltmp1:
0x22: {  	_ = 	snop;
	(pc) =	sbr.rel @!p1 .LBB2_33-.Ltmp1, $1  }
0x23: {  	_ =	sdelay $0x3  }
.LBB2_1:
0x24: {  	s1 =	simm.s32 $0x0;
	s3 =	simm.s32 $0x240  }
.LBB2_2:
0x25: {  	p1 =	sne.s32 s3, $0x57C0;
	[tilespmem:s1+$0x17078] =	vst v0  }
0x26: {  	[tilespmem:s1+$0x16FF8] =	vst v0  }
0x27: {  	[tilespmem:s1+$0x17008] =	vst v0  }
0x28: {  	[tilespmem:s1+$0x17018] =	vst v0  }
.Ltmp2:
0x29: {  	[tilespmem:s1+$0x17028] =	vst v0;
	(pc) =	sbr.rel @p1 .LBB2_2-.Ltmp2, $4  }
0x2a: {  	[tilespmem:s1+$0x17038] =	vst v0  }
0x2b: {  	[tilespmem:s1+$0x17048] =	vst v0  }
0x2c: {  	[tilespmem:s1+$0x17058] =	vst v0  }
0x2d: {  	[tilespmem:s1+$0x17068] =	vst v0;
	s1 =	sshra.s32 s3, $0x2;
	s3 =	sadd.s32 $0x240, s3  }
0x2e: {  	[tilespmem:s1+$0x17078] =	vst v0  }
0x2f: {  	[tilespmem:s1+$0x16FF8] =	vst v0  }
0x30: {  	[tilespmem:s1+$0x17008] =	vst v0  }
0x31: {  	[tilespmem:s1+$0x17018] =	vst v0  }
0x32: {  	[tilespmem:s1+$0x17028] =	vst v0  }
0x33: {  	[tilespmem:s1+$0x17038] =	vst v0  }
0x34: {  	[tilespmem:s1+$0x17048] =	vst v0  }
0x35: {  	[tilespmem:s1+$0x17058] =	vst v0  }
0x36: {  	[dreg:$0x4] =	wrdreg s4;
	[tilespmem:s1+$0x17068] =	vst v0  }
0x37: {  	[spmem:s9] =	stream.linear.scatter [tilespmem:s31], [sflag:$0x7], $0x1680, $0x38;
	[tilespmem:$0x1ED20] =	vst v63  }
0x38: {  	_ =	swait.ge [sflag:s0], $0x1680  }
0x39: {  	[sflag:s0] =	ssyncset.done $0x0  }
0x3a: {  	s11 =	rddreg [dreg:$0x9];
	[sflag:s0] =	ssyncadd.s32 $0xFFFFE980  }
0x3b: {  	[spmem:s11] =	stream.linear.scatter [tilespmem:s31], [sflag:$0x7], $0x1680, $0x38;
	[tilespmem:$0x1ED20] =	vst v63  }
0x3c: {  	_ =	swait.ge [sflag:s0], $0x1680  }
0x3d: {  	[sflag:s0] =	ssyncset.done $0x0  }
0x3e: {  	s13 =	rddreg [dreg:$0xa];
	[sflag:s0] =	ssyncadd.s32 $0xFFFFE980  }
0x3f: {  	[spmem:s13] =	stream.linear.scatter [tilespmem:s31], [sflag:$0x7], $0x1680, $0x38;
	[tilespmem:$0x1ED20] =	vst v63  }
0x40: {  	_ =	swait.ge [sflag:s0], $0x1680  }
0x41: {  	[sflag:s0] =	ssyncset.done $0x0  }
0x42: {  	s29 =	rddreg [dreg:$0xb];
	[sflag:s0] =	ssyncadd.s32 $0xFFFFE980  }
0x43: {  	[spmem:s29] =	stream.linear.scatter [tilespmem:s31], [sflag:$0x7], $0x1680, $0x38;
	[tilespmem:$0x1ED20] =	vst v63  }
0x44: {  	_ =	swait.ge [sflag:s0], $0x1680  }
0x45: {  	[sflag:s0] =	ssyncset.done $0x0  }
0x46: {  	s3 =	rddreg [dreg:$0xc];
	[sflag:s0] =	ssyncadd.s32 $0xFFFFE980  }
0x47: {  	[spmem:s3] =	stream.linear.scatter [tilespmem:s31], [sflag:$0x7], $0x1680, $0x38;
	[tilespmem:$0x1ED20] =	vst v63  }
0x48: {  	_ =	swait.ge [sflag:s0], $0x1680  }
0x49: {  	[sflag:s0] =	ssyncset.done $0x0  }
0x4a: {  	s4 =	rddreg [dreg:$0xd];
	[sflag:s0] =	ssyncadd.s32 $0xFFFFE980  }
0x4b: {  	[spmem:s4] =	stream.linear.scatter [tilespmem:s31], [sflag:$0x7], $0x1680, $0x38;
	[tilespmem:$0x1ED20] =	vst v63  }
0x4c: {  	_ =	swait.ge [sflag:s0], $0x1680  }
0x4d: {  	[sflag:s0] =	ssyncset.done $0x0  }
0x4e: {  	s9 =	rddreg [dreg:$0xe];
	[sflag:s0] =	ssyncadd.s32 $0xFFFFE980  }
0x4f: {  	[spmem:s9] =	stream.linear.scatter [tilespmem:s31], [sflag:$0x7], $0x1680, $0x38;
	[tilespmem:$0x1ED20] =	vst v63  }
0x50: {  	_ =	swait.ge [sflag:s0], $0x1680  }
0x51: {  	[sflag:s0] =	ssyncset.done $0x0  }
0x52: {  	s11 =	rddreg [dreg:$0xf];
	[sflag:s0] =	ssyncadd.s32 $0xFFFFE980  }
0x53: {  	[spmem:s11] =	stream.linear.scatter [tilespmem:s31], [sflag:$0x7], $0x1680, $0x38;
	[tilespmem:$0x1ED20] =	vst v63  }
0x54: {  	_ =	swait.ge [sflag:s0], $0x1680  }
0x55: {  	[sflag:s0] =	ssyncset.done $0x0  }
0x56: {  	s13 =	rddreg [dreg:$0x10];
	[sflag:s0] =	ssyncadd.s32 $0xFFFFE980  }
0x57: {  	[spmem:s13] =	stream.linear.scatter [tilespmem:s31], [sflag:$0x7], $0x1680, $0x38;
	[tilespmem:$0x1ED20] =	vst v63  }
0x58: {  	_ =	swait.ge [sflag:s0], $0x1680  }
0x59: {  	[sflag:s0] =	ssyncset.done $0x0  }
0x5a: {  	s29 =	rddreg [dreg:$0x11];
	[sflag:s0] =	ssyncadd.s32 $0xFFFFE980  }
0x5b: {  	[spmem:s29] =	stream.linear.scatter [tilespmem:s31], [sflag:$0x7], $0x1680, $0x38;
	[tilespmem:$0x1ED20] =	vst v63  }
0x5c: {  	_ =	swait.ge [sflag:s0], $0x1680  }
0x5d: {  	[sflag:s0] =	ssyncset.done $0x0  }
0x5e: {  	s3 =	rddreg [dreg:$0x12];
	[sflag:s0] =	ssyncadd.s32 $0xFFFFE980  }
0x5f: {  	[spmem:s3] =	stream.linear.scatter [tilespmem:s31], [sflag:$0x7], $0x1680, $0x38;
	[tilespmem:$0x1ED20] =	vst v63  }
0x60: {  	_ =	swait.ge [sflag:s0], $0x1680  }
0x61: {  	[sflag:s0] =	ssyncset.done $0x0  }
0x62: {  	s4 =	rddreg [dreg:$0x13];
	[sflag:s0] =	ssyncadd.s32 $0xFFFFE980  }
0x63: {  	[spmem:s4] =	stream.linear.scatter [tilespmem:s31], [sflag:$0x7], $0x1680, $0x38;
	[tilespmem:$0x1ED20] =	vst v63  }
0x64: {  	_ =	swait.ge [sflag:s0], $0x1680  }
0x65: {  	[sflag:s0] =	ssyncset.done $0x0  }
0x66: {  	s9 =	rddreg [dreg:$0x14];
	[sflag:s0] =	ssyncadd.s32 $0xFFFFE980  }
0x67: {  	[spmem:s9] =	stream.linear.scatter [tilespmem:s31], [sflag:$0x7], $0x1680, $0x38;
	[tilespmem:$0x1ED20] =	vst v63  }
0x68: {  	_ =	swait.ge [sflag:s0], $0x1680  }
0x69: {  	[sflag:s0] =	ssyncset.done $0x0  }
0x6a: {  	s11 =	rddreg [dreg:$0x15];
	[sflag:s0] =	ssyncadd.s32 $0xFFFFE980  }
0x6b: {  	[spmem:s11] =	stream.linear.scatter [tilespmem:s31], [sflag:$0x7], $0x1680, $0x38;
	[tilespmem:$0x1ED20] =	vst v63  }
0x6c: {  	_ =	swait.ge [sflag:s0], $0x1680  }
0x6d: {  	[sflag:s0] =	ssyncset.done $0x0  }
0x6e: {  	s13 =	rddreg [dreg:$0x16];
	[sflag:s0] =	ssyncadd.s32 $0xFFFFE980  }
0x6f: {  	[spmem:s13] =	stream.linear.scatter [tilespmem:s31], [sflag:$0x7], $0x1680, $0x38;
	[tilespmem:$0x1ED20] =	vst v63  }
0x70: {  	_ =	swait.ge [sflag:s0], $0x1680  }
0x71: {  	[sflag:s0] =	ssyncset.done $0x0  }
0x72: {  	s29 =	rddreg [dreg:$0x17];
	[sflag:s0] =	ssyncadd.s32 $0xFFFFE980  }
0x73: {  	[spmem:s29] =	stream.linear.scatter [tilespmem:s31], [sflag:$0x7], $0x1680, $0x38;
	[tilespmem:$0x1ED20] =	vst v63  }
.Ltmp3:
0x74: {  	_ =	swait.ge [sflag:s0], $0x1680;
	(pc) =	sbr.rel @!p0 .LBB2_4-.Ltmp3, $4  }
0x75: {  	[sflag:s0] =	ssyncset.done $0x0  }
0x76: {  	[sflag:s0] =	ssyncadd.s32 $0xFFFFE980  }
0x77: {  	[bflag:$0x0] =	sbarrier.arrive $0xFFFF  }
0x78: {  	s1 =	simm.s32 $0x0;
	s3 =	simm.s32 $0x0  }
.LBB2_18:
0x79: {  	s1 =	smul.u32 $0x7D0, s3  }
0x7a: {  	s4 =	rddreg [dreg:$0x6]  }
0x7b: {  	[dreg:$0x19] =	wrdreg s3;
	s29 =	sadd.s32 s4, s1  }
0x7c: {  	s9 =	rddreg [dreg:$0x5];
	s1 =	sshrl.u32 s29, $0x3  }
0x7d: {  	s4 =	simm.s32 $0x16800;
	s3 =	sadd.s32 s9, s1;
	s9 =	simm.s32 $0x0  }
0x7e: {  	[tilespmem:s4], [sflag:$0x7] =	stream.linear.gather [hbm4b:s3+s9], $0x7D0, $0x38;
	[tilespmem:$0x1ED20] =	vst v63  }
0x7f: {  	_ =	swait.ge [sflag:s0], $0x7D0  }
0x80: {  	[sflag:s0] =	ssyncset.done $0x0  }
0x81: {  	s1 =	sadd.s32 s10, s1;
	[sflag:s0] =	ssyncadd.s32 $0xFFFFF830  }
0x82: {  	[tilespmem:s12], [sflag:$0x7] =	stream.linear.gather [hbm4b:s1+s9], $0x28, $0x38;
	[tilespmem:$0x1ED20] =	vst v63  }
0x83: {  	_ =	swait.ge [sflag:s0], $0x28  }
0x84: {  	[sflag:s0] =	ssyncset.done $0x0  }
0x85: {  	s11 =	sshll.u32 s29, $0x4;
	[sflag:s0] =	ssyncadd.s32 $0xFFFFFFD8  }
0x86: {  	[tilespmem:s31], [sflag:$0x1] =	stream.indirect.gather [hbm4b:s30+s14], $0x90, s4, s14, $0xb8;
	[tilespmem:$0x1ED20] =	vst v63  }
0x87: {  	s13 =	sadd.s32 s7, s11  }
0x88: {  	[tilespmem:s15], [sflag:$0x2] =	stream.linear.gather [hbm4b:s13+s9], $0x1400, $0x38;
	[tilespmem:$0x1ED20] =	vst v63  }
0x89: {  	s1 =	sadd.s32 s8, s11;
	s11 =	simm.s32 $0x0  }
0x8a: {  	[tilespmem:s16], [sflag:$0x3] =	stream.linear.gather [hbm4b:s1+s9], $0x1400, $0x38;
	[tilespmem:$0x1ED20] =	vst v63  }
.LBB2_19:
0x8b: {  	s4 =	smul.u32 $0x50, s11;
	_ =	sdelay $0x1  }
0x8c: {  	s3 =	sadd.s32 s29, s4  }
0x8d: {  	s1 =	sadd.s32 $0x28, s3  }
0x8e: {  	s9 =	sshrl.u32 s1, $0x3  }
0x8f: {  	s13 =	simm.s32 $0x0;
	s9 =	sadd.s32 s10, s9  }
0x90: {  	[tilespmem:s17], [sflag:$0x7] =	stream.linear.gather [hbm4b:s9+s13], $0x28, $0x38;
	[tilespmem:$0x1ED20] =	vst v63  }
0x91: {  	_ =	swait.ge [sflag:s0], $0x28  }
0x92: {  	[sflag:s0] =	ssyncset.done $0x0  }
0x93: {  	s1 =	sshll.u32 s1, $0x4;
	s9 =	sadd.s32 $0x16828, s4;
	[sflag:s0] =	ssyncadd.s32 $0xFFFFFFD8  }
0x94: {  	[tilespmem:s18], [sflag:$0x4] =	stream.indirect.gather [hbm4b:s30+s14], $0x90, s9, s14, $0xb8;
	[tilespmem:$0x1ED20] =	vst v63  }
0x95: {  	s9 =	sadd.s32 s7, s1  }
0x96: {  	[tilespmem:s19], [sflag:$0x5] =	stream.linear.gather [hbm4b:s9+s13], $0x1400, $0x38;
	[tilespmem:$0x1ED20] =	vst v63  }
0x97: {  	s1 =	sadd.s32 s8, s1  }
0x98: {  	[tilespmem:s20], [sflag:$0x6] =	stream.linear.gather [hbm4b:s1+s13], $0x1400, $0x38;
	[tilespmem:$0x1ED20] =	vst v63  }
0x99: {  	_ =	swait.ge [sflag:s21], $0x1680  }
0x9a: {  	[sflag:s21] =	ssyncset.done $0x0  }
0x9b: {  	[sflag:s21] =	ssyncadd.s32 $0xFFFFE980  }
0x9c: {  	_ =	swait.ge [sflag:s22], $0x1400  }
0x9d: {  	[sflag:s22] =	ssyncset.done $0x0  }
0x9e: {  	[sflag:s22] =	ssyncadd.s32 $0xFFFFEC00  }
0x9f: {  	_ =	swait.ge [sflag:s23], $0x1400  }
0xa0: {  	[sflag:s23] =	ssyncset.done $0x0  }
0xa1: {  	s9 =	simm.s32 $0x17038;
	[sflag:s23] =	ssyncadd.s32 $0xFFFFEC00  }
0xa2: {  	s30 =	simm.s32 $0x17038;
	s13 =	simm.s32 $0x0;
	s1 =	simm.s32 $0x200;
	v1 =	vld [tilespmem:s9+$0xFFFFFFC0]  }
.LBB2_20:
0xa3: {  	p1 =	sne.s32 s1, $0x4E00;
	v2 =	vld [tilespmem:s13+$0x18688];
	_ =	sdelay $0x4  }
0xa4: {  	v1 =	vmul.f32 v2, v1;
	_ =	sdelay $0x1  }
0xa5: {  	[tilespmem:s9+$0xFFFFFFC0] =	vst v1;
	v1 =	vld [tilespmem:s9+$0xFFFFFFD0]  }
0xa6: {  	v2 =	vld [tilespmem:s13+$0x18698];
	_ =	sdelay $0x4  }
0xa7: {  	v1 =	vmul.f32 v2, v1;
	_ =	sdelay $0x1  }
0xa8: {  	[tilespmem:s9+$0xFFFFFFD0] =	vst v1;
	v1 =	vld [tilespmem:s9+$0xFFFFFFE0]  }
0xa9: {  	v2 =	vld [tilespmem:s13+$0x186A8];
	_ =	sdelay $0x4  }
0xaa: {  	v1 =	vmul.f32 v2, v1;
	_ =	sdelay $0x1  }
0xab: {  	[tilespmem:s9+$0xFFFFFFE0] =	vst v1;
	v1 =	vld [tilespmem:s9+$0xFFFFFFF0]  }
0xac: {  	v2 =	vld [tilespmem:s13+$0x186B8];
	_ =	sdelay $0x4  }
0xad: {  	v1 =	vmul.f32 v2, v1;
	_ =	sdelay $0x1  }
0xae: {  	[tilespmem:s9+$0xFFFFFFF0] =	vst v1;
	v1 =	vld [tilespmem:s9+$0x0]  }
0xaf: {  	v2 =	vld [tilespmem:s13+$0x186C8];
	_ =	sdelay $0x4  }
0xb0: {  	v1 =	vmul.f32 v2, v1;
	_ =	sdelay $0x1  }
0xb1: {  	[tilespmem:s9+$0x0] =	vst v1;
	v1 =	vld [tilespmem:s9+$0x10]  }
0xb2: {  	v2 =	vld [tilespmem:s13+$0x186D8];
	_ =	sdelay $0x4  }
0xb3: {  	v1 =	vmul.f32 v2, v1;
	_ =	sdelay $0x1  }
0xb4: {  	[tilespmem:s9+$0x10] =	vst v1;
	v1 =	vld [tilespmem:s9+$0x20]  }
0xb5: {  	v2 =	vld [tilespmem:s13+$0x186E8];
	_ =	sdelay $0x4  }
0xb6: {  	v1 =	vmul.f32 v2, v1;
	_ =	sdelay $0x1  }
0xb7: {  	[tilespmem:s9+$0x20] =	vst v1;
	v1 =	vld [tilespmem:s9+$0x30]  }
0xb8: {  	v2 =	vld [tilespmem:s13+$0x19A78];
	_ =	sdelay $0x4  }
0xb9: {  	v1 =	vmul.f32 v2, v1;
	_ =	sdelay $0x1  }
0xba: {  	[tilespmem:s9+$0x30] =	vst v1;
	v1 =	vld [tilespmem:s9+$0x40]  }
0xbb: {  	v2 =	vld [tilespmem:s13+$0x19A88];
	_ =	sdelay $0x2  }
.Ltmp4:
0xbc: {  	(pc) =	sbr.rel @p1 .LBB2_20-.Ltmp4, $4  }
0xbd: {  	_ = 	snop  }
0xbe: {  	v2 =	vmul.f32 v2, v1  }
0xbf: {  	s9 =	sadd.s32 $0x90, s9  }
0xc0: {  	s13 =	sshra.s32 s1, $0x2;
	s1 =	sadd.s32 $0x200, s1;
	v1 =	vld [tilespmem:s9+$0xFFFFFFC0];
	[tilespmem:s30+$0x40] =	vst v2;
	s30 =	smov.u32 s9  }
0xc1: {  	v2 =	vld [tilespmem:s13+$0x18688];
	_ =	sdelay $0x4  }
0xc2: {  	v1 =	vmul.f32 v2, v1;
	_ =	sdelay $0x1  }
0xc3: {  	[tilespmem:s9+$0xFFFFFFC0] =	vst v1;
	v1 =	vld [tilespmem:s9+$0xFFFFFFD0]  }
0xc4: {  	v2 =	vld [tilespmem:s13+$0x18698];
	_ =	sdelay $0x4  }
0xc5: {  	v1 =	vmul.f32 v2, v1;
	_ =	sdelay $0x1  }
0xc6: {  	[tilespmem:s9+$0xFFFFFFD0] =	vst v1;
	v1 =	vld [tilespmem:s9+$0xFFFFFFE0]  }
0xc7: {  	v2 =	vld [tilespmem:s13+$0x186A8];
	_ =	sdelay $0x4  }
0xc8: {  	v1 =	vmul.f32 v2, v1;
	_ =	sdelay $0x1  }
0xc9: {  	[tilespmem:s9+$0xFFFFFFE0] =	vst v1;
	v1 =	vld [tilespmem:s9+$0xFFFFFFF0]  }
0xca: {  	v2 =	vld [tilespmem:s13+$0x186B8];
	_ =	sdelay $0x4  }
0xcb: {  	v1 =	vmul.f32 v2, v1;
	_ =	sdelay $0x1  }
0xcc: {  	[tilespmem:s9+$0xFFFFFFF0] =	vst v1;
	v1 =	vld [tilespmem:s9+$0x0]  }
0xcd: {  	v2 =	vld [tilespmem:s13+$0x186C8];
	_ =	sdelay $0x4  }
0xce: {  	v1 =	vmul.f32 v2, v1;
	_ =	sdelay $0x1  }
0xcf: {  	[tilespmem:s9+$0x0] =	vst v1;
	v1 =	vld [tilespmem:s9+$0x10]  }
0xd0: {  	v2 =	vld [tilespmem:s13+$0x186D8];
	_ =	sdelay $0x4  }
0xd1: {  	v1 =	vmul.f32 v2, v1;
	_ =	sdelay $0x1  }
0xd2: {  	[tilespmem:s9+$0x10] =	vst v1;
	v1 =	vld [tilespmem:s9+$0x20]  }
0xd3: {  	v2 =	vld [tilespmem:s13+$0x186E8];
	_ =	sdelay $0x4  }
0xd4: {  	v1 =	vmul.f32 v2, v1;
	_ =	sdelay $0x1  }
0xd5: {  	[tilespmem:s9+$0x20] =	vst v1;
	v1 =	vld [tilespmem:s9+$0x30]  }
0xd6: {  	v2 =	vld [tilespmem:s13+$0x19A78];
	_ =	sdelay $0x4  }
0xd7: {  	v1 =	vmul.f32 v2, v1;
	_ =	sdelay $0x1  }
0xd8: {  	[tilespmem:s9+$0x30] =	vst v1;
	v1 =	vld [tilespmem:s9+$0x40]  }
0xd9: {  	v2 =	vld [tilespmem:s13+$0x19A88];
	_ =	sdelay $0x4  }
0xda: {  	v1 =	vmul.f32 v2, v1;
	_ =	sdelay $0x1  }
0xdb: {  	[tilespmem:s30+$0x40] =	vst v1  }
0xdc: {  	[spmem:s2] =	stream.indirect.scatter.add.f32 [tilespmem:s31], [sflag:$0x7], $0x90, s12, s14, $0xb8;
	[tilespmem:$0x1ED20] =	vst v63  }
0xdd: {  	s1 =	sadd.s32 $0x50, s3;
	_ =	swait.ge [sflag:s0], $0x1680  }
0xde: {  	s3 =	sshrl.u32 s1, $0x3;
	[sflag:s0] =	ssyncset.done $0x0  }
0xdf: {  	s3 =	sadd.s32 s10, s3;
	s9 =	simm.s32 $0x0;
	[sflag:s0] =	ssyncadd.s32 $0xFFFFE980  }
0xe0: {  	[tilespmem:s12], [sflag:$0x7] =	stream.linear.gather [hbm4b:s3+s9], $0x28, $0x38;
	[tilespmem:$0x1ED20] =	vst v63  }
0xe1: {  	_ =	swait.ge [sflag:s0], $0x28  }
0xe2: {  	[sflag:s0] =	ssyncset.done $0x0  }
0xe3: {  	[sflag:s0] =	ssyncadd.s32 $0xFFFFFFD8  }
0xe4: {  	s4 =	sadd.s32 $0x16850, s4;
	s1 =	sshll.u32 s1, $0x4;
	s30 =	rddreg [dreg:$0x1]  }
0xe5: {  	[tilespmem:s31], [sflag:$0x1] =	stream.indirect.gather [hbm4b:s30+s14], $0x90, s4, s14, $0xb8;
	[tilespmem:$0x1ED20] =	vst v63  }
0xe6: {  	s13 =	sadd.s32 s7, s1  }
0xe7: {  	[tilespmem:s15], [sflag:$0x2] =	stream.linear.gather [hbm4b:s13+s9], $0x1400, $0x38;
	[tilespmem:$0x1ED20] =	vst v63  }
0xe8: {  	s1 =	sadd.s32 s8, s1  }
0xe9: {  	[tilespmem:s16], [sflag:$0x3] =	stream.linear.gather [hbm4b:s1+s9], $0x1400, $0x38;
	[tilespmem:$0x1ED20] =	vst v63  }
0xea: {  	_ =	swait.ge [sflag:s24], $0x1680  }
0xeb: {  	[sflag:s24] =	ssyncset.done $0x0  }
0xec: {  	[sflag:s24] =	ssyncadd.s32 $0xFFFFE980  }
0xed: {  	_ =	swait.ge [sflag:s26], $0x1400  }
0xee: {  	[sflag:s26] =	ssyncset.done $0x0  }
0xef: {  	[sflag:s26] =	ssyncadd.s32 $0xFFFFEC00  }
0xf0: {  	_ =	swait.ge [sflag:s28], $0x1400  }
0xf1: {  	[sflag:s28] =	ssyncset.done $0x0  }
0xf2: {  	s3 =	simm.s32 $0x1AEE0;
	[sflag:s28] =	ssyncadd.s32 $0xFFFFEC00  }
0xf3: {  	s4 =	simm.s32 $0x1AEE0;
	s9 =	simm.s32 $0x0;
	s1 =	simm.s32 $0x200;
	v1 =	vld [tilespmem:s3+$0xFFFFFFC0]  }
.LBB2_22:
0xf4: {  	p1 =	sne.s32 s1, $0x4E00;
	v2 =	vld [tilespmem:s9+$0x1C530];
	_ =	sdelay $0x4  }
0xf5: {  	v1 =	vmul.f32 v2, v1;
	_ =	sdelay $0x1  }
0xf6: {  	[tilespmem:s3+$0xFFFFFFC0] =	vst v1;
	v1 =	vld [tilespmem:s3+$0xFFFFFFD0]  }
0xf7: {  	v2 =	vld [tilespmem:s9+$0x1C540];
	_ =	sdelay $0x4  }
0xf8: {  	v1 =	vmul.f32 v2, v1;
	_ =	sdelay $0x1  }
0xf9: {  	[tilespmem:s3+$0xFFFFFFD0] =	vst v1;
	v1 =	vld [tilespmem:s3+$0xFFFFFFE0]  }
0xfa: {  	v2 =	vld [tilespmem:s9+$0x1C550];
	_ =	sdelay $0x4  }
0xfb: {  	v1 =	vmul.f32 v2, v1;
	_ =	sdelay $0x1  }
0xfc: {  	[tilespmem:s3+$0xFFFFFFE0] =	vst v1;
	v1 =	vld [tilespmem:s3+$0xFFFFFFF0]  }
0xfd: {  	v2 =	vld [tilespmem:s9+$0x1C560];
	_ =	sdelay $0x4  }
0xfe: {  	v1 =	vmul.f32 v2, v1;
	_ =	sdelay $0x1  }
0xff: {  	[tilespmem:s3+$0xFFFFFFF0] =	vst v1;
	v1 =	vld [tilespmem:s3+$0x0]  }
0x100: {  	v2 =	vld [tilespmem:s9+$0x1C570];
	_ =	sdelay $0x4  }
0x101: {  	v1 =	vmul.f32 v2, v1;
	_ =	sdelay $0x1  }
0x102: {  	[tilespmem:s3+$0x0] =	vst v1;
	v1 =	vld [tilespmem:s3+$0x10]  }
0x103: {  	v2 =	vld [tilespmem:s9+$0x1C580];
	_ =	sdelay $0x4  }
0x104: {  	v1 =	vmul.f32 v2, v1;
	_ =	sdelay $0x1  }
0x105: {  	[tilespmem:s3+$0x10] =	vst v1;
	v1 =	vld [tilespmem:s3+$0x20]  }
0x106: {  	v2 =	vld [tilespmem:s9+$0x1C590];
	_ =	sdelay $0x4  }
0x107: {  	v1 =	vmul.f32 v2, v1;
	_ =	sdelay $0x1  }
0x108: {  	[tilespmem:s3+$0x20] =	vst v1;
	v1 =	vld [tilespmem:s3+$0x30]  }
0x109: {  	v2 =	vld [tilespmem:s9+$0x1D920];
	_ =	sdelay $0x4  }
0x10a: {  	v1 =	vmul.f32 v2, v1;
	_ =	sdelay $0x1  }
0x10b: {  	[tilespmem:s3+$0x30] =	vst v1;
	v1 =	vld [tilespmem:s3+$0x40]  }
0x10c: {  	v2 =	vld [tilespmem:s9+$0x1D930];
	_ =	sdelay $0x2  }
.Ltmp5:
0x10d: {  	(pc) =	sbr.rel @p1 .LBB2_22-.Ltmp5, $4  }
0x10e: {  	_ = 	snop  }
0x10f: {  	v2 =	vmul.f32 v2, v1  }
0x110: {  	s3 =	sadd.s32 $0x90, s3  }
0x111: {  	s9 =	sshra.s32 s1, $0x2;
	s1 =	sadd.s32 $0x200, s1;
	v1 =	vld [tilespmem:s3+$0xFFFFFFC0];
	[tilespmem:s4+$0x40] =	vst v2;
	s4 =	smov.u32 s3  }
0x112: {  	v2 =	vld [tilespmem:s9+$0x1C530];
	_ =	sdelay $0x4  }
0x113: {  	v1 =	vmul.f32 v2, v1;
	_ =	sdelay $0x1  }
0x114: {  	[tilespmem:s3+$0xFFFFFFC0] =	vst v1;
	v1 =	vld [tilespmem:s3+$0xFFFFFFD0]  }
0x115: {  	v2 =	vld [tilespmem:s9+$0x1C540];
	_ =	sdelay $0x4  }
0x116: {  	v1 =	vmul.f32 v2, v1;
	_ =	sdelay $0x1  }
0x117: {  	[tilespmem:s3+$0xFFFFFFD0] =	vst v1;
	v1 =	vld [tilespmem:s3+$0xFFFFFFE0]  }
0x118: {  	v2 =	vld [tilespmem:s9+$0x1C550];
	_ =	sdelay $0x4  }
0x119: {  	v1 =	vmul.f32 v2, v1;
	_ =	sdelay $0x1  }
0x11a: {  	[tilespmem:s3+$0xFFFFFFE0] =	vst v1;
	v1 =	vld [tilespmem:s3+$0xFFFFFFF0]  }
0x11b: {  	v2 =	vld [tilespmem:s9+$0x1C560];
	_ =	sdelay $0x4  }
0x11c: {  	v1 =	vmul.f32 v2, v1;
	_ =	sdelay $0x1  }
0x11d: {  	[tilespmem:s3+$0xFFFFFFF0] =	vst v1;
	v1 =	vld [tilespmem:s3+$0x0]  }
0x11e: {  	v2 =	vld [tilespmem:s9+$0x1C570];
	_ =	sdelay $0x4  }
0x11f: {  	v1 =	vmul.f32 v2, v1;
	_ =	sdelay $0x1  }
0x120: {  	[tilespmem:s3+$0x0] =	vst v1;
	v1 =	vld [tilespmem:s3+$0x10]  }
0x121: {  	v2 =	vld [tilespmem:s9+$0x1C580];
	_ =	sdelay $0x4  }
0x122: {  	v1 =	vmul.f32 v2, v1;
	_ =	sdelay $0x1  }
0x123: {  	[tilespmem:s3+$0x10] =	vst v1;
	v1 =	vld [tilespmem:s3+$0x20]  }
0x124: {  	v2 =	vld [tilespmem:s9+$0x1C590];
	_ =	sdelay $0x4  }
0x125: {  	v1 =	vmul.f32 v2, v1;
	_ =	sdelay $0x1  }
0x126: {  	[tilespmem:s3+$0x20] =	vst v1;
	v1 =	vld [tilespmem:s3+$0x30]  }
0x127: {  	v2 =	vld [tilespmem:s9+$0x1D920];
	_ =	sdelay $0x4  }
0x128: {  	v1 =	vmul.f32 v2, v1;
	_ =	sdelay $0x1  }
0x129: {  	[tilespmem:s3+$0x30] =	vst v1;
	v1 =	vld [tilespmem:s3+$0x40]  }
0x12a: {  	v2 =	vld [tilespmem:s9+$0x1D930];
	_ =	sdelay $0x4  }
0x12b: {  	s11 =	sadd.s32 $0x1, s11;
	v1 =	vmul.f32 v2, v1  }
0x12c: {  	p1 =	sne.s32 s11, $0x18  }
.Ltmp6:
0x12d: {  	[tilespmem:s4+$0x40] =	vst v1;
	(pc) =	sbr.rel @p1 .LBB2_19-.Ltmp6, $4  }
0x12e: {  	[spmem:s2] =	stream.indirect.scatter.add.f32 [tilespmem:s18], [sflag:$0x7], $0x90, s17, s14, $0xb8;
	[tilespmem:$0x1ED20] =	vst v63  }
0x12f: {  	_ =	swait.ge [sflag:s0], $0x1680  }
0x130: {  	[sflag:s0] =	ssyncset.done $0x0  }
0x131: {  	[sflag:s0] =	ssyncadd.s32 $0xFFFFE980  }
0x132: {  	s1 =	sadd.s32 $0x7A8, s29  }
0x133: {  	s3 =	sshrl.u32 s1, $0x3  }
0x134: {  	s4 =	simm.s32 $0x0;
	s3 =	sadd.s32 s10, s3  }
0x135: {  	[tilespmem:s17], [sflag:$0x7] =	stream.linear.gather [hbm4b:s3+s4], $0x28, $0x38;
	[tilespmem:$0x1ED20] =	vst v63  }
0x136: {  	_ =	swait.ge [sflag:s0], $0x28  }
0x137: {  	[sflag:s0] =	ssyncset.done $0x0  }
0x138: {  	s13 =	simm.s32 $0x16FA8;
	s1 =	sshll.u32 s1, $0x4;
	[sflag:s0] =	ssyncadd.s32 $0xFFFFFFD8  }
0x139: {  	[tilespmem:s18], [sflag:$0x4] =	stream.indirect.gather [hbm4b:s30+s14], $0x90, s13, s14, $0xb8;
	[tilespmem:$0x1ED20] =	vst v63  }
0x13a: {  	s29 =	sadd.s32 s7, s1  }
0x13b: {  	[tilespmem:s19], [sflag:$0x5] =	stream.linear.gather [hbm4b:s29+s4], $0x1400, $0x38;
	[tilespmem:$0x1ED20] =	vst v63  }
0x13c: {  	s1 =	sadd.s32 s8, s1  }
0x13d: {  	[tilespmem:s20], [sflag:$0x6] =	stream.linear.gather [hbm4b:s1+s4], $0x1400, $0x38;
	[tilespmem:$0x1ED20] =	vst v63  }
0x13e: {  	_ =	swait.ge [sflag:s21], $0x1680  }
0x13f: {  	[sflag:s21] =	ssyncset.done $0x0  }
0x140: {  	[sflag:s21] =	ssyncadd.s32 $0xFFFFE980  }
0x141: {  	_ =	swait.ge [sflag:s22], $0x1400  }
0x142: {  	[sflag:s22] =	ssyncset.done $0x0  }
0x143: {  	[sflag:s22] =	ssyncadd.s32 $0xFFFFEC00  }
0x144: {  	_ =	swait.ge [sflag:s23], $0x1400  }
0x145: {  	[sflag:s23] =	ssyncset.done $0x0  }
0x146: {  	s3 =	simm.s32 $0x17038;
	[sflag:s23] =	ssyncadd.s32 $0xFFFFEC00  }
0x147: {  	s9 =	simm.s32 $0x0;
	s1 =	simm.s32 $0x200;
	s4 =	simm.s32 $0x17038;
	v1 =	vld [tilespmem:s3+$0xFFFFFFC0]  }
.LBB2_25:
0x148: {  	p1 =	sne.s32 s1, $0x4E00;
	v2 =	vld [tilespmem:s9+$0x18688];
	_ =	sdelay $0x4  }
0x149: {  	v1 =	vmul.f32 v2, v1;
	_ =	sdelay $0x1  }
0x14a: {  	[tilespmem:s3+$0xFFFFFFC0] =	vst v1;
	v1 =	vld [tilespmem:s3+$0xFFFFFFD0]  }
0x14b: {  	v2 =	vld [tilespmem:s9+$0x18698];
	_ =	sdelay $0x4  }
0x14c: {  	v1 =	vmul.f32 v2, v1;
	_ =	sdelay $0x1  }
0x14d: {  	[tilespmem:s3+$0xFFFFFFD0] =	vst v1;
	v1 =	vld [tilespmem:s3+$0xFFFFFFE0]  }
0x14e: {  	v2 =	vld [tilespmem:s9+$0x186A8];
	_ =	sdelay $0x4  }
0x14f: {  	v1 =	vmul.f32 v2, v1;
	_ =	sdelay $0x1  }
0x150: {  	[tilespmem:s3+$0xFFFFFFE0] =	vst v1;
	v1 =	vld [tilespmem:s3+$0xFFFFFFF0]  }
0x151: {  	v2 =	vld [tilespmem:s9+$0x186B8];
	_ =	sdelay $0x4  }
0x152: {  	v1 =	vmul.f32 v2, v1;
	_ =	sdelay $0x1  }
0x153: {  	[tilespmem:s3+$0xFFFFFFF0] =	vst v1;
	v1 =	vld [tilespmem:s3+$0x0]  }
0x154: {  	v2 =	vld [tilespmem:s9+$0x186C8];
	_ =	sdelay $0x4  }
0x155: {  	v1 =	vmul.f32 v2, v1;
	_ =	sdelay $0x1  }
0x156: {  	[tilespmem:s3+$0x0] =	vst v1;
	v1 =	vld [tilespmem:s3+$0x10]  }
0x157: {  	v2 =	vld [tilespmem:s9+$0x186D8];
	_ =	sdelay $0x4  }
0x158: {  	v1 =	vmul.f32 v2, v1;
	_ =	sdelay $0x1  }
0x159: {  	[tilespmem:s3+$0x10] =	vst v1;
	v1 =	vld [tilespmem:s3+$0x20]  }
0x15a: {  	v2 =	vld [tilespmem:s9+$0x186E8];
	_ =	sdelay $0x4  }
0x15b: {  	v1 =	vmul.f32 v2, v1;
	_ =	sdelay $0x1  }
0x15c: {  	[tilespmem:s3+$0x20] =	vst v1;
	v1 =	vld [tilespmem:s3+$0x30]  }
0x15d: {  	v2 =	vld [tilespmem:s9+$0x19A78];
	_ =	sdelay $0x4  }
0x15e: {  	v1 =	vmul.f32 v2, v1;
	_ =	sdelay $0x1  }
0x15f: {  	[tilespmem:s3+$0x30] =	vst v1;
	v1 =	vld [tilespmem:s3+$0x40]  }
0x160: {  	v2 =	vld [tilespmem:s9+$0x19A88];
	_ =	sdelay $0x2  }
.Ltmp7:
0x161: {  	(pc) =	sbr.rel @p1 .LBB2_25-.Ltmp7, $4  }
0x162: {  	_ = 	snop  }
0x163: {  	v2 =	vmul.f32 v2, v1  }
0x164: {  	s3 =	sadd.s32 $0x90, s3  }
0x165: {  	s9 =	sshra.s32 s1, $0x2;
	s1 =	sadd.s32 $0x200, s1;
	v1 =	vld [tilespmem:s3+$0xFFFFFFC0];
	[tilespmem:s4+$0x40] =	vst v2;
	s4 =	smov.u32 s3  }
0x166: {  	v2 =	vld [tilespmem:s9+$0x18688];
	_ =	sdelay $0x4  }
0x167: {  	v1 =	vmul.f32 v2, v1;
	_ =	sdelay $0x1  }
0x168: {  	[tilespmem:s3+$0xFFFFFFC0] =	vst v1;
	v1 =	vld [tilespmem:s3+$0xFFFFFFD0]  }
0x169: {  	v2 =	vld [tilespmem:s9+$0x18698];
	_ =	sdelay $0x4  }
0x16a: {  	v1 =	vmul.f32 v2, v1;
	_ =	sdelay $0x1  }
0x16b: {  	[tilespmem:s3+$0xFFFFFFD0] =	vst v1;
	v1 =	vld [tilespmem:s3+$0xFFFFFFE0]  }
0x16c: {  	v2 =	vld [tilespmem:s9+$0x186A8];
	_ =	sdelay $0x4  }
0x16d: {  	v1 =	vmul.f32 v2, v1;
	_ =	sdelay $0x1  }
0x16e: {  	[tilespmem:s3+$0xFFFFFFE0] =	vst v1;
	v1 =	vld [tilespmem:s3+$0xFFFFFFF0]  }
0x16f: {  	v2 =	vld [tilespmem:s9+$0x186B8];
	_ =	sdelay $0x4  }
0x170: {  	v1 =	vmul.f32 v2, v1;
	_ =	sdelay $0x1  }
0x171: {  	[tilespmem:s3+$0xFFFFFFF0] =	vst v1;
	v1 =	vld [tilespmem:s3+$0x0]  }
0x172: {  	v2 =	vld [tilespmem:s9+$0x186C8];
	_ =	sdelay $0x4  }
0x173: {  	v1 =	vmul.f32 v2, v1;
	_ =	sdelay $0x1  }
0x174: {  	[tilespmem:s3+$0x0] =	vst v1;
	v1 =	vld [tilespmem:s3+$0x10]  }
0x175: {  	v2 =	vld [tilespmem:s9+$0x186D8];
	_ =	sdelay $0x4  }
0x176: {  	v1 =	vmul.f32 v2, v1;
	_ =	sdelay $0x1  }
0x177: {  	[tilespmem:s3+$0x10] =	vst v1;
	v1 =	vld [tilespmem:s3+$0x20]  }
0x178: {  	v2 =	vld [tilespmem:s9+$0x186E8];
	_ =	sdelay $0x4  }
0x179: {  	v1 =	vmul.f32 v2, v1;
	_ =	sdelay $0x1  }
0x17a: {  	[tilespmem:s3+$0x20] =	vst v1;
	v1 =	vld [tilespmem:s3+$0x30]  }
0x17b: {  	v2 =	vld [tilespmem:s9+$0x19A78];
	_ =	sdelay $0x4  }
0x17c: {  	v1 =	vmul.f32 v2, v1;
	_ =	sdelay $0x1  }
0x17d: {  	[tilespmem:s3+$0x30] =	vst v1;
	v1 =	vld [tilespmem:s3+$0x40]  }
0x17e: {  	v2 =	vld [tilespmem:s9+$0x19A88];
	_ =	sdelay $0x4  }
0x17f: {  	v1 =	vmul.f32 v2, v1;
	_ =	sdelay $0x1  }
0x180: {  	[tilespmem:s4+$0x40] =	vst v1  }
0x181: {  	[spmem:s2] =	stream.indirect.scatter.add.f32 [tilespmem:s31], [sflag:$0x7], $0x90, s12, s14, $0xb8;
	[tilespmem:$0x1ED20] =	vst v63  }
0x182: {  	_ =	swait.ge [sflag:s0], $0x1680  }
0x183: {  	[sflag:s0] =	ssyncset.done $0x0  }
0x184: {  	[sflag:s0] =	ssyncadd.s32 $0xFFFFE980  }
0x185: {  	_ =	swait.ge [sflag:s24], $0x1680  }
0x186: {  	[sflag:s24] =	ssyncset.done $0x0  }
0x187: {  	[sflag:s24] =	ssyncadd.s32 $0xFFFFE980  }
0x188: {  	_ =	swait.ge [sflag:s26], $0x1400  }
0x189: {  	[sflag:s26] =	ssyncset.done $0x0  }
0x18a: {  	[sflag:s26] =	ssyncadd.s32 $0xFFFFEC00  }
0x18b: {  	_ =	swait.ge [sflag:s28], $0x1400  }
0x18c: {  	s1 =	simm.s32 $0x200;
	[sflag:s28] =	ssyncset.done $0x0  }
0x18d: {  	s11 =	simm.s32 $0x90;
	s3 =	simm.s32 $0x1AEE0;
	[sflag:s28] =	ssyncadd.s32 $0xFFFFEC00  }
0x18e: {  	s13 =	simm.s32 $0x120;
	s9 =	simm.s32 $0x0;
	s4 =	simm.s32 $0x1AEE0;
	v1 =	vld [tilespmem:s3+$0xFFFFFFC0]  }
.LBB2_27:
0x18f: {  	p1 =	sne.s32 s1, $0x4E00;
	v2 =	vld [tilespmem:s9+$0x1C530];
	_ =	sdelay $0x4  }
0x190: {  	v1 =	vmul.f32 v2, v1;
	_ =	sdelay $0x1  }
0x191: {  	[tilespmem:s3+$0xFFFFFFC0] =	vst v1;
	v1 =	vld [tilespmem:s3+$0xFFFFFFD0]  }
0x192: {  	v2 =	vld [tilespmem:s9+$0x1C540];
	_ =	sdelay $0x4  }
0x193: {  	v1 =	vmul.f32 v2, v1;
	_ =	sdelay $0x1  }
0x194: {  	[tilespmem:s3+$0xFFFFFFD0] =	vst v1;
	v1 =	vld [tilespmem:s3+$0xFFFFFFE0]  }
0x195: {  	v2 =	vld [tilespmem:s9+$0x1C550];
	_ =	sdelay $0x4  }
0x196: {  	v1 =	vmul.f32 v2, v1;
	_ =	sdelay $0x1  }
0x197: {  	[tilespmem:s3+$0xFFFFFFE0] =	vst v1;
	v1 =	vld [tilespmem:s3+$0xFFFFFFF0]  }
0x198: {  	v2 =	vld [tilespmem:s9+$0x1C560];
	_ =	sdelay $0x4  }
0x199: {  	v1 =	vmul.f32 v2, v1;
	_ =	sdelay $0x1  }
0x19a: {  	[tilespmem:s3+$0xFFFFFFF0] =	vst v1;
	v1 =	vld [tilespmem:s3+$0x0]  }
0x19b: {  	v2 =	vld [tilespmem:s9+$0x1C570];
	_ =	sdelay $0x4  }
0x19c: {  	v1 =	vmul.f32 v2, v1;
	_ =	sdelay $0x1  }
0x19d: {  	[tilespmem:s3+$0x0] =	vst v1;
	v1 =	vld [tilespmem:s3+$0x10]  }
0x19e: {  	v2 =	vld [tilespmem:s9+$0x1C580];
	_ =	sdelay $0x4  }
0x19f: {  	v1 =	vmul.f32 v2, v1;
	_ =	sdelay $0x1  }
0x1a0: {  	[tilespmem:s3+$0x10] =	vst v1;
	v1 =	vld [tilespmem:s3+$0x20]  }
0x1a1: {  	v2 =	vld [tilespmem:s9+$0x1C590];
	_ =	sdelay $0x4  }
0x1a2: {  	v1 =	vmul.f32 v2, v1;
	_ =	sdelay $0x1  }
0x1a3: {  	[tilespmem:s3+$0x20] =	vst v1;
	v1 =	vld [tilespmem:s3+$0x30]  }
0x1a4: {  	v2 =	vld [tilespmem:s9+$0x1D920];
	_ =	sdelay $0x4  }
0x1a5: {  	v1 =	vmul.f32 v2, v1;
	_ =	sdelay $0x1  }
0x1a6: {  	[tilespmem:s3+$0x30] =	vst v1;
	v1 =	vld [tilespmem:s3+$0x40]  }
0x1a7: {  	v2 =	vld [tilespmem:s9+$0x1D930];
	_ =	sdelay $0x2  }
.Ltmp8:
0x1a8: {  	(pc) =	sbr.rel @p1 .LBB2_27-.Ltmp8, $4  }
0x1a9: {  	_ = 	snop  }
0x1aa: {  	v2 =	vmul.f32 v2, v1  }
0x1ab: {  	s3 =	sadd.s32 $0x90, s3  }
0x1ac: {  	s9 =	sshra.s32 s1, $0x2;
	s1 =	sadd.s32 $0x200, s1;
	v1 =	vld [tilespmem:s3+$0xFFFFFFC0];
	[tilespmem:s4+$0x40] =	vst v2;
	s4 =	smov.u32 s3  }
0x1ad: {  	v2 =	vld [tilespmem:s9+$0x1C530];
	_ =	sdelay $0x4  }
0x1ae: {  	v1 =	vmul.f32 v2, v1;
	_ =	sdelay $0x1  }
0x1af: {  	[tilespmem:s3+$0xFFFFFFC0] =	vst v1;
	v1 =	vld [tilespmem:s3+$0xFFFFFFD0]  }
0x1b0: {  	v2 =	vld [tilespmem:s9+$0x1C540];
	_ =	sdelay $0x4  }
0x1b1: {  	v1 =	vmul.f32 v2, v1;
	_ =	sdelay $0x1  }
0x1b2: {  	[tilespmem:s3+$0xFFFFFFD0] =	vst v1;
	v1 =	vld [tilespmem:s3+$0xFFFFFFE0]  }
0x1b3: {  	v2 =	vld [tilespmem:s9+$0x1C550];
	_ =	sdelay $0x4  }
0x1b4: {  	v1 =	vmul.f32 v2, v1;
	_ =	sdelay $0x1  }
0x1b5: {  	[tilespmem:s3+$0xFFFFFFE0] =	vst v1;
	v1 =	vld [tilespmem:s3+$0xFFFFFFF0]  }
0x1b6: {  	v2 =	vld [tilespmem:s9+$0x1C560];
	_ =	sdelay $0x4  }
0x1b7: {  	v1 =	vmul.f32 v2, v1;
	_ =	sdelay $0x1  }
0x1b8: {  	[tilespmem:s3+$0xFFFFFFF0] =	vst v1;
	v1 =	vld [tilespmem:s3+$0x0]  }
0x1b9: {  	v2 =	vld [tilespmem:s9+$0x1C570];
	_ =	sdelay $0x4  }
0x1ba: {  	v1 =	vmul.f32 v2, v1;
	_ =	sdelay $0x1  }
0x1bb: {  	[tilespmem:s3+$0x0] =	vst v1;
	v1 =	vld [tilespmem:s3+$0x10]  }
0x1bc: {  	v2 =	vld [tilespmem:s9+$0x1C580];
	_ =	sdelay $0x4  }
0x1bd: {  	v1 =	vmul.f32 v2, v1;
	_ =	sdelay $0x1  }
0x1be: {  	[tilespmem:s3+$0x10] =	vst v1;
	v1 =	vld [tilespmem:s3+$0x20]  }
0x1bf: {  	v2 =	vld [tilespmem:s9+$0x1C590];
	_ =	sdelay $0x4  }
0x1c0: {  	v1 =	vmul.f32 v2, v1;
	_ =	sdelay $0x1  }
0x1c1: {  	[tilespmem:s3+$0x20] =	vst v1;
	v1 =	vld [tilespmem:s3+$0x30]  }
0x1c2: {  	v2 =	vld [tilespmem:s9+$0x1D920];
	_ =	sdelay $0x4  }
0x1c3: {  	v1 =	vmul.f32 v2, v1;
	_ =	sdelay $0x1  }
0x1c4: {  	[tilespmem:s3+$0x30] =	vst v1;
	v1 =	vld [tilespmem:s3+$0x40]  }
0x1c5: {  	v2 =	vld [tilespmem:s9+$0x1D930];
	_ =	sdelay $0x4  }
0x1c6: {  	v1 =	vmul.f32 v2, v1;
	_ =	sdelay $0x1  }
0x1c7: {  	[tilespmem:s4+$0x40] =	vst v1  }
0x1c8: {  	[spmem:s2] =	stream.indirect.scatter.add.f32 [tilespmem:s18], [sflag:$0x7], $0x90, s17, s14, $0xb8;
	[tilespmem:$0x1ED20] =	vst v63  }
0x1c9: {  	_ =	swait.ge [sflag:s0], $0x1680  }
0x1ca: {  	s29 =	rddreg [dreg:$0x19]  }
0x1cb: {  	s3 =	sadd.s32 $0x1, s29  }
0x1cc: {  	p1 =	sne.s32 s3, $0x5  }
.Ltmp9:
0x1cd: {  	_ = 	snop;
	(pc) =	sbr.rel @p1 .LBB2_18-.Ltmp9, $3  }
0x1ce: {  	_ =	sdelay $0x1  }
0x1cf: {  	[sflag:s0] =	ssyncset.done $0x0  }
0x1d0: {  	[sflag:s0] =	ssyncadd.s32 $0xFFFFE980  }
0x1d1: {  	[bflag:$0x0] =	sbarrier.arrive $0xFFFF  }
0x1d2: {  	s9 =	rddreg [dreg:$0x8]  }
0x1d3: {  	[tilespmem:s31], [sflag:$0x7] =	stream.linear.gather [spmem:s9], $0x1680, $0x38;
	[tilespmem:$0x1ED20] =	vst v63  }
0x1d4: {  	_ =	swait.ge [sflag:s0], $0x1680  }
0x1d5: {  	[sflag:s0] =	ssyncset.done $0x0  }
0x1d6: {  	s1 =	sadd.s32 $0x12, s25;
	[sflag:s0] =	ssyncadd.s32 $0xFFFFE980  }
0x1d7: {  	[hbm4b:s1+s11] =	stream.strided.scatter [tilespmem:s31], [sflag:$0x7], $0x1680, s13, s11, $0x38;
	[tilespmem:$0x1ED20] =	vst v63  }
0x1d8: {  	_ =	swait.ge [sflag:s0], $0x1680  }
0x1d9: {  	s3 =	smov.u32 s9;
	s1 =	simm.s32 $0x5B2;
	[sflag:s0] =	ssyncset.done $0x0  }
.LBB2_30:
0x1da: {  	p1 =	sne.s32 s1, $0x5472;
	[sflag:s0] =	ssyncadd.s32 $0xFFFFE980;
	s3 =	sadd.s32 $0x1680, s3  }
0x1db: {  	[tilespmem:s31], [sflag:$0x7] =	stream.linear.gather [spmem:s3], $0x1680, $0x38;
	[tilespmem:$0x1ED20] =	vst v63  }
0x1dc: {  	s4 =	smov.u32 s1;
	s1 =	sadd.s32 $0x5A0, s1;
	_ =	swait.ge [sflag:s0], $0x1680  }
.Ltmp10:
0x1dd: {  	[sflag:s0] =	ssyncset.done $0x0;
	(pc) =	sbr.rel @p1 .LBB2_30-.Ltmp10, $4  }
0x1de: {  	s4 =	sadd.s32 s4, s25;
	[sflag:s0] =	ssyncadd.s32 $0xFFFFE980  }
0x1df: {  	[hbm4b:s4+s11] =	stream.strided.scatter [tilespmem:s31], [sflag:$0x7], $0x1680, s13, s11, $0x38;
	[tilespmem:$0x1ED20] =	vst v63  }
0x1e0: {  	_ =	swait.ge [sflag:s0], $0x1680  }
0x1e1: {  	[sflag:s0] =	ssyncset.done $0x0  }
.Ltmp11:
0x1e2: {  	(pc) =	sbr.rel .LBB2_32-.Ltmp11, $2  }
0x1e3: {  	_ =	sdelay $0x2  }
0x1e4: {  	[sflag:s0] =	ssyncadd.s32 $0xFFFFE980;
	s4 =	rddreg [dreg:$0x4]  }
.LBB2_4:
0x1e5: {  	s11 =	smul.u32 $0x7D0, s1  }
0x1e6: {  	s3 =	rddreg [dreg:$0x6]  }
0x1e7: {  	[dreg:$0x18] =	wrdreg s1;
	s9 =	sadd.s32 s3, s11  }
0x1e8: {  	s13 =	rddreg [dreg:$0x5];
	s1 =	sshrl.u32 s9, $0x3  }
0x1e9: {  	s4 =	simm.s32 $0x16800;
	s11 =	simm.s32 $0x0;
	s3 =	sadd.s32 s13, s1  }
0x1ea: {  	[tilespmem:s4], [sflag:$0x7] =	stream.linear.gather [hbm4b:s3+s11], $0x7D0, $0x38;
	[tilespmem:$0x1ED20] =	vst v63  }
0x1eb: {  	_ =	swait.ge [sflag:s0], $0x7D0  }
0x1ec: {  	[sflag:s0] =	ssyncset.done $0x0  }
0x1ed: {  	s1 =	sadd.s32 s10, s1;
	[sflag:s0] =	ssyncadd.s32 $0xFFFFF830  }
0x1ee: {  	[tilespmem:s12], [sflag:$0x7] =	stream.linear.gather [hbm4b:s1+s11], $0x28, $0x38;
	[tilespmem:$0x1ED20] =	vst v63  }
0x1ef: {  	_ =	swait.ge [sflag:s0], $0x28  }
0x1f0: {  	[sflag:s0] =	ssyncset.done $0x0  }
0x1f1: {  	s29 =	sshll.u32 s9, $0x4;
	[sflag:s0] =	ssyncadd.s32 $0xFFFFFFD8  }
0x1f2: {  	[tilespmem:s31], [sflag:$0x1] =	stream.indirect.gather [hbm4b:s5+s14], $0x90, s4, s14, $0xb8;
	[tilespmem:$0x1ED20] =	vst v63  }
0x1f3: {  	s30 =	sadd.s32 s6, s29  }
0x1f4: {  	[tilespmem:s15], [sflag:$0x2] =	stream.linear.gather [hbm4b:s30+s11], $0x1400, $0x38;
	[tilespmem:$0x1ED20] =	vst v63  }
0x1f5: {  	s1 =	sadd.s32 s7, s29  }
0x1f6: {  	[tilespmem:s16], [sflag:$0x3] =	stream.linear.gather [hbm4b:s1+s11], $0x1400, $0x38;
	[tilespmem:$0x1ED20] =	vst v63  }
0x1f7: {  	s11 =	simm.s32 $0x0  }
.LBB2_5:
0x1f8: {  	s4 =	smul.u32 $0x50, s11;
	_ =	sdelay $0x1  }
0x1f9: {  	s3 =	sadd.s32 s9, s4  }
0x1fa: {  	s1 =	sadd.s32 $0x28, s3  }
0x1fb: {  	s13 =	sshrl.u32 s1, $0x3  }
0x1fc: {  	s29 =	simm.s32 $0x0;
	s13 =	sadd.s32 s10, s13  }
0x1fd: {  	[tilespmem:s17], [sflag:$0x7] =	stream.linear.gather [hbm4b:s13+s29], $0x28, $0x38;
	[tilespmem:$0x1ED20] =	vst v63  }
0x1fe: {  	_ =	swait.ge [sflag:s0], $0x28  }
0x1ff: {  	[sflag:s0] =	ssyncset.done $0x0  }
0x200: {  	s1 =	sshll.u32 s1, $0x4;
	s13 =	sadd.s32 $0x16828, s4;
	[sflag:s0] =	ssyncadd.s32 $0xFFFFFFD8  }
0x201: {  	[tilespmem:s18], [sflag:$0x4] =	stream.indirect.gather [hbm4b:s5+s14], $0x90, s13, s14, $0xb8;
	[tilespmem:$0x1ED20] =	vst v63  }
0x202: {  	s13 =	sadd.s32 s6, s1  }
0x203: {  	[tilespmem:s19], [sflag:$0x5] =	stream.linear.gather [hbm4b:s13+s29], $0x1400, $0x38;
	[tilespmem:$0x1ED20] =	vst v63  }
0x204: {  	s1 =	sadd.s32 s7, s1  }
0x205: {  	[tilespmem:s20], [sflag:$0x6] =	stream.linear.gather [hbm4b:s1+s29], $0x1400, $0x38;
	[tilespmem:$0x1ED20] =	vst v63  }
0x206: {  	_ =	swait.ge [sflag:s21], $0x1680  }
0x207: {  	[sflag:s21] =	ssyncset.done $0x0  }
0x208: {  	[sflag:s21] =	ssyncadd.s32 $0xFFFFE980  }
0x209: {  	_ =	swait.ge [sflag:s22], $0x1400  }
0x20a: {  	[sflag:s22] =	ssyncset.done $0x0  }
0x20b: {  	[sflag:s22] =	ssyncadd.s32 $0xFFFFEC00  }
0x20c: {  	_ =	swait.ge [sflag:s23], $0x1400  }
0x20d: {  	[sflag:s23] =	ssyncset.done $0x0  }
0x20e: {  	s29 =	simm.s32 $0x17038;
	[sflag:s23] =	ssyncadd.s32 $0xFFFFEC00  }
0x20f: {  	s30 =	simm.s32 $0x17038;
	s13 =	simm.s32 $0x0;
	s1 =	simm.s32 $0x200;
	v1 =	vld [tilespmem:s29+$0xFFFFFFC0]  }
.LBB2_6:
0x210: {  	p1 =	sne.s32 s1, $0x4E00;
	v2 =	vld [tilespmem:s13+$0x18678];
	_ =	sdelay $0x4  }
0x211: {  	v1 =	vmul.f32 v2, v1;
	_ =	sdelay $0x1  }
0x212: {  	[tilespmem:s29+$0xFFFFFFC0] =	vst v1;
	v1 =	vld [tilespmem:s29+$0xFFFFFFD0]  }
0x213: {  	v2 =	vld [tilespmem:s13+$0x18688];
	_ =	sdelay $0x4  }
0x214: {  	v1 =	vmul.f32 v2, v1;
	_ =	sdelay $0x1  }
0x215: {  	[tilespmem:s29+$0xFFFFFFD0] =	vst v1;
	v1 =	vld [tilespmem:s29+$0xFFFFFFE0]  }
0x216: {  	v2 =	vld [tilespmem:s13+$0x18698];
	_ =	sdelay $0x4  }
0x217: {  	v1 =	vmul.f32 v2, v1;
	_ =	sdelay $0x1  }
0x218: {  	[tilespmem:s29+$0xFFFFFFE0] =	vst v1;
	v1 =	vld [tilespmem:s29+$0xFFFFFFF0]  }
0x219: {  	v2 =	vld [tilespmem:s13+$0x186A8];
	_ =	sdelay $0x4  }
0x21a: {  	v1 =	vmul.f32 v2, v1;
	_ =	sdelay $0x1  }
0x21b: {  	[tilespmem:s29+$0xFFFFFFF0] =	vst v1;
	v1 =	vld [tilespmem:s29+$0x0]  }
0x21c: {  	v2 =	vld [tilespmem:s13+$0x186B8];
	_ =	sdelay $0x4  }
0x21d: {  	v1 =	vmul.f32 v2, v1;
	_ =	sdelay $0x1  }
0x21e: {  	[tilespmem:s29+$0x0] =	vst v1;
	v1 =	vld [tilespmem:s29+$0x10]  }
0x21f: {  	v2 =	vld [tilespmem:s13+$0x186C8];
	_ =	sdelay $0x4  }
0x220: {  	v1 =	vmul.f32 v2, v1;
	_ =	sdelay $0x1  }
0x221: {  	[tilespmem:s29+$0x10] =	vst v1;
	v1 =	vld [tilespmem:s29+$0x20]  }
0x222: {  	v2 =	vld [tilespmem:s13+$0x186D8];
	_ =	sdelay $0x4  }
0x223: {  	v1 =	vmul.f32 v2, v1;
	_ =	sdelay $0x1  }
0x224: {  	[tilespmem:s29+$0x20] =	vst v1;
	v1 =	vld [tilespmem:s29+$0x30]  }
0x225: {  	v2 =	vld [tilespmem:s13+$0x186E8];
	_ =	sdelay $0x4  }
0x226: {  	v1 =	vmul.f32 v2, v1;
	_ =	sdelay $0x1  }
0x227: {  	[tilespmem:s29+$0x30] =	vst v1;
	v1 =	vld [tilespmem:s29+$0x40]  }
0x228: {  	v2 =	vld [tilespmem:s13+$0x19A78];
	_ =	sdelay $0x2  }
.Ltmp12:
0x229: {  	(pc) =	sbr.rel @p1 .LBB2_6-.Ltmp12, $4  }
0x22a: {  	_ = 	snop  }
0x22b: {  	v2 =	vmul.f32 v2, v1  }
0x22c: {  	s29 =	sadd.s32 $0x90, s29  }
0x22d: {  	s13 =	sshra.s32 s1, $0x2;
	s1 =	sadd.s32 $0x200, s1;
	v1 =	vld [tilespmem:s29+$0xFFFFFFC0];
	[tilespmem:s30+$0x40] =	vst v2;
	s30 =	smov.u32 s29  }
0x22e: {  	v2 =	vld [tilespmem:s13+$0x18678];
	_ =	sdelay $0x4  }
0x22f: {  	v1 =	vmul.f32 v2, v1;
	_ =	sdelay $0x1  }
0x230: {  	[tilespmem:s29+$0xFFFFFFC0] =	vst v1;
	v1 =	vld [tilespmem:s29+$0xFFFFFFD0]  }
0x231: {  	v2 =	vld [tilespmem:s13+$0x18688];
	_ =	sdelay $0x4  }
0x232: {  	v1 =	vmul.f32 v2, v1;
	_ =	sdelay $0x1  }
0x233: {  	[tilespmem:s29+$0xFFFFFFD0] =	vst v1;
	v1 =	vld [tilespmem:s29+$0xFFFFFFE0]  }
0x234: {  	v2 =	vld [tilespmem:s13+$0x18698];
	_ =	sdelay $0x4  }
0x235: {  	v1 =	vmul.f32 v2, v1;
	_ =	sdelay $0x1  }
0x236: {  	[tilespmem:s29+$0xFFFFFFE0] =	vst v1;
	v1 =	vld [tilespmem:s29+$0xFFFFFFF0]  }
0x237: {  	v2 =	vld [tilespmem:s13+$0x186A8];
	_ =	sdelay $0x4  }
0x238: {  	v1 =	vmul.f32 v2, v1;
	_ =	sdelay $0x1  }
0x239: {  	[tilespmem:s29+$0xFFFFFFF0] =	vst v1;
	v1 =	vld [tilespmem:s29+$0x0]  }
0x23a: {  	v2 =	vld [tilespmem:s13+$0x186B8];
	_ =	sdelay $0x4  }
0x23b: {  	v1 =	vmul.f32 v2, v1;
	_ =	sdelay $0x1  }
0x23c: {  	[tilespmem:s29+$0x0] =	vst v1;
	v1 =	vld [tilespmem:s29+$0x10]  }
0x23d: {  	v2 =	vld [tilespmem:s13+$0x186C8];
	_ =	sdelay $0x4  }
0x23e: {  	v1 =	vmul.f32 v2, v1;
	_ =	sdelay $0x1  }
0x23f: {  	[tilespmem:s29+$0x10] =	vst v1;
	v1 =	vld [tilespmem:s29+$0x20]  }
0x240: {  	v2 =	vld [tilespmem:s13+$0x186D8];
	_ =	sdelay $0x4  }
0x241: {  	v1 =	vmul.f32 v2, v1;
	_ =	sdelay $0x1  }
0x242: {  	[tilespmem:s29+$0x20] =	vst v1;
	v1 =	vld [tilespmem:s29+$0x30]  }
0x243: {  	v2 =	vld [tilespmem:s13+$0x186E8];
	_ =	sdelay $0x4  }
0x244: {  	v1 =	vmul.f32 v2, v1;
	_ =	sdelay $0x1  }
0x245: {  	[tilespmem:s29+$0x30] =	vst v1;
	v1 =	vld [tilespmem:s29+$0x40]  }
0x246: {  	v2 =	vld [tilespmem:s13+$0x19A78];
	_ =	sdelay $0x4  }
0x247: {  	v1 =	vmul.f32 v2, v1;
	_ =	sdelay $0x1  }
0x248: {  	[tilespmem:s30+$0x40] =	vst v1  }
0x249: {  	[spmem:s2] =	stream.indirect.scatter.add.f32 [tilespmem:s31], [sflag:$0x7], $0x90, s12, s14, $0xb8;
	[tilespmem:$0x1ED20] =	vst v63  }
0x24a: {  	s1 =	sadd.s32 $0x50, s3;
	_ =	swait.ge [sflag:s0], $0x1680  }
0x24b: {  	s3 =	sshrl.u32 s1, $0x3;
	[sflag:s0] =	ssyncset.done $0x0  }
0x24c: {  	s3 =	sadd.s32 s10, s3;
	s13 =	simm.s32 $0x0;
	[sflag:s0] =	ssyncadd.s32 $0xFFFFE980  }
0x24d: {  	[tilespmem:s12], [sflag:$0x7] =	stream.linear.gather [hbm4b:s3+s13], $0x28, $0x38;
	[tilespmem:$0x1ED20] =	vst v63  }
0x24e: {  	_ =	swait.ge [sflag:s0], $0x28  }
0x24f: {  	[sflag:s0] =	ssyncset.done $0x0  }
0x250: {  	s1 =	sshll.u32 s1, $0x4;
	s29 =	sadd.s32 $0x16850, s4;
	[sflag:s0] =	ssyncadd.s32 $0xFFFFFFD8  }
0x251: {  	[tilespmem:s31], [sflag:$0x1] =	stream.indirect.gather [hbm4b:s5+s14], $0x90, s29, s14, $0xb8;
	[tilespmem:$0x1ED20] =	vst v63  }
0x252: {  	s30 =	sadd.s32 s6, s1  }
0x253: {  	[tilespmem:s15], [sflag:$0x2] =	stream.linear.gather [hbm4b:s30+s13], $0x1400, $0x38;
	[tilespmem:$0x1ED20] =	vst v63  }
0x254: {  	s1 =	sadd.s32 s7, s1  }
0x255: {  	[tilespmem:s16], [sflag:$0x3] =	stream.linear.gather [hbm4b:s1+s13], $0x1400, $0x38;
	[tilespmem:$0x1ED20] =	vst v63  }
0x256: {  	_ =	swait.ge [sflag:s24], $0x1680  }
0x257: {  	[sflag:s24] =	ssyncset.done $0x0  }
0x258: {  	[sflag:s24] =	ssyncadd.s32 $0xFFFFE980  }
0x259: {  	_ =	swait.ge [sflag:s26], $0x1400  }
0x25a: {  	[sflag:s26] =	ssyncset.done $0x0  }
0x25b: {  	[sflag:s26] =	ssyncadd.s32 $0xFFFFEC00  }
0x25c: {  	_ =	swait.ge [sflag:s28], $0x1400  }
0x25d: {  	[sflag:s28] =	ssyncset.done $0x0  }
0x25e: {  	s3 =	simm.s32 $0x1AEE0;
	[sflag:s28] =	ssyncadd.s32 $0xFFFFEC00  }
0x25f: {  	s4 =	simm.s32 $0x1AEE0;
	s13 =	simm.s32 $0x0;
	s1 =	simm.s32 $0x200;
	v1 =	vld [tilespmem:s3+$0xFFFFFFC0]  }
.LBB2_8:
0x260: {  	p1 =	sne.s32 s1, $0x4E00;
	v2 =	vld [tilespmem:s13+$0x1C520];
	_ =	sdelay $0x4  }
0x261: {  	v1 =	vmul.f32 v2, v1;
	_ =	sdelay $0x1  }
0x262: {  	[tilespmem:s3+$0xFFFFFFC0] =	vst v1;
	v1 =	vld [tilespmem:s3+$0xFFFFFFD0]  }
0x263: {  	v2 =	vld [tilespmem:s13+$0x1C530];
	_ =	sdelay $0x4  }
0x264: {  	v1 =	vmul.f32 v2, v1;
	_ =	sdelay $0x1  }
0x265: {  	[tilespmem:s3+$0xFFFFFFD0] =	vst v1;
	v1 =	vld [tilespmem:s3+$0xFFFFFFE0]  }
0x266: {  	v2 =	vld [tilespmem:s13+$0x1C540];
	_ =	sdelay $0x4  }
0x267: {  	v1 =	vmul.f32 v2, v1;
	_ =	sdelay $0x1  }
0x268: {  	[tilespmem:s3+$0xFFFFFFE0] =	vst v1;
	v1 =	vld [tilespmem:s3+$0xFFFFFFF0]  }
0x269: {  	v2 =	vld [tilespmem:s13+$0x1C550];
	_ =	sdelay $0x4  }
0x26a: {  	v1 =	vmul.f32 v2, v1;
	_ =	sdelay $0x1  }
0x26b: {  	[tilespmem:s3+$0xFFFFFFF0] =	vst v1;
	v1 =	vld [tilespmem:s3+$0x0]  }
0x26c: {  	v2 =	vld [tilespmem:s13+$0x1C560];
	_ =	sdelay $0x4  }
0x26d: {  	v1 =	vmul.f32 v2, v1;
	_ =	sdelay $0x1  }
0x26e: {  	[tilespmem:s3+$0x0] =	vst v1;
	v1 =	vld [tilespmem:s3+$0x10]  }
0x26f: {  	v2 =	vld [tilespmem:s13+$0x1C570];
	_ =	sdelay $0x4  }
0x270: {  	v1 =	vmul.f32 v2, v1;
	_ =	sdelay $0x1  }
0x271: {  	[tilespmem:s3+$0x10] =	vst v1;
	v1 =	vld [tilespmem:s3+$0x20]  }
0x272: {  	v2 =	vld [tilespmem:s13+$0x1C580];
	_ =	sdelay $0x4  }
0x273: {  	v1 =	vmul.f32 v2, v1;
	_ =	sdelay $0x1  }
0x274: {  	[tilespmem:s3+$0x20] =	vst v1;
	v1 =	vld [tilespmem:s3+$0x30]  }
0x275: {  	v2 =	vld [tilespmem:s13+$0x1C590];
	_ =	sdelay $0x4  }
0x276: {  	v1 =	vmul.f32 v2, v1;
	_ =	sdelay $0x1  }
0x277: {  	[tilespmem:s3+$0x30] =	vst v1;
	v1 =	vld [tilespmem:s3+$0x40]  }
0x278: {  	v2 =	vld [tilespmem:s13+$0x1D920];
	_ =	sdelay $0x2  }
.Ltmp13:
0x279: {  	(pc) =	sbr.rel @p1 .LBB2_8-.Ltmp13, $4  }
0x27a: {  	_ = 	snop  }
0x27b: {  	v2 =	vmul.f32 v2, v1  }
0x27c: {  	s3 =	sadd.s32 $0x90, s3  }
0x27d: {  	s13 =	sshra.s32 s1, $0x2;
	s1 =	sadd.s32 $0x200, s1;
	v1 =	vld [tilespmem:s3+$0xFFFFFFC0];
	[tilespmem:s4+$0x40] =	vst v2;
	s4 =	smov.u32 s3  }
0x27e: {  	v2 =	vld [tilespmem:s13+$0x1C520];
	_ =	sdelay $0x4  }
0x27f: {  	v1 =	vmul.f32 v2, v1;
	_ =	sdelay $0x1  }
0x280: {  	[tilespmem:s3+$0xFFFFFFC0] =	vst v1;
	v1 =	vld [tilespmem:s3+$0xFFFFFFD0]  }
0x281: {  	v2 =	vld [tilespmem:s13+$0x1C530];
	_ =	sdelay $0x4  }
0x282: {  	v1 =	vmul.f32 v2, v1;
	_ =	sdelay $0x1  }
0x283: {  	[tilespmem:s3+$0xFFFFFFD0] =	vst v1;
	v1 =	vld [tilespmem:s3+$0xFFFFFFE0]  }
0x284: {  	v2 =	vld [tilespmem:s13+$0x1C540];
	_ =	sdelay $0x4  }
0x285: {  	v1 =	vmul.f32 v2, v1;
	_ =	sdelay $0x1  }
0x286: {  	[tilespmem:s3+$0xFFFFFFE0] =	vst v1;
	v1 =	vld [tilespmem:s3+$0xFFFFFFF0]  }
0x287: {  	v2 =	vld [tilespmem:s13+$0x1C550];
	_ =	sdelay $0x4  }
0x288: {  	v1 =	vmul.f32 v2, v1;
	_ =	sdelay $0x1  }
0x289: {  	[tilespmem:s3+$0xFFFFFFF0] =	vst v1;
	v1 =	vld [tilespmem:s3+$0x0]  }
0x28a: {  	v2 =	vld [tilespmem:s13+$0x1C560];
	_ =	sdelay $0x4  }
0x28b: {  	v1 =	vmul.f32 v2, v1;
	_ =	sdelay $0x1  }
0x28c: {  	[tilespmem:s3+$0x0] =	vst v1;
	v1 =	vld [tilespmem:s3+$0x10]  }
0x28d: {  	v2 =	vld [tilespmem:s13+$0x1C570];
	_ =	sdelay $0x4  }
0x28e: {  	v1 =	vmul.f32 v2, v1;
	_ =	sdelay $0x1  }
0x28f: {  	[tilespmem:s3+$0x10] =	vst v1;
	v1 =	vld [tilespmem:s3+$0x20]  }
0x290: {  	v2 =	vld [tilespmem:s13+$0x1C580];
	_ =	sdelay $0x4  }
0x291: {  	v1 =	vmul.f32 v2, v1;
	_ =	sdelay $0x1  }
0x292: {  	[tilespmem:s3+$0x20] =	vst v1;
	v1 =	vld [tilespmem:s3+$0x30]  }
0x293: {  	v2 =	vld [tilespmem:s13+$0x1C590];
	_ =	sdelay $0x4  }
0x294: {  	v1 =	vmul.f32 v2, v1;
	_ =	sdelay $0x1  }
0x295: {  	[tilespmem:s3+$0x30] =	vst v1;
	v1 =	vld [tilespmem:s3+$0x40]  }
0x296: {  	v2 =	vld [tilespmem:s13+$0x1D920];
	_ =	sdelay $0x4  }
0x297: {  	s11 =	sadd.s32 $0x1, s11;
	v1 =	vmul.f32 v2, v1  }
0x298: {  	p1 =	sne.s32 s11, $0x18  }
.Ltmp14:
0x299: {  	[tilespmem:s4+$0x40] =	vst v1;
	(pc) =	sbr.rel @p1 .LBB2_5-.Ltmp14, $4  }
0x29a: {  	[spmem:s2] =	stream.indirect.scatter.add.f32 [tilespmem:s18], [sflag:$0x7], $0x90, s17, s14, $0xb8;
	[tilespmem:$0x1ED20] =	vst v63  }
0x29b: {  	_ =	swait.ge [sflag:s0], $0x1680  }
0x29c: {  	[sflag:s0] =	ssyncset.done $0x0  }
0x29d: {  	[sflag:s0] =	ssyncadd.s32 $0xFFFFE980  }
0x29e: {  	s1 =	sadd.s32 $0x7A8, s9  }
0x29f: {  	s3 =	sshrl.u32 s1, $0x3  }
0x2a0: {  	s4 =	simm.s32 $0x0;
	s3 =	sadd.s32 s10, s3  }
0x2a1: {  	[tilespmem:s17], [sflag:$0x7] =	stream.linear.gather [hbm4b:s3+s4], $0x28, $0x38;
	[tilespmem:$0x1ED20] =	vst v63  }
0x2a2: {  	_ =	swait.ge [sflag:s0], $0x28  }
0x2a3: {  	[sflag:s0] =	ssyncset.done $0x0  }
0x2a4: {  	s29 =	simm.s32 $0x16FA8;
	s1 =	sshll.u32 s1, $0x4;
	[sflag:s0] =	ssyncadd.s32 $0xFFFFFFD8  }
0x2a5: {  	[tilespmem:s18], [sflag:$0x4] =	stream.indirect.gather [hbm4b:s5+s14], $0x90, s29, s14, $0xb8;
	[tilespmem:$0x1ED20] =	vst v63  }
0x2a6: {  	s30 =	sadd.s32 s6, s1  }
0x2a7: {  	[tilespmem:s19], [sflag:$0x5] =	stream.linear.gather [hbm4b:s30+s4], $0x1400, $0x38;
	[tilespmem:$0x1ED20] =	vst v63  }
0x2a8: {  	s1 =	sadd.s32 s7, s1  }
0x2a9: {  	[tilespmem:s20], [sflag:$0x6] =	stream.linear.gather [hbm4b:s1+s4], $0x1400, $0x38;
	[tilespmem:$0x1ED20] =	vst v63  }
0x2aa: {  	_ =	swait.ge [sflag:s21], $0x1680  }
0x2ab: {  	[sflag:s21] =	ssyncset.done $0x0  }
0x2ac: {  	[sflag:s21] =	ssyncadd.s32 $0xFFFFE980  }
0x2ad: {  	_ =	swait.ge [sflag:s22], $0x1400  }
0x2ae: {  	[sflag:s22] =	ssyncset.done $0x0  }
0x2af: {  	[sflag:s22] =	ssyncadd.s32 $0xFFFFEC00  }
0x2b0: {  	_ =	swait.ge [sflag:s23], $0x1400  }
0x2b1: {  	[sflag:s23] =	ssyncset.done $0x0  }
0x2b2: {  	s3 =	simm.s32 $0x17038;
	[sflag:s23] =	ssyncadd.s32 $0xFFFFEC00  }
0x2b3: {  	s9 =	simm.s32 $0x0;
	s1 =	simm.s32 $0x200;
	s4 =	simm.s32 $0x17038;
	v1 =	vld [tilespmem:s3+$0xFFFFFFC0]  }
.LBB2_11:
0x2b4: {  	p1 =	sne.s32 s1, $0x4E00;
	v2 =	vld [tilespmem:s9+$0x18678];
	_ =	sdelay $0x4  }
0x2b5: {  	v1 =	vmul.f32 v2, v1;
	_ =	sdelay $0x1  }
0x2b6: {  	[tilespmem:s3+$0xFFFFFFC0] =	vst v1;
	v1 =	vld [tilespmem:s3+$0xFFFFFFD0]  }
0x2b7: {  	v2 =	vld [tilespmem:s9+$0x18688];
	_ =	sdelay $0x4  }
0x2b8: {  	v1 =	vmul.f32 v2, v1;
	_ =	sdelay $0x1  }
0x2b9: {  	[tilespmem:s3+$0xFFFFFFD0] =	vst v1;
	v1 =	vld [tilespmem:s3+$0xFFFFFFE0]  }
0x2ba: {  	v2 =	vld [tilespmem:s9+$0x18698];
	_ =	sdelay $0x4  }
0x2bb: {  	v1 =	vmul.f32 v2, v1;
	_ =	sdelay $0x1  }
0x2bc: {  	[tilespmem:s3+$0xFFFFFFE0] =	vst v1;
	v1 =	vld [tilespmem:s3+$0xFFFFFFF0]  }
0x2bd: {  	v2 =	vld [tilespmem:s9+$0x186A8];
	_ =	sdelay $0x4  }
0x2be: {  	v1 =	vmul.f32 v2, v1;
	_ =	sdelay $0x1  }
0x2bf: {  	[tilespmem:s3+$0xFFFFFFF0] =	vst v1;
	v1 =	vld [tilespmem:s3+$0x0]  }
0x2c0: {  	v2 =	vld [tilespmem:s9+$0x186B8];
	_ =	sdelay $0x4  }
0x2c1: {  	v1 =	vmul.f32 v2, v1;
	_ =	sdelay $0x1  }
0x2c2: {  	[tilespmem:s3+$0x0] =	vst v1;
	v1 =	vld [tilespmem:s3+$0x10]  }
0x2c3: {  	v2 =	vld [tilespmem:s9+$0x186C8];
	_ =	sdelay $0x4  }
0x2c4: {  	v1 =	vmul.f32 v2, v1;
	_ =	sdelay $0x1  }
0x2c5: {  	[tilespmem:s3+$0x10] =	vst v1;
	v1 =	vld [tilespmem:s3+$0x20]  }
0x2c6: {  	v2 =	vld [tilespmem:s9+$0x186D8];
	_ =	sdelay $0x4  }
0x2c7: {  	v1 =	vmul.f32 v2, v1;
	_ =	sdelay $0x1  }
0x2c8: {  	[tilespmem:s3+$0x20] =	vst v1;
	v1 =	vld [tilespmem:s3+$0x30]  }
0x2c9: {  	v2 =	vld [tilespmem:s9+$0x186E8];
	_ =	sdelay $0x4  }
0x2ca: {  	v1 =	vmul.f32 v2, v1;
	_ =	sdelay $0x1  }
0x2cb: {  	[tilespmem:s3+$0x30] =	vst v1;
	v1 =	vld [tilespmem:s3+$0x40]  }
0x2cc: {  	v2 =	vld [tilespmem:s9+$0x19A78];
	_ =	sdelay $0x2  }
.Ltmp15:
0x2cd: {  	(pc) =	sbr.rel @p1 .LBB2_11-.Ltmp15, $4  }
0x2ce: {  	_ = 	snop  }
0x2cf: {  	v2 =	vmul.f32 v2, v1  }
0x2d0: {  	s3 =	sadd.s32 $0x90, s3  }
0x2d1: {  	s9 =	sshra.s32 s1, $0x2;
	s1 =	sadd.s32 $0x200, s1;
	v1 =	vld [tilespmem:s3+$0xFFFFFFC0];
	[tilespmem:s4+$0x40] =	vst v2;
	s4 =	smov.u32 s3  }
0x2d2: {  	v2 =	vld [tilespmem:s9+$0x18678];
	_ =	sdelay $0x4  }
0x2d3: {  	v1 =	vmul.f32 v2, v1;
	_ =	sdelay $0x1  }
0x2d4: {  	[tilespmem:s3+$0xFFFFFFC0] =	vst v1;
	v1 =	vld [tilespmem:s3+$0xFFFFFFD0]  }
0x2d5: {  	v2 =	vld [tilespmem:s9+$0x18688];
	_ =	sdelay $0x4  }
0x2d6: {  	v1 =	vmul.f32 v2, v1;
	_ =	sdelay $0x1  }
0x2d7: {  	[tilespmem:s3+$0xFFFFFFD0] =	vst v1;
	v1 =	vld [tilespmem:s3+$0xFFFFFFE0]  }
0x2d8: {  	v2 =	vld [tilespmem:s9+$0x18698];
	_ =	sdelay $0x4  }
0x2d9: {  	v1 =	vmul.f32 v2, v1;
	_ =	sdelay $0x1  }
0x2da: {  	[tilespmem:s3+$0xFFFFFFE0] =	vst v1;
	v1 =	vld [tilespmem:s3+$0xFFFFFFF0]  }
0x2db: {  	v2 =	vld [tilespmem:s9+$0x186A8];
	_ =	sdelay $0x4  }
0x2dc: {  	v1 =	vmul.f32 v2, v1;
	_ =	sdelay $0x1  }
0x2dd: {  	[tilespmem:s3+$0xFFFFFFF0] =	vst v1;
	v1 =	vld [tilespmem:s3+$0x0]  }
0x2de: {  	v2 =	vld [tilespmem:s9+$0x186B8];
	_ =	sdelay $0x4  }
0x2df: {  	v1 =	vmul.f32 v2, v1;
	_ =	sdelay $0x1  }
0x2e0: {  	[tilespmem:s3+$0x0] =	vst v1;
	v1 =	vld [tilespmem:s3+$0x10]  }
0x2e1: {  	v2 =	vld [tilespmem:s9+$0x186C8];
	_ =	sdelay $0x4  }
0x2e2: {  	v1 =	vmul.f32 v2, v1;
	_ =	sdelay $0x1  }
0x2e3: {  	[tilespmem:s3+$0x10] =	vst v1;
	v1 =	vld [tilespmem:s3+$0x20]  }
0x2e4: {  	v2 =	vld [tilespmem:s9+$0x186D8];
	_ =	sdelay $0x4  }
0x2e5: {  	v1 =	vmul.f32 v2, v1;
	_ =	sdelay $0x1  }
0x2e6: {  	[tilespmem:s3+$0x20] =	vst v1;
	v1 =	vld [tilespmem:s3+$0x30]  }
0x2e7: {  	v2 =	vld [tilespmem:s9+$0x186E8];
	_ =	sdelay $0x4  }
0x2e8: {  	v1 =	vmul.f32 v2, v1;
	_ =	sdelay $0x1  }
0x2e9: {  	[tilespmem:s3+$0x30] =	vst v1;
	v1 =	vld [tilespmem:s3+$0x40]  }
0x2ea: {  	v2 =	vld [tilespmem:s9+$0x19A78];
	_ =	sdelay $0x4  }
0x2eb: {  	v1 =	vmul.f32 v2, v1;
	_ =	sdelay $0x1  }
0x2ec: {  	[tilespmem:s4+$0x40] =	vst v1  }
0x2ed: {  	[spmem:s2] =	stream.indirect.scatter.add.f32 [tilespmem:s31], [sflag:$0x7], $0x90, s12, s14, $0xb8;
	[tilespmem:$0x1ED20] =	vst v63  }
0x2ee: {  	_ =	swait.ge [sflag:s0], $0x1680  }
0x2ef: {  	[sflag:s0] =	ssyncset.done $0x0  }
0x2f0: {  	[sflag:s0] =	ssyncadd.s32 $0xFFFFE980  }
0x2f1: {  	_ =	swait.ge [sflag:s24], $0x1680  }
0x2f2: {  	[sflag:s24] =	ssyncset.done $0x0  }
0x2f3: {  	[sflag:s24] =	ssyncadd.s32 $0xFFFFE980  }
0x2f4: {  	_ =	swait.ge [sflag:s26], $0x1400  }
0x2f5: {  	[sflag:s26] =	ssyncset.done $0x0  }
0x2f6: {  	[sflag:s26] =	ssyncadd.s32 $0xFFFFEC00  }
0x2f7: {  	_ =	swait.ge [sflag:s28], $0x1400  }
0x2f8: {  	s1 =	simm.s32 $0x200;
	s11 =	simm.s32 $0x90;
	[sflag:s28] =	ssyncset.done $0x0  }
0x2f9: {  	s13 =	simm.s32 $0x120;
	s3 =	simm.s32 $0x1AEE0;
	[sflag:s28] =	ssyncadd.s32 $0xFFFFEC00  }
0x2fa: {  	s9 =	simm.s32 $0x0;
	s4 =	simm.s32 $0x1AEE0;
	v1 =	vld [tilespmem:s3+$0xFFFFFFC0];
	s30 =	rddreg [dreg:$0x1]  }
.LBB2_13:
0x2fb: {  	p1 =	sne.s32 s1, $0x4E00;
	v2 =	vld [tilespmem:s9+$0x1C520];
	_ =	sdelay $0x4  }
0x2fc: {  	v1 =	vmul.f32 v2, v1;
	_ =	sdelay $0x1  }
0x2fd: {  	[tilespmem:s3+$0xFFFFFFC0] =	vst v1;
	v1 =	vld [tilespmem:s3+$0xFFFFFFD0]  }
0x2fe: {  	v2 =	vld [tilespmem:s9+$0x1C530];
	_ =	sdelay $0x4  }
0x2ff: {  	v1 =	vmul.f32 v2, v1;
	_ =	sdelay $0x1  }
0x300: {  	[tilespmem:s3+$0xFFFFFFD0] =	vst v1;
	v1 =	vld [tilespmem:s3+$0xFFFFFFE0]  }
0x301: {  	v2 =	vld [tilespmem:s9+$0x1C540];
	_ =	sdelay $0x4  }
0x302: {  	v1 =	vmul.f32 v2, v1;
	_ =	sdelay $0x1  }
0x303: {  	[tilespmem:s3+$0xFFFFFFE0] =	vst v1;
	v1 =	vld [tilespmem:s3+$0xFFFFFFF0]  }
0x304: {  	v2 =	vld [tilespmem:s9+$0x1C550];
	_ =	sdelay $0x4  }
0x305: {  	v1 =	vmul.f32 v2, v1;
	_ =	sdelay $0x1  }
0x306: {  	[tilespmem:s3+$0xFFFFFFF0] =	vst v1;
	v1 =	vld [tilespmem:s3+$0x0]  }
0x307: {  	v2 =	vld [tilespmem:s9+$0x1C560];
	_ =	sdelay $0x4  }
0x308: {  	v1 =	vmul.f32 v2, v1;
	_ =	sdelay $0x1  }
0x309: {  	[tilespmem:s3+$0x0] =	vst v1;
	v1 =	vld [tilespmem:s3+$0x10]  }
0x30a: {  	v2 =	vld [tilespmem:s9+$0x1C570];
	_ =	sdelay $0x4  }
0x30b: {  	v1 =	vmul.f32 v2, v1;
	_ =	sdelay $0x1  }
0x30c: {  	[tilespmem:s3+$0x10] =	vst v1;
	v1 =	vld [tilespmem:s3+$0x20]  }
0x30d: {  	v2 =	vld [tilespmem:s9+$0x1C580];
	_ =	sdelay $0x4  }
0x30e: {  	v1 =	vmul.f32 v2, v1;
	_ =	sdelay $0x1  }
0x30f: {  	[tilespmem:s3+$0x20] =	vst v1;
	v1 =	vld [tilespmem:s3+$0x30]  }
0x310: {  	v2 =	vld [tilespmem:s9+$0x1C590];
	_ =	sdelay $0x4  }
0x311: {  	v1 =	vmul.f32 v2, v1;
	_ =	sdelay $0x1  }
0x312: {  	[tilespmem:s3+$0x30] =	vst v1;
	v1 =	vld [tilespmem:s3+$0x40]  }
0x313: {  	v2 =	vld [tilespmem:s9+$0x1D920];
	_ =	sdelay $0x2  }
.Ltmp16:
0x314: {  	(pc) =	sbr.rel @p1 .LBB2_13-.Ltmp16, $4  }
0x315: {  	_ = 	snop  }
0x316: {  	v2 =	vmul.f32 v2, v1  }
0x317: {  	s3 =	sadd.s32 $0x90, s3  }
0x318: {  	s9 =	sshra.s32 s1, $0x2;
	s1 =	sadd.s32 $0x200, s1;
	v1 =	vld [tilespmem:s3+$0xFFFFFFC0];
	[tilespmem:s4+$0x40] =	vst v2;
	s4 =	smov.u32 s3  }
0x319: {  	v2 =	vld [tilespmem:s9+$0x1C520];
	_ =	sdelay $0x4  }
0x31a: {  	v1 =	vmul.f32 v2, v1;
	_ =	sdelay $0x1  }
0x31b: {  	[tilespmem:s3+$0xFFFFFFC0] =	vst v1;
	v1 =	vld [tilespmem:s3+$0xFFFFFFD0]  }
0x31c: {  	v2 =	vld [tilespmem:s9+$0x1C530];
	_ =	sdelay $0x4  }
0x31d: {  	v1 =	vmul.f32 v2, v1;
	_ =	sdelay $0x1  }
0x31e: {  	[tilespmem:s3+$0xFFFFFFD0] =	vst v1;
	v1 =	vld [tilespmem:s3+$0xFFFFFFE0]  }
0x31f: {  	v2 =	vld [tilespmem:s9+$0x1C540];
	_ =	sdelay $0x4  }
0x320: {  	v1 =	vmul.f32 v2, v1;
	_ =	sdelay $0x1  }
0x321: {  	[tilespmem:s3+$0xFFFFFFE0] =	vst v1;
	v1 =	vld [tilespmem:s3+$0xFFFFFFF0]  }
0x322: {  	v2 =	vld [tilespmem:s9+$0x1C550];
	_ =	sdelay $0x4  }
0x323: {  	v1 =	vmul.f32 v2, v1;
	_ =	sdelay $0x1  }
0x324: {  	[tilespmem:s3+$0xFFFFFFF0] =	vst v1;
	v1 =	vld [tilespmem:s3+$0x0]  }
0x325: {  	v2 =	vld [tilespmem:s9+$0x1C560];
	_ =	sdelay $0x4  }
0x326: {  	v1 =	vmul.f32 v2, v1;
	_ =	sdelay $0x1  }
0x327: {  	[tilespmem:s3+$0x0] =	vst v1;
	v1 =	vld [tilespmem:s3+$0x10]  }
0x328: {  	v2 =	vld [tilespmem:s9+$0x1C570];
	_ =	sdelay $0x4  }
0x329: {  	v1 =	vmul.f32 v2, v1;
	_ =	sdelay $0x1  }
0x32a: {  	[tilespmem:s3+$0x10] =	vst v1;
	v1 =	vld [tilespmem:s3+$0x20]  }
0x32b: {  	v2 =	vld [tilespmem:s9+$0x1C580];
	_ =	sdelay $0x4  }
0x32c: {  	v1 =	vmul.f32 v2, v1;
	_ =	sdelay $0x1  }
0x32d: {  	[tilespmem:s3+$0x20] =	vst v1;
	v1 =	vld [tilespmem:s3+$0x30]  }
0x32e: {  	v2 =	vld [tilespmem:s9+$0x1C590];
	_ =	sdelay $0x4  }
0x32f: {  	v1 =	vmul.f32 v2, v1;
	_ =	sdelay $0x1  }
0x330: {  	[tilespmem:s3+$0x30] =	vst v1;
	v1 =	vld [tilespmem:s3+$0x40]  }
0x331: {  	v2 =	vld [tilespmem:s9+$0x1D920];
	_ =	sdelay $0x4  }
0x332: {  	v1 =	vmul.f32 v2, v1;
	_ =	sdelay $0x1  }
0x333: {  	[tilespmem:s4+$0x40] =	vst v1  }
0x334: {  	[spmem:s2] =	stream.indirect.scatter.add.f32 [tilespmem:s18], [sflag:$0x7], $0x90, s17, s14, $0xb8;
	[tilespmem:$0x1ED20] =	vst v63  }
0x335: {  	_ =	swait.ge [sflag:s0], $0x1680  }
0x336: {  	s1 =	rddreg [dreg:$0x18]  }
0x337: {  	s1 =	sadd.s32 $0x1, s1  }
0x338: {  	p1 =	sne.s32 s1, $0x5  }
.Ltmp17:
0x339: {  	_ = 	snop;
	(pc) =	sbr.rel @p1 .LBB2_4-.Ltmp17, $3  }
0x33a: {  	_ =	sdelay $0x1  }
0x33b: {  	[sflag:s0] =	ssyncset.done $0x0  }
0x33c: {  	[sflag:s0] =	ssyncadd.s32 $0xFFFFE980  }
0x33d: {  	[bflag:$0x0] =	sbarrier.arrive $0xFFFF  }
0x33e: {  	s9 =	rddreg [dreg:$0x8]  }
0x33f: {  	[tilespmem:s31], [sflag:$0x7] =	stream.linear.gather [spmem:s9], $0x1680, $0x38;
	[tilespmem:$0x1ED20] =	vst v63  }
0x340: {  	_ =	swait.ge [sflag:s0], $0x1680  }
0x341: {  	[sflag:s0] =	ssyncset.done $0x0  }
0x342: {  	s1 =	sadd.s32 $0x0, s25;
	[sflag:s0] =	ssyncadd.s32 $0xFFFFE980  }
0x343: {  	[hbm4b:s1+s11] =	stream.strided.scatter [tilespmem:s31], [sflag:$0x7], $0x1680, s13, s11, $0x38;
	[tilespmem:$0x1ED20] =	vst v63  }
0x344: {  	_ =	swait.ge [sflag:s0], $0x1680  }
0x345: {  	s3 =	smov.u32 s9;
	s1 =	simm.s32 $0x5A0;
	[sflag:s0] =	ssyncset.done $0x0  }
.LBB2_16:
0x346: {  	p1 =	seq.s32 s1, $0x5460;
	[sflag:s0] =	ssyncadd.s32 $0xFFFFE980;
	s3 =	sadd.s32 $0x1680, s3  }
0x347: {  	[tilespmem:s31], [sflag:$0x7] =	stream.linear.gather [spmem:s3], $0x1680, $0x38;
	[tilespmem:$0x1ED20] =	vst v63  }
0x348: {  	s4 =	smov.u32 s1;
	s1 =	sadd.s32 $0x5A0, s1;
	_ =	swait.ge [sflag:s0], $0x1680  }
.Ltmp18:
0x349: {  	[sflag:s0] =	ssyncset.done $0x0;
	(pc) =	sbr.rel @!p1 .LBB2_16-.Ltmp18, $4  }
0x34a: {  	s4 =	sadd.s32 s4, s25;
	[sflag:s0] =	ssyncadd.s32 $0xFFFFE980  }
0x34b: {  	[hbm4b:s4+s11] =	stream.strided.scatter [tilespmem:s31], [sflag:$0x7], $0x1680, s13, s11, $0x38;
	[tilespmem:$0x1ED20] =	vst v63  }
0x34c: {  	_ =	swait.ge [sflag:s0], $0x1680  }
0x34d: {  	[sflag:s0] =	ssyncset.done $0x0  }
.Ltmp19:
0x34e: {  	(pc) =	sbr.rel .LBB2_32-.Ltmp19, $2  }
0x34f: {  	_ =	sdelay $0x2  }
0x350: {  	[sflag:s0] =	ssyncadd.s32 $0xFFFFE980;
	s4 =	rddreg [dreg:$0x4]  }
.LBB2_33:
0x351: {  	_ =	sfence.sel $0x180000  }
0x352: {  	[bflag:$0x0] =	sbarrier.arrive $0xFFFF  }
0x353: {  	_ =	strace $0x9000004A  }
0x354: {  	s0 =	stileid.u32;
	[bflag:$0x2] =	sbarrier.arrive $0xFFFF  }
0x355: {  	p0 =	sne.s32 s0, $0x0;
	s0 =	rddreg [dreg:$0x3]  }
0x356: {  	s0 =	sadd.s32 @!p0 $0x100000, s0  }
0x357: {  	[sflag:s0] =	ssyncadd.tile.s32 @!p0 $0x1;
	_ =	shalt  }
.Lfunc_end2:
_tile_overlayer_lowered:
.L_overlay_start_2:
0x358: {  	(tag) =	ssettag $0x2  }
0x359: {  	s0 =	rddreg [dreg:$0x0];
	s2 =	stileid.u32  }
0x35a: {  	s1 =	rddreg [dreg:$0x1];
	p0 =	sne.s32 s2, $0x0  }
0x35b: {  	s3 =	rddreg [dreg:$0x2];
	[bflag:$0x3] =	sbarrier.arrive $0xFFFF;
	s2 =	simm.s32 @!p0 $0x1C07  }
0x35c: {  	[timem:s3], [sflag:s2] =	dma.local @!p0 [hbm:s0], s1  }
0x35d: {  	s0 =	simm.s32 @!p0 $0x7  }
0x35e: {  	_ =	swait.ge @!p0 [sflag:s0], s1  }
0x35f: {  	s1 =	ssub.s32 @!p0 $0x0, s1;
	[sflag:s0] =	ssyncset.done @!p0 $0x0  }
0x360: {  	[sflag:s0] =	ssyncadd.s32 @!p0 s1  }
0x361: {  	[bflag:$0x3] =	sbarrier.arrive $0xFFFF  }
0x362: {  	_ =	shalt  }

</sc_bundles>
